<compile_context>
chip_gen: v7x
topology: tpu7x:2x2x1
jax: 0.10.2.dev20260603
libtpu: 0.0.44.dev20260713+nightly
codegen_flags: <defaults>
</compile_context>

<pallas_src>
import functools

import jax
import jax.numpy as jnp
import numpy as np
from jax import lax
from jax.experimental import pallas as pl
from jax.experimental.pallas import tpu as pltpu
from jax.experimental.pallas import tpu_sc as plsc

N1 = 50000
N2 = 50000
NN = 16
NI = 128
ND = 32
NH = 4

NW = 32
CH = 128
NCH = 196
EPW = NCH * CH
E = N1 * NN
E_PAD = NW * EPW
NNODE = E_PAD // NN
B = 1000
B4 = B * 4


def _sc_gather_rl(ftab, gtab, ntab, idx3):
    mesh = plsc.VectorSubcoreMesh(core_axis_name="c", subcore_axis_name="s")

    def chunk_compute(gbuf, nbuf, rbuf):
        iota = lax.iota(jnp.int32, 16)
        for g in range(CH // 16):
            rows = iota + (g * 16)
            gfull = jnp.full((16,), g, jnp.int32)

            def ncol(c):
                return plsc.load_gather(nbuf, [gfull, jnp.full((16,), c, jnp.int32)])

            def gcol(c):
                return plsc.load_gather(gbuf, [rows, jnp.full((16,), c, jnp.int32)])

            dx = [gcol(m) - ncol(1 + m) for m in range(3)]
            nv = [gcol(3 + p) for p in range(9)]
            nuv = [ncol(4 + a) for a in range(9)]
            d2 = dx[0] * dx[0] + dx[1] * dx[1] + dx[2] * dx[2]
            wgt = jnp.exp(-0.5 * d2)
            for kk in range(3):
                rl = nuv[3 * kk] * dx[0] + nuv[3 * kk + 1] * dx[1] \
                    + nuv[3 * kk + 2] * dx[2]
                plsc.store_scatter(rbuf, [rows, jnp.full((16,), kk, jnp.int32)], rl)
            for r in range(3):
                for kk in range(3):
                    rl = nuv[3 * kk] * nv[3 * r] + nuv[3 * kk + 1] * nv[3 * r + 1] \
                        + nuv[3 * kk + 2] * nv[3 * r + 2]
                    plsc.store_scatter(
                        rbuf, [rows, jnp.full((16,), 3 + 3 * r + kk, jnp.int32)], rl)
            plsc.store_scatter(rbuf, [rows, jnp.full((16,), 12, jnp.int32)], wgt)
            zero = jnp.zeros((16,), jnp.float32)
            for c in (13, 14, 15):
                plsc.store_scatter(rbuf, [rows, jnp.full((16,), c, jnp.int32)], zero)

    @functools.partial(
        pl.kernel,
        mesh=mesh,
        compiler_params=pltpu.CompilerParams(
            use_tc_tiling_on_sc=False, needs_layout_passes=False),
        out_type=(
            jax.ShapeDtypeStruct((E_PAD, 32), jnp.float32),
            jax.ShapeDtypeStruct((E_PAD, 16), jnp.float32),
        ),
        scratch_types=[
            pltpu.VMEM((NCH, CH), jnp.int32),
            pltpu.VMEM((2, CH, 32), jnp.float32),
            pltpu.VMEM((CH, 16), jnp.float32),
            pltpu.VMEM((CH, 16), jnp.float32),
            pltpu.VMEM((CH // 16, 16), jnp.float32),
            pltpu.VMEM((CH // 16, 16), jnp.float32),
            pltpu.VMEM((CH, 16), jnp.float32),
            pltpu.SemaphoreType.DMA,
            pltpu.SemaphoreType.DMA,
            pltpu.SemaphoreType.DMA,
            pltpu.SemaphoreType.DMA,
            pltpu.SemaphoreType.DMA,
            pltpu.SemaphoreType.DMA,
        ],
    )
    def k(ftab_hbm, gtab_hbm, ntab_hbm, idx_hbm, outf_hbm, outr_hbm,
          idx_v, fbuf, gbuf_a, gbuf_b, nbuf_a, nbuf_b, rbuf,
          sf_a, sf_b, sg_a, sg_b, sn_a, sn_b):
        wid = lax.axis_index("s") * 2 + lax.axis_index("c")
        ebase = wid * EPW
        nbase = wid * (EPW // NN)
        pltpu.sync_copy(idx_hbm.at[wid], idx_v)

        def fire(j, fslot, gbuf, nbuf, sf, sg, sn):
            pltpu.async_copy(ftab_hbm.at[idx_v.at[j]], fbuf.at[fslot], sf)
            pltpu.async_copy(gtab_hbm.at[idx_v.at[j]], gbuf, sg)
            pltpu.async_copy(
                ntab_hbm.at[pl.ds(nbase + j * (CH // NN), CH // NN)],
                nbuf, sn)

        def finish(j, fslot, gbuf, nbuf, sf, sg, sn):
            pltpu.make_async_copy(
                ftab_hbm.at[idx_v.at[j]], fbuf.at[fslot], sf).wait()
            pltpu.make_async_copy(
                gtab_hbm.at[idx_v.at[j]], gbuf, sg).wait()
            pltpu.make_async_copy(
                ntab_hbm.at[pl.ds(nbase + j * (CH // NN), CH // NN)],
                nbuf, sn).wait()
            chunk_compute(gbuf, nbuf, rbuf)
            pltpu.sync_copy(
                fbuf.at[fslot], outf_hbm.at[pl.ds(ebase + j * CH, CH)])
            pltpu.sync_copy(
                rbuf, outr_hbm.at[pl.ds(ebase + j * CH, CH)])

        fire(0, 0, gbuf_a, nbuf_a, sf_a, sg_a, sn_a)

        def body(jj, carry):
            j0 = 2 * jj
            fire(j0 + 1, 1, gbuf_b, nbuf_b, sf_b, sg_b, sn_b)
            finish(j0, 0, gbuf_a, nbuf_a, sf_a, sg_a, sn_a)

            @pl.when(j0 + 2 < NCH)
            def _():
                fire(j0 + 2, 0, gbuf_a, nbuf_a, sf_a, sg_a, sn_a)

            finish(j0 + 1, 1, gbuf_b, nbuf_b, sf_b, sg_b, sn_b)
            return carry

        lax.fori_loop(0, NCH // 2, body, 0)

    return k(ftab, gtab, ntab, idx3)


def _elu(x):
    xn = jnp.minimum(x, 0.0)
    e = jnp.exp(xn) - 1.0
    t = xn * (1.0 + xn * (0.5 + xn * (1.0 / 6.0)))
    em1 = jnp.where(xn > -0.0625, t, e)
    return jnp.where(x > 0, x, em1)


def _dot(a, b):
    return lax.dot_general(a, b, (((1,), (0,)), ((), ())),
                           preferred_element_type=jnp.float32)


def _dense_body(f1_ref, fP_ref, rP_ref, tk4_ref,
                q1w_ref, q1b_ref, q2w_ref, q2b_ref,
                g1w4_ref, g1b4_ref, g2w4_ref, g2b4_ref,
                k14_ref, k24_ref, v14_ref, v24_ref,
                d1_ref, d2_ref,
                selw_ref, sel4_ref, tsel_ref, g32_ref,
                out_ref):
    h = _elu(_dot(f1_ref[...], q1w_ref[...]) + q1b_ref[...])
    Q = _dot(h, q2w_ref[...]) + q2b_ref[...]

    rP = rP_ref[...]
    fP = fP_ref[...]

    wgtP = _dot(rP, selw_ref[...])
    geo1 = _elu(_dot(rP, g1w4_ref[...]) + g1b4_ref[...])
    geoP = (_dot(geo1, g2w4_ref[...]) + g2b4_ref[...]) * fP * wgtP

    K2P = _dot(_elu(_dot(geoP, k14_ref[...])), k24_ref[...])
    VP = _dot(_elu(_dot(geoP, v14_ref[...])), v24_ref[...])

    mz4 = jnp.where(tk4_ref[...] == 0, 0.0, 1.0)
    K2m = K2P * _dot(mz4, sel4_ref[...])

    Qt = _dot(Q, tsel_ref[...])
    K2m3 = K2m.reshape(B, 4, 128)
    g32 = g32_ref[...]
    t4 = None
    for hh in range(NH):
        Qth = Qt[:, 128 * hh:128 * (hh + 1)]
        prod = (K2m3 * Qth[:, None, :]).reshape(B4, 128)
        MqB = _dot(prod, g32)
        wv = MqB * VP
        th = _dot(wv, d1_ref[..., 32 * hh:32 * (hh + 1)])
        t4 = th if t4 is None else t4 + th
    t = jnp.sum(t4.reshape(B, 4, ND), axis=1)
    out_ref[...] = _elu(_dot(_elu(t), d2_ref[...]))


def _row_spec(*shape):
    return pl.BlockSpec(shape, lambda b: (b,) + (0,) * (len(shape) - 1))


def _w_spec(*shape):
    return pl.BlockSpec(shape, lambda b: (0,) * len(shape))


def _tc_dense(f1, fP, rP, tk4, q1w, q1b, q2w, q2b, g1w4, g1b4, g2w4, g2b4,
              k14, k24, v14, v24, d1w, d2w, selw, sel4, tsel, g32):
    grid = (N1 // B,)
    in_specs = [
        _row_spec(B, NI),
        _row_spec(B4, 128),
        _row_spec(B4, 64),
        _row_spec(B4, 4),
        _w_spec(NI, ND), _w_spec(1, ND), _w_spec(ND, NH * ND), _w_spec(1, NH * ND),
        _w_spec(64, 128), _w_spec(1, 128), _w_spec(128, 128), _w_spec(1, 128),
        _w_spec(128, 128), _w_spec(128, 128), _w_spec(128, 128), _w_spec(128, 128),
        _w_spec(128, 128), _w_spec(ND, ND),
        _w_spec(64, 128), _w_spec(4, 128), _w_spec(128, 512), _w_spec(128, 128),
    ]
    return pl.pallas_call(
        _dense_body,
        grid=grid,
        in_specs=in_specs,
        out_specs=_row_spec(B, ND),
        out_shape=jax.ShapeDtypeStruct((N1, ND), jnp.float32),
    )(f1, fP, rP, tk4, q1w, q1b, q2w, q2b, g1w4, g1b4, g2w4, g2b4,
      k14, k24, v14, v24, d1w, d2w, selw, sel4, tsel, g32)


def _blkdiag4(w):
    a, b = w.shape
    z = jnp.zeros((a, b), w.dtype)
    rows = []
    for i in range(4):
        rows.append(jnp.concatenate(
            [w if j == i else z for j in range(4)], axis=1))
    return jnp.concatenate(rows, axis=0)


def _np_const(arr):
    return jnp.asarray(arr, jnp.float32)


def kernel(features1, features2, x1, x2, nuv1, nuv2, topk,
           q1_w, q1_b, q2_w, q2_b, g1_w, g1_b, g2_w, g2_b,
           k1_w, k2_w, v1_w, v2_w, d1_w, d2_w):
    f32 = jnp.float32
    gtab = jnp.concatenate(
        [x2, nuv2.reshape(N2, 9), jnp.zeros((N2, 4), f32)], axis=1)
    ntab = jnp.concatenate(
        [jnp.zeros((N1, 1), f32), x1, nuv1.reshape(N1, 9),
         jnp.zeros((N1, 3), f32)], axis=1)
    ntab = jnp.pad(ntab, ((0, NNODE - N1), (0, 0)))
    idx3 = jnp.pad(topk.reshape(-1), (0, E_PAD - E)).reshape(NW, NCH, CH)
    fE, rE = _sc_gather_rl(features2, gtab, ntab, idx3)
    fP = fE.reshape(E_PAD // 4, 128)
    rP = rE.reshape(E_PAD // 4, 64)

    tk4 = jnp.pad(topk.reshape(E // 4, 4), ((0, E_PAD // 4 - E // 4), (0, 0)))

    g1p = jnp.concatenate([g1_w, jnp.zeros((4, ND), f32)], axis=0)
    g1w4 = _blkdiag4(g1p)
    g1b4 = jnp.tile(g1_b, 4).reshape(1, 128)
    g2w4 = _blkdiag4(g2_w)
    g2b4 = jnp.tile(g2_b, 4).reshape(1, 128)
    k14 = _blkdiag4(k1_w)
    k24 = _blkdiag4(k2_w)
    v14 = _blkdiag4(v1_w)
    v24 = _blkdiag4(v2_w)

    d1p = jnp.concatenate(
        [jnp.tile(d1_w[32 * hh:32 * (hh + 1), :], (4, 1)) for hh in range(4)],
        axis=1)

    selw = np.zeros((64, 128), np.float32)
    for jl in range(4):
        selw[jl * 16 + 12, jl * 32:(jl + 1) * 32] = 1.0
    sel4 = np.zeros((4, 128), np.float32)
    for jl in range(4):
        sel4[jl, jl * 32:(jl + 1) * 32] = 1.0
    tsel = np.zeros((128, 512), np.float32)
    for hh in range(4):
        for jl in range(4):
            for d in range(ND):
                tsel[hh * 32 + d, hh * 128 + jl * 32 + d] = 1.0
    g32 = np.zeros((128, 128), np.float32)
    for jl in range(4):
        g32[jl * 32:(jl + 1) * 32, jl * 32:(jl + 1) * 32] = 1.0

    return _tc_dense(
        features1, fP, rP, tk4,
        q1_w, q1_b.reshape(1, ND), q2_w, q2_b.reshape(1, NH * ND),
        g1w4, g1b4, g2w4, g2b4, k14, k24, v14, v24, d1p, d2_w,
        _np_const(selw), _np_const(sel4), _np_const(tsel),
        _np_const(g32))

# --- scband reference (transcript-rebuilt; emitter-appended) ---
"""Pipeline reference for scband-interface-attention-47072841564866 (READ-ONLY COPY).

The authoritative reference and input builder live on the scoring server;
editing this copy changes nothing except your own understanding.
"""

import jax, jax.numpy as jnp
import numpy as np

N1 = 50000
N2 = 50000
NN = 16
NI = 128
ND = 32
NH = 4
RADIUS = 1.0


def setup_inputs(seed: int = 0) -> dict:
    key = jax.random.key(seed)
    ks = jax.random.split(key, 24)
    s = 0.05
    inp = {}
    inp["features1"] = jax.random.normal(ks[0], (N1, NI), jnp.float32)
    inp["features2"] = jax.random.normal(ks[1], (N2, ND), jnp.float32)
    inp["x1"] = jax.random.normal(ks[2], (N1, 3), jnp.float32)
    inp["x2"] = jax.random.normal(ks[3], (N2, 3), jnp.float32)
    inp["nuv1"] = jax.random.normal(ks[4], (N1, 3, 3), jnp.float32)
    inp["nuv2"] = jax.random.normal(ks[5], (N2, 3, 3), jnp.float32)
    inp["topk"] = jax.random.randint(ks[6], (N1, NN), 0, N2, jnp.int32)
    # learned parameters (Linear weights stored as [in, out])
    inp["q1_w"] = jax.random.normal(ks[7], (NI, ND), jnp.float32) * s
    inp["q1_b"] = jnp.zeros((ND,), jnp.float32)
    inp["q2_w"] = jax.random.normal(ks[8], (ND, NH * ND), jnp.float32) * s
    inp["q2_b"] = jnp.zeros((NH * ND,), jnp.float32)
    inp["g1_w"] = jax.random.normal(ks[9], (12, ND), jnp.float32) * s
    inp["g1_b"] = jnp.zeros((ND,), jnp.float32)
    inp["g2_w"] = jax.random.normal(ks[10], (ND, ND), jnp.float32) * s
    inp["g2_b"] = jnp.zeros((ND,), jnp.float32)
    inp["k1_w"] = jax.random.normal(ks[11], (ND, ND), jnp.float32) * s
    inp["k2_w"] = jax.random.normal(ks[12], (ND, ND), jnp.float32) * s
    inp["v1_w"] = jax.random.normal(ks[13], (ND, ND), jnp.float32) * s
    inp["v2_w"] = jax.random.normal(ks[14], (ND, ND), jnp.float32) * s
    inp["d1_w"] = jax.random.normal(ks[15], (NH * ND, ND), jnp.float32) * s
    inp["d2_w"] = jax.random.normal(ks[16], (ND, ND), jnp.float32) * s
    return inp


def reference(features1, features2, x1, x2, nuv1, nuv2, topk,
              q1_w, q1_b, q2_w, q2_b, g1_w, g1_b, g2_w, g2_b,
              k1_w, k2_w, v1_w, v2_w, d1_w, d2_w):
    elu = jax.nn.elu
    n1 = features1.shape[0]
    nn_ = topk.shape[1]
    # query_f
    Q = (elu(features1 @ q1_w + q1_b) @ q2_w + q2_b).reshape(n1, NH, ND)
    # neighbor gathers (SparseCore-mappable)
    features_nn = features2[topk]            # [N1, nn, ND]
    x_nn = x2[topk]                          # [N1, nn, 3]
    orient_x = x_nn - x1[:, None, :]
    nuv_nn = nuv2[topk]                      # [N1, nn, 3, 3]
    orient_nuv = nuv_nn.reshape(n1, nn_ * 3, 3)
    RL_x = jnp.swapaxes(jnp.matmul(nuv1, jnp.swapaxes(orient_x, 1, 2)), 1, 2)
    RL_nuv = jnp.swapaxes(jnp.matmul(nuv1, jnp.swapaxes(orient_nuv, 1, 2)), 1, 2)
    RL_nuv = RL_nuv.reshape(n1, nn_, 9)
    RL = jnp.concatenate([RL_x, RL_nuv], axis=-1)   # [N1, nn, 12]
    geo_fea = elu(RL @ g1_w + g1_b) @ g2_w + g2_b
    dis = jnp.linalg.norm(orient_x, axis=2, keepdims=True)
    dis = jnp.exp(-jnp.square(dis) / (2.0 * RADIUS * RADIUS))
    geo_fea = geo_fea * features_nn * dis
    K = jnp.swapaxes(elu(geo_fea @ k1_w) @ k2_w, 1, 2)   # [N1, ND, nn]
    V = elu(geo_fea @ v1_w) @ v2_w                        # [N1, nn, ND]
    Mq = jnp.matmul(Q, K)                                 # [N1, NH, nn]
    mask = topk[:, None, :] == 0
    Mq = jnp.where(mask, 0.0, Mq)
    output = jnp.matmul(Mq, V).reshape(n1, NH * ND)
    output = elu(elu(output @ d1_w) @ d2_w)
    return output

if __name__ == "__main__":
    import jax
    _d = setup_inputs()
    print(jax.jit(kernel)(*tuple(_d.values())))

</pallas_src>

<mosaic_0001>
#map = affine_map<(d0, d1) -> (0, 0)>
#map1 = affine_map<(d0, d1) -> (0, 0, 0)>
module attributes {stable_mosaic.version = 14 : i64} {
  func.func @k(%arg0: i32, %arg1: i32, %arg2: memref<50000x32xf32, #tpu.memory_space<hbm>>, %arg3: memref<50000x16xf32, #tpu.memory_space<hbm>>, %arg4: memref<50176x16xf32, #tpu.memory_space<hbm>>, %arg5: memref<32x196x128xi32, #tpu.memory_space<hbm>>, %arg6: memref<802816x32xf32, #tpu.memory_space<hbm>>, %arg7: memref<802816x16xf32, #tpu.memory_space<hbm>>, %arg8: memref<196x128xi32, #tpu.memory_space<vmem>>, %arg9: memref<2x128x32xf32, #tpu.memory_space<vmem>>, %arg10: memref<128x16xf32, #tpu.memory_space<vmem>>, %arg11: memref<128x16xf32, #tpu.memory_space<vmem>>, %arg12: memref<8x16xf32, #tpu.memory_space<vmem>>, %arg13: memref<8x16xf32, #tpu.memory_space<vmem>>, %arg14: memref<128x16xf32, #tpu.memory_space<vmem>>, %arg15: memref<!tpu.dma_semaphore, #tpu.memory_space<semaphore_mem>>, %arg16: memref<!tpu.dma_semaphore, #tpu.memory_space<semaphore_mem>>, %arg17: memref<!tpu.dma_semaphore, #tpu.memory_space<semaphore_mem>>, %arg18: memref<!tpu.dma_semaphore, #tpu.memory_space<semaphore_mem>>, %arg19: memref<!tpu.dma_semaphore, #tpu.memory_space<semaphore_mem>>, %arg20: memref<!tpu.dma_semaphore, #tpu.memory_space<semaphore_mem>>) attributes {dimension_semantics = [#tpu.dimension_semantics<core_parallel>, #tpu.dimension_semantics<subcore_parallel>], iteration_bounds = array<i64: 2, 16>, scalar_prefetch = 0 : i64, scratch_operands = 13 : i64, tpu.core_type = #tpu.core_type<sc_vector_subcore>, window_params = [{transform_indices = #map}, {transform_indices = #map}, {transform_indices = #map}, {transform_indices = #map1}, {transform_indices = #map}, {transform_indices = #map}]} {
    %mul3A = arith.constant 2 : i32
    %mul3A_0 = arith.muli %arg1, %mul3A : i32
    %add3A = arith.addi %mul3A_0, %arg0 : i32
    %mul3A_1 = arith.constant 25088 : i32
    %mul3A_2 = arith.muli %add3A, %mul3A_1 : i32
    %mul3A_3 = arith.constant 1568 : i32
    %mul3A_4 = arith.muli %add3A, %mul3A_3 : i32
    "tpu.region"() ({
      %run_scoped3A = tpu.sem_alloc : memref<!tpu.dma_semaphore, #tpu.memory_space<semaphore_mem>>
      %dma_start3A_34 = arith.constant 0 : i32
      %dma_start3A_35 = arith.constant 0 : i32
      %dma_start3A_36 = tpu.memref_slice %arg5[%add3A, %dma_start3A_34, %dma_start3A_35] : memref<32x196x128xi32, #tpu.memory_space<hbm>> -> memref<1x196x128xi32, #tpu.memory_space<hbm>>
      %dma_start3A_37 = tpu.memref_squeeze %dma_start3A_36 : memref<1x196x128xi32, #tpu.memory_space<hbm>> -> memref<196x128xi32, #tpu.memory_space<hbm>>
      %dma_start3A_38 = arith.constant 0 : i32
      %dma_start3A_39 = arith.constant 0 : i32
      %dma_start3A_40 = tpu.memref_slice %arg5[%add3A, %dma_start3A_38, %dma_start3A_39] : memref<32x196x128xi32, #tpu.memory_space<hbm>> -> memref<1x196x128xi32, #tpu.memory_space<hbm>>
      %dma_start3A_41 = tpu.memref_squeeze %dma_start3A_40 : memref<1x196x128xi32, #tpu.memory_space<hbm>> -> memref<196x128xi32, #tpu.memory_space<hbm>>
      tpu.enqueue_dma source(%dma_start3A_41 : memref<196x128xi32, #tpu.memory_space<hbm>>) target(%arg8 : memref<196x128xi32, #tpu.memory_space<vmem>>) target_semaphore(%run_scoped3A : memref<!tpu.dma_semaphore, #tpu.memory_space<semaphore_mem>>)
      %dma_wait3A = arith.constant 0 : i32
      %dma_wait3A_42 = arith.constant 0 : i32
      %dma_wait3A_43 = tpu.memref_slice %arg5[%add3A, %dma_wait3A, %dma_wait3A_42] : memref<32x196x128xi32, #tpu.memory_space<hbm>> -> memref<1x196x128xi32, #tpu.memory_space<hbm>>
      %dma_wait3A_44 = tpu.memref_squeeze %dma_wait3A_43 : memref<1x196x128xi32, #tpu.memory_space<hbm>> -> memref<196x128xi32, #tpu.memory_space<hbm>>
      %dma_wait3A_45 = arith.constant 0 : i32
      %dma_wait3A_46 = arith.constant 0 : i32
      %dma_wait3A_47 = tpu.memref_slice %arg5[%add3A, %dma_wait3A_45, %dma_wait3A_46] : memref<32x196x128xi32, #tpu.memory_space<hbm>> -> memref<1x196x128xi32, #tpu.memory_space<hbm>>
      %dma_wait3A_48 = tpu.memref_squeeze %dma_wait3A_47 : memref<1x196x128xi32, #tpu.memory_space<hbm>> -> memref<196x128xi32, #tpu.memory_space<hbm>>
      tpu.wait_dma2 semaphore(%run_scoped3A : memref<!tpu.dma_semaphore, #tpu.memory_space<semaphore_mem>>) src(%dma_wait3A_48 : memref<196x128xi32, #tpu.memory_space<hbm>>) dst(%arg8 : memref<196x128xi32, #tpu.memory_space<vmem>>)
      tpu.yield
    }) : () -> ()
    %dma_start3A = arith.constant 0 : i32
    %dma_start3A_5 = arith.constant 0 : i32
    %dma_start3A_6 = arith.constant 0 : i32
    %dma_start3A_7 = arith.constant 0 : i32
    %dma_start3A_8 = tpu.memref_slice %arg9[%dma_start3A_5, %dma_start3A_6, %dma_start3A_7] : memref<2x128x32xf32, #tpu.memory_space<vmem>> -> memref<1x128x32xf32, #tpu.memory_space<vmem>>
    %dma_start3A_9 = tpu.memref_squeeze %dma_start3A_8 : memref<1x128x32xf32, #tpu.memory_space<vmem>> -> memref<128x32xf32, #tpu.memory_space<vmem>>
    %dma_start3A_10 = arith.constant 0 : i32
    %dma_start3A_11 = tpu.memref_slice %arg8[%dma_start3A, %dma_start3A_10] : memref<196x128xi32, #tpu.memory_space<vmem>> -> memref<1x128xi32, #tpu.memory_space<vmem>>
    %dma_start3A_12 = tpu.memref_squeeze %dma_start3A_11 : memref<1x128xi32, #tpu.memory_space<vmem>> -> memref<128xi32, #tpu.memory_space<vmem>>
    %dma_start3A_13 = arith.constant 0 : i32
    %dma_start3A_14 = arith.constant 0 : i32
    %dma_start3A_15 = tpu.memref_slice %arg2[%dma_start3A_13, %dma_start3A_14] : memref<50000x32xf32, #tpu.memory_space<hbm>> -> memref<50000x32xf32, #tpu.memory_space<hbm>>
    tpu.enqueue_indirect_dma source(%dma_start3A_15 : memref<50000x32xf32, #tpu.memory_space<hbm>>) target(%dma_start3A_9 : memref<128x32xf32, #tpu.memory_space<vmem>>) offsets(%dma_start3A_12 : memref<128xi32, #tpu.memory_space<vmem>>) semaphore(%arg15 : memref<!tpu.dma_semaphore, #tpu.memory_space<semaphore_mem>>)
    %dma_start3A_16 = arith.constant 0 : i32
    %dma_start3A_17 = arith.constant 0 : i32
    %dma_start3A_18 = tpu.memref_slice %arg8[%dma_start3A_16, %dma_start3A_17] : memref<196x128xi32, #tpu.memory_space<vmem>> -> memref<1x128xi32, #tpu.memory_space<vmem>>
    %dma_start3A_19 = tpu.memref_squeeze %dma_start3A_18 : memref<1x128xi32, #tpu.memory_space<vmem>> -> memref<128xi32, #tpu.memory_space<vmem>>
    %dma_start3A_20 = arith.constant 0 : i32
    %dma_start3A_21 = arith.constant 0 : i32
    %dma_start3A_22 = tpu.memref_slice %arg3[%dma_start3A_20, %dma_start3A_21] : memref<50000x16xf32, #tpu.memory_space<hbm>> -> memref<50000x16xf32, #tpu.memory_space<hbm>>
    tpu.enqueue_indirect_dma source(%dma_start3A_22 : memref<50000x16xf32, #tpu.memory_space<hbm>>) target(%arg10 : memref<128x16xf32, #tpu.memory_space<vmem>>) offsets(%dma_start3A_19 : memref<128xi32, #tpu.memory_space<vmem>>) semaphore(%arg17 : memref<!tpu.dma_semaphore, #tpu.memory_space<semaphore_mem>>)
    %add3A_23 = arith.constant 0 : i32
    %add3A_24 = arith.addi %mul3A_4, %add3A_23 : i32
    %dma_start3A_25 = arith.constant 0 : i32
    %dma_start3A_26 = tpu.memref_slice %arg4[%add3A_24, %dma_start3A_25] : memref<50176x16xf32, #tpu.memory_space<hbm>> -> memref<8x16xf32, #tpu.memory_space<hbm>>
    %dma_start3A_27 = arith.constant 0 : i32
    %dma_start3A_28 = tpu.memref_slice %arg4[%add3A_24, %dma_start3A_27] : memref<50176x16xf32, #tpu.memory_space<hbm>> -> memref<8x16xf32, #tpu.memory_space<hbm>>
    tpu.enqueue_dma source(%dma_start3A_28 : memref<8x16xf32, #tpu.memory_space<hbm>>) target(%arg12 : memref<8x16xf32, #tpu.memory_space<vmem>>) target_semaphore(%arg19 : memref<!tpu.dma_semaphore, #tpu.memory_space<semaphore_mem>>)
    %scan3A = arith.constant 0 : i32
    %scan3A_29 = arith.constant 0 : i32
    %scan3A_30 = arith.constant 98 : i32
    %scan3A_31 = arith.addi %scan3A_29, %scan3A_30 : i32
    %scan3A_32 = arith.constant 1 : i32
    scf.for %scan3A_34 = %scan3A_29 to %scan3A_31 step %scan3A_32  : i32 {
      %mul3A_35 = arith.constant 2 : i32
      %mul3A_36 = arith.muli %mul3A_35, %scan3A_34 : i32
      %add3A_37 = arith.constant 1 : i32
      %add3A_38 = arith.addi %mul3A_36, %add3A_37 : i32
      %dma_start3A_39 = arith.constant 1 : i32
      %dma_start3A_40 = arith.constant 0 : i32
      %dma_start3A_41 = arith.constant 0 : i32
      %dma_start3A_42 = tpu.memref_slice %arg9[%dma_start3A_39, %dma_start3A_40, %dma_start3A_41] : memref<2x128x32xf32, #tpu.memory_space<vmem>> -> memref<1x128x32xf32, #tpu.memory_space<vmem>>
      %dma_start3A_43 = tpu.memref_squeeze %dma_start3A_42 : memref<1x128x32xf32, #tpu.memory_space<vmem>> -> memref<128x32xf32, #tpu.memory_space<vmem>>
      %dma_start3A_44 = arith.constant 0 : i32
      %dma_start3A_45 = tpu.memref_slice %arg8[%add3A_38, %dma_start3A_44] : memref<196x128xi32, #tpu.memory_space<vmem>> -> memref<1x128xi32, #tpu.memory_space<vmem>>
      %dma_start3A_46 = tpu.memref_squeeze %dma_start3A_45 : memref<1x128xi32, #tpu.memory_space<vmem>> -> memref<128xi32, #tpu.memory_space<vmem>>
      %dma_start3A_47 = arith.constant 0 : i32
      %dma_start3A_48 = arith.constant 0 : i32
      %dma_start3A_49 = tpu.memref_slice %arg2[%dma_start3A_47, %dma_start3A_48] : memref<50000x32xf32, #tpu.memory_space<hbm>> -> memref<50000x32xf32, #tpu.memory_space<hbm>>
      tpu.enqueue_indirect_dma source(%dma_start3A_49 : memref<50000x32xf32, #tpu.memory_space<hbm>>) target(%dma_start3A_43 : memref<128x32xf32, #tpu.memory_space<vmem>>) offsets(%dma_start3A_46 : memref<128xi32, #tpu.memory_space<vmem>>) semaphore(%arg16 : memref<!tpu.dma_semaphore, #tpu.memory_space<semaphore_mem>>)
      %dma_start3A_50 = arith.constant 0 : i32
      %dma_start3A_51 = tpu.memref_slice %arg8[%add3A_38, %dma_start3A_50] : memref<196x128xi32, #tpu.memory_space<vmem>> -> memref<1x128xi32, #tpu.memory_space<vmem>>
      %dma_start3A_52 = tpu.memref_squeeze %dma_start3A_51 : memref<1x128xi32, #tpu.memory_space<vmem>> -> memref<128xi32, #tpu.memory_space<vmem>>
      %dma_start3A_53 = arith.constant 0 : i32
      %dma_start3A_54 = arith.constant 0 : i32
      %dma_start3A_55 = tpu.memref_slice %arg3[%dma_start3A_53, %dma_start3A_54] : memref<50000x16xf32, #tpu.memory_space<hbm>> -> memref<50000x16xf32, #tpu.memory_space<hbm>>
      tpu.enqueue_indirect_dma source(%dma_start3A_55 : memref<50000x16xf32, #tpu.memory_space<hbm>>) target(%arg11 : memref<128x16xf32, #tpu.memory_space<vmem>>) offsets(%dma_start3A_52 : memref<128xi32, #tpu.memory_space<vmem>>) semaphore(%arg18 : memref<!tpu.dma_semaphore, #tpu.memory_space<semaphore_mem>>)
      %mul3A_56 = arith.constant 8 : i32
      %mul3A_57 = arith.muli %add3A_38, %mul3A_56 : i32
      %add3A_58 = arith.addi %mul3A_4, %mul3A_57 : i32
      %dma_start3A_59 = arith.constant 0 : i32
      %dma_start3A_60 = tpu.memref_slice %arg4[%add3A_58, %dma_start3A_59] : memref<50176x16xf32, #tpu.memory_space<hbm>> -> memref<8x16xf32, #tpu.memory_space<hbm>>
      %dma_start3A_61 = arith.constant 0 : i32
      %dma_start3A_62 = tpu.memref_slice %arg4[%add3A_58, %dma_start3A_61] : memref<50176x16xf32, #tpu.memory_space<hbm>> -> memref<8x16xf32, #tpu.memory_space<hbm>>
      tpu.enqueue_dma source(%dma_start3A_62 : memref<8x16xf32, #tpu.memory_space<hbm>>) target(%arg13 : memref<8x16xf32, #tpu.memory_space<vmem>>) target_semaphore(%arg20 : memref<!tpu.dma_semaphore, #tpu.memory_space<semaphore_mem>>)
      %dma_wait3A = arith.constant 0 : i32
      %dma_wait3A_63 = arith.constant 0 : i32
      %dma_wait3A_64 = arith.constant 0 : i32
      %dma_wait3A_65 = tpu.memref_slice %arg9[%dma_wait3A, %dma_wait3A_63, %dma_wait3A_64] : memref<2x128x32xf32, #tpu.memory_space<vmem>> -> memref<1x128x32xf32, #tpu.memory_space<vmem>>
      %dma_wait3A_66 = tpu.memref_squeeze %dma_wait3A_65 : memref<1x128x32xf32, #tpu.memory_space<vmem>> -> memref<128x32xf32, #tpu.memory_space<vmem>>
      %dma_wait3A_67 = arith.constant 0 : i32
      %dma_wait3A_68 = tpu.memref_slice %arg8[%mul3A_36, %dma_wait3A_67] : memref<196x128xi32, #tpu.memory_space<vmem>> -> memref<1x128xi32, #tpu.memory_space<vmem>>
      %dma_wait3A_69 = tpu.memref_squeeze %dma_wait3A_68 : memref<1x128xi32, #tpu.memory_space<vmem>> -> memref<128xi32, #tpu.memory_space<vmem>>
      %dma_wait3A_70 = arith.constant 0 : i32
      %dma_wait3A_71 = arith.constant 0 : i32
      %dma_wait3A_72 = tpu.memref_slice %arg2[%dma_wait3A_70, %dma_wait3A_71] : memref<50000x32xf32, #tpu.memory_space<hbm>> -> memref<50000x32xf32, #tpu.memory_space<hbm>>
      tpu.wait_indirect_dma semaphore(%arg15 : memref<!tpu.dma_semaphore, #tpu.memory_space<semaphore_mem>>) src(%dma_wait3A_72 : memref<50000x32xf32, #tpu.memory_space<hbm>>) dst(%dma_wait3A_66 : memref<128x32xf32, #tpu.memory_space<vmem>>)
      %dma_wait3A_73 = arith.constant 0 : i32
      %dma_wait3A_74 = tpu.memref_slice %arg8[%mul3A_36, %dma_wait3A_73] : memref<196x128xi32, #tpu.memory_space<vmem>> -> memref<1x128xi32, #tpu.memory_space<vmem>>
      %dma_wait3A_75 = tpu.memref_squeeze %dma_wait3A_74 : memref<1x128xi32, #tpu.memory_space<vmem>> -> memref<128xi32, #tpu.memory_space<vmem>>
      %dma_wait3A_76 = arith.constant 0 : i32
      %dma_wait3A_77 = arith.constant 0 : i32
      %dma_wait3A_78 = tpu.memref_slice %arg3[%dma_wait3A_76, %dma_wait3A_77] : memref<50000x16xf32, #tpu.memory_space<hbm>> -> memref<50000x16xf32, #tpu.memory_space<hbm>>
      tpu.wait_indirect_dma semaphore(%arg17 : memref<!tpu.dma_semaphore, #tpu.memory_space<semaphore_mem>>) src(%dma_wait3A_78 : memref<50000x16xf32, #tpu.memory_space<hbm>>) dst(%arg10 : memref<128x16xf32, #tpu.memory_space<vmem>>)
      %mul3A_79 = arith.constant 8 : i32
      %mul3A_80 = arith.muli %mul3A_36, %mul3A_79 : i32
      %add3A_81 = arith.addi %mul3A_4, %mul3A_80 : i32
      %dma_wait3A_82 = arith.constant 0 : i32
      %dma_wait3A_83 = tpu.memref_slice %arg4[%add3A_81, %dma_wait3A_82] : memref<50176x16xf32, #tpu.memory_space<hbm>> -> memref<8x16xf32, #tpu.memory_space<hbm>>
      %dma_wait3A_84 = arith.constant 0 : i32
      %dma_wait3A_85 = tpu.memref_slice %arg4[%add3A_81, %dma_wait3A_84] : memref<50176x16xf32, #tpu.memory_space<hbm>> -> memref<8x16xf32, #tpu.memory_space<hbm>>
      tpu.wait_dma2 semaphore(%arg19 : memref<!tpu.dma_semaphore, #tpu.memory_space<semaphore_mem>>) src(%dma_wait3A_85 : memref<8x16xf32, #tpu.memory_space<hbm>>) dst(%arg12 : memref<8x16xf32, #tpu.memory_space<vmem>>)
      %iota3A = tpu.iota {dimensions = array<i32: 0>} : vector<16xi32>
      %add3A_86 = arith.constant 0 : i32
      %add3A_87 = vector.broadcast %add3A_86 : i32 to vector<16xi32>
      %add3A_88 = arith.addi %iota3A, %add3A_87 : vector<16xi32>
      %broadcast_in_dim3A = arith.constant 0 : i32
      %broadcast_in_dim3A_89 = vector.broadcast %broadcast_in_dim3A : i32 to vector<16xi32>
      %broadcast_in_dim3A_90 = arith.constant 0 : i32
      %broadcast_in_dim3A_91 = vector.broadcast %broadcast_in_dim3A_90 : i32 to vector<16xi32>
      %gather3A = tpu.vector_load_idx %arg10[%add3A_88, %broadcast_in_dim3A_91] : memref<128x16xf32, #tpu.memory_space<vmem>>[vector<16xi32>, vector<16xi32>], vector<16xf32>,
      %broadcast_in_dim3A_92 = arith.constant 1 : i32
      %broadcast_in_dim3A_93 = vector.broadcast %broadcast_in_dim3A_92 : i32 to vector<16xi32>
      %gather3A_94 = tpu.vector_load_idx %arg12[%broadcast_in_dim3A_89, %broadcast_in_dim3A_93] : memref<8x16xf32, #tpu.memory_space<vmem>>[vector<16xi32>, vector<16xi32>], vector<16xf32>,
      %sub3A = arith.subf %gather3A, %gather3A_94 : vector<16xf32>
      %broadcast_in_dim3A_95 = arith.constant 1 : i32
      %broadcast_in_dim3A_96 = vector.broadcast %broadcast_in_dim3A_95 : i32 to vector<16xi32>
      %gather3A_97 = tpu.vector_load_idx %arg10[%add3A_88, %broadcast_in_dim3A_96] : memref<128x16xf32, #tpu.memory_space<vmem>>[vector<16xi32>, vector<16xi32>], vector<16xf32>,
      %broadcast_in_dim3A_98 = arith.constant 2 : i32
      %broadcast_in_dim3A_99 = vector.broadcast %broadcast_in_dim3A_98 : i32 to vector<16xi32>
      %gather3A_100 = tpu.vector_load_idx %arg12[%broadcast_in_dim3A_89, %broadcast_in_dim3A_99] : memref<8x16xf32, #tpu.memory_space<vmem>>[vector<16xi32>, vector<16xi32>], vector<16xf32>,
      %sub3A_101 = arith.subf %gather3A_97, %gather3A_100 : vector<16xf32>
      %broadcast_in_dim3A_102 = arith.constant 2 : i32
      %broadcast_in_dim3A_103 = vector.broadcast %broadcast_in_dim3A_102 : i32 to vector<16xi32>
      %gather3A_104 = tpu.vector_load_idx %arg10[%add3A_88, %broadcast_in_dim3A_103] : memref<128x16xf32, #tpu.memory_space<vmem>>[vector<16xi32>, vector<16xi32>], vector<16xf32>,
      %broadcast_in_dim3A_105 = arith.constant 3 : i32
      %broadcast_in_dim3A_106 = vector.broadcast %broadcast_in_dim3A_105 : i32 to vector<16xi32>
      %gather3A_107 = tpu.vector_load_idx %arg12[%broadcast_in_dim3A_89, %broadcast_in_dim3A_106] : memref<8x16xf32, #tpu.memory_space<vmem>>[vector<16xi32>, vector<16xi32>], vector<16xf32>,
      %sub3A_108 = arith.subf %gather3A_104, %gather3A_107 : vector<16xf32>
      %broadcast_in_dim3A_109 = arith.constant 3 : i32
      %broadcast_in_dim3A_110 = vector.broadcast %broadcast_in_dim3A_109 : i32 to vector<16xi32>
      %gather3A_111 = tpu.vector_load_idx %arg10[%add3A_88, %broadcast_in_dim3A_110] : memref<128x16xf32, #tpu.memory_space<vmem>>[vector<16xi32>, vector<16xi32>], vector<16xf32>,
      %broadcast_in_dim3A_112 = arith.constant 4 : i32
      %broadcast_in_dim3A_113 = vector.broadcast %broadcast_in_dim3A_112 : i32 to vector<16xi32>
      %gather3A_114 = tpu.vector_load_idx %arg10[%add3A_88, %broadcast_in_dim3A_113] : memref<128x16xf32, #tpu.memory_space<vmem>>[vector<16xi32>, vector<16xi32>], vector<16xf32>,
      %broadcast_in_dim3A_115 = arith.constant 5 : i32
      %broadcast_in_dim3A_116 = vector.broadcast %broadcast_in_dim3A_115 : i32 to vector<16xi32>
      %gather3A_117 = tpu.vector_load_idx %arg10[%add3A_88, %broadcast_in_dim3A_116] : memref<128x16xf32, #tpu.memory_space<vmem>>[vector<16xi32>, vector<16xi32>], vector<16xf32>,
      %broadcast_in_dim3A_118 = arith.constant 6 : i32
      %broadcast_in_dim3A_119 = vector.broadcast %broadcast_in_dim3A_118 : i32 to vector<16xi32>
      %gather3A_120 = tpu.vector_load_idx %arg10[%add3A_88, %broadcast_in_dim3A_119] : memref<128x16xf32, #tpu.memory_space<vmem>>[vector<16xi32>, vector<16xi32>], vector<16xf32>,
      %broadcast_in_dim3A_121 = arith.constant 7 : i32
      %broadcast_in_dim3A_122 = vector.broadcast %broadcast_in_dim3A_121 : i32 to vector<16xi32>
      %gather3A_123 = tpu.vector_load_idx %arg10[%add3A_88, %broadcast_in_dim3A_122] : memref<128x16xf32, #tpu.memory_space<vmem>>[vector<16xi32>, vector<16xi32>], vector<16xf32>,
      %broadcast_in_dim3A_124 = arith.constant 8 : i32
      %broadcast_in_dim3A_125 = vector.broadcast %broadcast_in_dim3A_124 : i32 to vector<16xi32>
      %gather3A_126 = tpu.vector_load_idx %arg10[%add3A_88, %broadcast_in_dim3A_125] : memref<128x16xf32, #tpu.memory_space<vmem>>[vector<16xi32>, vector<16xi32>], vector<16xf32>,
      %broadcast_in_dim3A_127 = arith.constant 9 : i32
      %broadcast_in_dim3A_128 = vector.broadcast %broadcast_in_dim3A_127 : i32 to vector<16xi32>
      %gather3A_129 = tpu.vector_load_idx %arg10[%add3A_88, %broadcast_in_dim3A_128] : memref<128x16xf32, #tpu.memory_space<vmem>>[vector<16xi32>, vector<16xi32>], vector<16xf32>,
      %broadcast_in_dim3A_130 = arith.constant 10 : i32
      %broadcast_in_dim3A_131 = vector.broadcast %broadcast_in_dim3A_130 : i32 to vector<16xi32>
      %gather3A_132 = tpu.vector_load_idx %arg10[%add3A_88, %broadcast_in_dim3A_131] : memref<128x16xf32, #tpu.memory_space<vmem>>[vector<16xi32>, vector<16xi32>], vector<16xf32>,
      %broadcast_in_dim3A_133 = arith.constant 11 : i32
      %broadcast_in_dim3A_134 = vector.broadcast %broadcast_in_dim3A_133 : i32 to vector<16xi32>
      %gather3A_135 = tpu.vector_load_idx %arg10[%add3A_88, %broadcast_in_dim3A_134] : memref<128x16xf32, #tpu.memory_space<vmem>>[vector<16xi32>, vector<16xi32>], vector<16xf32>,
      %broadcast_in_dim3A_136 = arith.constant 4 : i32
      %broadcast_in_dim3A_137 = vector.broadcast %broadcast_in_dim3A_136 : i32 to vector<16xi32>
      %gather3A_138 = tpu.vector_load_idx %arg12[%broadcast_in_dim3A_89, %broadcast_in_dim3A_137] : memref<8x16xf32, #tpu.memory_space<vmem>>[vector<16xi32>, vector<16xi32>], vector<16xf32>,
      %broadcast_in_dim3A_139 = arith.constant 5 : i32
      %broadcast_in_dim3A_140 = vector.broadcast %broadcast_in_dim3A_139 : i32 to vector<16xi32>
      %gather3A_141 = tpu.vector_load_idx %arg12[%broadcast_in_dim3A_89, %broadcast_in_dim3A_140] : memref<8x16xf32, #tpu.memory_space<vmem>>[vector<16xi32>, vector<16xi32>], vector<16xf32>,
      %broadcast_in_dim3A_142 = arith.constant 6 : i32
      %broadcast_in_dim3A_143 = vector.broadcast %broadcast_in_dim3A_142 : i32 to vector<16xi32>
      %gather3A_144 = tpu.vector_load_idx %arg12[%broadcast_in_dim3A_89, %broadcast_in_dim3A_143] : memref<8x16xf32, #tpu.memory_space<vmem>>[vector<16xi32>, vector<16xi32>], vector<16xf32>,
      %broadcast_in_dim3A_145 = arith.constant 7 : i32
      %broadcast_in_dim3A_146 = vector.broadcast %broadcast_in_dim3A_145 : i32 to vector<16xi32>
      %gather3A_147 = tpu.vector_load_idx %arg12[%broadcast_in_dim3A_89, %broadcast_in_dim3A_146] : memref<8x16xf32, #tpu.memory_space<vmem>>[vector<16xi32>, vector<16xi32>], vector<16xf32>,
      %broadcast_in_dim3A_148 = arith.constant 8 : i32
      %broadcast_in_dim3A_149 = vector.broadcast %broadcast_in_dim3A_148 : i32 to vector<16xi32>
      %gather3A_150 = tpu.vector_load_idx %arg12[%broadcast_in_dim3A_89, %broadcast_in_dim3A_149] : memref<8x16xf32, #tpu.memory_space<vmem>>[vector<16xi32>, vector<16xi32>], vector<16xf32>,
      %broadcast_in_dim3A_151 = arith.constant 9 : i32
      %broadcast_in_dim3A_152 = vector.broadcast %broadcast_in_dim3A_151 : i32 to vector<16xi32>
      %gather3A_153 = tpu.vector_load_idx %arg12[%broadcast_in_dim3A_89, %broadcast_in_dim3A_152] : memref<8x16xf32, #tpu.memory_space<vmem>>[vector<16xi32>, vector<16xi32>], vector<16xf32>,
      %broadcast_in_dim3A_154 = arith.constant 10 : i32
      %broadcast_in_dim3A_155 = vector.broadcast %broadcast_in_dim3A_154 : i32 to vector<16xi32>
      %gather3A_156 = tpu.vector_load_idx %arg12[%broadcast_in_dim3A_89, %broadcast_in_dim3A_155] : memref<8x16xf32, #tpu.memory_space<vmem>>[vector<16xi32>, vector<16xi32>], vector<16xf32>,
      %broadcast_in_dim3A_157 = arith.constant 11 : i32
      %broadcast_in_dim3A_158 = vector.broadcast %broadcast_in_dim3A_157 : i32 to vector<16xi32>
      %gather3A_159 = tpu.vector_load_idx %arg12[%broadcast_in_dim3A_89, %broadcast_in_dim3A_158] : memref<8x16xf32, #tpu.memory_space<vmem>>[vector<16xi32>, vector<16xi32>], vector<16xf32>,
      %broadcast_in_dim3A_160 = arith.constant 12 : i32
      %broadcast_in_dim3A_161 = vector.broadcast %broadcast_in_dim3A_160 : i32 to vector<16xi32>
      %gather3A_162 = tpu.vector_load_idx %arg12[%broadcast_in_dim3A_89, %broadcast_in_dim3A_161] : memref<8x16xf32, #tpu.memory_space<vmem>>[vector<16xi32>, vector<16xi32>], vector<16xf32>,
      %mul3A_163 = arith.mulf %sub3A, %sub3A : vector<16xf32>
      %mul3A_164 = arith.mulf %sub3A_101, %sub3A_101 : vector<16xf32>
      %add3A_165 = arith.addf %mul3A_163, %mul3A_164 : vector<16xf32>
      %mul3A_166 = arith.mulf %sub3A_108, %sub3A_108 : vector<16xf32>
      %add3A_167 = arith.addf %add3A_165, %mul3A_166 : vector<16xf32>
      %mul3A_168 = arith.constant -5.000000e-01 : f32
      %mul3A_169 = vector.broadcast %mul3A_168 : f32 to vector<16xf32>
      %mul3A_170 = arith.mulf %mul3A_169, %add3A_167 : vector<16xf32>
      %exp3A = math.exp %mul3A_170 : vector<16xf32>
      %mul3A_171 = arith.mulf %gather3A_138, %sub3A : vector<16xf32>
      %mul3A_172 = arith.mulf %gather3A_141, %sub3A_101 : vector<16xf32>
      %add3A_173 = arith.addf %mul3A_171, %mul3A_172 : vector<16xf32>
      %mul3A_174 = arith.mulf %gather3A_144, %sub3A_108 : vector<16xf32>
      %add3A_175 = arith.addf %add3A_173, %mul3A_174 : vector<16xf32>
      %broadcast_in_dim3A_176 = arith.constant 0 : i32
      %broadcast_in_dim3A_177 = vector.broadcast %broadcast_in_dim3A_176 : i32 to vector<16xi32>
      tpu.vector_store_idx %arg14[%add3A_88, %broadcast_in_dim3A_177], %add3A_175 : memref<128x16xf32, #tpu.memory_space<vmem>>[vector<16xi32>, vector<16xi32>], vector<16xf32>,
      %mul3A_178 = arith.mulf %gather3A_147, %sub3A : vector<16xf32>
      %mul3A_179 = arith.mulf %gather3A_150, %sub3A_101 : vector<16xf32>
      %add3A_180 = arith.addf %mul3A_178, %mul3A_179 : vector<16xf32>
      %mul3A_181 = arith.mulf %gather3A_153, %sub3A_108 : vector<16xf32>
      %add3A_182 = arith.addf %add3A_180, %mul3A_181 : vector<16xf32>
      %broadcast_in_dim3A_183 = arith.constant 1 : i32
      %broadcast_in_dim3A_184 = vector.broadcast %broadcast_in_dim3A_183 : i32 to vector<16xi32>
      tpu.vector_store_idx %arg14[%add3A_88, %broadcast_in_dim3A_184], %add3A_182 : memref<128x16xf32, #tpu.memory_space<vmem>>[vector<16xi32>, vector<16xi32>], vector<16xf32>,
      %mul3A_185 = arith.mulf %gather3A_156, %sub3A : vector<16xf32>
      %mul3A_186 = arith.mulf %gather3A_159, %sub3A_101 : vector<16xf32>
      %add3A_187 = arith.addf %mul3A_185, %mul3A_186 : vector<16xf32>
      %mul3A_188 = arith.mulf %gather3A_162, %sub3A_108 : vector<16xf32>
      %add3A_189 = arith.addf %add3A_187, %mul3A_188 : vector<16xf32>
      %broadcast_in_dim3A_190 = arith.constant 2 : i32
      %broadcast_in_dim3A_191 = vector.broadcast %broadcast_in_dim3A_190 : i32 to vector<16xi32>
      tpu.vector_store_idx %arg14[%add3A_88, %broadcast_in_dim3A_191], %add3A_189 : memref<128x16xf32, #tpu.memory_space<vmem>>[vector<16xi32>, vector<16xi32>], vector<16xf32>,
      %mul3A_192 = arith.mulf %gather3A_138, %gather3A_111 : vector<16xf32>
      %mul3A_193 = arith.mulf %gather3A_141, %gather3A_114 : vector<16xf32>
      %add3A_194 = arith.addf %mul3A_192, %mul3A_193 : vector<16xf32>
      %mul3A_195 = arith.mulf %gather3A_144, %gather3A_117 : vector<16xf32>
      %add3A_196 = arith.addf %add3A_194, %mul3A_195 : vector<16xf32>
      %broadcast_in_dim3A_197 = arith.constant 3 : i32
      %broadcast_in_dim3A_198 = vector.broadcast %broadcast_in_dim3A_197 : i32 to vector<16xi32>
      tpu.vector_store_idx %arg14[%add3A_88, %broadcast_in_dim3A_198], %add3A_196 : memref<128x16xf32, #tpu.memory_space<vmem>>[vector<16xi32>, vector<16xi32>], vector<16xf32>,
      %mul3A_199 = arith.mulf %gather3A_147, %gather3A_111 : vector<16xf32>
      %mul3A_200 = arith.mulf %gather3A_150, %gather3A_114 : vector<16xf32>
      %add3A_201 = arith.addf %mul3A_199, %mul3A_200 : vector<16xf32>
      %mul3A_202 = arith.mulf %gather3A_153, %gather3A_117 : vector<16xf32>
      %add3A_203 = arith.addf %add3A_201, %mul3A_202 : vector<16xf32>
      %broadcast_in_dim3A_204 = arith.constant 4 : i32
      %broadcast_in_dim3A_205 = vector.broadcast %broadcast_in_dim3A_204 : i32 to vector<16xi32>
      tpu.vector_store_idx %arg14[%add3A_88, %broadcast_in_dim3A_205], %add3A_203 : memref<128x16xf32, #tpu.memory_space<vmem>>[vector<16xi32>, vector<16xi32>], vector<16xf32>,
      %mul3A_206 = arith.mulf %gather3A_156, %gather3A_111 : vector<16xf32>
      %mul3A_207 = arith.mulf %gather3A_159, %gather3A_114 : vector<16xf32>
      %add3A_208 = arith.addf %mul3A_206, %mul3A_207 : vector<16xf32>
      %mul3A_209 = arith.mulf %gather3A_162, %gather3A_117 : vector<16xf32>
      %add3A_210 = arith.addf %add3A_208, %mul3A_209 : vector<16xf32>
      %broadcast_in_dim3A_211 = arith.constant 5 : i32
      %broadcast_in_dim3A_212 = vector.broadcast %broadcast_in_dim3A_211 : i32 to vector<16xi32>
      tpu.vector_store_idx %arg14[%add3A_88, %broadcast_in_dim3A_212], %add3A_210 : memref<128x16xf32, #tpu.memory_space<vmem>>[vector<16xi32>, vector<16xi32>], vector<16xf32>,
      %mul3A_213 = arith.mulf %gather3A_138, %gather3A_120 : vector<16xf32>
      %mul3A_214 = arith.mulf %gather3A_141, %gather3A_123 : vector<16xf32>
      %add3A_215 = arith.addf %mul3A_213, %mul3A_214 : vector<16xf32>
      %mul3A_216 = arith.mulf %gather3A_144, %gather3A_126 : vector<16xf32>
      %add3A_217 = arith.addf %add3A_215, %mul3A_216 : vector<16xf32>
      %broadcast_in_dim3A_218 = arith.constant 6 : i32
      %broadcast_in_dim3A_219 = vector.broadcast %broadcast_in_dim3A_218 : i32 to vector<16xi32>
      tpu.vector_store_idx %arg14[%add3A_88, %broadcast_in_dim3A_219], %add3A_217 : memref<128x16xf32, #tpu.memory_space<vmem>>[vector<16xi32>, vector<16xi32>], vector<16xf32>,
      %mul3A_220 = arith.mulf %gather3A_147, %gather3A_120 : vector<16xf32>
      %mul3A_221 = arith.mulf %gather3A_150, %gather3A_123 : vector<16xf32>
      %add3A_222 = arith.addf %mul3A_220, %mul3A_221 : vector<16xf32>
      %mul3A_223 = arith.mulf %gather3A_153, %gather3A_126 : vector<16xf32>
      %add3A_224 = arith.addf %add3A_222, %mul3A_223 : vector<16xf32>
      %broadcast_in_dim3A_225 = arith.constant 7 : i32
      %broadcast_in_dim3A_226 = vector.broadcast %broadcast_in_dim3A_225 : i32 to vector<16xi32>
      tpu.vector_store_idx %arg14[%add3A_88, %broadcast_in_dim3A_226], %add3A_224 : memref<128x16xf32, #tpu.memory_space<vmem>>[vector<16xi32>, vector<16xi32>], vector<16xf32>,
      %mul3A_227 = arith.mulf %gather3A_156, %gather3A_120 : vector<16xf32>
      %mul3A_228 = arith.mulf %gather3A_159, %gather3A_123 : vector<16xf32>
      %add3A_229 = arith.addf %mul3A_227, %mul3A_228 : vector<16xf32>
      %mul3A_230 = arith.mulf %gather3A_162, %gather3A_126 : vector<16xf32>
      %add3A_231 = arith.addf %add3A_229, %mul3A_230 : vector<16xf32>
      %broadcast_in_dim3A_232 = arith.constant 8 : i32
      %broadcast_in_dim3A_233 = vector.broadcast %broadcast_in_dim3A_232 : i32 to vector<16xi32>
      tpu.vector_store_idx %arg14[%add3A_88, %broadcast_in_dim3A_233], %add3A_231 : memref<128x16xf32, #tpu.memory_space<vmem>>[vector<16xi32>, vector<16xi32>], vector<16xf32>,
      %mul3A_234 = arith.mulf %gather3A_138, %gather3A_129 : vector<16xf32>
      %mul3A_235 = arith.mulf %gather3A_141, %gather3A_132 : vector<16xf32>
      %add3A_236 = arith.addf %mul3A_234, %mul3A_235 : vector<16xf32>
      %mul3A_237 = arith.mulf %gather3A_144, %gather3A_135 : vector<16xf32>
      %add3A_238 = arith.addf %add3A_236, %mul3A_237 : vector<16xf32>
      %broadcast_in_dim3A_239 = arith.constant 9 : i32
      %broadcast_in_dim3A_240 = vector.broadcast %broadcast_in_dim3A_239 : i32 to vector<16xi32>
      tpu.vector_store_idx %arg14[%add3A_88, %broadcast_in_dim3A_240], %add3A_238 : memref<128x16xf32, #tpu.memory_space<vmem>>[vector<16xi32>, vector<16xi32>], vector<16xf32>,
      %mul3A_241 = arith.mulf %gather3A_147, %gather3A_129 : vector<16xf32>
      %mul3A_242 = arith.mulf %gather3A_150, %gather3A_132 : vector<16xf32>
      %add3A_243 = arith.addf %mul3A_241, %mul3A_242 : vector<16xf32>
      %mul3A_244 = arith.mulf %gather3A_153, %gather3A_135 : vector<16xf32>
      %add3A_245 = arith.addf %add3A_243, %mul3A_244 : vector<16xf32>
      %broadcast_in_dim3A_246 = arith.constant 10 : i32
      %broadcast_in_dim3A_247 = vector.broadcast %broadcast_in_dim3A_246 : i32 to vector<16xi32>
      tpu.vector_store_idx %arg14[%add3A_88, %broadcast_in_dim3A_247], %add3A_245 : memref<128x16xf32, #tpu.memory_space<vmem>>[vector<16xi32>, vector<16xi32>], vector<16xf32>,
      %mul3A_248 = arith.mulf %gather3A_156, %gather3A_129 : vector<16xf32>
      %mul3A_249 = arith.mulf %gather3A_159, %gather3A_132 : vector<16xf32>
      %add3A_250 = arith.addf %mul3A_248, %mul3A_249 : vector<16xf32>
      %mul3A_251 = arith.mulf %gather3A_162, %gather3A_135 : vector<16xf32>
      %add3A_252 = arith.addf %add3A_250, %mul3A_251 : vector<16xf32>
      %broadcast_in_dim3A_253 = arith.constant 11 : i32
      %broadcast_in_dim3A_254 = vector.broadcast %broadcast_in_dim3A_253 : i32 to vector<16xi32>
      tpu.vector_store_idx %arg14[%add3A_88, %broadcast_in_dim3A_254], %add3A_252 : memref<128x16xf32, #tpu.memory_space<vmem>>[vector<16xi32>, vector<16xi32>], vector<16xf32>,
      %broadcast_in_dim3A_255 = arith.constant 12 : i32
      %broadcast_in_dim3A_256 = vector.broadcast %broadcast_in_dim3A_255 : i32 to vector<16xi32>
      tpu.vector_store_idx %arg14[%add3A_88, %broadcast_in_dim3A_256], %exp3A : memref<128x16xf32, #tpu.memory_space<vmem>>[vector<16xi32>, vector<16xi32>], vector<16xf32>,
      %broadcast_in_dim3A_257 = arith.constant 0.000000e+00 : f32
      %broadcast_in_dim3A_258 = vector.broadcast %broadcast_in_dim3A_257 : f32 to vector<16xf32>
      %broadcast_in_dim3A_259 = arith.constant 13 : i32
      %broadcast_in_dim3A_260 = vector.broadcast %broadcast_in_dim3A_259 : i32 to vector<16xi32>
      tpu.vector_store_idx %arg14[%add3A_88, %broadcast_in_dim3A_260], %broadcast_in_dim3A_258 : memref<128x16xf32, #tpu.memory_space<vmem>>[vector<16xi32>, vector<16xi32>], vector<16xf32>,
      %broadcast_in_dim3A_261 = arith.constant 14 : i32
      %broadcast_in_dim3A_262 = vector.broadcast %broadcast_in_dim3A_261 : i32 to vector<16xi32>
      tpu.vector_store_idx %arg14[%add3A_88, %broadcast_in_dim3A_262], %broadcast_in_dim3A_258 : memref<128x16xf32, #tpu.memory_space<vmem>>[vector<16xi32>, vector<16xi32>], vector<16xf32>,
      %broadcast_in_dim3A_263 = arith.constant 15 : i32
      %broadcast_in_dim3A_264 = vector.broadcast %broadcast_in_dim3A_263 : i32 to vector<16xi32>
      tpu.vector_store_idx %arg14[%add3A_88, %broadcast_in_dim3A_264], %broadcast_in_dim3A_258 : memref<128x16xf32, #tpu.memory_space<vmem>>[vector<16xi32>, vector<16xi32>], vector<16xf32>,
      %add3A_265 = arith.constant 16 : i32
      %add3A_266 = vector.broadcast %add3A_265 : i32 to vector<16xi32>
      %add3A_267 = arith.addi %iota3A, %add3A_266 : vector<16xi32>
      %broadcast_in_dim3A_268 = arith.constant 1 : i32
      %broadcast_in_dim3A_269 = vector.broadcast %broadcast_in_dim3A_268 : i32 to vector<16xi32>
      %broadcast_in_dim3A_270 = arith.constant 0 : i32
      %broadcast_in_dim3A_271 = vector.broadcast %broadcast_in_dim3A_270 : i32 to vector<16xi32>
      %gather3A_272 = tpu.vector_load_idx %arg10[%add3A_267, %broadcast_in_dim3A_271] : memref<128x16xf32, #tpu.memory_space<vmem>>[vector<16xi32>, vector<16xi32>], vector<16xf32>,
      %broadcast_in_dim3A_273 = arith.constant 1 : i32
      %broadcast_in_dim3A_274 = vector.broadcast %broadcast_in_dim3A_273 : i32 to vector<16xi32>
      %gather3A_275 = tpu.vector_load_idx %arg12[%broadcast_in_dim3A_269, %broadcast_in_dim3A_274] : memref<8x16xf32, #tpu.memory_space<vmem>>[vector<16xi32>, vector<16xi32>], vector<16xf32>,
      %sub3A_276 = arith.subf %gather3A_272, %gather3A_275 : vector<16xf32>
      %broadcast_in_dim3A_277 = arith.constant 1 : i32
      %broadcast_in_dim3A_278 = vector.broadcast %broadcast_in_dim3A_277 : i32 to vector<16xi32>
      %gather3A_279 = tpu.vector_load_idx %arg10[%add3A_267, %broadcast_in_dim3A_278] : memref<128x16xf32, #tpu.memory_space<vmem>>[vector<16xi32>, vector<16xi32>], vector<16xf32>,
      %broadcast_in_dim3A_280 = arith.constant 2 : i32
      %broadcast_in_dim3A_281 = vector.broadcast %broadcast_in_dim3A_280 : i32 to vector<16xi32>
      %gather3A_282 = tpu.vector_load_idx %arg12[%broadcast_in_dim3A_269, %broadcast_in_dim3A_281] : memref<8x16xf32, #tpu.memory_space<vmem>>[vector<16xi32>, vector<16xi32>], vector<16xf32>,
      %sub3A_283 = arith.subf %gather3A_279, %gather3A_282 : vector<16xf32>
      %broadcast_in_dim3A_284 = arith.constant 2 : i32
      %broadcast_in_dim3A_285 = vector.broadcast %broadcast_in_dim3A_284 : i32 to vector<16xi32>
      %gather3A_286 = tpu.vector_load_idx %arg10[%add3A_267, %broadcast_in_dim3A_285] : memref<128x16xf32, #tpu.memory_space<vmem>>[vector<16xi32>, vector<16xi32>], vector<16xf32>,
      %broadcast_in_dim3A_287 = arith.constant 3 : i32
      %broadcast_in_dim3A_288 = vector.broadcast %broadcast_in_dim3A_287 : i32 to vector<16xi32>
      %gather3A_289 = tpu.vector_load_idx %arg12[%broadcast_in_dim3A_269, %broadcast_in_dim3A_288] : memref<8x16xf32, #tpu.memory_space<vmem>>[vector<16xi32>, vector<16xi32>], vector<16xf32>,
      %sub3A_290 = arith.subf %gather3A_286, %gather3A_289 : vector<16xf32>
      %broadcast_in_dim3A_291 = arith.constant 3 : i32
      %broadcast_in_dim3A_292 = vector.broadcast %broadcast_in_dim3A_291 : i32 to vector<16xi32>
      %gather3A_293 = tpu.vector_load_idx %arg10[%add3A_267, %broadcast_in_dim3A_292] : memref<128x16xf32, #tpu.memory_space<vmem>>[vector<16xi32>, vector<16xi32>], vector<16xf32>,
      %broadcast_in_dim3A_294 = arith.constant 4 : i32
      %broadcast_in_dim3A_295 = vector.broadcast %broadcast_in_dim3A_294 : i32 to vector<16xi32>
      %gather3A_296 = tpu.vector_load_idx %arg10[%add3A_267, %broadcast_in_dim3A_295] : memref<128x16xf32, #tpu.memory_space<vmem>>[vector<16xi32>, vector<16xi32>], vector<16xf32>,
      %broadcast_in_dim3A_297 = arith.constant 5 : i32
      %broadcast_in_dim3A_298 = vector.broadcast %broadcast_in_dim3A_297 : i32 to vector<16xi32>
      %gather3A_299 = tpu.vector_load_idx %arg10[%add3A_267, %broadcast_in_dim3A_298] : memref<128x16xf32, #tpu.memory_space<vmem>>[vector<16xi32>, vector<16xi32>], vector<16xf32>,
      %broadcast_in_dim3A_300 = arith.constant 6 : i32
      %broadcast_in_dim3A_301 = vector.broadcast %broadcast_in_dim3A_300 : i32 to vector<16xi32>
      %gather3A_302 = tpu.vector_load_idx %arg10[%add3A_267, %broadcast_in_dim3A_301] : memref<128x16xf32, #tpu.memory_space<vmem>>[vector<16xi32>, vector<16xi32>], vector<16xf32>,
      %broadcast_in_dim3A_303 = arith.constant 7 : i32
      %broadcast_in_dim3A_304 = vector.broadcast %broadcast_in_dim3A_303 : i32 to vector<16xi32>
      %gather3A_305 = tpu.vector_load_idx %arg10[%add3A_267, %broadcast_in_dim3A_304] : memref<128x16xf32, #tpu.memory_space<vmem>>[vector<16xi32>, vector<16xi32>], vector<16xf32>,
      %broadcast_in_dim3A_306 = arith.constant 8 : i32
      %broadcast_in_dim3A_307 = vector.broadcast %broadcast_in_dim3A_306 : i32 to vector<16xi32>
      %gather3A_308 = tpu.vector_load_idx %arg10[%add3A_267, %broadcast_in_dim3A_307] : memref<128x16xf32, #tpu.memory_space<vmem>>[vector<16xi32>, vector<16xi32>], vector<16xf32>,
      %broadcast_in_dim3A_309 = arith.constant 9 : i32
      %broadcast_in_dim3A_310 = vector.broadcast %broadcast_in_dim3A_309 : i32 to vector<16xi32>
      %gather3A_311 = tpu.vector_load_idx %arg10[%add3A_267, %broadcast_in_dim3A_310] : memref<128x16xf32, #tpu.memory_space<vmem>>[vector<16xi32>, vector<16xi32>], vector<16xf32>,
      %broadcast_in_dim3A_312 = arith.constant 10 : i32
      %broadcast_in_dim3A_313 = vector.broadcast %broadcast_in_dim3A_312 : i32 to vector<16xi32>
      %gather3A_314 = tpu.vector_load_idx %arg10[%add3A_267, %broadcast_in_dim3A_313] : memref<128x16xf32, #tpu.memory_space<vmem>>[vector<16xi32>, vector<16xi32>], vector<16xf32>,
      %broadcast_in_dim3A_315 = arith.constant 11 : i32
      %broadcast_in_dim3A_316 = vector.broadcast %broadcast_in_dim3A_315 : i32 to vector<16xi32>
      %gather3A_317 = tpu.vector_load_idx %arg10[%add3A_267, %broadcast_in_dim3A_316] : memref<128x16xf32, #tpu.memory_space<vmem>>[vector<16xi32>, vector<16xi32>], vector<16xf32>,
      %broadcast_in_dim3A_318 = arith.constant 4 : i32
      %broadcast_in_dim3A_319 = vector.broadcast %broadcast_in_dim3A_318 : i32 to vector<16xi32>
      %gather3A_320 = tpu.vector_load_idx %arg12[%broadcast_in_dim3A_269, %broadcast_in_dim3A_319] : memref<8x16xf32, #tpu.memory_space<vmem>>[vector<16xi32>, vector<16xi32>], vector<16xf32>,
      %broadcast_in_dim3A_321 = arith.constant 5 : i32
      %broadcast_in_dim3A_322 = vector.broadcast %broadcast_in_dim3A_321 : i32 to vector<16xi32>
      %gather3A_323 = tpu.vector_load_idx %arg12[%broadcast_in_dim3A_269, %broadcast_in_dim3A_322] : memref<8x16xf32, #tpu.memory_space<vmem>>[vector<16xi32>, vector<16xi32>], vector<16xf32>,
      %broadcast_in_dim3A_324 = arith.constant 6 : i32
      %broadcast_in_dim3A_325 = vector.broadcast %broadcast_in_dim3A_324 : i32 to vector<16xi32>
      %gather3A_326 = tpu.vector_load_idx %arg12[%broadcast_in_dim3A_269, %broadcast_in_dim3A_325] : memref<8x16xf32, #tpu.memory_space<vmem>>[vector<16xi32>, vector<16xi32>], vector<16xf32>,
      %broadcast_in_dim3A_327 = arith.constant 7 : i32
      %broadcast_in_dim3A_328 = vector.broadcast %broadcast_in_dim3A_327 : i32 to vector<16xi32>
      %gather3A_329 = tpu.vector_load_idx %arg12[%broadcast_in_dim3A_269, %broadcast_in_dim3A_328] : memref<8x16xf32, #tpu.memory_space<vmem>>[vector<16xi32>, vector<16xi32>], vector<16xf32>,
      %broadcast_in_dim3A_330 = arith.constant 8 : i32
      %broadcast_in_dim3A_331 = vector.broadcast %broadcast_in_dim3A_330 : i32 to vector<16xi32>
      %gather3A_332 = tpu.vector_load_idx %arg12[%broadcast_in_dim3A_269, %broadcast_in_dim3A_331] : memref<8x16xf32, #tpu.memory_space<vmem>>[vector<16xi32>, vector<16xi32>], vector<16xf32>,
      %broadcast_in_dim3A_333 = arith.constant 9 : i32
      %broadcast_in_dim3A_334 = vector.broadcast %broadcast_in_dim3A_333 : i32 to vector<16xi32>
      %gather3A_335 = tpu.vector_load_idx %arg12[%broadcast_in_dim3A_269, %broadcast_in_dim3A_334] : memref<8x16xf32, #tpu.memory_space<vmem>>[vector<16xi32>, vector<16xi32>], vector<16xf32>,
      %broadcast_in_dim3A_336 = arith.constant 10 : i32
      %broadcast_in_dim3A_337 = vector.broadcast %broadcast_in_dim3A_336 : i32 to vector<16xi32>
      %gather3A_338 = tpu.vector_load_idx %arg12[%broadcast_in_dim3A_269, %broadcast_in_dim3A_337] : memref<8x16xf32, #tpu.memory_space<vmem>>[vector<16xi32>, vector<16xi32>], vector<16xf32>,
      %broadcast_in_dim3A_339 = arith.constant 11 : i32
      %broadcast_in_dim3A_340 = vector.broadcast %broadcast_in_dim3A_339 : i32 to vector<16xi32>
      %gather3A_341 = tpu.vector_load_idx %arg12[%broadcast_in_dim3A_269, %broadcast_in_dim3A_340] : memref<8x16xf32, #tpu.memory_space<vmem>>[vector<16xi32>, vector<16xi32>], vector<16xf32>,
      %broadcast_in_dim3A_342 = arith.constant 12 : i32
      %broadcast_in_dim3A_343 = vector.broadcast %broadcast_in_dim3A_342 : i32 to vector<16xi32>
      %gather3A_344 = tpu.vector_load_idx %arg12[%broadcast_in_dim3A_269, %broadcast_in_dim3A_343] : memref<8x16xf32, #tpu.memory_space<vmem>>[vector<16xi32>, vector<16xi32>], vector<16xf32>,
      %mul3A_345 = arith.mulf %sub3A_276, %sub3A_276 : vector<16xf32>
      %mul3A_346 = arith.mulf %sub3A_283, %sub3A_283 : vector<16xf32>
      %add3A_347 = arith.addf %mul3A_345, %mul3A_346 : vector<16xf32>
      %mul3A_348 = arith.mulf %sub3A_290, %sub3A_290 : vector<16xf32>
      %add3A_349 = arith.addf %add3A_347, %mul3A_348 : vector<16xf32>
      %mul3A_350 = arith.constant -5.000000e-01 : f32
      %mul3A_351 = vector.broadcast %mul3A_350 : f32 to vector<16xf32>
      %mul3A_352 = arith.mulf %mul3A_351, %add3A_349 : vector<16xf32>
      %exp3A_353 = math.exp %mul3A_352 : vector<16xf32>
      %mul3A_354 = arith.mulf %gather3A_320, %sub3A_276 : vector<16xf32>
      %mul3A_355 = arith.mulf %gather3A_323, %sub3A_283 : vector<16xf32>
      %add3A_356 = arith.addf %mul3A_354, %mul3A_355 : vector<16xf32>
      %mul3A_357 = arith.mulf %gather3A_326, %sub3A_290 : vector<16xf32>
      %add3A_358 = arith.addf %add3A_356, %mul3A_357 : vector<16xf32>
      %broadcast_in_dim3A_359 = arith.constant 0 : i32
      %broadcast_in_dim3A_360 = vector.broadcast %broadcast_in_dim3A_359 : i32 to vector<16xi32>
      tpu.vector_store_idx %arg14[%add3A_267, %broadcast_in_dim3A_360], %add3A_358 : memref<128x16xf32, #tpu.memory_space<vmem>>[vector<16xi32>, vector<16xi32>], vector<16xf32>,
      %mul3A_361 = arith.mulf %gather3A_329, %sub3A_276 : vector<16xf32>
      %mul3A_362 = arith.mulf %gather3A_332, %sub3A_283 : vector<16xf32>
      %add3A_363 = arith.addf %mul3A_361, %mul3A_362 : vector<16xf32>
      %mul3A_364 = arith.mulf %gather3A_335, %sub3A_290 : vector<16xf32>
      %add3A_365 = arith.addf %add3A_363, %mul3A_364 : vector<16xf32>
      %broadcast_in_dim3A_366 = arith.constant 1 : i32
      %broadcast_in_dim3A_367 = vector.broadcast %broadcast_in_dim3A_366 : i32 to vector<16xi32>
      tpu.vector_store_idx %arg14[%add3A_267, %broadcast_in_dim3A_367], %add3A_365 : memref<128x16xf32, #tpu.memory_space<vmem>>[vector<16xi32>, vector<16xi32>], vector<16xf32>,
      %mul3A_368 = arith.mulf %gather3A_338, %sub3A_276 : vector<16xf32>
      %mul3A_369 = arith.mulf %gather3A_341, %sub3A_283 : vector<16xf32>
      %add3A_370 = arith.addf %mul3A_368, %mul3A_369 : vector<16xf32>
      %mul3A_371 = arith.mulf %gather3A_344, %sub3A_290 : vector<16xf32>
      %add3A_372 = arith.addf %add3A_370, %mul3A_371 : vector<16xf32>
      %broadcast_in_dim3A_373 = arith.constant 2 : i32
      %broadcast_in_dim3A_374 = vector.broadcast %broadcast_in_dim3A_373 : i32 to vector<16xi32>
      tpu.vector_store_idx %arg14[%add3A_267, %broadcast_in_dim3A_374], %add3A_372 : memref<128x16xf32, #tpu.memory_space<vmem>>[vector<16xi32>, vector<16xi32>], vector<16xf32>,
      %mul3A_375 = arith.mulf %gather3A_320, %gather3A_293 : vector<16xf32>
      %mul3A_376 = arith.mulf %gather3A_323, %gather3A_296 : vector<16xf32>
      %add3A_377 = arith.addf %mul3A_375, %mul3A_376 : vector<16xf32>
      %mul3A_378 = arith.mulf %gather3A_326, %gather3A_299 : vector<16xf32>
      %add3A_379 = arith.addf %add3A_377, %mul3A_378 : vector<16xf32>
      %broadcast_in_dim3A_380 = arith.constant 3 : i32
      %broadcast_in_dim3A_381 = vector.broadcast %broadcast_in_dim3A_380 : i32 to vector<16xi32>
      tpu.vector_store_idx %arg14[%add3A_267, %broadcast_in_dim3A_381], %add3A_379 : memref<128x16xf32, #tpu.memory_space<vmem>>[vector<16xi32>, vector<16xi32>], vector<16xf32>,
      %mul3A_382 = arith.mulf %gather3A_329, %gather3A_293 : vector<16xf32>
      %mul3A_383 = arith.mulf %gather3A_332, %gather3A_296 : vector<16xf32>
      %add3A_384 = arith.addf %mul3A_382, %mul3A_383 : vector<16xf32>
      %mul3A_385 = arith.mulf %gather3A_335, %gather3A_299 : vector<16xf32>
      %add3A_386 = arith.addf %add3A_384, %mul3A_385 : vector<16xf32>
      %broadcast_in_dim3A_387 = arith.constant 4 : i32
      %broadcast_in_dim3A_388 = vector.broadcast %broadcast_in_dim3A_387 : i32 to vector<16xi32>
      tpu.vector_store_idx %arg14[%add3A_267, %broadcast_in_dim3A_388], %add3A_386 : memref<128x16xf32, #tpu.memory_space<vmem>>[vector<16xi32>, vector<16xi32>], vector<16xf32>,
      %mul3A_389 = arith.mulf %gather3A_338, %gather3A_293 : vector<16xf32>
      %mul3A_390 = arith.mulf %gather3A_341, %gather3A_296 : vector<16xf32>
      %add3A_391 = arith.addf %mul3A_389, %mul3A_390 : vector<16xf32>
      %mul3A_392 = arith.mulf %gather3A_344, %gather3A_299 : vector<16xf32>
      %add3A_393 = arith.addf %add3A_391, %mul3A_392 : vector<16xf32>
      %broadcast_in_dim3A_394 = arith.constant 5 : i32
      %broadcast_in_dim3A_395 = vector.broadcast %broadcast_in_dim3A_394 : i32 to vector<16xi32>
      tpu.vector_store_idx %arg14[%add3A_267, %broadcast_in_dim3A_395], %add3A_393 : memref<128x16xf32, #tpu.memory_space<vmem>>[vector<16xi32>, vector<16xi32>], vector<16xf32>,
      %mul3A_396 = arith.mulf %gather3A_320, %gather3A_302 : vector<16xf32>
      %mul3A_397 = arith.mulf %gather3A_323, %gather3A_305 : vector<16xf32>
      %add3A_398 = arith.addf %mul3A_396, %mul3A_397 : vector<16xf32>
      %mul3A_399 = arith.mulf %gather3A_326, %gather3A_308 : vector<16xf32>
      %add3A_400 = arith.addf %add3A_398, %mul3A_399 : vector<16xf32>
      %broadcast_in_dim3A_401 = arith.constant 6 : i32
      %broadcast_in_dim3A_402 = vector.broadcast %broadcast_in_dim3A_401 : i32 to vector<16xi32>
      tpu.vector_store_idx %arg14[%add3A_267, %broadcast_in_dim3A_402], %add3A_400 : memref<128x16xf32, #tpu.memory_space<vmem>>[vector<16xi32>, vector<16xi32>], vector<16xf32>,
      %mul3A_403 = arith.mulf %gather3A_329, %gather3A_302 : vector<16xf32>
      %mul3A_404 = arith.mulf %gather3A_332, %gather3A_305 : vector<16xf32>
      %add3A_405 = arith.addf %mul3A_403, %mul3A_404 : vector<16xf32>
      %mul3A_406 = arith.mulf %gather3A_335, %gather3A_308 : vector<16xf32>
      %add3A_407 = arith.addf %add3A_405, %mul3A_406 : vector<16xf32>
      %broadcast_in_dim3A_408 = arith.constant 7 : i32
      %broadcast_in_dim3A_409 = vector.broadcast %broadcast_in_dim3A_408 : i32 to vector<16xi32>
      tpu.vector_store_idx %arg14[%add3A_267, %broadcast_in_dim3A_409], %add3A_407 : memref<128x16xf32, #tpu.memory_space<vmem>>[vector<16xi32>, vector<16xi32>], vector<16xf32>,
      %mul3A_410 = arith.mulf %gather3A_338, %gather3A_302 : vector<16xf32>
      %mul3A_411 = arith.mulf %gather3A_341, %gather3A_305 : vector<16xf32>
      %add3A_412 = arith.addf %mul3A_410, %mul3A_411 : vector<16xf32>
      %mul3A_413 = arith.mulf %gather3A_344, %gather3A_308 : vector<16xf32>
      %add3A_414 = arith.addf %add3A_412, %mul3A_413 : vector<16xf32>
      %broadcast_in_dim3A_415 = arith.constant 8 : i32
      %broadcast_in_dim3A_416 = vector.broadcast %broadcast_in_dim3A_415 : i32 to vector<16xi32>
      tpu.vector_store_idx %arg14[%add3A_267, %broadcast_in_dim3A_416], %add3A_414 : memref<128x16xf32, #tpu.memory_space<vmem>>[vector<16xi32>, vector<16xi32>], vector<16xf32>,
      %mul3A_417 = arith.mulf %gather3A_320, %gather3A_311 : vector<16xf32>
      %mul3A_418 = arith.mulf %gather3A_323, %gather3A_314 : vector<16xf32>
      %add3A_419 = arith.addf %mul3A_417, %mul3A_418 : vector<16xf32>
      %mul3A_420 = arith.mulf %gather3A_326, %gather3A_317 : vector<16xf32>
      %add3A_421 = arith.addf %add3A_419, %mul3A_420 : vector<16xf32>
      %broadcast_in_dim3A_422 = arith.constant 9 : i32
      %broadcast_in_dim3A_423 = vector.broadcast %broadcast_in_dim3A_422 : i32 to vector<16xi32>
      tpu.vector_store_idx %arg14[%add3A_267, %broadcast_in_dim3A_423], %add3A_421 : memref<128x16xf32, #tpu.memory_space<vmem>>[vector<16xi32>, vector<16xi32>], vector<16xf32>,
      %mul3A_424 = arith.mulf %gather3A_329, %gather3A_311 : vector<16xf32>
      %mul3A_425 = arith.mulf %gather3A_332, %gather3A_314 : vector<16xf32>
      %add3A_426 = arith.addf %mul3A_424, %mul3A_425 : vector<16xf32>
      %mul3A_427 = arith.mulf %gather3A_335, %gather3A_317 : vector<16xf32>
      %add3A_428 = arith.addf %add3A_426, %mul3A_427 : vector<16xf32>
      %broadcast_in_dim3A_429 = arith.constant 10 : i32
      %broadcast_in_dim3A_430 = vector.broadcast %broadcast_in_dim3A_429 : i32 to vector<16xi32>
      tpu.vector_store_idx %arg14[%add3A_267, %broadcast_in_dim3A_430], %add3A_428 : memref<128x16xf32, #tpu.memory_space<vmem>>[vector<16xi32>, vector<16xi32>], vector<16xf32>,
      %mul3A_431 = arith.mulf %gather3A_338, %gather3A_311 : vector<16xf32>
      %mul3A_432 = arith.mulf %gather3A_341, %gather3A_314 : vector<16xf32>
      %add3A_433 = arith.addf %mul3A_431, %mul3A_432 : vector<16xf32>
      %mul3A_434 = arith.mulf %gather3A_344, %gather3A_317 : vector<16xf32>
      %add3A_435 = arith.addf %add3A_433, %mul3A_434 : vector<16xf32>
      %broadcast_in_dim3A_436 = arith.constant 11 : i32
      %broadcast_in_dim3A_437 = vector.broadcast %broadcast_in_dim3A_436 : i32 to vector<16xi32>
      tpu.vector_store_idx %arg14[%add3A_267, %broadcast_in_dim3A_437], %add3A_435 : memref<128x16xf32, #tpu.memory_space<vmem>>[vector<16xi32>, vector<16xi32>], vector<16xf32>,
      %broadcast_in_dim3A_438 = arith.constant 12 : i32
      %broadcast_in_dim3A_439 = vector.broadcast %broadcast_in_dim3A_438 : i32 to vector<16xi32>
      tpu.vector_store_idx %arg14[%add3A_267, %broadcast_in_dim3A_439], %exp3A_353 : memref<128x16xf32, #tpu.memory_space<vmem>>[vector<16xi32>, vector<16xi32>], vector<16xf32>,
      %broadcast_in_dim3A_440 = arith.constant 0.000000e+00 : f32
      %broadcast_in_dim3A_441 = vector.broadcast %broadcast_in_dim3A_440 : f32 to vector<16xf32>
      %broadcast_in_dim3A_442 = arith.constant 13 : i32
      %broadcast_in_dim3A_443 = vector.broadcast %broadcast_in_dim3A_442 : i32 to vector<16xi32>
      tpu.vector_store_idx %arg14[%add3A_267, %broadcast_in_dim3A_443], %broadcast_in_dim3A_441 : memref<128x16xf32, #tpu.memory_space<vmem>>[vector<16xi32>, vector<16xi32>], vector<16xf32>,
      %broadcast_in_dim3A_444 = arith.constant 14 : i32
      %broadcast_in_dim3A_445 = vector.broadcast %broadcast_in_dim3A_444 : i32 to vector<16xi32>
      tpu.vector_store_idx %arg14[%add3A_267, %broadcast_in_dim3A_445], %broadcast_in_dim3A_441 : memref<128x16xf32, #tpu.memory_space<vmem>>[vector<16xi32>, vector<16xi32>], vector<16xf32>,
      %broadcast_in_dim3A_446 = arith.constant 15 : i32
      %broadcast_in_dim3A_447 = vector.broadcast %broadcast_in_dim3A_446 : i32 to vector<16xi32>
      tpu.vector_store_idx %arg14[%add3A_267, %broadcast_in_dim3A_447], %broadcast_in_dim3A_441 : memref<128x16xf32, #tpu.memory_space<vmem>>[vector<16xi32>, vector<16xi32>], vector<16xf32>,
      %add3A_448 = arith.constant 32 : i32
      %add3A_449 = vector.broadcast %add3A_448 : i32 to vector<16xi32>
      %add3A_450 = arith.addi %iota3A, %add3A_449 : vector<16xi32>
      %broadcast_in_dim3A_451 = arith.constant 2 : i32
      %broadcast_in_dim3A_452 = vector.broadcast %broadcast_in_dim3A_451 : i32 to vector<16xi32>
      %broadcast_in_dim3A_453 = arith.constant 0 : i32
      %broadcast_in_dim3A_454 = vector.broadcast %broadcast_in_dim3A_453 : i32 to vector<16xi32>
      %gather3A_455 = tpu.vector_load_idx %arg10[%add3A_450, %broadcast_in_dim3A_454] : memref<128x16xf32, #tpu.memory_space<vmem>>[vector<16xi32>, vector<16xi32>], vector<16xf32>,
      %broadcast_in_dim3A_456 = arith.constant 1 : i32
      %broadcast_in_dim3A_457 = vector.broadcast %broadcast_in_dim3A_456 : i32 to vector<16xi32>
      %gather3A_458 = tpu.vector_load_idx %arg12[%broadcast_in_dim3A_452, %broadcast_in_dim3A_457] : memref<8x16xf32, #tpu.memory_space<vmem>>[vector<16xi32>, vector<16xi32>], vector<16xf32>,
      %sub3A_459 = arith.subf %gather3A_455, %gather3A_458 : vector<16xf32>
      %broadcast_in_dim3A_460 = arith.constant 1 : i32
      %broadcast_in_dim3A_461 = vector.broadcast %broadcast_in_dim3A_460 : i32 to vector<16xi32>
      %gather3A_462 = tpu.vector_load_idx %arg10[%add3A_450, %broadcast_in_dim3A_461] : memref<128x16xf32, #tpu.memory_space<vmem>>[vector<16xi32>, vector<16xi32>], vector<16xf32>,
      %broadcast_in_dim3A_463 = arith.constant 2 : i32
      %broadcast_in_dim3A_464 = vector.broadcast %broadcast_in_dim3A_463 : i32 to vector<16xi32>
      %gather3A_465 = tpu.vector_load_idx %arg12[%broadcast_in_dim3A_452, %broadcast_in_dim3A_464] : memref<8x16xf32, #tpu.memory_space<vmem>>[vector<16xi32>, vector<16xi32>], vector<16xf32>,
      %sub3A_466 = arith.subf %gather3A_462, %gather3A_465 : vector<16xf32>
      %broadcast_in_dim3A_467 = arith.constant 2 : i32
      %broadcast_in_dim3A_468 = vector.broadcast %broadcast_in_dim3A_467 : i32 to vector<16xi32>
      %gather3A_469 = tpu.vector_load_idx %arg10[%add3A_450, %broadcast_in_dim3A_468] : memref<128x16xf32, #tpu.memory_space<vmem>>[vector<16xi32>, vector<16xi32>], vector<16xf32>,
      %broadcast_in_dim3A_470 = arith.constant 3 : i32
      %broadcast_in_dim3A_471 = vector.broadcast %broadcast_in_dim3A_470 : i32 to vector<16xi32>
      %gather3A_472 = tpu.vector_load_idx %arg12[%broadcast_in_dim3A_452, %broadcast_in_dim3A_471] : memref<8x16xf32, #tpu.memory_space<vmem>>[vector<16xi32>, vector<16xi32>], vector<16xf32>,
      %sub3A_473 = arith.subf %gather3A_469, %gather3A_472 : vector<16xf32>
      %broadcast_in_dim3A_474 = arith.constant 3 : i32
      %broadcast_in_dim3A_475 = vector.broadcast %broadcast_in_dim3A_474 : i32 to vector<16xi32>
      %gather3A_476 = tpu.vector_load_idx %arg10[%add3A_450, %broadcast_in_dim3A_475] : memref<128x16xf32, #tpu.memory_space<vmem>>[vector<16xi32>, vector<16xi32>], vector<16xf32>,
      %broadcast_in_dim3A_477 = arith.constant 4 : i32
      %broadcast_in_dim3A_478 = vector.broadcast %broadcast_in_dim3A_477 : i32 to vector<16xi32>
      %gather3A_479 = tpu.vector_load_idx %arg10[%add3A_450, %broadcast_in_dim3A_478] : memref<128x16xf32, #tpu.memory_space<vmem>>[vector<16xi32>, vector<16xi32>], vector<16xf32>,
      %broadcast_in_dim3A_480 = arith.constant 5 : i32
      %broadcast_in_dim3A_481 = vector.broadcast %broadcast_in_dim3A_480 : i32 to vector<16xi32>
      %gather3A_482 = tpu.vector_load_idx %arg10[%add3A_450, %broadcast_in_dim3A_481] : memref<128x16xf32, #tpu.memory_space<vmem>>[vector<16xi32>, vector<16xi32>], vector<16xf32>,
      %broadcast_in_dim3A_483 = arith.constant 6 : i32
      %broadcast_in_dim3A_484 = vector.broadcast %broadcast_in_dim3A_483 : i32 to vector<16xi32>
      %gather3A_485 = tpu.vector_load_idx %arg10[%add3A_450, %broadcast_in_dim3A_484] : memref<128x16xf32, #tpu.memory_space<vmem>>[vector<16xi32>, vector<16xi32>], vector<16xf32>,
      %broadcast_in_dim3A_486 = arith.constant 7 : i32
      %broadcast_in_dim3A_487 = vector.broadcast %broadcast_in_dim3A_486 : i32 to vector<16xi32>
      %gather3A_488 = tpu.vector_load_idx %arg10[%add3A_450, %broadcast_in_dim3A_487] : memref<128x16xf32, #tpu.memory_space<vmem>>[vector<16xi32>, vector<16xi32>], vector<16xf32>,
      %broadcast_in_dim3A_489 = arith.constant 8 : i32
      %broadcast_in_dim3A_490 = vector.broadcast %broadcast_in_dim3A_489 : i32 to vector<16xi32>
      %gather3A_491 = tpu.vector_load_idx %arg10[%add3A_450, %broadcast_in_dim3A_490] : memref<128x16xf32, #tpu.memory_space<vmem>>[vector<16xi32>, vector<16xi32>], vector<16xf32>,
      %broadcast_in_dim3A_492 = arith.constant 9 : i32
      %broadcast_in_dim3A_493 = vector.broadcast %broadcast_in_dim3A_492 : i32 to vector<16xi32>
      %gather3A_494 = tpu.vector_load_idx %arg10[%add3A_450, %broadcast_in_dim3A_493] : memref<128x16xf32, #tpu.memory_space<vmem>>[vector<16xi32>, vector<16xi32>], vector<16xf32>,
      %broadcast_in_dim3A_495 = arith.constant 10 : i32
      %broadcast_in_dim3A_496 = vector.broadcast %broadcast_in_dim3A_495 : i32 to vector<16xi32>
      %gather3A_497 = tpu.vector_load_idx %arg10[%add3A_450, %broadcast_in_dim3A_496] : memref<128x16xf32, #tpu.memory_space<vmem>>[vector<16xi32>, vector<16xi32>], vector<16xf32>,
      %broadcast_in_dim3A_498 = arith.constant 11 : i32
      %broadcast_in_dim3A_499 = vector.broadcast %broadcast_in_dim3A_498 : i32 to vector<16xi32>
      %gather3A_500 = tpu.vector_load_idx %arg10[%add3A_450, %broadcast_in_dim3A_499] : memref<128x16xf32, #tpu.memory_space<vmem>>[vector<16xi32>, vector<16xi32>], vector<16xf32>,
      %broadcast_in_dim3A_501 = arith.constant 4 : i32
      %broadcast_in_dim3A_502 = vector.broadcast %broadcast_in_dim3A_501 : i32 to vector<16xi32>
      %gather3A_503 = tpu.vector_load_idx %arg12[%broadcast_in_dim3A_452, %broadcast_in_dim3A_502] : memref<8x16xf32, #tpu.memory_space<vmem>>[vector<16xi32>, vector<16xi32>], vector<16xf32>,
      %broadcast_in_dim3A_504 = arith.constant 5 : i32
      %broadcast_in_dim3A_505 = vector.broadcast %broadcast_in_dim3A_504 : i32 to vector<16xi32>
      %gather3A_506 = tpu.vector_load_idx %arg12[%broadcast_in_dim3A_452, %broadcast_in_dim3A_505] : memref<8x16xf32, #tpu.memory_space<vmem>>[vector<16xi32>, vector<16xi32>], vector<16xf32>,
      %broadcast_in_dim3A_507 = arith.constant 6 : i32
      %broadcast_in_dim3A_508 = vector.broadcast %broadcast_in_dim3A_507 : i32 to vector<16xi32>
      %gather3A_509 = tpu.vector_load_idx %arg12[%broadcast_in_dim3A_452, %broadcast_in_dim3A_508] : memref<8x16xf32, #tpu.memory_space<vmem>>[vector<16xi32>, vector<16xi32>], vector<16xf32>,
      %broadcast_in_dim3A_510 = arith.constant 7 : i32
      %broadcast_in_dim3A_511 = vector.broadcast %broadcast_in_dim3A_510 : i32 to vector<16xi32>
      %gather3A_512 = tpu.vector_load_idx %arg12[%broadcast_in_dim3A_452, %broadcast_in_dim3A_511] : memref<8x16xf32, #tpu.memory_space<vmem>>[vector<16xi32>, vector<16xi32>], vector<16xf32>,
      %broadcast_in_dim3A_513 = arith.constant 8 : i32
      %broadcast_in_dim3A_514 = vector.broadcast %broadcast_in_dim3A_513 : i32 to vector<16xi32>
      %gather3A_515 = tpu.vector_load_idx %arg12[%broadcast_in_dim3A_452, %broadcast_in_dim3A_514] : memref<8x16xf32, #tpu.memory_space<vmem>>[vector<16xi32>, vector<16xi32>], vector<16xf32>,
      %broadcast_in_dim3A_516 = arith.constant 9 : i32
      %broadcast_in_dim3A_517 = vector.broadcast %broadcast_in_dim3A_516 : i32 to vector<16xi32>
      %gather3A_518 = tpu.vector_load_idx %arg12[%broadcast_in_dim3A_452, %broadcast_in_dim3A_517] : memref<8x16xf32, #tpu.memory_space<vmem>>[vector<16xi32>, vector<16xi32>], vector<16xf32>,
      %broadcast_in_dim3A_519 = arith.constant 10 : i32
      %broadcast_in_dim3A_520 = vector.broadcast %broadcast_in_dim3A_519 : i32 to vector<16xi32>
      %gather3A_521 = tpu.vector_load_idx %arg12[%broadcast_in_dim3A_452, %broadcast_in_dim3A_520] : memref<8x16xf32, #tpu.memory_space<vmem>>[vector<16xi32>, vector<16xi32>], vector<16xf32>,
      %broadcast_in_dim3A_522 = arith.constant 11 : i32
      %broadcast_in_dim3A_523 = vector.broadcast %broadcast_in_dim3A_522 : i32 to vector<16xi32>
      %gather3A_524 = tpu.vector_load_idx %arg12[%broadcast_in_dim3A_452, %broadcast_in_dim3A_523] : memref<8x16xf32, #tpu.memory_space<vmem>>[vector<16xi32>, vector<16xi32>], vector<16xf32>,
      %broadcast_in_dim3A_525 = arith.constant 12 : i32
      %broadcast_in_dim3A_526 = vector.broadcast %broadcast_in_dim3A_525 : i32 to vector<16xi32>
      %gather3A_527 = tpu.vector_load_idx %arg12[%broadcast_in_dim3A_452, %broadcast_in_dim3A_526] : memref<8x16xf32, #tpu.memory_space<vmem>>[vector<16xi32>, vector<16xi32>], vector<16xf32>,
      %mul3A_528 = arith.mulf %sub3A_459, %sub3A_459 : vector<16xf32>
      %mul3A_529 = arith.mulf %sub3A_466, %sub3A_466 : vector<16xf32>
      %add3A_530 = arith.addf %mul3A_528, %mul3A_529 : vector<16xf32>
      %mul3A_531 = arith.mulf %sub3A_473, %sub3A_473 : vector<16xf32>
      %add3A_532 = arith.addf %add3A_530, %mul3A_531 : vector<16xf32>
      %mul3A_533 = arith.constant -5.000000e-01 : f32
      %mul3A_534 = vector.broadcast %mul3A_533 : f32 to vector<16xf32>
      %mul3A_535 = arith.mulf %mul3A_534, %add3A_532 : vector<16xf32>
      %exp3A_536 = math.exp %mul3A_535 : vector<16xf32>
      %mul3A_537 = arith.mulf %gather3A_503, %sub3A_459 : vector<16xf32>
      %mul3A_538 = arith.mulf %gather3A_506, %sub3A_466 : vector<16xf32>
      %add3A_539 = arith.addf %mul3A_537, %mul3A_538 : vector<16xf32>
      %mul3A_540 = arith.mulf %gather3A_509, %sub3A_473 : vector<16xf32>
      %add3A_541 = arith.addf %add3A_539, %mul3A_540 : vector<16xf32>
      %broadcast_in_dim3A_542 = arith.constant 0 : i32
      %broadcast_in_dim3A_543 = vector.broadcast %broadcast_in_dim3A_542 : i32 to vector<16xi32>
      tpu.vector_store_idx %arg14[%add3A_450, %broadcast_in_dim3A_543], %add3A_541 : memref<128x16xf32, #tpu.memory_space<vmem>>[vector<16xi32>, vector<16xi32>], vector<16xf32>,
      %mul3A_544 = arith.mulf %gather3A_512, %sub3A_459 : vector<16xf32>
      %mul3A_545 = arith.mulf %gather3A_515, %sub3A_466 : vector<16xf32>
      %add3A_546 = arith.addf %mul3A_544, %mul3A_545 : vector<16xf32>
      %mul3A_547 = arith.mulf %gather3A_518, %sub3A_473 : vector<16xf32>
      %add3A_548 = arith.addf %add3A_546, %mul3A_547 : vector<16xf32>
      %broadcast_in_dim3A_549 = arith.constant 1 : i32
      %broadcast_in_dim3A_550 = vector.broadcast %broadcast_in_dim3A_549 : i32 to vector<16xi32>
      tpu.vector_store_idx %arg14[%add3A_450, %broadcast_in_dim3A_550], %add3A_548 : memref<128x16xf32, #tpu.memory_space<vmem>>[vector<16xi32>, vector<16xi32>], vector<16xf32>,
      %mul3A_551 = arith.mulf %gather3A_521, %sub3A_459 : vector<16xf32>
      %mul3A_552 = arith.mulf %gather3A_524, %sub3A_466 : vector<16xf32>
      %add3A_553 = arith.addf %mul3A_551, %mul3A_552 : vector<16xf32>
      %mul3A_554 = arith.mulf %gather3A_527, %sub3A_473 : vector<16xf32>
      %add3A_555 = arith.addf %add3A_553, %mul3A_554 : vector<16xf32>
      %broadcast_in_dim3A_556 = arith.constant 2 : i32
      %broadcast_in_dim3A_557 = vector.broadcast %broadcast_in_dim3A_556 : i32 to vector<16xi32>
      tpu.vector_store_idx %arg14[%add3A_450, %broadcast_in_dim3A_557], %add3A_555 : memref<128x16xf32, #tpu.memory_space<vmem>>[vector<16xi32>, vector<16xi32>], vector<16xf32>,
      %mul3A_558 = arith.mulf %gather3A_503, %gather3A_476 : vector<16xf32>
      %mul3A_559 = arith.mulf %gather3A_506, %gather3A_479 : vector<16xf32>
      %add3A_560 = arith.addf %mul3A_558, %mul3A_559 : vector<16xf32>
      %mul3A_561 = arith.mulf %gather3A_509, %gather3A_482 : vector<16xf32>
      %add3A_562 = arith.addf %add3A_560, %mul3A_561 : vector<16xf32>
      %broadcast_in_dim3A_563 = arith.constant 3 : i32
      %broadcast_in_dim3A_564 = vector.broadcast %broadcast_in_dim3A_563 : i32 to vector<16xi32>
      tpu.vector_store_idx %arg14[%add3A_450, %broadcast_in_dim3A_564], %add3A_562 : memref<128x16xf32, #tpu.memory_space<vmem>>[vector<16xi32>, vector<16xi32>], vector<16xf32>,
      %mul3A_565 = arith.mulf %gather3A_512, %gather3A_476 : vector<16xf32>
      %mul3A_566 = arith.mulf %gather3A_515, %gather3A_479 : vector<16xf32>
      %add3A_567 = arith.addf %mul3A_565, %mul3A_566 : vector<16xf32>
      %mul3A_568 = arith.mulf %gather3A_518, %gather3A_482 : vector<16xf32>
      %add3A_569 = arith.addf %add3A_567, %mul3A_568 : vector<16xf32>
      %broadcast_in_dim3A_570 = arith.constant 4 : i32
      %broadcast_in_dim3A_571 = vector.broadcast %broadcast_in_dim3A_570 : i32 to vector<16xi32>
      tpu.vector_store_idx %arg14[%add3A_450, %broadcast_in_dim3A_571], %add3A_569 : memref<128x16xf32, #tpu.memory_space<vmem>>[vector<16xi32>, vector<16xi32>], vector<16xf32>,
      %mul3A_572 = arith.mulf %gather3A_521, %gather3A_476 : vector<16xf32>
      %mul3A_573 = arith.mulf %gather3A_524, %gather3A_479 : vector<16xf32>
      %add3A_574 = arith.addf %mul3A_572, %mul3A_573 : vector<16xf32>
      %mul3A_575 = arith.mulf %gather3A_527, %gather3A_482 : vector<16xf32>
      %add3A_576 = arith.addf %add3A_574, %mul3A_575 : vector<16xf32>
      %broadcast_in_dim3A_577 = arith.constant 5 : i32
      %broadcast_in_dim3A_578 = vector.broadcast %broadcast_in_dim3A_577 : i32 to vector<16xi32>
      tpu.vector_store_idx %arg14[%add3A_450, %broadcast_in_dim3A_578], %add3A_576 : memref<128x16xf32, #tpu.memory_space<vmem>>[vector<16xi32>, vector<16xi32>], vector<16xf32>,
      %mul3A_579 = arith.mulf %gather3A_503, %gather3A_485 : vector<16xf32>
      %mul3A_580 = arith.mulf %gather3A_506, %gather3A_488 : vector<16xf32>
      %add3A_581 = arith.addf %mul3A_579, %mul3A_580 : vector<16xf32>
      %mul3A_582 = arith.mulf %gather3A_509, %gather3A_491 : vector<16xf32>
      %add3A_583 = arith.addf %add3A_581, %mul3A_582 : vector<16xf32>
      %broadcast_in_dim3A_584 = arith.constant 6 : i32
      %broadcast_in_dim3A_585 = vector.broadcast %broadcast_in_dim3A_584 : i32 to vector<16xi32>
      tpu.vector_store_idx %arg14[%add3A_450, %broadcast_in_dim3A_585], %add3A_583 : memref<128x16xf32, #tpu.memory_space<vmem>>[vector<16xi32>, vector<16xi32>], vector<16xf32>,
      %mul3A_586 = arith.mulf %gather3A_512, %gather3A_485 : vector<16xf32>
      %mul3A_587 = arith.mulf %gather3A_515, %gather3A_488 : vector<16xf32>
      %add3A_588 = arith.addf %mul3A_586, %mul3A_587 : vector<16xf32>
      %mul3A_589 = arith.mulf %gather3A_518, %gather3A_491 : vector<16xf32>
      %add3A_590 = arith.addf %add3A_588, %mul3A_589 : vector<16xf32>
      %broadcast_in_dim3A_591 = arith.constant 7 : i32
      %broadcast_in_dim3A_592 = vector.broadcast %broadcast_in_dim3A_591 : i32 to vector<16xi32>
      tpu.vector_store_idx %arg14[%add3A_450, %broadcast_in_dim3A_592], %add3A_590 : memref<128x16xf32, #tpu.memory_space<vmem>>[vector<16xi32>, vector<16xi32>], vector<16xf32>,
      %mul3A_593 = arith.mulf %gather3A_521, %gather3A_485 : vector<16xf32>
      %mul3A_594 = arith.mulf %gather3A_524, %gather3A_488 : vector<16xf32>
      %add3A_595 = arith.addf %mul3A_593, %mul3A_594 : vector<16xf32>
      %mul3A_596 = arith.mulf %gather3A_527, %gather3A_491 : vector<16xf32>
      %add3A_597 = arith.addf %add3A_595, %mul3A_596 : vector<16xf32>
      %broadcast_in_dim3A_598 = arith.constant 8 : i32
      %broadcast_in_dim3A_599 = vector.broadcast %broadcast_in_dim3A_598 : i32 to vector<16xi32>
      tpu.vector_store_idx %arg14[%add3A_450, %broadcast_in_dim3A_599], %add3A_597 : memref<128x16xf32, #tpu.memory_space<vmem>>[vector<16xi32>, vector<16xi32>], vector<16xf32>,
      %mul3A_600 = arith.mulf %gather3A_503, %gather3A_494 : vector<16xf32>
      %mul3A_601 = arith.mulf %gather3A_506, %gather3A_497 : vector<16xf32>
      %add3A_602 = arith.addf %mul3A_600, %mul3A_601 : vector<16xf32>
      %mul3A_603 = arith.mulf %gather3A_509, %gather3A_500 : vector<16xf32>
      %add3A_604 = arith.addf %add3A_602, %mul3A_603 : vector<16xf32>
      %broadcast_in_dim3A_605 = arith.constant 9 : i32
      %broadcast_in_dim3A_606 = vector.broadcast %broadcast_in_dim3A_605 : i32 to vector<16xi32>
      tpu.vector_store_idx %arg14[%add3A_450, %broadcast_in_dim3A_606], %add3A_604 : memref<128x16xf32, #tpu.memory_space<vmem>>[vector<16xi32>, vector<16xi32>], vector<16xf32>,
      %mul3A_607 = arith.mulf %gather3A_512, %gather3A_494 : vector<16xf32>
      %mul3A_608 = arith.mulf %gather3A_515, %gather3A_497 : vector<16xf32>
      %add3A_609 = arith.addf %mul3A_607, %mul3A_608 : vector<16xf32>
      %mul3A_610 = arith.mulf %gather3A_518, %gather3A_500 : vector<16xf32>
      %add3A_611 = arith.addf %add3A_609, %mul3A_610 : vector<16xf32>
      %broadcast_in_dim3A_612 = arith.constant 10 : i32
      %broadcast_in_dim3A_613 = vector.broadcast %broadcast_in_dim3A_612 : i32 to vector<16xi32>
      tpu.vector_store_idx %arg14[%add3A_450, %broadcast_in_dim3A_613], %add3A_611 : memref<128x16xf32, #tpu.memory_space<vmem>>[vector<16xi32>, vector<16xi32>], vector<16xf32>,
      %mul3A_614 = arith.mulf %gather3A_521, %gather3A_494 : vector<16xf32>
      %mul3A_615 = arith.mulf %gather3A_524, %gather3A_497 : vector<16xf32>
      %add3A_616 = arith.addf %mul3A_614, %mul3A_615 : vector<16xf32>
      %mul3A_617 = arith.mulf %gather3A_527, %gather3A_500 : vector<16xf32>
      %add3A_618 = arith.addf %add3A_616, %mul3A_617 : vector<16xf32>
      %broadcast_in_dim3A_619 = arith.constant 11 : i32
      %broadcast_in_dim3A_620 = vector.broadcast %broadcast_in_dim3A_619 : i32 to vector<16xi32>
      tpu.vector_store_idx %arg14[%add3A_450, %broadcast_in_dim3A_620], %add3A_618 : memref<128x16xf32, #tpu.memory_space<vmem>>[vector<16xi32>, vector<16xi32>], vector<16xf32>,
      %broadcast_in_dim3A_621 = arith.constant 12 : i32
      %broadcast_in_dim3A_622 = vector.broadcast %broadcast_in_dim3A_621 : i32 to vector<16xi32>
      tpu.vector_store_idx %arg14[%add3A_450, %broadcast_in_dim3A_622], %exp3A_536 : memref<128x16xf32, #tpu.memory_space<vmem>>[vector<16xi32>, vector<16xi32>], vector<16xf32>,
      %broadcast_in_dim3A_623 = arith.constant 0.000000e+00 : f32
      %broadcast_in_dim3A_624 = vector.broadcast %broadcast_in_dim3A_623 : f32 to vector<16xf32>
      %broadcast_in_dim3A_625 = arith.constant 13 : i32
      %broadcast_in_dim3A_626 = vector.broadcast %broadcast_in_dim3A_625 : i32 to vector<16xi32>
      tpu.vector_store_idx %arg14[%add3A_450, %broadcast_in_dim3A_626], %broadcast_in_dim3A_624 : memref<128x16xf32, #tpu.memory_space<vmem>>[vector<16xi32>, vector<16xi32>], vector<16xf32>,
      %broadcast_in_dim3A_627 = arith.constant 14 : i32
      %broadcast_in_dim3A_628 = vector.broadcast %broadcast_in_dim3A_627 : i32 to vector<16xi32>
      tpu.vector_store_idx %arg14[%add3A_450, %broadcast_in_dim3A_628], %broadcast_in_dim3A_624 : memref<128x16xf32, #tpu.memory_space<vmem>>[vector<16xi32>, vector<16xi32>], vector<16xf32>,
      %broadcast_in_dim3A_629 = arith.constant 15 : i32
      %broadcast_in_dim3A_630 = vector.broadcast %broadcast_in_dim3A_629 : i32 to vector<16xi32>
      tpu.vector_store_idx %arg14[%add3A_450, %broadcast_in_dim3A_630], %broadcast_in_dim3A_624 : memref<128x16xf32, #tpu.memory_space<vmem>>[vector<16xi32>, vector<16xi32>], vector<16xf32>,
      %add3A_631 = arith.constant 48 : i32
      %add3A_632 = vector.broadcast %add3A_631 : i32 to vector<16xi32>
      %add3A_633 = arith.addi %iota3A, %add3A_632 : vector<16xi32>
      %broadcast_in_dim3A_634 = arith.constant 3 : i32
      %broadcast_in_dim3A_635 = vector.broadcast %broadcast_in_dim3A_634 : i32 to vector<16xi32>
      %broadcast_in_dim3A_636 = arith.constant 0 : i32
      %broadcast_in_dim3A_637 = vector.broadcast %broadcast_in_dim3A_636 : i32 to vector<16xi32>
      %gather3A_638 = tpu.vector_load_idx %arg10[%add3A_633, %broadcast_in_dim3A_637] : memref<128x16xf32, #tpu.memory_space<vmem>>[vector<16xi32>, vector<16xi32>], vector<16xf32>,
      %broadcast_in_dim3A_639 = arith.constant 1 : i32
      %broadcast_in_dim3A_640 = vector.broadcast %broadcast_in_dim3A_639 : i32 to vector<16xi32>
      %gather3A_641 = tpu.vector_load_idx %arg12[%broadcast_in_dim3A_635, %broadcast_in_dim3A_640] : memref<8x16xf32, #tpu.memory_space<vmem>>[vector<16xi32>, vector<16xi32>], vector<16xf32>,
      %sub3A_642 = arith.subf %gather3A_638, %gather3A_641 : vector<16xf32>
      %broadcast_in_dim3A_643 = arith.constant 1 : i32
      %broadcast_in_dim3A_644 = vector.broadcast %broadcast_in_dim3A_643 : i32 to vector<16xi32>
      %gather3A_645 = tpu.vector_load_idx %arg10[%add3A_633, %broadcast_in_dim3A_644] : memref<128x16xf32, #tpu.memory_space<vmem>>[vector<16xi32>, vector<16xi32>], vector<16xf32>,
      %broadcast_in_dim3A_646 = arith.constant 2 : i32
      %broadcast_in_dim3A_647 = vector.broadcast %broadcast_in_dim3A_646 : i32 to vector<16xi32>
      %gather3A_648 = tpu.vector_load_idx %arg12[%broadcast_in_dim3A_635, %broadcast_in_dim3A_647] : memref<8x16xf32, #tpu.memory_space<vmem>>[vector<16xi32>, vector<16xi32>], vector<16xf32>,
      %sub3A_649 = arith.subf %gather3A_645, %gather3A_648 : vector<16xf32>
      %broadcast_in_dim3A_650 = arith.constant 2 : i32
      %broadcast_in_dim3A_651 = vector.broadcast %broadcast_in_dim3A_650 : i32 to vector<16xi32>
      %gather3A_652 = tpu.vector_load_idx %arg10[%add3A_633, %broadcast_in_dim3A_651] : memref<128x16xf32, #tpu.memory_space<vmem>>[vector<16xi32>, vector<16xi32>], vector<16xf32>,
      %broadcast_in_dim3A_653 = arith.constant 3 : i32
      %broadcast_in_dim3A_654 = vector.broadcast %broadcast_in_dim3A_653 : i32 to vector<16xi32>
      %gather3A_655 = tpu.vector_load_idx %arg12[%broadcast_in_dim3A_635, %broadcast_in_dim3A_654] : memref<8x16xf32, #tpu.memory_space<vmem>>[vector<16xi32>, vector<16xi32>], vector<16xf32>,
      %sub3A_656 = arith.subf %gather3A_652, %gather3A_655 : vector<16xf32>
      %broadcast_in_dim3A_657 = arith.constant 3 : i32
      %broadcast_in_dim3A_658 = vector.broadcast %broadcast_in_dim3A_657 : i32 to vector<16xi32>
      %gather3A_659 = tpu.vector_load_idx %arg10[%add3A_633, %broadcast_in_dim3A_658] : memref<128x16xf32, #tpu.memory_space<vmem>>[vector<16xi32>, vector<16xi32>], vector<16xf32>,
      %broadcast_in_dim3A_660 = arith.constant 4 : i32
      %broadcast_in_dim3A_661 = vector.broadcast %broadcast_in_dim3A_660 : i32 to vector<16xi32>
      %gather3A_662 = tpu.vector_load_idx %arg10[%add3A_633, %broadcast_in_dim3A_661] : memref<128x16xf32, #tpu.memory_space<vmem>>[vector<16xi32>, vector<16xi32>], vector<16xf32>,
      %broadcast_in_dim3A_663 = arith.constant 5 : i32
      %broadcast_in_dim3A_664 = vector.broadcast %broadcast_in_dim3A_663 : i32 to vector<16xi32>
      %gather3A_665 = tpu.vector_load_idx %arg10[%add3A_633, %broadcast_in_dim3A_664] : memref<128x16xf32, #tpu.memory_space<vmem>>[vector<16xi32>, vector<16xi32>], vector<16xf32>,
      %broadcast_in_dim3A_666 = arith.constant 6 : i32
      %broadcast_in_dim3A_667 = vector.broadcast %broadcast_in_dim3A_666 : i32 to vector<16xi32>
      %gather3A_668 = tpu.vector_load_idx %arg10[%add3A_633, %broadcast_in_dim3A_667] : memref<128x16xf32, #tpu.memory_space<vmem>>[vector<16xi32>, vector<16xi32>], vector<16xf32>,
      %broadcast_in_dim3A_669 = arith.constant 7 : i32
      %broadcast_in_dim3A_670 = vector.broadcast %broadcast_in_dim3A_669 : i32 to vector<16xi32>
      %gather3A_671 = tpu.vector_load_idx %arg10[%add3A_633, %broadcast_in_dim3A_670] : memref<128x16xf32, #tpu.memory_space<vmem>>[vector<16xi32>, vector<16xi32>], vector<16xf32>,
      %broadcast_in_dim3A_672 = arith.constant 8 : i32
      %broadcast_in_dim3A_673 = vector.broadcast %broadcast_in_dim3A_672 : i32 to vector<16xi32>
      %gather3A_674 = tpu.vector_load_idx %arg10[%add3A_633, %broadcast_in_dim3A_673] : memref<128x16xf32, #tpu.memory_space<vmem>>[vector<16xi32>, vector<16xi32>], vector<16xf32>,
      %broadcast_in_dim3A_675 = arith.constant 9 : i32
      %broadcast_in_dim3A_676 = vector.broadcast %broadcast_in_dim3A_675 : i32 to vector<16xi32>
      %gather3A_677 = tpu.vector_load_idx %arg10[%add3A_633, %broadcast_in_dim3A_676] : memref<128x16xf32, #tpu.memory_space<vmem>>[vector<16xi32>, vector<16xi32>], vector<16xf32>,
      %broadcast_in_dim3A_678 = arith.constant 10 : i32
      %broadcast_in_dim3A_679 = vector.broadcast %broadcast_in_dim3A_678 : i32 to vector<16xi32>
      %gather3A_680 = tpu.vector_load_idx %arg10[%add3A_633, %broadcast_in_dim3A_679] : memref<128x16xf32, #tpu.memory_space<vmem>>[vector<16xi32>, vector<16xi32>], vector<16xf32>,
      %broadcast_in_dim3A_681 = arith.constant 11 : i32
      %broadcast_in_dim3A_682 = vector.broadcast %broadcast_in_dim3A_681 : i32 to vector<16xi32>
      %gather3A_683 = tpu.vector_load_idx %arg10[%add3A_633, %broadcast_in_dim3A_682] : memref<128x16xf32, #tpu.memory_space<vmem>>[vector<16xi32>, vector<16xi32>], vector<16xf32>,
      %broadcast_in_dim3A_684 = arith.constant 4 : i32
      %broadcast_in_dim3A_685 = vector.broadcast %broadcast_in_dim3A_684 : i32 to vector<16xi32>
      %gather3A_686 = tpu.vector_load_idx %arg12[%broadcast_in_dim3A_635, %broadcast_in_dim3A_685] : memref<8x16xf32, #tpu.memory_space<vmem>>[vector<16xi32>, vector<16xi32>], vector<16xf32>,
      %broadcast_in_dim3A_687 = arith.constant 5 : i32
      %broadcast_in_dim3A_688 = vector.broadcast %broadcast_in_dim3A_687 : i32 to vector<16xi32>
      %gather3A_689 = tpu.vector_load_idx %arg12[%broadcast_in_dim3A_635, %broadcast_in_dim3A_688] : memref<8x16xf32, #tpu.memory_space<vmem>>[vector<16xi32>, vector<16xi32>], vector<16xf32>,
      %broadcast_in_dim3A_690 = arith.constant 6 : i32
      %broadcast_in_dim3A_691 = vector.broadcast %broadcast_in_dim3A_690 : i32 to vector<16xi32>
      %gather3A_692 = tpu.vector_load_idx %arg12[%broadcast_in_dim3A_635, %broadcast_in_dim3A_691] : memref<8x16xf32, #tpu.memory_space<vmem>>[vector<16xi32>, vector<16xi32>], vector<16xf32>,
      %broadcast_in_dim3A_693 = arith.constant 7 : i32
      %broadcast_in_dim3A_694 = vector.broadcast %broadcast_in_dim3A_693 : i32 to vector<16xi32>
      %gather3A_695 = tpu.vector_load_idx %arg12[%broadcast_in_dim3A_635, %broadcast_in_dim3A_694] : memref<8x16xf32, #tpu.memory_space<vmem>>[vector<16xi32>, vector<16xi32>], vector<16xf32>,
      %broadcast_in_dim3A_696 = arith.constant 8 : i32
      %broadcast_in_dim3A_697 = vector.broadcast %broadcast_in_dim3A_696 : i32 to vector<16xi32>
      %gather3A_698 = tpu.vector_load_idx %arg12[%broadcast_in_dim3A_635, %broadcast_in_dim3A_697] : memref<8x16xf32, #tpu.memory_space<vmem>>[vector<16xi32>, vector<16xi32>], vector<16xf32>,
      %broadcast_in_dim3A_699 = arith.constant 9 : i32
      %broadcast_in_dim3A_700 = vector.broadcast %broadcast_in_dim3A_699 : i32 to vector<16xi32>
      %gather3A_701 = tpu.vector_load_idx %arg12[%broadcast_in_dim3A_635, %broadcast_in_dim3A_700] : memref<8x16xf32, #tpu.memory_space<vmem>>[vector<16xi32>, vector<16xi32>], vector<16xf32>,
      %broadcast_in_dim3A_702 = arith.constant 10 : i32
      %broadcast_in_dim3A_703 = vector.broadcast %broadcast_in_dim3A_702 : i32 to vector<16xi32>
      %gather3A_704 = tpu.vector_load_idx %arg12[%broadcast_in_dim3A_635, %broadcast_in_dim3A_703] : memref<8x16xf32, #tpu.memory_space<vmem>>[vector<16xi32>, vector<16xi32>], vector<16xf32>,
      %broadcast_in_dim3A_705 = arith.constant 11 : i32
      %broadcast_in_dim3A_706 = vector.broadcast %broadcast_in_dim3A_705 : i32 to vector<16xi32>
      %gather3A_707 = tpu.vector_load_idx %arg12[%broadcast_in_dim3A_635, %broadcast_in_dim3A_706] : memref<8x16xf32, #tpu.memory_space<vmem>>[vector<16xi32>, vector<16xi32>], vector<16xf32>,
      %broadcast_in_dim3A_708 = arith.constant 12 : i32
      %broadcast_in_dim3A_709 = vector.broadcast %broadcast_in_dim3A_708 : i32 to vector<16xi32>
      %gather3A_710 = tpu.vector_load_idx %arg12[%broadcast_in_dim3A_635, %broadcast_in_dim3A_709] : memref<8x16xf32, #tpu.memory_space<vmem>>[vector<16xi32>, vector<16xi32>], vector<16xf32>,
      %mul3A_711 = arith.mulf %sub3A_642, %sub3A_642 : vector<16xf32>
      %mul3A_712 = arith.mulf %sub3A_649, %sub3A_649 : vector<16xf32>
      %add3A_713 = arith.addf %mul3A_711, %mul3A_712 : vector<16xf32>
      %mul3A_714 = arith.mulf %sub3A_656, %sub3A_656 : vector<16xf32>
      %add3A_715 = arith.addf %add3A_713, %mul3A_714 : vector<16xf32>
      %mul3A_716 = arith.constant -5.000000e-01 : f32
      %mul3A_717 = vector.broadcast %mul3A_716 : f32 to vector<16xf32>
      %mul3A_718 = arith.mulf %mul3A_717, %add3A_715 : vector<16xf32>
      %exp3A_719 = math.exp %mul3A_718 : vector<16xf32>
      %mul3A_720 = arith.mulf %gather3A_686, %sub3A_642 : vector<16xf32>
      %mul3A_721 = arith.mulf %gather3A_689, %sub3A_649 : vector<16xf32>
      %add3A_722 = arith.addf %mul3A_720, %mul3A_721 : vector<16xf32>
      %mul3A_723 = arith.mulf %gather3A_692, %sub3A_656 : vector<16xf32>
      %add3A_724 = arith.addf %add3A_722, %mul3A_723 : vector<16xf32>
      %broadcast_in_dim3A_725 = arith.constant 0 : i32
      %broadcast_in_dim3A_726 = vector.broadcast %broadcast_in_dim3A_725 : i32 to vector<16xi32>
      tpu.vector_store_idx %arg14[%add3A_633, %broadcast_in_dim3A_726], %add3A_724 : memref<128x16xf32, #tpu.memory_space<vmem>>[vector<16xi32>, vector<16xi32>], vector<16xf32>,
      %mul3A_727 = arith.mulf %gather3A_695, %sub3A_642 : vector<16xf32>
      %mul3A_728 = arith.mulf %gather3A_698, %sub3A_649 : vector<16xf32>
      %add3A_729 = arith.addf %mul3A_727, %mul3A_728 : vector<16xf32>
      %mul3A_730 = arith.mulf %gather3A_701, %sub3A_656 : vector<16xf32>
      %add3A_731 = arith.addf %add3A_729, %mul3A_730 : vector<16xf32>
      %broadcast_in_dim3A_732 = arith.constant 1 : i32
      %broadcast_in_dim3A_733 = vector.broadcast %broadcast_in_dim3A_732 : i32 to vector<16xi32>
      tpu.vector_store_idx %arg14[%add3A_633, %broadcast_in_dim3A_733], %add3A_731 : memref<128x16xf32, #tpu.memory_space<vmem>>[vector<16xi32>, vector<16xi32>], vector<16xf32>,
      %mul3A_734 = arith.mulf %gather3A_704, %sub3A_642 : vector<16xf32>
      %mul3A_735 = arith.mulf %gather3A_707, %sub3A_649 : vector<16xf32>
      %add3A_736 = arith.addf %mul3A_734, %mul3A_735 : vector<16xf32>
      %mul3A_737 = arith.mulf %gather3A_710, %sub3A_656 : vector<16xf32>
      %add3A_738 = arith.addf %add3A_736, %mul3A_737 : vector<16xf32>
      %broadcast_in_dim3A_739 = arith.constant 2 : i32
      %broadcast_in_dim3A_740 = vector.broadcast %broadcast_in_dim3A_739 : i32 to vector<16xi32>
      tpu.vector_store_idx %arg14[%add3A_633, %broadcast_in_dim3A_740], %add3A_738 : memref<128x16xf32, #tpu.memory_space<vmem>>[vector<16xi32>, vector<16xi32>], vector<16xf32>,
      %mul3A_741 = arith.mulf %gather3A_686, %gather3A_659 : vector<16xf32>
      %mul3A_742 = arith.mulf %gather3A_689, %gather3A_662 : vector<16xf32>
      %add3A_743 = arith.addf %mul3A_741, %mul3A_742 : vector<16xf32>
      %mul3A_744 = arith.mulf %gather3A_692, %gather3A_665 : vector<16xf32>
      %add3A_745 = arith.addf %add3A_743, %mul3A_744 : vector<16xf32>
      %broadcast_in_dim3A_746 = arith.constant 3 : i32
      %broadcast_in_dim3A_747 = vector.broadcast %broadcast_in_dim3A_746 : i32 to vector<16xi32>
      tpu.vector_store_idx %arg14[%add3A_633, %broadcast_in_dim3A_747], %add3A_745 : memref<128x16xf32, #tpu.memory_space<vmem>>[vector<16xi32>, vector<16xi32>], vector<16xf32>,
      %mul3A_748 = arith.mulf %gather3A_695, %gather3A_659 : vector<16xf32>
      %mul3A_749 = arith.mulf %gather3A_698, %gather3A_662 : vector<16xf32>
      %add3A_750 = arith.addf %mul3A_748, %mul3A_749 : vector<16xf32>
      %mul3A_751 = arith.mulf %gather3A_701, %gather3A_665 : vector<16xf32>
      %add3A_752 = arith.addf %add3A_750, %mul3A_751 : vector<16xf32>
      %broadcast_in_dim3A_753 = arith.constant 4 : i32
      %broadcast_in_dim3A_754 = vector.broadcast %broadcast_in_dim3A_753 : i32 to vector<16xi32>
      tpu.vector_store_idx %arg14[%add3A_633, %broadcast_in_dim3A_754], %add3A_752 : memref<128x16xf32, #tpu.memory_space<vmem>>[vector<16xi32>, vector<16xi32>], vector<16xf32>,
      %mul3A_755 = arith.mulf %gather3A_704, %gather3A_659 : vector<16xf32>
      %mul3A_756 = arith.mulf %gather3A_707, %gather3A_662 : vector<16xf32>
      %add3A_757 = arith.addf %mul3A_755, %mul3A_756 : vector<16xf32>
      %mul3A_758 = arith.mulf %gather3A_710, %gather3A_665 : vector<16xf32>
      %add3A_759 = arith.addf %add3A_757, %mul3A_758 : vector<16xf32>
      %broadcast_in_dim3A_760 = arith.constant 5 : i32
      %broadcast_in_dim3A_761 = vector.broadcast %broadcast_in_dim3A_760 : i32 to vector<16xi32>
      tpu.vector_store_idx %arg14[%add3A_633, %broadcast_in_dim3A_761], %add3A_759 : memref<128x16xf32, #tpu.memory_space<vmem>>[vector<16xi32>, vector<16xi32>], vector<16xf32>,
      %mul3A_762 = arith.mulf %gather3A_686, %gather3A_668 : vector<16xf32>
      %mul3A_763 = arith.mulf %gather3A_689, %gather3A_671 : vector<16xf32>
      %add3A_764 = arith.addf %mul3A_762, %mul3A_763 : vector<16xf32>
      %mul3A_765 = arith.mulf %gather3A_692, %gather3A_674 : vector<16xf32>
      %add3A_766 = arith.addf %add3A_764, %mul3A_765 : vector<16xf32>
      %broadcast_in_dim3A_767 = arith.constant 6 : i32
      %broadcast_in_dim3A_768 = vector.broadcast %broadcast_in_dim3A_767 : i32 to vector<16xi32>
      tpu.vector_store_idx %arg14[%add3A_633, %broadcast_in_dim3A_768], %add3A_766 : memref<128x16xf32, #tpu.memory_space<vmem>>[vector<16xi32>, vector<16xi32>], vector<16xf32>,
      %mul3A_769 = arith.mulf %gather3A_695, %gather3A_668 : vector<16xf32>
      %mul3A_770 = arith.mulf %gather3A_698, %gather3A_671 : vector<16xf32>
      %add3A_771 = arith.addf %mul3A_769, %mul3A_770 : vector<16xf32>
      %mul3A_772 = arith.mulf %gather3A_701, %gather3A_674 : vector<16xf32>
      %add3A_773 = arith.addf %add3A_771, %mul3A_772 : vector<16xf32>
      %broadcast_in_dim3A_774 = arith.constant 7 : i32
      %broadcast_in_dim3A_775 = vector.broadcast %broadcast_in_dim3A_774 : i32 to vector<16xi32>
      tpu.vector_store_idx %arg14[%add3A_633, %broadcast_in_dim3A_775], %add3A_773 : memref<128x16xf32, #tpu.memory_space<vmem>>[vector<16xi32>, vector<16xi32>], vector<16xf32>,
      %mul3A_776 = arith.mulf %gather3A_704, %gather3A_668 : vector<16xf32>
      %mul3A_777 = arith.mulf %gather3A_707, %gather3A_671 : vector<16xf32>
      %add3A_778 = arith.addf %mul3A_776, %mul3A_777 : vector<16xf32>
      %mul3A_779 = arith.mulf %gather3A_710, %gather3A_674 : vector<16xf32>
      %add3A_780 = arith.addf %add3A_778, %mul3A_779 : vector<16xf32>
      %broadcast_in_dim3A_781 = arith.constant 8 : i32
      %broadcast_in_dim3A_782 = vector.broadcast %broadcast_in_dim3A_781 : i32 to vector<16xi32>
      tpu.vector_store_idx %arg14[%add3A_633, %broadcast_in_dim3A_782], %add3A_780 : memref<128x16xf32, #tpu.memory_space<vmem>>[vector<16xi32>, vector<16xi32>], vector<16xf32>,
      %mul3A_783 = arith.mulf %gather3A_686, %gather3A_677 : vector<16xf32>
      %mul3A_784 = arith.mulf %gather3A_689, %gather3A_680 : vector<16xf32>
      %add3A_785 = arith.addf %mul3A_783, %mul3A_784 : vector<16xf32>
      %mul3A_786 = arith.mulf %gather3A_692, %gather3A_683 : vector<16xf32>
      %add3A_787 = arith.addf %add3A_785, %mul3A_786 : vector<16xf32>
      %broadcast_in_dim3A_788 = arith.constant 9 : i32
      %broadcast_in_dim3A_789 = vector.broadcast %broadcast_in_dim3A_788 : i32 to vector<16xi32>
      tpu.vector_store_idx %arg14[%add3A_633, %broadcast_in_dim3A_789], %add3A_787 : memref<128x16xf32, #tpu.memory_space<vmem>>[vector<16xi32>, vector<16xi32>], vector<16xf32>,
      %mul3A_790 = arith.mulf %gather3A_695, %gather3A_677 : vector<16xf32>
      %mul3A_791 = arith.mulf %gather3A_698, %gather3A_680 : vector<16xf32>
      %add3A_792 = arith.addf %mul3A_790, %mul3A_791 : vector<16xf32>
      %mul3A_793 = arith.mulf %gather3A_701, %gather3A_683 : vector<16xf32>
      %add3A_794 = arith.addf %add3A_792, %mul3A_793 : vector<16xf32>
      %broadcast_in_dim3A_795 = arith.constant 10 : i32
      %broadcast_in_dim3A_796 = vector.broadcast %broadcast_in_dim3A_795 : i32 to vector<16xi32>
      tpu.vector_store_idx %arg14[%add3A_633, %broadcast_in_dim3A_796], %add3A_794 : memref<128x16xf32, #tpu.memory_space<vmem>>[vector<16xi32>, vector<16xi32>], vector<16xf32>,
      %mul3A_797 = arith.mulf %gather3A_704, %gather3A_677 : vector<16xf32>
      %mul3A_798 = arith.mulf %gather3A_707, %gather3A_680 : vector<16xf32>
      %add3A_799 = arith.addf %mul3A_797, %mul3A_798 : vector<16xf32>
      %mul3A_800 = arith.mulf %gather3A_710, %gather3A_683 : vector<16xf32>
      %add3A_801 = arith.addf %add3A_799, %mul3A_800 : vector<16xf32>
      %broadcast_in_dim3A_802 = arith.constant 11 : i32
      %broadcast_in_dim3A_803 = vector.broadcast %broadcast_in_dim3A_802 : i32 to vector<16xi32>
      tpu.vector_store_idx %arg14[%add3A_633, %broadcast_in_dim3A_803], %add3A_801 : memref<128x16xf32, #tpu.memory_space<vmem>>[vector<16xi32>, vector<16xi32>], vector<16xf32>,
      %broadcast_in_dim3A_804 = arith.constant 12 : i32
      %broadcast_in_dim3A_805 = vector.broadcast %broadcast_in_dim3A_804 : i32 to vector<16xi32>
      tpu.vector_store_idx %arg14[%add3A_633, %broadcast_in_dim3A_805], %exp3A_719 : memref<128x16xf32, #tpu.memory_space<vmem>>[vector<16xi32>, vector<16xi32>], vector<16xf32>,
      %broadcast_in_dim3A_806 = arith.constant 0.000000e+00 : f32
      %broadcast_in_dim3A_807 = vector.broadcast %broadcast_in_dim3A_806 : f32 to vector<16xf32>
      %broadcast_in_dim3A_808 = arith.constant 13 : i32
      %broadcast_in_dim3A_809 = vector.broadcast %broadcast_in_dim3A_808 : i32 to vector<16xi32>
      tpu.vector_store_idx %arg14[%add3A_633, %broadcast_in_dim3A_809], %broadcast_in_dim3A_807 : memref<128x16xf32, #tpu.memory_space<vmem>>[vector<16xi32>, vector<16xi32>], vector<16xf32>,
      %broadcast_in_dim3A_810 = arith.constant 14 : i32
      %broadcast_in_dim3A_811 = vector.broadcast %broadcast_in_dim3A_810 : i32 to vector<16xi32>
      tpu.vector_store_idx %arg14[%add3A_633, %broadcast_in_dim3A_811], %broadcast_in_dim3A_807 : memref<128x16xf32, #tpu.memory_space<vmem>>[vector<16xi32>, vector<16xi32>], vector<16xf32>,
      %broadcast_in_dim3A_812 = arith.constant 15 : i32
      %broadcast_in_dim3A_813 = vector.broadcast %broadcast_in_dim3A_812 : i32 to vector<16xi32>
      tpu.vector_store_idx %arg14[%add3A_633, %broadcast_in_dim3A_813], %broadcast_in_dim3A_807 : memref<128x16xf32, #tpu.memory_space<vmem>>[vector<16xi32>, vector<16xi32>], vector<16xf32>,
      %add3A_814 = arith.constant 64 : i32
      %add3A_815 = vector.broadcast %add3A_814 : i32 to vector<16xi32>
      %add3A_816 = arith.addi %iota3A, %add3A_815 : vector<16xi32>
      %broadcast_in_dim3A_817 = arith.constant 4 : i32
      %broadcast_in_dim3A_818 = vector.broadcast %broadcast_in_dim3A_817 : i32 to vector<16xi32>
      %broadcast_in_dim3A_819 = arith.constant 0 : i32
      %broadcast_in_dim3A_820 = vector.broadcast %broadcast_in_dim3A_819 : i32 to vector<16xi32>
      %gather3A_821 = tpu.vector_load_idx %arg10[%add3A_816, %broadcast_in_dim3A_820] : memref<128x16xf32, #tpu.memory_space<vmem>>[vector<16xi32>, vector<16xi32>], vector<16xf32>,
      %broadcast_in_dim3A_822 = arith.constant 1 : i32
      %broadcast_in_dim3A_823 = vector.broadcast %broadcast_in_dim3A_822 : i32 to vector<16xi32>
      %gather3A_824 = tpu.vector_load_idx %arg12[%broadcast_in_dim3A_818, %broadcast_in_dim3A_823] : memref<8x16xf32, #tpu.memory_space<vmem>>[vector<16xi32>, vector<16xi32>], vector<16xf32>,
      %sub3A_825 = arith.subf %gather3A_821, %gather3A_824 : vector<16xf32>
      %broadcast_in_dim3A_826 = arith.constant 1 : i32
      %broadcast_in_dim3A_827 = vector.broadcast %broadcast_in_dim3A_826 : i32 to vector<16xi32>
      %gather3A_828 = tpu.vector_load_idx %arg10[%add3A_816, %broadcast_in_dim3A_827] : memref<128x16xf32, #tpu.memory_space<vmem>>[vector<16xi32>, vector<16xi32>], vector<16xf32>,
      %broadcast_in_dim3A_829 = arith.constant 2 : i32
      %broadcast_in_dim3A_830 = vector.broadcast %broadcast_in_dim3A_829 : i32 to vector<16xi32>
      %gather3A_831 = tpu.vector_load_idx %arg12[%broadcast_in_dim3A_818, %broadcast_in_dim3A_830] : memref<8x16xf32, #tpu.memory_space<vmem>>[vector<16xi32>, vector<16xi32>], vector<16xf32>,
      %sub3A_832 = arith.subf %gather3A_828, %gather3A_831 : vector<16xf32>
      %broadcast_in_dim3A_833 = arith.constant 2 : i32
      %broadcast_in_dim3A_834 = vector.broadcast %broadcast_in_dim3A_833 : i32 to vector<16xi32>
      %gather3A_835 = tpu.vector_load_idx %arg10[%add3A_816, %broadcast_in_dim3A_834] : memref<128x16xf32, #tpu.memory_space<vmem>>[vector<16xi32>, vector<16xi32>], vector<16xf32>,
      %broadcast_in_dim3A_836 = arith.constant 3 : i32
      %broadcast_in_dim3A_837 = vector.broadcast %broadcast_in_dim3A_836 : i32 to vector<16xi32>
      %gather3A_838 = tpu.vector_load_idx %arg12[%broadcast_in_dim3A_818, %broadcast_in_dim3A_837] : memref<8x16xf32, #tpu.memory_space<vmem>>[vector<16xi32>, vector<16xi32>], vector<16xf32>,
      %sub3A_839 = arith.subf %gather3A_835, %gather3A_838 : vector<16xf32>
      %broadcast_in_dim3A_840 = arith.constant 3 : i32
      %broadcast_in_dim3A_841 = vector.broadcast %broadcast_in_dim3A_840 : i32 to vector<16xi32>
      %gather3A_842 = tpu.vector_load_idx %arg10[%add3A_816, %broadcast_in_dim3A_841] : memref<128x16xf32, #tpu.memory_space<vmem>>[vector<16xi32>, vector<16xi32>], vector<16xf32>,
      %broadcast_in_dim3A_843 = arith.constant 4 : i32
      %broadcast_in_dim3A_844 = vector.broadcast %broadcast_in_dim3A_843 : i32 to vector<16xi32>
      %gather3A_845 = tpu.vector_load_idx %arg10[%add3A_816, %broadcast_in_dim3A_844] : memref<128x16xf32, #tpu.memory_space<vmem>>[vector<16xi32>, vector<16xi32>], vector<16xf32>,
      %broadcast_in_dim3A_846 = arith.constant 5 : i32
      %broadcast_in_dim3A_847 = vector.broadcast %broadcast_in_dim3A_846 : i32 to vector<16xi32>
      %gather3A_848 = tpu.vector_load_idx %arg10[%add3A_816, %broadcast_in_dim3A_847] : memref<128x16xf32, #tpu.memory_space<vmem>>[vector<16xi32>, vector<16xi32>], vector<16xf32>,
      %broadcast_in_dim3A_849 = arith.constant 6 : i32
      %broadcast_in_dim3A_850 = vector.broadcast %broadcast_in_dim3A_849 : i32 to vector<16xi32>
      %gather3A_851 = tpu.vector_load_idx %arg10[%add3A_816, %broadcast_in_dim3A_850] : memref<128x16xf32, #tpu.memory_space<vmem>>[vector<16xi32>, vector<16xi32>], vector<16xf32>,
      %broadcast_in_dim3A_852 = arith.constant 7 : i32
      %broadcast_in_dim3A_853 = vector.broadcast %broadcast_in_dim3A_852 : i32 to vector<16xi32>
      %gather3A_854 = tpu.vector_load_idx %arg10[%add3A_816, %broadcast_in_dim3A_853] : memref<128x16xf32, #tpu.memory_space<vmem>>[vector<16xi32>, vector<16xi32>], vector<16xf32>,
      %broadcast_in_dim3A_855 = arith.constant 8 : i32
      %broadcast_in_dim3A_856 = vector.broadcast %broadcast_in_dim3A_855 : i32 to vector<16xi32>
      %gather3A_857 = tpu.vector_load_idx %arg10[%add3A_816, %broadcast_in_dim3A_856] : memref<128x16xf32, #tpu.memory_space<vmem>>[vector<16xi32>, vector<16xi32>], vector<16xf32>,
      %broadcast_in_dim3A_858 = arith.constant 9 : i32
      %broadcast_in_dim3A_859 = vector.broadcast %broadcast_in_dim3A_858 : i32 to vector<16xi32>
      %gather3A_860 = tpu.vector_load_idx %arg10[%add3A_816, %broadcast_in_dim3A_859] : memref<128x16xf32, #tpu.memory_space<vmem>>[vector<16xi32>, vector<16xi32>], vector<16xf32>,
      %broadcast_in_dim3A_861 = arith.constant 10 : i32
      %broadcast_in_dim3A_862 = vector.broadcast %broadcast_in_dim3A_861 : i32 to vector<16xi32>
      %gather3A_863 = tpu.vector_load_idx %arg10[%add3A_816, %broadcast_in_dim3A_862] : memref<128x16xf32, #tpu.memory_space<vmem>>[vector<16xi32>, vector<16xi32>], vector<16xf32>,
      %broadcast_in_dim3A_864 = arith.constant 11 : i32
      %broadcast_in_dim3A_865 = vector.broadcast %broadcast_in_dim3A_864 : i32 to vector<16xi32>
      %gather3A_866 = tpu.vector_load_idx %arg10[%add3A_816, %broadcast_in_dim3A_865] : memref<128x16xf32, #tpu.memory_space<vmem>>[vector<16xi32>, vector<16xi32>], vector<16xf32>,
      %broadcast_in_dim3A_867 = arith.constant 4 : i32
      %broadcast_in_dim3A_868 = vector.broadcast %broadcast_in_dim3A_867 : i32 to vector<16xi32>
      %gather3A_869 = tpu.vector_load_idx %arg12[%broadcast_in_dim3A_818, %broadcast_in_dim3A_868] : memref<8x16xf32, #tpu.memory_space<vmem>>[vector<16xi32>, vector<16xi32>], vector<16xf32>,
      %broadcast_in_dim3A_870 = arith.constant 5 : i32
      %broadcast_in_dim3A_871 = vector.broadcast %broadcast_in_dim3A_870 : i32 to vector<16xi32>
      %gather3A_872 = tpu.vector_load_idx %arg12[%broadcast_in_dim3A_818, %broadcast_in_dim3A_871] : memref<8x16xf32, #tpu.memory_space<vmem>>[vector<16xi32>, vector<16xi32>], vector<16xf32>,
      %broadcast_in_dim3A_873 = arith.constant 6 : i32
      %broadcast_in_dim3A_874 = vector.broadcast %broadcast_in_dim3A_873 : i32 to vector<16xi32>
      %gather3A_875 = tpu.vector_load_idx %arg12[%broadcast_in_dim3A_818, %broadcast_in_dim3A_874] : memref<8x16xf32, #tpu.memory_space<vmem>>[vector<16xi32>, vector<16xi32>], vector<16xf32>,
      %broadcast_in_dim3A_876 = arith.constant 7 : i32
      %broadcast_in_dim3A_877 = vector.broadcast %broadcast_in_dim3A_876 : i32 to vector<16xi32>
      %gather3A_878 = tpu.vector_load_idx %arg12[%broadcast_in_dim3A_818, %broadcast_in_dim3A_877] : memref<8x16xf32, #tpu.memory_space<vmem>>[vector<16xi32>, vector<16xi32>], vector<16xf32>,
      %broadcast_in_dim3A_879 = arith.constant 8 : i32
      %broadcast_in_dim3A_880 = vector.broadcast %broadcast_in_dim3A_879 : i32 to vector<16xi32>
      %gather3A_881 = tpu.vector_load_idx %arg12[%broadcast_in_dim3A_818, %broadcast_in_dim3A_880] : memref<8x16xf32, #tpu.memory_space<vmem>>[vector<16xi32>, vector<16xi32>], vector<16xf32>,
      %broadcast_in_dim3A_882 = arith.constant 9 : i32
      %broadcast_in_dim3A_883 = vector.broadcast %broadcast_in_dim3A_882 : i32 to vector<16xi32>
      %gather3A_884 = tpu.vector_load_idx %arg12[%broadcast_in_dim3A_818, %broadcast_in_dim3A_883] : memref<8x16xf32, #tpu.memory_space<vmem>>[vector<16xi32>, vector<16xi32>], vector<16xf32>,
      %broadcast_in_dim3A_885 = arith.constant 10 : i32
      %broadcast_in_dim3A_886 = vector.broadcast %broadcast_in_dim3A_885 : i32 to vector<16xi32>
      %gather3A_887 = tpu.vector_load_idx %arg12[%broadcast_in_dim3A_818, %broadcast_in_dim3A_886] : memref<8x16xf32, #tpu.memory_space<vmem>>[vector<16xi32>, vector<16xi32>], vector<16xf32>,
      %broadcast_in_dim3A_888 = arith.constant 11 : i32
      %broadcast_in_dim3A_889 = vector.broadcast %broadcast_in_dim3A_888 : i32 to vector<16xi32>
      %gather3A_890 = tpu.vector_load_idx %arg12[%broadcast_in_dim3A_818, %broadcast_in_dim3A_889] : memref<8x16xf32, #tpu.memory_space<vmem>>[vector<16xi32>, vector<16xi32>], vector<16xf32>,
      %broadcast_in_dim3A_891 = arith.constant 12 : i32
      %broadcast_in_dim3A_892 = vector.broadcast %broadcast_in_dim3A_891 : i32 to vector<16xi32>
      %gather3A_893 = tpu.vector_load_idx %arg12[%broadcast_in_dim3A_818, %broadcast_in_dim3A_892] : memref<8x16xf32, #tpu.memory_space<vmem>>[vector<16xi32>, vector<16xi32>], vector<16xf32>,
      %mul3A_894 = arith.mulf %sub3A_825, %sub3A_825 : vector<16xf32>
      %mul3A_895 = arith.mulf %sub3A_832, %sub3A_832 : vector<16xf32>
      %add3A_896 = arith.addf %mul3A_894, %mul3A_895 : vector<16xf32>
      %mul3A_897 = arith.mulf %sub3A_839, %sub3A_839 : vector<16xf32>
      %add3A_898 = arith.addf %add3A_896, %mul3A_897 : vector<16xf32>
      %mul3A_899 = arith.constant -5.000000e-01 : f32
      %mul3A_900 = vector.broadcast %mul3A_899 : f32 to vector<16xf32>
      %mul3A_901 = arith.mulf %mul3A_900, %add3A_898 : vector<16xf32>
      %exp3A_902 = math.exp %mul3A_901 : vector<16xf32>
      %mul3A_903 = arith.mulf %gather3A_869, %sub3A_825 : vector<16xf32>
      %mul3A_904 = arith.mulf %gather3A_872, %sub3A_832 : vector<16xf32>
      %add3A_905 = arith.addf %mul3A_903, %mul3A_904 : vector<16xf32>
      %mul3A_906 = arith.mulf %gather3A_875, %sub3A_839 : vector<16xf32>
      %add3A_907 = arith.addf %add3A_905, %mul3A_906 : vector<16xf32>
      %broadcast_in_dim3A_908 = arith.constant 0 : i32
      %broadcast_in_dim3A_909 = vector.broadcast %broadcast_in_dim3A_908 : i32 to vector<16xi32>
      tpu.vector_store_idx %arg14[%add3A_816, %broadcast_in_dim3A_909], %add3A_907 : memref<128x16xf32, #tpu.memory_space<vmem>>[vector<16xi32>, vector<16xi32>], vector<16xf32>,
      %mul3A_910 = arith.mulf %gather3A_878, %sub3A_825 : vector<16xf32>
      %mul3A_911 = arith.mulf %gather3A_881, %sub3A_832 : vector<16xf32>
      %add3A_912 = arith.addf %mul3A_910, %mul3A_911 : vector<16xf32>
      %mul3A_913 = arith.mulf %gather3A_884, %sub3A_839 : vector<16xf32>
      %add3A_914 = arith.addf %add3A_912, %mul3A_913 : vector<16xf32>
      %broadcast_in_dim3A_915 = arith.constant 1 : i32
      %broadcast_in_dim3A_916 = vector.broadcast %broadcast_in_dim3A_915 : i32 to vector<16xi32>
      tpu.vector_store_idx %arg14[%add3A_816, %broadcast_in_dim3A_916], %add3A_914 : memref<128x16xf32, #tpu.memory_space<vmem>>[vector<16xi32>, vector<16xi32>], vector<16xf32>,
      %mul3A_917 = arith.mulf %gather3A_887, %sub3A_825 : vector<16xf32>
      %mul3A_918 = arith.mulf %gather3A_890, %sub3A_832 : vector<16xf32>
      %add3A_919 = arith.addf %mul3A_917, %mul3A_918 : vector<16xf32>
      %mul3A_920 = arith.mulf %gather3A_893, %sub3A_839 : vector<16xf32>
      %add3A_921 = arith.addf %add3A_919, %mul3A_920 : vector<16xf32>
      %broadcast_in_dim3A_922 = arith.constant 2 : i32
      %broadcast_in_dim3A_923 = vector.broadcast %broadcast_in_dim3A_922 : i32 to vector<16xi32>
      tpu.vector_store_idx %arg14[%add3A_816, %broadcast_in_dim3A_923], %add3A_921 : memref<128x16xf32, #tpu.memory_space<vmem>>[vector<16xi32>, vector<16xi32>], vector<16xf32>,
      %mul3A_924 = arith.mulf %gather3A_869, %gather3A_842 : vector<16xf32>
      %mul3A_925 = arith.mulf %gather3A_872, %gather3A_845 : vector<16xf32>
      %add3A_926 = arith.addf %mul3A_924, %mul3A_925 : vector<16xf32>
      %mul3A_927 = arith.mulf %gather3A_875, %gather3A_848 : vector<16xf32>
      %add3A_928 = arith.addf %add3A_926, %mul3A_927 : vector<16xf32>
      %broadcast_in_dim3A_929 = arith.constant 3 : i32
      %broadcast_in_dim3A_930 = vector.broadcast %broadcast_in_dim3A_929 : i32 to vector<16xi32>
      tpu.vector_store_idx %arg14[%add3A_816, %broadcast_in_dim3A_930], %add3A_928 : memref<128x16xf32, #tpu.memory_space<vmem>>[vector<16xi32>, vector<16xi32>], vector<16xf32>,
      %mul3A_931 = arith.mulf %gather3A_878, %gather3A_842 : vector<16xf32>
      %mul3A_932 = arith.mulf %gather3A_881, %gather3A_845 : vector<16xf32>
      %add3A_933 = arith.addf %mul3A_931, %mul3A_932 : vector<16xf32>
      %mul3A_934 = arith.mulf %gather3A_884, %gather3A_848 : vector<16xf32>
      %add3A_935 = arith.addf %add3A_933, %mul3A_934 : vector<16xf32>
      %broadcast_in_dim3A_936 = arith.constant 4 : i32
      %broadcast_in_dim3A_937 = vector.broadcast %broadcast_in_dim3A_936 : i32 to vector<16xi32>
      tpu.vector_store_idx %arg14[%add3A_816, %broadcast_in_dim3A_937], %add3A_935 : memref<128x16xf32, #tpu.memory_space<vmem>>[vector<16xi32>, vector<16xi32>], vector<16xf32>,
      %mul3A_938 = arith.mulf %gather3A_887, %gather3A_842 : vector<16xf32>
      %mul3A_939 = arith.mulf %gather3A_890, %gather3A_845 : vector<16xf32>
      %add3A_940 = arith.addf %mul3A_938, %mul3A_939 : vector<16xf32>
      %mul3A_941 = arith.mulf %gather3A_893, %gather3A_848 : vector<16xf32>
      %add3A_942 = arith.addf %add3A_940, %mul3A_941 : vector<16xf32>
      %broadcast_in_dim3A_943 = arith.constant 5 : i32
      %broadcast_in_dim3A_944 = vector.broadcast %broadcast_in_dim3A_943 : i32 to vector<16xi32>
      tpu.vector_store_idx %arg14[%add3A_816, %broadcast_in_dim3A_944], %add3A_942 : memref<128x16xf32, #tpu.memory_space<vmem>>[vector<16xi32>, vector<16xi32>], vector<16xf32>,
      %mul3A_945 = arith.mulf %gather3A_869, %gather3A_851 : vector<16xf32>
      %mul3A_946 = arith.mulf %gather3A_872, %gather3A_854 : vector<16xf32>
      %add3A_947 = arith.addf %mul3A_945, %mul3A_946 : vector<16xf32>
      %mul3A_948 = arith.mulf %gather3A_875, %gather3A_857 : vector<16xf32>
      %add3A_949 = arith.addf %add3A_947, %mul3A_948 : vector<16xf32>
      %broadcast_in_dim3A_950 = arith.constant 6 : i32
      %broadcast_in_dim3A_951 = vector.broadcast %broadcast_in_dim3A_950 : i32 to vector<16xi32>
      tpu.vector_store_idx %arg14[%add3A_816, %broadcast_in_dim3A_951], %add3A_949 : memref<128x16xf32, #tpu.memory_space<vmem>>[vector<16xi32>, vector<16xi32>], vector<16xf32>,
      %mul3A_952 = arith.mulf %gather3A_878, %gather3A_851 : vector<16xf32>
      %mul3A_953 = arith.mulf %gather3A_881, %gather3A_854 : vector<16xf32>
      %add3A_954 = arith.addf %mul3A_952, %mul3A_953 : vector<16xf32>
      %mul3A_955 = arith.mulf %gather3A_884, %gather3A_857 : vector<16xf32>
      %add3A_956 = arith.addf %add3A_954, %mul3A_955 : vector<16xf32>
      %broadcast_in_dim3A_957 = arith.constant 7 : i32
      %broadcast_in_dim3A_958 = vector.broadcast %broadcast_in_dim3A_957 : i32 to vector<16xi32>
      tpu.vector_store_idx %arg14[%add3A_816, %broadcast_in_dim3A_958], %add3A_956 : memref<128x16xf32, #tpu.memory_space<vmem>>[vector<16xi32>, vector<16xi32>], vector<16xf32>,
      %mul3A_959 = arith.mulf %gather3A_887, %gather3A_851 : vector<16xf32>
      %mul3A_960 = arith.mulf %gather3A_890, %gather3A_854 : vector<16xf32>
      %add3A_961 = arith.addf %mul3A_959, %mul3A_960 : vector<16xf32>
      %mul3A_962 = arith.mulf %gather3A_893, %gather3A_857 : vector<16xf32>
      %add3A_963 = arith.addf %add3A_961, %mul3A_962 : vector<16xf32>
      %broadcast_in_dim3A_964 = arith.constant 8 : i32
      %broadcast_in_dim3A_965 = vector.broadcast %broadcast_in_dim3A_964 : i32 to vector<16xi32>
      tpu.vector_store_idx %arg14[%add3A_816, %broadcast_in_dim3A_965], %add3A_963 : memref<128x16xf32, #tpu.memory_space<vmem>>[vector<16xi32>, vector<16xi32>], vector<16xf32>,
      %mul3A_966 = arith.mulf %gather3A_869, %gather3A_860 : vector<16xf32>
      %mul3A_967 = arith.mulf %gather3A_872, %gather3A_863 : vector<16xf32>
      %add3A_968 = arith.addf %mul3A_966, %mul3A_967 : vector<16xf32>
      %mul3A_969 = arith.mulf %gather3A_875, %gather3A_866 : vector<16xf32>
      %add3A_970 = arith.addf %add3A_968, %mul3A_969 : vector<16xf32>
      %broadcast_in_dim3A_971 = arith.constant 9 : i32
      %broadcast_in_dim3A_972 = vector.broadcast %broadcast_in_dim3A_971 : i32 to vector<16xi32>
      tpu.vector_store_idx %arg14[%add3A_816, %broadcast_in_dim3A_972], %add3A_970 : memref<128x16xf32, #tpu.memory_space<vmem>>[vector<16xi32>, vector<16xi32>], vector<16xf32>,
      %mul3A_973 = arith.mulf %gather3A_878, %gather3A_860 : vector<16xf32>
      %mul3A_974 = arith.mulf %gather3A_881, %gather3A_863 : vector<16xf32>
      %add3A_975 = arith.addf %mul3A_973, %mul3A_974 : vector<16xf32>
      %mul3A_976 = arith.mulf %gather3A_884, %gather3A_866 : vector<16xf32>
      %add3A_977 = arith.addf %add3A_975, %mul3A_976 : vector<16xf32>
      %broadcast_in_dim3A_978 = arith.constant 10 : i32
      %broadcast_in_dim3A_979 = vector.broadcast %broadcast_in_dim3A_978 : i32 to vector<16xi32>
      tpu.vector_store_idx %arg14[%add3A_816, %broadcast_in_dim3A_979], %add3A_977 : memref<128x16xf32, #tpu.memory_space<vmem>>[vector<16xi32>, vector<16xi32>], vector<16xf32>,
      %mul3A_980 = arith.mulf %gather3A_887, %gather3A_860 : vector<16xf32>
      %mul3A_981 = arith.mulf %gather3A_890, %gather3A_863 : vector<16xf32>
      %add3A_982 = arith.addf %mul3A_980, %mul3A_981 : vector<16xf32>
      %mul3A_983 = arith.mulf %gather3A_893, %gather3A_866 : vector<16xf32>
      %add3A_984 = arith.addf %add3A_982, %mul3A_983 : vector<16xf32>
      %broadcast_in_dim3A_985 = arith.constant 11 : i32
      %broadcast_in_dim3A_986 = vector.broadcast %broadcast_in_dim3A_985 : i32 to vector<16xi32>
      tpu.vector_store_idx %arg14[%add3A_816, %broadcast_in_dim3A_986], %add3A_984 : memref<128x16xf32, #tpu.memory_space<vmem>>[vector<16xi32>, vector<16xi32>], vector<16xf32>,
      %broadcast_in_dim3A_987 = arith.constant 12 : i32
      %broadcast_in_dim3A_988 = vector.broadcast %broadcast_in_dim3A_987 : i32 to vector<16xi32>
      tpu.vector_store_idx %arg14[%add3A_816, %broadcast_in_dim3A_988], %exp3A_902 : memref<128x16xf32, #tpu.memory_space<vmem>>[vector<16xi32>, vector<16xi32>], vector<16xf32>,
      %broadcast_in_dim3A_989 = arith.constant 0.000000e+00 : f32
      %broadcast_in_dim3A_990 = vector.broadcast %broadcast_in_dim3A_989 : f32 to vector<16xf32>
      %broadcast_in_dim3A_991 = arith.constant 13 : i32
      %broadcast_in_dim3A_992 = vector.broadcast %broadcast_in_dim3A_991 : i32 to vector<16xi32>
      tpu.vector_store_idx %arg14[%add3A_816, %broadcast_in_dim3A_992], %broadcast_in_dim3A_990 : memref<128x16xf32, #tpu.memory_space<vmem>>[vector<16xi32>, vector<16xi32>], vector<16xf32>,
      %broadcast_in_dim3A_993 = arith.constant 14 : i32
      %broadcast_in_dim3A_994 = vector.broadcast %broadcast_in_dim3A_993 : i32 to vector<16xi32>
      tpu.vector_store_idx %arg14[%add3A_816, %broadcast_in_dim3A_994], %broadcast_in_dim3A_990 : memref<128x16xf32, #tpu.memory_space<vmem>>[vector<16xi32>, vector<16xi32>], vector<16xf32>,
      %broadcast_in_dim3A_995 = arith.constant 15 : i32
      %broadcast_in_dim3A_996 = vector.broadcast %broadcast_in_dim3A_995 : i32 to vector<16xi32>
      tpu.vector_store_idx %arg14[%add3A_816, %broadcast_in_dim3A_996], %broadcast_in_dim3A_990 : memref<128x16xf32, #tpu.memory_space<vmem>>[vector<16xi32>, vector<16xi32>], vector<16xf32>,
      %add3A_997 = arith.constant 80 : i32
      %add3A_998 = vector.broadcast %add3A_997 : i32 to vector<16xi32>
      %add3A_999 = arith.addi %iota3A, %add3A_998 : vector<16xi32>
      %broadcast_in_dim3A_1000 = arith.constant 5 : i32
      %broadcast_in_dim3A_1001 = vector.broadcast %broadcast_in_dim3A_1000 : i32 to vector<16xi32>
      %broadcast_in_dim3A_1002 = arith.constant 0 : i32
      %broadcast_in_dim3A_1003 = vector.broadcast %broadcast_in_dim3A_1002 : i32 to vector<16xi32>
      %gather3A_1004 = tpu.vector_load_idx %arg10[%add3A_999, %broadcast_in_dim3A_1003] : memref<128x16xf32, #tpu.memory_space<vmem>>[vector<16xi32>, vector<16xi32>], vector<16xf32>,
      %broadcast_in_dim3A_1005 = arith.constant 1 : i32
      %broadcast_in_dim3A_1006 = vector.broadcast %broadcast_in_dim3A_1005 : i32 to vector<16xi32>
      %gather3A_1007 = tpu.vector_load_idx %arg12[%broadcast_in_dim3A_1001, %broadcast_in_dim3A_1006] : memref<8x16xf32, #tpu.memory_space<vmem>>[vector<16xi32>, vector<16xi32>], vector<16xf32>,
      %sub3A_1008 = arith.subf %gather3A_1004, %gather3A_1007 : vector<16xf32>
      %broadcast_in_dim3A_1009 = arith.constant 1 : i32
      %broadcast_in_dim3A_1010 = vector.broadcast %broadcast_in_dim3A_1009 : i32 to vector<16xi32>
      %gather3A_1011 = tpu.vector_load_idx %arg10[%add3A_999, %broadcast_in_dim3A_1010] : memref<128x16xf32, #tpu.memory_space<vmem>>[vector<16xi32>, vector<16xi32>], vector<16xf32>,
      %broadcast_in_dim3A_1012 = arith.constant 2 : i32
      %broadcast_in_dim3A_1013 = vector.broadcast %broadcast_in_dim3A_1012 : i32 to vector<16xi32>
      %gather3A_1014 = tpu.vector_load_idx %arg12[%broadcast_in_dim3A_1001, %broadcast_in_dim3A_1013] : memref<8x16xf32, #tpu.memory_space<vmem>>[vector<16xi32>, vector<16xi32>], vector<16xf32>,
      %sub3A_1015 = arith.subf %gather3A_1011, %gather3A_1014 : vector<16xf32>
      %broadcast_in_dim3A_1016 = arith.constant 2 : i32
      %broadcast_in_dim3A_1017 = vector.broadcast %broadcast_in_dim3A_1016 : i32 to vector<16xi32>
      %gather3A_1018 = tpu.vector_load_idx %arg10[%add3A_999, %broadcast_in_dim3A_1017] : memref<128x16xf32, #tpu.memory_space<vmem>>[vector<16xi32>, vector<16xi32>], vector<16xf32>,
      %broadcast_in_dim3A_1019 = arith.constant 3 : i32
      %broadcast_in_dim3A_1020 = vector.broadcast %broadcast_in_dim3A_1019 : i32 to vector<16xi32>
      %gather3A_1021 = tpu.vector_load_idx %arg12[%broadcast_in_dim3A_1001, %broadcast_in_dim3A_1020] : memref<8x16xf32, #tpu.memory_space<vmem>>[vector<16xi32>, vector<16xi32>], vector<16xf32>,
      %sub3A_1022 = arith.subf %gather3A_1018, %gather3A_1021 : vector<16xf32>
      %broadcast_in_dim3A_1023 = arith.constant 3 : i32
      %broadcast_in_dim3A_1024 = vector.broadcast %broadcast_in_dim3A_1023 : i32 to vector<16xi32>
      %gather3A_1025 = tpu.vector_load_idx %arg10[%add3A_999, %broadcast_in_dim3A_1024] : memref<128x16xf32, #tpu.memory_space<vmem>>[vector<16xi32>, vector<16xi32>], vector<16xf32>,
      %broadcast_in_dim3A_1026 = arith.constant 4 : i32
      %broadcast_in_dim3A_1027 = vector.broadcast %broadcast_in_dim3A_1026 : i32 to vector<16xi32>
      %gather3A_1028 = tpu.vector_load_idx %arg10[%add3A_999, %broadcast_in_dim3A_1027] : memref<128x16xf32, #tpu.memory_space<vmem>>[vector<16xi32>, vector<16xi32>], vector<16xf32>,
      %broadcast_in_dim3A_1029 = arith.constant 5 : i32
      %broadcast_in_dim3A_1030 = vector.broadcast %broadcast_in_dim3A_1029 : i32 to vector<16xi32>
      %gather3A_1031 = tpu.vector_load_idx %arg10[%add3A_999, %broadcast_in_dim3A_1030] : memref<128x16xf32, #tpu.memory_space<vmem>>[vector<16xi32>, vector<16xi32>], vector<16xf32>,
      %broadcast_in_dim3A_1032 = arith.constant 6 : i32
      %broadcast_in_dim3A_1033 = vector.broadcast %broadcast_in_dim3A_1032 : i32 to vector<16xi32>
      %gather3A_1034 = tpu.vector_load_idx %arg10[%add3A_999, %broadcast_in_dim3A_1033] : memref<128x16xf32, #tpu.memory_space<vmem>>[vector<16xi32>, vector<16xi32>], vector<16xf32>,
      %broadcast_in_dim3A_1035 = arith.constant 7 : i32
      %broadcast_in_dim3A_1036 = vector.broadcast %broadcast_in_dim3A_1035 : i32 to vector<16xi32>
      %gather3A_1037 = tpu.vector_load_idx %arg10[%add3A_999, %broadcast_in_dim3A_1036] : memref<128x16xf32, #tpu.memory_space<vmem>>[vector<16xi32>, vector<16xi32>], vector<16xf32>,
      %broadcast_in_dim3A_1038 = arith.constant 8 : i32
      %broadcast_in_dim3A_1039 = vector.broadcast %broadcast_in_dim3A_1038 : i32 to vector<16xi32>
      %gather3A_1040 = tpu.vector_load_idx %arg10[%add3A_999, %broadcast_in_dim3A_1039] : memref<128x16xf32, #tpu.memory_space<vmem>>[vector<16xi32>, vector<16xi32>], vector<16xf32>,
      %broadcast_in_dim3A_1041 = arith.constant 9 : i32
      %broadcast_in_dim3A_1042 = vector.broadcast %broadcast_in_dim3A_1041 : i32 to vector<16xi32>
      %gather3A_1043 = tpu.vector_load_idx %arg10[%add3A_999, %broadcast_in_dim3A_1042] : memref<128x16xf32, #tpu.memory_space<vmem>>[vector<16xi32>, vector<16xi32>], vector<16xf32>,
      %broadcast_in_dim3A_1044 = arith.constant 10 : i32
      %broadcast_in_dim3A_1045 = vector.broadcast %broadcast_in_dim3A_1044 : i32 to vector<16xi32>
      %gather3A_1046 = tpu.vector_load_idx %arg10[%add3A_999, %broadcast_in_dim3A_1045] : memref<128x16xf32, #tpu.memory_space<vmem>>[vector<16xi32>, vector<16xi32>], vector<16xf32>,
      %broadcast_in_dim3A_1047 = arith.constant 11 : i32
      %broadcast_in_dim3A_1048 = vector.broadcast %broadcast_in_dim3A_1047 : i32 to vector<16xi32>
      %gather3A_1049 = tpu.vector_load_idx %arg10[%add3A_999, %broadcast_in_dim3A_1048] : memref<128x16xf32, #tpu.memory_space<vmem>>[vector<16xi32>, vector<16xi32>], vector<16xf32>,
      %broadcast_in_dim3A_1050 = arith.constant 4 : i32
      %broadcast_in_dim3A_1051 = vector.broadcast %broadcast_in_dim3A_1050 : i32 to vector<16xi32>
      %gather3A_1052 = tpu.vector_load_idx %arg12[%broadcast_in_dim3A_1001, %broadcast_in_dim3A_1051] : memref<8x16xf32, #tpu.memory_space<vmem>>[vector<16xi32>, vector<16xi32>], vector<16xf32>,
      %broadcast_in_dim3A_1053 = arith.constant 5 : i32
      %broadcast_in_dim3A_1054 = vector.broadcast %broadcast_in_dim3A_1053 : i32 to vector<16xi32>
      %gather3A_1055 = tpu.vector_load_idx %arg12[%broadcast_in_dim3A_1001, %broadcast_in_dim3A_1054] : memref<8x16xf32, #tpu.memory_space<vmem>>[vector<16xi32>, vector<16xi32>], vector<16xf32>,
      %broadcast_in_dim3A_1056 = arith.constant 6 : i32
      %broadcast_in_dim3A_1057 = vector.broadcast %broadcast_in_dim3A_1056 : i32 to vector<16xi32>
      %gather3A_1058 = tpu.vector_load_idx %arg12[%broadcast_in_dim3A_1001, %broadcast_in_dim3A_1057] : memref<8x16xf32, #tpu.memory_space<vmem>>[vector<16xi32>, vector<16xi32>], vector<16xf32>,
      %broadcast_in_dim3A_1059 = arith.constant 7 : i32
      %broadcast_in_dim3A_1060 = vector.broadcast %broadcast_in_dim3A_1059 : i32 to vector<16xi32>
      %gather3A_1061 = tpu.vector_load_idx %arg12[%broadcast_in_dim3A_1001, %broadcast_in_dim3A_1060] : memref<8x16xf32, #tpu.memory_space<vmem>>[vector<16xi32>, vector<16xi32>], vector<16xf32>,
      %broadcast_in_dim3A_1062 = arith.constant 8 : i32
      %broadcast_in_dim3A_1063 = vector.broadcast %broadcast_in_dim3A_1062 : i32 to vector<16xi32>
      %gather3A_1064 = tpu.vector_load_idx %arg12[%broadcast_in_dim3A_1001, %broadcast_in_dim3A_1063] : memref<8x16xf32, #tpu.memory_space<vmem>>[vector<16xi32>, vector<16xi32>], vector<16xf32>,
      %broadcast_in_dim3A_1065 = arith.constant 9 : i32
      %broadcast_in_dim3A_1066 = vector.broadcast %broadcast_in_dim3A_1065 : i32 to vector<16xi32>
      %gather3A_1067 = tpu.vector_load_idx %arg12[%broadcast_in_dim3A_1001, %broadcast_in_dim3A_1066] : memref<8x16xf32, #tpu.memory_space<vmem>>[vector<16xi32>, vector<16xi32>], vector<16xf32>,
      %broadcast_in_dim3A_1068 = arith.constant 10 : i32
      %broadcast_in_dim3A_1069 = vector.broadcast %broadcast_in_dim3A_1068 : i32 to vector<16xi32>
      %gather3A_1070 = tpu.vector_load_idx %arg12[%broadcast_in_dim3A_1001, %broadcast_in_dim3A_1069] : memref<8x16xf32, #tpu.memory_space<vmem>>[vector<16xi32>, vector<16xi32>], vector<16xf32>,
      %broadcast_in_dim3A_1071 = arith.constant 11 : i32
      %broadcast_in_dim3A_1072 = vector.broadcast %broadcast_in_dim3A_1071 : i32 to vector<16xi32>
      %gather3A_1073 = tpu.vector_load_idx %arg12[%broadcast_in_dim3A_1001, %broadcast_in_dim3A_1072] : memref<8x16xf32, #tpu.memory_space<vmem>>[vector<16xi32>, vector<16xi32>], vector<16xf32>,
      %broadcast_in_dim3A_1074 = arith.constant 12 : i32
      %broadcast_in_dim3A_1075 = vector.broadcast %broadcast_in_dim3A_1074 : i32 to vector<16xi32>
      %gather3A_1076 = tpu.vector_load_idx %arg12[%broadcast_in_dim3A_1001, %broadcast_in_dim3A_1075] : memref<8x16xf32, #tpu.memory_space<vmem>>[vector<16xi32>, vector<16xi32>], vector<16xf32>,
      %mul3A_1077 = arith.mulf %sub3A_1008, %sub3A_1008 : vector<16xf32>
      %mul3A_1078 = arith.mulf %sub3A_1015, %sub3A_1015 : vector<16xf32>
      %add3A_1079 = arith.addf %mul3A_1077, %mul3A_1078 : vector<16xf32>
      %mul3A_1080 = arith.mulf %sub3A_1022, %sub3A_1022 : vector<16xf32>
      %add3A_1081 = arith.addf %add3A_1079, %mul3A_1080 : vector<16xf32>
      %mul3A_1082 = arith.constant -5.000000e-01 : f32
      %mul3A_1083 = vector.broadcast %mul3A_1082 : f32 to vector<16xf32>
      %mul3A_1084 = arith.mulf %mul3A_1083, %add3A_1081 : vector<16xf32>
      %exp3A_1085 = math.exp %mul3A_1084 : vector<16xf32>
      %mul3A_1086 = arith.mulf %gather3A_1052, %sub3A_1008 : vector<16xf32>
      %mul3A_1087 = arith.mulf %gather3A_1055, %sub3A_1015 : vector<16xf32>
      %add3A_1088 = arith.addf %mul3A_1086, %mul3A_1087 : vector<16xf32>
      %mul3A_1089 = arith.mulf %gather3A_1058, %sub3A_1022 : vector<16xf32>
      %add3A_1090 = arith.addf %add3A_1088, %mul3A_1089 : vector<16xf32>
      %broadcast_in_dim3A_1091 = arith.constant 0 : i32
      %broadcast_in_dim3A_1092 = vector.broadcast %broadcast_in_dim3A_1091 : i32 to vector<16xi32>
      tpu.vector_store_idx %arg14[%add3A_999, %broadcast_in_dim3A_1092], %add3A_1090 : memref<128x16xf32, #tpu.memory_space<vmem>>[vector<16xi32>, vector<16xi32>], vector<16xf32>,
      %mul3A_1093 = arith.mulf %gather3A_1061, %sub3A_1008 : vector<16xf32>
      %mul3A_1094 = arith.mulf %gather3A_1064, %sub3A_1015 : vector<16xf32>
      %add3A_1095 = arith.addf %mul3A_1093, %mul3A_1094 : vector<16xf32>
      %mul3A_1096 = arith.mulf %gather3A_1067, %sub3A_1022 : vector<16xf32>
      %add3A_1097 = arith.addf %add3A_1095, %mul3A_1096 : vector<16xf32>
      %broadcast_in_dim3A_1098 = arith.constant 1 : i32
      %broadcast_in_dim3A_1099 = vector.broadcast %broadcast_in_dim3A_1098 : i32 to vector<16xi32>
      tpu.vector_store_idx %arg14[%add3A_999, %broadcast_in_dim3A_1099], %add3A_1097 : memref<128x16xf32, #tpu.memory_space<vmem>>[vector<16xi32>, vector<16xi32>], vector<16xf32>,
      %mul3A_1100 = arith.mulf %gather3A_1070, %sub3A_1008 : vector<16xf32>
      %mul3A_1101 = arith.mulf %gather3A_1073, %sub3A_1015 : vector<16xf32>
      %add3A_1102 = arith.addf %mul3A_1100, %mul3A_1101 : vector<16xf32>
      %mul3A_1103 = arith.mulf %gather3A_1076, %sub3A_1022 : vector<16xf32>
      %add3A_1104 = arith.addf %add3A_1102, %mul3A_1103 : vector<16xf32>
      %broadcast_in_dim3A_1105 = arith.constant 2 : i32
      %broadcast_in_dim3A_1106 = vector.broadcast %broadcast_in_dim3A_1105 : i32 to vector<16xi32>
      tpu.vector_store_idx %arg14[%add3A_999, %broadcast_in_dim3A_1106], %add3A_1104 : memref<128x16xf32, #tpu.memory_space<vmem>>[vector<16xi32>, vector<16xi32>], vector<16xf32>,
      %mul3A_1107 = arith.mulf %gather3A_1052, %gather3A_1025 : vector<16xf32>
      %mul3A_1108 = arith.mulf %gather3A_1055, %gather3A_1028 : vector<16xf32>
      %add3A_1109 = arith.addf %mul3A_1107, %mul3A_1108 : vector<16xf32>
      %mul3A_1110 = arith.mulf %gather3A_1058, %gather3A_1031 : vector<16xf32>
      %add3A_1111 = arith.addf %add3A_1109, %mul3A_1110 : vector<16xf32>
      %broadcast_in_dim3A_1112 = arith.constant 3 : i32
      %broadcast_in_dim3A_1113 = vector.broadcast %broadcast_in_dim3A_1112 : i32 to vector<16xi32>
      tpu.vector_store_idx %arg14[%add3A_999, %broadcast_in_dim3A_1113], %add3A_1111 : memref<128x16xf32, #tpu.memory_space<vmem>>[vector<16xi32>, vector<16xi32>], vector<16xf32>,
      %mul3A_1114 = arith.mulf %gather3A_1061, %gather3A_1025 : vector<16xf32>
      %mul3A_1115 = arith.mulf %gather3A_1064, %gather3A_1028 : vector<16xf32>
      %add3A_1116 = arith.addf %mul3A_1114, %mul3A_1115 : vector<16xf32>
      %mul3A_1117 = arith.mulf %gather3A_1067, %gather3A_1031 : vector<16xf32>
      %add3A_1118 = arith.addf %add3A_1116, %mul3A_1117 : vector<16xf32>
      %broadcast_in_dim3A_1119 = arith.constant 4 : i32
      %broadcast_in_dim3A_1120 = vector.broadcast %broadcast_in_dim3A_1119 : i32 to vector<16xi32>
      tpu.vector_store_idx %arg14[%add3A_999, %broadcast_in_dim3A_1120], %add3A_1118 : memref<128x16xf32, #tpu.memory_space<vmem>>[vector<16xi32>, vector<16xi32>], vector<16xf32>,
      %mul3A_1121 = arith.mulf %gather3A_1070, %gather3A_1025 : vector<16xf32>
      %mul3A_1122 = arith.mulf %gather3A_1073, %gather3A_1028 : vector<16xf32>
      %add3A_1123 = arith.addf %mul3A_1121, %mul3A_1122 : vector<16xf32>
      %mul3A_1124 = arith.mulf %gather3A_1076, %gather3A_1031 : vector<16xf32>
      %add3A_1125 = arith.addf %add3A_1123, %mul3A_1124 : vector<16xf32>
      %broadcast_in_dim3A_1126 = arith.constant 5 : i32
      %broadcast_in_dim3A_1127 = vector.broadcast %broadcast_in_dim3A_1126 : i32 to vector<16xi32>
      tpu.vector_store_idx %arg14[%add3A_999, %broadcast_in_dim3A_1127], %add3A_1125 : memref<128x16xf32, #tpu.memory_space<vmem>>[vector<16xi32>, vector<16xi32>], vector<16xf32>,
      %mul3A_1128 = arith.mulf %gather3A_1052, %gather3A_1034 : vector<16xf32>
      %mul3A_1129 = arith.mulf %gather3A_1055, %gather3A_1037 : vector<16xf32>
      %add3A_1130 = arith.addf %mul3A_1128, %mul3A_1129 : vector<16xf32>
      %mul3A_1131 = arith.mulf %gather3A_1058, %gather3A_1040 : vector<16xf32>
      %add3A_1132 = arith.addf %add3A_1130, %mul3A_1131 : vector<16xf32>
      %broadcast_in_dim3A_1133 = arith.constant 6 : i32
      %broadcast_in_dim3A_1134 = vector.broadcast %broadcast_in_dim3A_1133 : i32 to vector<16xi32>
      tpu.vector_store_idx %arg14[%add3A_999, %broadcast_in_dim3A_1134], %add3A_1132 : memref<128x16xf32, #tpu.memory_space<vmem>>[vector<16xi32>, vector<16xi32>], vector<16xf32>,
      %mul3A_1135 = arith.mulf %gather3A_1061, %gather3A_1034 : vector<16xf32>
      %mul3A_1136 = arith.mulf %gather3A_1064, %gather3A_1037 : vector<16xf32>
      %add3A_1137 = arith.addf %mul3A_1135, %mul3A_1136 : vector<16xf32>
      %mul3A_1138 = arith.mulf %gather3A_1067, %gather3A_1040 : vector<16xf32>
      %add3A_1139 = arith.addf %add3A_1137, %mul3A_1138 : vector<16xf32>
      %broadcast_in_dim3A_1140 = arith.constant 7 : i32
      %broadcast_in_dim3A_1141 = vector.broadcast %broadcast_in_dim3A_1140 : i32 to vector<16xi32>
      tpu.vector_store_idx %arg14[%add3A_999, %broadcast_in_dim3A_1141], %add3A_1139 : memref<128x16xf32, #tpu.memory_space<vmem>>[vector<16xi32>, vector<16xi32>], vector<16xf32>,
      %mul3A_1142 = arith.mulf %gather3A_1070, %gather3A_1034 : vector<16xf32>
      %mul3A_1143 = arith.mulf %gather3A_1073, %gather3A_1037 : vector<16xf32>
      %add3A_1144 = arith.addf %mul3A_1142, %mul3A_1143 : vector<16xf32>
      %mul3A_1145 = arith.mulf %gather3A_1076, %gather3A_1040 : vector<16xf32>
      %add3A_1146 = arith.addf %add3A_1144, %mul3A_1145 : vector<16xf32>
      %broadcast_in_dim3A_1147 = arith.constant 8 : i32
      %broadcast_in_dim3A_1148 = vector.broadcast %broadcast_in_dim3A_1147 : i32 to vector<16xi32>
      tpu.vector_store_idx %arg14[%add3A_999, %broadcast_in_dim3A_1148], %add3A_1146 : memref<128x16xf32, #tpu.memory_space<vmem>>[vector<16xi32>, vector<16xi32>], vector<16xf32>,
      %mul3A_1149 = arith.mulf %gather3A_1052, %gather3A_1043 : vector<16xf32>
      %mul3A_1150 = arith.mulf %gather3A_1055, %gather3A_1046 : vector<16xf32>
      %add3A_1151 = arith.addf %mul3A_1149, %mul3A_1150 : vector<16xf32>
      %mul3A_1152 = arith.mulf %gather3A_1058, %gather3A_1049 : vector<16xf32>
      %add3A_1153 = arith.addf %add3A_1151, %mul3A_1152 : vector<16xf32>
      %broadcast_in_dim3A_1154 = arith.constant 9 : i32
      %broadcast_in_dim3A_1155 = vector.broadcast %broadcast_in_dim3A_1154 : i32 to vector<16xi32>
      tpu.vector_store_idx %arg14[%add3A_999, %broadcast_in_dim3A_1155], %add3A_1153 : memref<128x16xf32, #tpu.memory_space<vmem>>[vector<16xi32>, vector<16xi32>], vector<16xf32>,
      %mul3A_1156 = arith.mulf %gather3A_1061, %gather3A_1043 : vector<16xf32>
      %mul3A_1157 = arith.mulf %gather3A_1064, %gather3A_1046 : vector<16xf32>
      %add3A_1158 = arith.addf %mul3A_1156, %mul3A_1157 : vector<16xf32>
      %mul3A_1159 = arith.mulf %gather3A_1067, %gather3A_1049 : vector<16xf32>
      %add3A_1160 = arith.addf %add3A_1158, %mul3A_1159 : vector<16xf32>
      %broadcast_in_dim3A_1161 = arith.constant 10 : i32
      %broadcast_in_dim3A_1162 = vector.broadcast %broadcast_in_dim3A_1161 : i32 to vector<16xi32>
      tpu.vector_store_idx %arg14[%add3A_999, %broadcast_in_dim3A_1162], %add3A_1160 : memref<128x16xf32, #tpu.memory_space<vmem>>[vector<16xi32>, vector<16xi32>], vector<16xf32>,
      %mul3A_1163 = arith.mulf %gather3A_1070, %gather3A_1043 : vector<16xf32>
      %mul3A_1164 = arith.mulf %gather3A_1073, %gather3A_1046 : vector<16xf32>
      %add3A_1165 = arith.addf %mul3A_1163, %mul3A_1164 : vector<16xf32>
      %mul3A_1166 = arith.mulf %gather3A_1076, %gather3A_1049 : vector<16xf32>
      %add3A_1167 = arith.addf %add3A_1165, %mul3A_1166 : vector<16xf32>
      %broadcast_in_dim3A_1168 = arith.constant 11 : i32
      %broadcast_in_dim3A_1169 = vector.broadcast %broadcast_in_dim3A_1168 : i32 to vector<16xi32>
      tpu.vector_store_idx %arg14[%add3A_999, %broadcast_in_dim3A_1169], %add3A_1167 : memref<128x16xf32, #tpu.memory_space<vmem>>[vector<16xi32>, vector<16xi32>], vector<16xf32>,
      %broadcast_in_dim3A_1170 = arith.constant 12 : i32
      %broadcast_in_dim3A_1171 = vector.broadcast %broadcast_in_dim3A_1170 : i32 to vector<16xi32>
      tpu.vector_store_idx %arg14[%add3A_999, %broadcast_in_dim3A_1171], %exp3A_1085 : memref<128x16xf32, #tpu.memory_space<vmem>>[vector<16xi32>, vector<16xi32>], vector<16xf32>,
      %broadcast_in_dim3A_1172 = arith.constant 0.000000e+00 : f32
      %broadcast_in_dim3A_1173 = vector.broadcast %broadcast_in_dim3A_1172 : f32 to vector<16xf32>
      %broadcast_in_dim3A_1174 = arith.constant 13 : i32
      %broadcast_in_dim3A_1175 = vector.broadcast %broadcast_in_dim3A_1174 : i32 to vector<16xi32>
      tpu.vector_store_idx %arg14[%add3A_999, %broadcast_in_dim3A_1175], %broadcast_in_dim3A_1173 : memref<128x16xf32, #tpu.memory_space<vmem>>[vector<16xi32>, vector<16xi32>], vector<16xf32>,
      %broadcast_in_dim3A_1176 = arith.constant 14 : i32
      %broadcast_in_dim3A_1177 = vector.broadcast %broadcast_in_dim3A_1176 : i32 to vector<16xi32>
      tpu.vector_store_idx %arg14[%add3A_999, %broadcast_in_dim3A_1177], %broadcast_in_dim3A_1173 : memref<128x16xf32, #tpu.memory_space<vmem>>[vector<16xi32>, vector<16xi32>], vector<16xf32>,
      %broadcast_in_dim3A_1178 = arith.constant 15 : i32
      %broadcast_in_dim3A_1179 = vector.broadcast %broadcast_in_dim3A_1178 : i32 to vector<16xi32>
      tpu.vector_store_idx %arg14[%add3A_999, %broadcast_in_dim3A_1179], %broadcast_in_dim3A_1173 : memref<128x16xf32, #tpu.memory_space<vmem>>[vector<16xi32>, vector<16xi32>], vector<16xf32>,
      %add3A_1180 = arith.constant 96 : i32
      %add3A_1181 = vector.broadcast %add3A_1180 : i32 to vector<16xi32>
      %add3A_1182 = arith.addi %iota3A, %add3A_1181 : vector<16xi32>
      %broadcast_in_dim3A_1183 = arith.constant 6 : i32
      %broadcast_in_dim3A_1184 = vector.broadcast %broadcast_in_dim3A_1183 : i32 to vector<16xi32>
      %broadcast_in_dim3A_1185 = arith.constant 0 : i32
      %broadcast_in_dim3A_1186 = vector.broadcast %broadcast_in_dim3A_1185 : i32 to vector<16xi32>
      %gather3A_1187 = tpu.vector_load_idx %arg10[%add3A_1182, %broadcast_in_dim3A_1186] : memref<128x16xf32, #tpu.memory_space<vmem>>[vector<16xi32>, vector<16xi32>], vector<16xf32>,
      %broadcast_in_dim3A_1188 = arith.constant 1 : i32
      %broadcast_in_dim3A_1189 = vector.broadcast %broadcast_in_dim3A_1188 : i32 to vector<16xi32>
      %gather3A_1190 = tpu.vector_load_idx %arg12[%broadcast_in_dim3A_1184, %broadcast_in_dim3A_1189] : memref<8x16xf32, #tpu.memory_space<vmem>>[vector<16xi32>, vector<16xi32>], vector<16xf32>,
      %sub3A_1191 = arith.subf %gather3A_1187, %gather3A_1190 : vector<16xf32>
      %broadcast_in_dim3A_1192 = arith.constant 1 : i32
      %broadcast_in_dim3A_1193 = vector.broadcast %broadcast_in_dim3A_1192 : i32 to vector<16xi32>
      %gather3A_1194 = tpu.vector_load_idx %arg10[%add3A_1182, %broadcast_in_dim3A_1193] : memref<128x16xf32, #tpu.memory_space<vmem>>[vector<16xi32>, vector<16xi32>], vector<16xf32>,
      %broadcast_in_dim3A_1195 = arith.constant 2 : i32
      %broadcast_in_dim3A_1196 = vector.broadcast %broadcast_in_dim3A_1195 : i32 to vector<16xi32>
      %gather3A_1197 = tpu.vector_load_idx %arg12[%broadcast_in_dim3A_1184, %broadcast_in_dim3A_1196] : memref<8x16xf32, #tpu.memory_space<vmem>>[vector<16xi32>, vector<16xi32>], vector<16xf32>,
      %sub3A_1198 = arith.subf %gather3A_1194, %gather3A_1197 : vector<16xf32>
      %broadcast_in_dim3A_1199 = arith.constant 2 : i32
      %broadcast_in_dim3A_1200 = vector.broadcast %broadcast_in_dim3A_1199 : i32 to vector<16xi32>
      %gather3A_1201 = tpu.vector_load_idx %arg10[%add3A_1182, %broadcast_in_dim3A_1200] : memref<128x16xf32, #tpu.memory_space<vmem>>[vector<16xi32>, vector<16xi32>], vector<16xf32>,
      %broadcast_in_dim3A_1202 = arith.constant 3 : i32
      %broadcast_in_dim3A_1203 = vector.broadcast %broadcast_in_dim3A_1202 : i32 to vector<16xi32>
      %gather3A_1204 = tpu.vector_load_idx %arg12[%broadcast_in_dim3A_1184, %broadcast_in_dim3A_1203] : memref<8x16xf32, #tpu.memory_space<vmem>>[vector<16xi32>, vector<16xi32>], vector<16xf32>,
      %sub3A_1205 = arith.subf %gather3A_1201, %gather3A_1204 : vector<16xf32>
      %broadcast_in_dim3A_1206 = arith.constant 3 : i32
      %broadcast_in_dim3A_1207 = vector.broadcast %broadcast_in_dim3A_1206 : i32 to vector<16xi32>
      %gather3A_1208 = tpu.vector_load_idx %arg10[%add3A_1182, %broadcast_in_dim3A_1207] : memref<128x16xf32, #tpu.memory_space<vmem>>[vector<16xi32>, vector<16xi32>], vector<16xf32>,
      %broadcast_in_dim3A_1209 = arith.constant 4 : i32
      %broadcast_in_dim3A_1210 = vector.broadcast %broadcast_in_dim3A_1209 : i32 to vector<16xi32>
      %gather3A_1211 = tpu.vector_load_idx %arg10[%add3A_1182, %broadcast_in_dim3A_1210] : memref<128x16xf32, #tpu.memory_space<vmem>>[vector<16xi32>, vector<16xi32>], vector<16xf32>,
      %broadcast_in_dim3A_1212 = arith.constant 5 : i32
      %broadcast_in_dim3A_1213 = vector.broadcast %broadcast_in_dim3A_1212 : i32 to vector<16xi32>
      %gather3A_1214 = tpu.vector_load_idx %arg10[%add3A_1182, %broadcast_in_dim3A_1213] : memref<128x16xf32, #tpu.memory_space<vmem>>[vector<16xi32>, vector<16xi32>], vector<16xf32>,
      %broadcast_in_dim3A_1215 = arith.constant 6 : i32
      %broadcast_in_dim3A_1216 = vector.broadcast %broadcast_in_dim3A_1215 : i32 to vector<16xi32>
      %gather3A_1217 = tpu.vector_load_idx %arg10[%add3A_1182, %broadcast_in_dim3A_1216] : memref<128x16xf32, #tpu.memory_space<vmem>>[vector<16xi32>, vector<16xi32>], vector<16xf32>,
      %broadcast_in_dim3A_1218 = arith.constant 7 : i32
      %broadcast_in_dim3A_1219 = vector.broadcast %broadcast_in_dim3A_1218 : i32 to vector<16xi32>
      %gather3A_1220 = tpu.vector_load_idx %arg10[%add3A_1182, %broadcast_in_dim3A_1219] : memref<128x16xf32, #tpu.memory_space<vmem>>[vector<16xi32>, vector<16xi32>], vector<16xf32>,
      %broadcast_in_dim3A_1221 = arith.constant 8 : i32
      %broadcast_in_dim3A_1222 = vector.broadcast %broadcast_in_dim3A_1221 : i32 to vector<16xi32>
      %gather3A_1223 = tpu.vector_load_idx %arg10[%add3A_1182, %broadcast_in_dim3A_1222] : memref<128x16xf32, #tpu.memory_space<vmem>>[vector<16xi32>, vector<16xi32>], vector<16xf32>,
      %broadcast_in_dim3A_1224 = arith.constant 9 : i32
      %broadcast_in_dim3A_1225 = vector.broadcast %broadcast_in_dim3A_1224 : i32 to vector<16xi32>
      %gather3A_1226 = tpu.vector_load_idx %arg10[%add3A_1182, %broadcast_in_dim3A_1225] : memref<128x16xf32, #tpu.memory_space<vmem>>[vector<16xi32>, vector<16xi32>], vector<16xf32>,
      %broadcast_in_dim3A_1227 = arith.constant 10 : i32
      %broadcast_in_dim3A_1228 = vector.broadcast %broadcast_in_dim3A_1227 : i32 to vector<16xi32>
      %gather3A_1229 = tpu.vector_load_idx %arg10[%add3A_1182, %broadcast_in_dim3A_1228] : memref<128x16xf32, #tpu.memory_space<vmem>>[vector<16xi32>, vector<16xi32>], vector<16xf32>,
      %broadcast_in_dim3A_1230 = arith.constant 11 : i32
      %broadcast_in_dim3A_1231 = vector.broadcast %broadcast_in_dim3A_1230 : i32 to vector<16xi32>
      %gather3A_1232 = tpu.vector_load_idx %arg10[%add3A_1182, %broadcast_in_dim3A_1231] : memref<128x16xf32, #tpu.memory_space<vmem>>[vector<16xi32>, vector<16xi32>], vector<16xf32>,
      %broadcast_in_dim3A_1233 = arith.constant 4 : i32
      %broadcast_in_dim3A_1234 = vector.broadcast %broadcast_in_dim3A_1233 : i32 to vector<16xi32>
      %gather3A_1235 = tpu.vector_load_idx %arg12[%broadcast_in_dim3A_1184, %broadcast_in_dim3A_1234] : memref<8x16xf32, #tpu.memory_space<vmem>>[vector<16xi32>, vector<16xi32>], vector<16xf32>,
      %broadcast_in_dim3A_1236 = arith.constant 5 : i32
      %broadcast_in_dim3A_1237 = vector.broadcast %broadcast_in_dim3A_1236 : i32 to vector<16xi32>
      %gather3A_1238 = tpu.vector_load_idx %arg12[%broadcast_in_dim3A_1184, %broadcast_in_dim3A_1237] : memref<8x16xf32, #tpu.memory_space<vmem>>[vector<16xi32>, vector<16xi32>], vector<16xf32>,
      %broadcast_in_dim3A_1239 = arith.constant 6 : i32
      %broadcast_in_dim3A_1240 = vector.broadcast %broadcast_in_dim3A_1239 : i32 to vector<16xi32>
      %gather3A_1241 = tpu.vector_load_idx %arg12[%broadcast_in_dim3A_1184, %broadcast_in_dim3A_1240] : memref<8x16xf32, #tpu.memory_space<vmem>>[vector<16xi32>, vector<16xi32>], vector<16xf32>,
      %broadcast_in_dim3A_1242 = arith.constant 7 : i32
      %broadcast_in_dim3A_1243 = vector.broadcast %broadcast_in_dim3A_1242 : i32 to vector<16xi32>
      %gather3A_1244 = tpu.vector_load_idx %arg12[%broadcast_in_dim3A_1184, %broadcast_in_dim3A_1243] : memref<8x16xf32, #tpu.memory_space<vmem>>[vector<16xi32>, vector<16xi32>], vector<16xf32>,
      %broadcast_in_dim3A_1245 = arith.constant 8 : i32
      %broadcast_in_dim3A_1246 = vector.broadcast %broadcast_in_dim3A_1245 : i32 to vector<16xi32>
      %gather3A_1247 = tpu.vector_load_idx %arg12[%broadcast_in_dim3A_1184, %broadcast_in_dim3A_1246] : memref<8x16xf32, #tpu.memory_space<vmem>>[vector<16xi32>, vector<16xi32>], vector<16xf32>,
      %broadcast_in_dim3A_1248 = arith.constant 9 : i32
      %broadcast_in_dim3A_1249 = vector.broadcast %broadcast_in_dim3A_1248 : i32 to vector<16xi32>
      %gather3A_1250 = tpu.vector_load_idx %arg12[%broadcast_in_dim3A_1184, %broadcast_in_dim3A_1249] : memref<8x16xf32, #tpu.memory_space<vmem>>[vector<16xi32>, vector<16xi32>], vector<16xf32>,
      %broadcast_in_dim3A_1251 = arith.constant 10 : i32
      %broadcast_in_dim3A_1252 = vector.broadcast %broadcast_in_dim3A_1251 : i32 to vector<16xi32>
      %gather3A_1253 = tpu.vector_load_idx %arg12[%broadcast_in_dim3A_1184, %broadcast_in_dim3A_1252] : memref<8x16xf32, #tpu.memory_space<vmem>>[vector<16xi32>, vector<16xi32>], vector<16xf32>,
      %broadcast_in_dim3A_1254 = arith.constant 11 : i32
      %broadcast_in_dim3A_1255 = vector.broadcast %broadcast_in_dim3A_1254 : i32 to vector<16xi32>
      %gather3A_1256 = tpu.vector_load_idx %arg12[%broadcast_in_dim3A_1184, %broadcast_in_dim3A_1255] : memref<8x16xf32, #tpu.memory_space<vmem>>[vector<16xi32>, vector<16xi32>], vector<16xf32>,
      %broadcast_in_dim3A_1257 = arith.constant 12 : i32
      %broadcast_in_dim3A_1258 = vector.broadcast %broadcast_in_dim3A_1257 : i32 to vector<16xi32>
      %gather3A_1259 = tpu.vector_load_idx %arg12[%broadcast_in_dim3A_1184, %broadcast_in_dim3A_1258] : memref<8x16xf32, #tpu.memory_space<vmem>>[vector<16xi32>, vector<16xi32>], vector<16xf32>,
      %mul3A_1260 = arith.mulf %sub3A_1191, %sub3A_1191 : vector<16xf32>
      %mul3A_1261 = arith.mulf %sub3A_1198, %sub3A_1198 : vector<16xf32>
      %add3A_1262 = arith.addf %mul3A_1260, %mul3A_1261 : vector<16xf32>
      %mul3A_1263 = arith.mulf %sub3A_1205, %sub3A_1205 : vector<16xf32>
      %add3A_1264 = arith.addf %add3A_1262, %mul3A_1263 : vector<16xf32>
      %mul3A_1265 = arith.constant -5.000000e-01 : f32
      %mul3A_1266 = vector.broadcast %mul3A_1265 : f32 to vector<16xf32>
      %mul3A_1267 = arith.mulf %mul3A_1266, %add3A_1264 : vector<16xf32>
      %exp3A_1268 = math.exp %mul3A_1267 : vector<16xf32>
      %mul3A_1269 = arith.mulf %gather3A_1235, %sub3A_1191 : vector<16xf32>
      %mul3A_1270 = arith.mulf %gather3A_1238, %sub3A_1198 : vector<16xf32>
      %add3A_1271 = arith.addf %mul3A_1269, %mul3A_1270 : vector<16xf32>
      %mul3A_1272 = arith.mulf %gather3A_1241, %sub3A_1205 : vector<16xf32>
      %add3A_1273 = arith.addf %add3A_1271, %mul3A_1272 : vector<16xf32>
      %broadcast_in_dim3A_1274 = arith.constant 0 : i32
      %broadcast_in_dim3A_1275 = vector.broadcast %broadcast_in_dim3A_1274 : i32 to vector<16xi32>
      tpu.vector_store_idx %arg14[%add3A_1182, %broadcast_in_dim3A_1275], %add3A_1273 : memref<128x16xf32, #tpu.memory_space<vmem>>[vector<16xi32>, vector<16xi32>], vector<16xf32>,
      %mul3A_1276 = arith.mulf %gather3A_1244, %sub3A_1191 : vector<16xf32>
      %mul3A_1277 = arith.mulf %gather3A_1247, %sub3A_1198 : vector<16xf32>
      %add3A_1278 = arith.addf %mul3A_1276, %mul3A_1277 : vector<16xf32>
      %mul3A_1279 = arith.mulf %gather3A_1250, %sub3A_1205 : vector<16xf32>
      %add3A_1280 = arith.addf %add3A_1278, %mul3A_1279 : vector<16xf32>
      %broadcast_in_dim3A_1281 = arith.constant 1 : i32
      %broadcast_in_dim3A_1282 = vector.broadcast %broadcast_in_dim3A_1281 : i32 to vector<16xi32>
      tpu.vector_store_idx %arg14[%add3A_1182, %broadcast_in_dim3A_1282], %add3A_1280 : memref<128x16xf32, #tpu.memory_space<vmem>>[vector<16xi32>, vector<16xi32>], vector<16xf32>,
      %mul3A_1283 = arith.mulf %gather3A_1253, %sub3A_1191 : vector<16xf32>
      %mul3A_1284 = arith.mulf %gather3A_1256, %sub3A_1198 : vector<16xf32>
      %add3A_1285 = arith.addf %mul3A_1283, %mul3A_1284 : vector<16xf32>
      %mul3A_1286 = arith.mulf %gather3A_1259, %sub3A_1205 : vector<16xf32>
      %add3A_1287 = arith.addf %add3A_1285, %mul3A_1286 : vector<16xf32>
      %broadcast_in_dim3A_1288 = arith.constant 2 : i32
      %broadcast_in_dim3A_1289 = vector.broadcast %broadcast_in_dim3A_1288 : i32 to vector<16xi32>
      tpu.vector_store_idx %arg14[%add3A_1182, %broadcast_in_dim3A_1289], %add3A_1287 : memref<128x16xf32, #tpu.memory_space<vmem>>[vector<16xi32>, vector<16xi32>], vector<16xf32>,
      %mul3A_1290 = arith.mulf %gather3A_1235, %gather3A_1208 : vector<16xf32>
      %mul3A_1291 = arith.mulf %gather3A_1238, %gather3A_1211 : vector<16xf32>
      %add3A_1292 = arith.addf %mul3A_1290, %mul3A_1291 : vector<16xf32>
      %mul3A_1293 = arith.mulf %gather3A_1241, %gather3A_1214 : vector<16xf32>
      %add3A_1294 = arith.addf %add3A_1292, %mul3A_1293 : vector<16xf32>
      %broadcast_in_dim3A_1295 = arith.constant 3 : i32
      %broadcast_in_dim3A_1296 = vector.broadcast %broadcast_in_dim3A_1295 : i32 to vector<16xi32>
      tpu.vector_store_idx %arg14[%add3A_1182, %broadcast_in_dim3A_1296], %add3A_1294 : memref<128x16xf32, #tpu.memory_space<vmem>>[vector<16xi32>, vector<16xi32>], vector<16xf32>,
      %mul3A_1297 = arith.mulf %gather3A_1244, %gather3A_1208 : vector<16xf32>
      %mul3A_1298 = arith.mulf %gather3A_1247, %gather3A_1211 : vector<16xf32>
      %add3A_1299 = arith.addf %mul3A_1297, %mul3A_1298 : vector<16xf32>
      %mul3A_1300 = arith.mulf %gather3A_1250, %gather3A_1214 : vector<16xf32>
      %add3A_1301 = arith.addf %add3A_1299, %mul3A_1300 : vector<16xf32>
      %broadcast_in_dim3A_1302 = arith.constant 4 : i32
      %broadcast_in_dim3A_1303 = vector.broadcast %broadcast_in_dim3A_1302 : i32 to vector<16xi32>
      tpu.vector_store_idx %arg14[%add3A_1182, %broadcast_in_dim3A_1303], %add3A_1301 : memref<128x16xf32, #tpu.memory_space<vmem>>[vector<16xi32>, vector<16xi32>], vector<16xf32>,
      %mul3A_1304 = arith.mulf %gather3A_1253, %gather3A_1208 : vector<16xf32>
      %mul3A_1305 = arith.mulf %gather3A_1256, %gather3A_1211 : vector<16xf32>
      %add3A_1306 = arith.addf %mul3A_1304, %mul3A_1305 : vector<16xf32>
      %mul3A_1307 = arith.mulf %gather3A_1259, %gather3A_1214 : vector<16xf32>
      %add3A_1308 = arith.addf %add3A_1306, %mul3A_1307 : vector<16xf32>
      %broadcast_in_dim3A_1309 = arith.constant 5 : i32
      %broadcast_in_dim3A_1310 = vector.broadcast %broadcast_in_dim3A_1309 : i32 to vector<16xi32>
      tpu.vector_store_idx %arg14[%add3A_1182, %broadcast_in_dim3A_1310], %add3A_1308 : memref<128x16xf32, #tpu.memory_space<vmem>>[vector<16xi32>, vector<16xi32>], vector<16xf32>,
      %mul3A_1311 = arith.mulf %gather3A_1235, %gather3A_1217 : vector<16xf32>
      %mul3A_1312 = arith.mulf %gather3A_1238, %gather3A_1220 : vector<16xf32>
      %add3A_1313 = arith.addf %mul3A_1311, %mul3A_1312 : vector<16xf32>
      %mul3A_1314 = arith.mulf %gather3A_1241, %gather3A_1223 : vector<16xf32>
      %add3A_1315 = arith.addf %add3A_1313, %mul3A_1314 : vector<16xf32>
      %broadcast_in_dim3A_1316 = arith.constant 6 : i32
      %broadcast_in_dim3A_1317 = vector.broadcast %broadcast_in_dim3A_1316 : i32 to vector<16xi32>
      tpu.vector_store_idx %arg14[%add3A_1182, %broadcast_in_dim3A_1317], %add3A_1315 : memref<128x16xf32, #tpu.memory_space<vmem>>[vector<16xi32>, vector<16xi32>], vector<16xf32>,
      %mul3A_1318 = arith.mulf %gather3A_1244, %gather3A_1217 : vector<16xf32>
      %mul3A_1319 = arith.mulf %gather3A_1247, %gather3A_1220 : vector<16xf32>
      %add3A_1320 = arith.addf %mul3A_1318, %mul3A_1319 : vector<16xf32>
      %mul3A_1321 = arith.mulf %gather3A_1250, %gather3A_1223 : vector<16xf32>
      %add3A_1322 = arith.addf %add3A_1320, %mul3A_1321 : vector<16xf32>
      %broadcast_in_dim3A_1323 = arith.constant 7 : i32
      %broadcast_in_dim3A_1324 = vector.broadcast %broadcast_in_dim3A_1323 : i32 to vector<16xi32>
      tpu.vector_store_idx %arg14[%add3A_1182, %broadcast_in_dim3A_1324], %add3A_1322 : memref<128x16xf32, #tpu.memory_space<vmem>>[vector<16xi32>, vector<16xi32>], vector<16xf32>,
      %mul3A_1325 = arith.mulf %gather3A_1253, %gather3A_1217 : vector<16xf32>
      %mul3A_1326 = arith.mulf %gather3A_1256, %gather3A_1220 : vector<16xf32>
      %add3A_1327 = arith.addf %mul3A_1325, %mul3A_1326 : vector<16xf32>
      %mul3A_1328 = arith.mulf %gather3A_1259, %gather3A_1223 : vector<16xf32>
      %add3A_1329 = arith.addf %add3A_1327, %mul3A_1328 : vector<16xf32>
      %broadcast_in_dim3A_1330 = arith.constant 8 : i32
      %broadcast_in_dim3A_1331 = vector.broadcast %broadcast_in_dim3A_1330 : i32 to vector<16xi32>
      tpu.vector_store_idx %arg14[%add3A_1182, %broadcast_in_dim3A_1331], %add3A_1329 : memref<128x16xf32, #tpu.memory_space<vmem>>[vector<16xi32>, vector<16xi32>], vector<16xf32>,
      %mul3A_1332 = arith.mulf %gather3A_1235, %gather3A_1226 : vector<16xf32>
      %mul3A_1333 = arith.mulf %gather3A_1238, %gather3A_1229 : vector<16xf32>
      %add3A_1334 = arith.addf %mul3A_1332, %mul3A_1333 : vector<16xf32>
      %mul3A_1335 = arith.mulf %gather3A_1241, %gather3A_1232 : vector<16xf32>
      %add3A_1336 = arith.addf %add3A_1334, %mul3A_1335 : vector<16xf32>
      %broadcast_in_dim3A_1337 = arith.constant 9 : i32
      %broadcast_in_dim3A_1338 = vector.broadcast %broadcast_in_dim3A_1337 : i32 to vector<16xi32>
      tpu.vector_store_idx %arg14[%add3A_1182, %broadcast_in_dim3A_1338], %add3A_1336 : memref<128x16xf32, #tpu.memory_space<vmem>>[vector<16xi32>, vector<16xi32>], vector<16xf32>,
      %mul3A_1339 = arith.mulf %gather3A_1244, %gather3A_1226 : vector<16xf32>
      %mul3A_1340 = arith.mulf %gather3A_1247, %gather3A_1229 : vector<16xf32>
      %add3A_1341 = arith.addf %mul3A_1339, %mul3A_1340 : vector<16xf32>
      %mul3A_1342 = arith.mulf %gather3A_1250, %gather3A_1232 : vector<16xf32>
      %add3A_1343 = arith.addf %add3A_1341, %mul3A_1342 : vector<16xf32>
      %broadcast_in_dim3A_1344 = arith.constant 10 : i32
      %broadcast_in_dim3A_1345 = vector.broadcast %broadcast_in_dim3A_1344 : i32 to vector<16xi32>
      tpu.vector_store_idx %arg14[%add3A_1182, %broadcast_in_dim3A_1345], %add3A_1343 : memref<128x16xf32, #tpu.memory_space<vmem>>[vector<16xi32>, vector<16xi32>], vector<16xf32>,
      %mul3A_1346 = arith.mulf %gather3A_1253, %gather3A_1226 : vector<16xf32>
      %mul3A_1347 = arith.mulf %gather3A_1256, %gather3A_1229 : vector<16xf32>
      %add3A_1348 = arith.addf %mul3A_1346, %mul3A_1347 : vector<16xf32>
      %mul3A_1349 = arith.mulf %gather3A_1259, %gather3A_1232 : vector<16xf32>
      %add3A_1350 = arith.addf %add3A_1348, %mul3A_1349 : vector<16xf32>
      %broadcast_in_dim3A_1351 = arith.constant 11 : i32
      %broadcast_in_dim3A_1352 = vector.broadcast %broadcast_in_dim3A_1351 : i32 to vector<16xi32>
      tpu.vector_store_idx %arg14[%add3A_1182, %broadcast_in_dim3A_1352], %add3A_1350 : memref<128x16xf32, #tpu.memory_space<vmem>>[vector<16xi32>, vector<16xi32>], vector<16xf32>,
      %broadcast_in_dim3A_1353 = arith.constant 12 : i32
      %broadcast_in_dim3A_1354 = vector.broadcast %broadcast_in_dim3A_1353 : i32 to vector<16xi32>
      tpu.vector_store_idx %arg14[%add3A_1182, %broadcast_in_dim3A_1354], %exp3A_1268 : memref<128x16xf32, #tpu.memory_space<vmem>>[vector<16xi32>, vector<16xi32>], vector<16xf32>,
      %broadcast_in_dim3A_1355 = arith.constant 0.000000e+00 : f32
      %broadcast_in_dim3A_1356 = vector.broadcast %broadcast_in_dim3A_1355 : f32 to vector<16xf32>
      %broadcast_in_dim3A_1357 = arith.constant 13 : i32
      %broadcast_in_dim3A_1358 = vector.broadcast %broadcast_in_dim3A_1357 : i32 to vector<16xi32>
      tpu.vector_store_idx %arg14[%add3A_1182, %broadcast_in_dim3A_1358], %broadcast_in_dim3A_1356 : memref<128x16xf32, #tpu.memory_space<vmem>>[vector<16xi32>, vector<16xi32>], vector<16xf32>,
      %broadcast_in_dim3A_1359 = arith.constant 14 : i32
      %broadcast_in_dim3A_1360 = vector.broadcast %broadcast_in_dim3A_1359 : i32 to vector<16xi32>
      tpu.vector_store_idx %arg14[%add3A_1182, %broadcast_in_dim3A_1360], %broadcast_in_dim3A_1356 : memref<128x16xf32, #tpu.memory_space<vmem>>[vector<16xi32>, vector<16xi32>], vector<16xf32>,
      %broadcast_in_dim3A_1361 = arith.constant 15 : i32
      %broadcast_in_dim3A_1362 = vector.broadcast %broadcast_in_dim3A_1361 : i32 to vector<16xi32>
      tpu.vector_store_idx %arg14[%add3A_1182, %broadcast_in_dim3A_1362], %broadcast_in_dim3A_1356 : memref<128x16xf32, #tpu.memory_space<vmem>>[vector<16xi32>, vector<16xi32>], vector<16xf32>,
      %add3A_1363 = arith.constant 112 : i32
      %add3A_1364 = vector.broadcast %add3A_1363 : i32 to vector<16xi32>
      %add3A_1365 = arith.addi %iota3A, %add3A_1364 : vector<16xi32>
      %broadcast_in_dim3A_1366 = arith.constant 7 : i32
      %broadcast_in_dim3A_1367 = vector.broadcast %broadcast_in_dim3A_1366 : i32 to vector<16xi32>
      %broadcast_in_dim3A_1368 = arith.constant 0 : i32
      %broadcast_in_dim3A_1369 = vector.broadcast %broadcast_in_dim3A_1368 : i32 to vector<16xi32>
      %gather3A_1370 = tpu.vector_load_idx %arg10[%add3A_1365, %broadcast_in_dim3A_1369] : memref<128x16xf32, #tpu.memory_space<vmem>>[vector<16xi32>, vector<16xi32>], vector<16xf32>,
      %broadcast_in_dim3A_1371 = arith.constant 1 : i32
      %broadcast_in_dim3A_1372 = vector.broadcast %broadcast_in_dim3A_1371 : i32 to vector<16xi32>
      %gather3A_1373 = tpu.vector_load_idx %arg12[%broadcast_in_dim3A_1367, %broadcast_in_dim3A_1372] : memref<8x16xf32, #tpu.memory_space<vmem>>[vector<16xi32>, vector<16xi32>], vector<16xf32>,
      %sub3A_1374 = arith.subf %gather3A_1370, %gather3A_1373 : vector<16xf32>
      %broadcast_in_dim3A_1375 = arith.constant 1 : i32
      %broadcast_in_dim3A_1376 = vector.broadcast %broadcast_in_dim3A_1375 : i32 to vector<16xi32>
      %gather3A_1377 = tpu.vector_load_idx %arg10[%add3A_1365, %broadcast_in_dim3A_1376] : memref<128x16xf32, #tpu.memory_space<vmem>>[vector<16xi32>, vector<16xi32>], vector<16xf32>,
      %broadcast_in_dim3A_1378 = arith.constant 2 : i32
      %broadcast_in_dim3A_1379 = vector.broadcast %broadcast_in_dim3A_1378 : i32 to vector<16xi32>
      %gather3A_1380 = tpu.vector_load_idx %arg12[%broadcast_in_dim3A_1367, %broadcast_in_dim3A_1379] : memref<8x16xf32, #tpu.memory_space<vmem>>[vector<16xi32>, vector<16xi32>], vector<16xf32>,
      %sub3A_1381 = arith.subf %gather3A_1377, %gather3A_1380 : vector<16xf32>
      %broadcast_in_dim3A_1382 = arith.constant 2 : i32
      %broadcast_in_dim3A_1383 = vector.broadcast %broadcast_in_dim3A_1382 : i32 to vector<16xi32>
      %gather3A_1384 = tpu.vector_load_idx %arg10[%add3A_1365, %broadcast_in_dim3A_1383] : memref<128x16xf32, #tpu.memory_space<vmem>>[vector<16xi32>, vector<16xi32>], vector<16xf32>,
      %broadcast_in_dim3A_1385 = arith.constant 3 : i32
      %broadcast_in_dim3A_1386 = vector.broadcast %broadcast_in_dim3A_1385 : i32 to vector<16xi32>
      %gather3A_1387 = tpu.vector_load_idx %arg12[%broadcast_in_dim3A_1367, %broadcast_in_dim3A_1386] : memref<8x16xf32, #tpu.memory_space<vmem>>[vector<16xi32>, vector<16xi32>], vector<16xf32>,
      %sub3A_1388 = arith.subf %gather3A_1384, %gather3A_1387 : vector<16xf32>
      %broadcast_in_dim3A_1389 = arith.constant 3 : i32
      %broadcast_in_dim3A_1390 = vector.broadcast %broadcast_in_dim3A_1389 : i32 to vector<16xi32>
      %gather3A_1391 = tpu.vector_load_idx %arg10[%add3A_1365, %broadcast_in_dim3A_1390] : memref<128x16xf32, #tpu.memory_space<vmem>>[vector<16xi32>, vector<16xi32>], vector<16xf32>,
      %broadcast_in_dim3A_1392 = arith.constant 4 : i32
      %broadcast_in_dim3A_1393 = vector.broadcast %broadcast_in_dim3A_1392 : i32 to vector<16xi32>
      %gather3A_1394 = tpu.vector_load_idx %arg10[%add3A_1365, %broadcast_in_dim3A_1393] : memref<128x16xf32, #tpu.memory_space<vmem>>[vector<16xi32>, vector<16xi32>], vector<16xf32>,
      %broadcast_in_dim3A_1395 = arith.constant 5 : i32
      %broadcast_in_dim3A_1396 = vector.broadcast %broadcast_in_dim3A_1395 : i32 to vector<16xi32>
      %gather3A_1397 = tpu.vector_load_idx %arg10[%add3A_1365, %broadcast_in_dim3A_1396] : memref<128x16xf32, #tpu.memory_space<vmem>>[vector<16xi32>, vector<16xi32>], vector<16xf32>,
      %broadcast_in_dim3A_1398 = arith.constant 6 : i32
      %broadcast_in_dim3A_1399 = vector.broadcast %broadcast_in_dim3A_1398 : i32 to vector<16xi32>
      %gather3A_1400 = tpu.vector_load_idx %arg10[%add3A_1365, %broadcast_in_dim3A_1399] : memref<128x16xf32, #tpu.memory_space<vmem>>[vector<16xi32>, vector<16xi32>], vector<16xf32>,
      %broadcast_in_dim3A_1401 = arith.constant 7 : i32
      %broadcast_in_dim3A_1402 = vector.broadcast %broadcast_in_dim3A_1401 : i32 to vector<16xi32>
      %gather3A_1403 = tpu.vector_load_idx %arg10[%add3A_1365, %broadcast_in_dim3A_1402] : memref<128x16xf32, #tpu.memory_space<vmem>>[vector<16xi32>, vector<16xi32>], vector<16xf32>,
      %broadcast_in_dim3A_1404 = arith.constant 8 : i32
      %broadcast_in_dim3A_1405 = vector.broadcast %broadcast_in_dim3A_1404 : i32 to vector<16xi32>
      %gather3A_1406 = tpu.vector_load_idx %arg10[%add3A_1365, %broadcast_in_dim3A_1405] : memref<128x16xf32, #tpu.memory_space<vmem>>[vector<16xi32>, vector<16xi32>], vector<16xf32>,
      %broadcast_in_dim3A_1407 = arith.constant 9 : i32
      %broadcast_in_dim3A_1408 = vector.broadcast %broadcast_in_dim3A_1407 : i32 to vector<16xi32>
      %gather3A_1409 = tpu.vector_load_idx %arg10[%add3A_1365, %broadcast_in_dim3A_1408] : memref<128x16xf32, #tpu.memory_space<vmem>>[vector<16xi32>, vector<16xi32>], vector<16xf32>,
      %broadcast_in_dim3A_1410 = arith.constant 10 : i32
      %broadcast_in_dim3A_1411 = vector.broadcast %broadcast_in_dim3A_1410 : i32 to vector<16xi32>
      %gather3A_1412 = tpu.vector_load_idx %arg10[%add3A_1365, %broadcast_in_dim3A_1411] : memref<128x16xf32, #tpu.memory_space<vmem>>[vector<16xi32>, vector<16xi32>], vector<16xf32>,
      %broadcast_in_dim3A_1413 = arith.constant 11 : i32
      %broadcast_in_dim3A_1414 = vector.broadcast %broadcast_in_dim3A_1413 : i32 to vector<16xi32>
      %gather3A_1415 = tpu.vector_load_idx %arg10[%add3A_1365, %broadcast_in_dim3A_1414] : memref<128x16xf32, #tpu.memory_space<vmem>>[vector<16xi32>, vector<16xi32>], vector<16xf32>,
      %broadcast_in_dim3A_1416 = arith.constant 4 : i32
      %broadcast_in_dim3A_1417 = vector.broadcast %broadcast_in_dim3A_1416 : i32 to vector<16xi32>
      %gather3A_1418 = tpu.vector_load_idx %arg12[%broadcast_in_dim3A_1367, %broadcast_in_dim3A_1417] : memref<8x16xf32, #tpu.memory_space<vmem>>[vector<16xi32>, vector<16xi32>], vector<16xf32>,
      %broadcast_in_dim3A_1419 = arith.constant 5 : i32
      %broadcast_in_dim3A_1420 = vector.broadcast %broadcast_in_dim3A_1419 : i32 to vector<16xi32>
      %gather3A_1421 = tpu.vector_load_idx %arg12[%broadcast_in_dim3A_1367, %broadcast_in_dim3A_1420] : memref<8x16xf32, #tpu.memory_space<vmem>>[vector<16xi32>, vector<16xi32>], vector<16xf32>,
      %broadcast_in_dim3A_1422 = arith.constant 6 : i32
      %broadcast_in_dim3A_1423 = vector.broadcast %broadcast_in_dim3A_1422 : i32 to vector<16xi32>
      %gather3A_1424 = tpu.vector_load_idx %arg12[%broadcast_in_dim3A_1367, %broadcast_in_dim3A_1423] : memref<8x16xf32, #tpu.memory_space<vmem>>[vector<16xi32>, vector<16xi32>], vector<16xf32>,
      %broadcast_in_dim3A_1425 = arith.constant 7 : i32
      %broadcast_in_dim3A_1426 = vector.broadcast %broadcast_in_dim3A_1425 : i32 to vector<16xi32>
      %gather3A_1427 = tpu.vector_load_idx %arg12[%broadcast_in_dim3A_1367, %broadcast_in_dim3A_1426] : memref<8x16xf32, #tpu.memory_space<vmem>>[vector<16xi32>, vector<16xi32>], vector<16xf32>,
      %broadcast_in_dim3A_1428 = arith.constant 8 : i32
      %broadcast_in_dim3A_1429 = vector.broadcast %broadcast_in_dim3A_1428 : i32 to vector<16xi32>
      %gather3A_1430 = tpu.vector_load_idx %arg12[%broadcast_in_dim3A_1367, %broadcast_in_dim3A_1429] : memref<8x16xf32, #tpu.memory_space<vmem>>[vector<16xi32>, vector<16xi32>], vector<16xf32>,
      %broadcast_in_dim3A_1431 = arith.constant 9 : i32
      %broadcast_in_dim3A_1432 = vector.broadcast %broadcast_in_dim3A_1431 : i32 to vector<16xi32>
      %gather3A_1433 = tpu.vector_load_idx %arg12[%broadcast_in_dim3A_1367, %broadcast_in_dim3A_1432] : memref<8x16xf32, #tpu.memory_space<vmem>>[vector<16xi32>, vector<16xi32>], vector<16xf32>,
      %broadcast_in_dim3A_1434 = arith.constant 10 : i32
      %broadcast_in_dim3A_1435 = vector.broadcast %broadcast_in_dim3A_1434 : i32 to vector<16xi32>
      %gather3A_1436 = tpu.vector_load_idx %arg12[%broadcast_in_dim3A_1367, %broadcast_in_dim3A_1435] : memref<8x16xf32, #tpu.memory_space<vmem>>[vector<16xi32>, vector<16xi32>], vector<16xf32>,
      %broadcast_in_dim3A_1437 = arith.constant 11 : i32
      %broadcast_in_dim3A_1438 = vector.broadcast %broadcast_in_dim3A_1437 : i32 to vector<16xi32>
      %gather3A_1439 = tpu.vector_load_idx %arg12[%broadcast_in_dim3A_1367, %broadcast_in_dim3A_1438] : memref<8x16xf32, #tpu.memory_space<vmem>>[vector<16xi32>, vector<16xi32>], vector<16xf32>,
      %broadcast_in_dim3A_1440 = arith.constant 12 : i32
      %broadcast_in_dim3A_1441 = vector.broadcast %broadcast_in_dim3A_1440 : i32 to vector<16xi32>
      %gather3A_1442 = tpu.vector_load_idx %arg12[%broadcast_in_dim3A_1367, %broadcast_in_dim3A_1441] : memref<8x16xf32, #tpu.memory_space<vmem>>[vector<16xi32>, vector<16xi32>], vector<16xf32>,
      %mul3A_1443 = arith.mulf %sub3A_1374, %sub3A_1374 : vector<16xf32>
      %mul3A_1444 = arith.mulf %sub3A_1381, %sub3A_1381 : vector<16xf32>
      %add3A_1445 = arith.addf %mul3A_1443, %mul3A_1444 : vector<16xf32>
      %mul3A_1446 = arith.mulf %sub3A_1388, %sub3A_1388 : vector<16xf32>
      %add3A_1447 = arith.addf %add3A_1445, %mul3A_1446 : vector<16xf32>
      %mul3A_1448 = arith.constant -5.000000e-01 : f32
      %mul3A_1449 = vector.broadcast %mul3A_1448 : f32 to vector<16xf32>
      %mul3A_1450 = arith.mulf %mul3A_1449, %add3A_1447 : vector<16xf32>
      %exp3A_1451 = math.exp %mul3A_1450 : vector<16xf32>
      %mul3A_1452 = arith.mulf %gather3A_1418, %sub3A_1374 : vector<16xf32>
      %mul3A_1453 = arith.mulf %gather3A_1421, %sub3A_1381 : vector<16xf32>
      %add3A_1454 = arith.addf %mul3A_1452, %mul3A_1453 : vector<16xf32>
      %mul3A_1455 = arith.mulf %gather3A_1424, %sub3A_1388 : vector<16xf32>
      %add3A_1456 = arith.addf %add3A_1454, %mul3A_1455 : vector<16xf32>
      %broadcast_in_dim3A_1457 = arith.constant 0 : i32
      %broadcast_in_dim3A_1458 = vector.broadcast %broadcast_in_dim3A_1457 : i32 to vector<16xi32>
      tpu.vector_store_idx %arg14[%add3A_1365, %broadcast_in_dim3A_1458], %add3A_1456 : memref<128x16xf32, #tpu.memory_space<vmem>>[vector<16xi32>, vector<16xi32>], vector<16xf32>,
      %mul3A_1459 = arith.mulf %gather3A_1427, %sub3A_1374 : vector<16xf32>
      %mul3A_1460 = arith.mulf %gather3A_1430, %sub3A_1381 : vector<16xf32>
      %add3A_1461 = arith.addf %mul3A_1459, %mul3A_1460 : vector<16xf32>
      %mul3A_1462 = arith.mulf %gather3A_1433, %sub3A_1388 : vector<16xf32>
      %add3A_1463 = arith.addf %add3A_1461, %mul3A_1462 : vector<16xf32>
      %broadcast_in_dim3A_1464 = arith.constant 1 : i32
      %broadcast_in_dim3A_1465 = vector.broadcast %broadcast_in_dim3A_1464 : i32 to vector<16xi32>
      tpu.vector_store_idx %arg14[%add3A_1365, %broadcast_in_dim3A_1465], %add3A_1463 : memref<128x16xf32, #tpu.memory_space<vmem>>[vector<16xi32>, vector<16xi32>], vector<16xf32>,
      %mul3A_1466 = arith.mulf %gather3A_1436, %sub3A_1374 : vector<16xf32>
      %mul3A_1467 = arith.mulf %gather3A_1439, %sub3A_1381 : vector<16xf32>
      %add3A_1468 = arith.addf %mul3A_1466, %mul3A_1467 : vector<16xf32>
      %mul3A_1469 = arith.mulf %gather3A_1442, %sub3A_1388 : vector<16xf32>
      %add3A_1470 = arith.addf %add3A_1468, %mul3A_1469 : vector<16xf32>
      %broadcast_in_dim3A_1471 = arith.constant 2 : i32
      %broadcast_in_dim3A_1472 = vector.broadcast %broadcast_in_dim3A_1471 : i32 to vector<16xi32>
      tpu.vector_store_idx %arg14[%add3A_1365, %broadcast_in_dim3A_1472], %add3A_1470 : memref<128x16xf32, #tpu.memory_space<vmem>>[vector<16xi32>, vector<16xi32>], vector<16xf32>,
      %mul3A_1473 = arith.mulf %gather3A_1418, %gather3A_1391 : vector<16xf32>
      %mul3A_1474 = arith.mulf %gather3A_1421, %gather3A_1394 : vector<16xf32>
      %add3A_1475 = arith.addf %mul3A_1473, %mul3A_1474 : vector<16xf32>
      %mul3A_1476 = arith.mulf %gather3A_1424, %gather3A_1397 : vector<16xf32>
      %add3A_1477 = arith.addf %add3A_1475, %mul3A_1476 : vector<16xf32>
      %broadcast_in_dim3A_1478 = arith.constant 3 : i32
      %broadcast_in_dim3A_1479 = vector.broadcast %broadcast_in_dim3A_1478 : i32 to vector<16xi32>
      tpu.vector_store_idx %arg14[%add3A_1365, %broadcast_in_dim3A_1479], %add3A_1477 : memref<128x16xf32, #tpu.memory_space<vmem>>[vector<16xi32>, vector<16xi32>], vector<16xf32>,
      %mul3A_1480 = arith.mulf %gather3A_1427, %gather3A_1391 : vector<16xf32>
      %mul3A_1481 = arith.mulf %gather3A_1430, %gather3A_1394 : vector<16xf32>
      %add3A_1482 = arith.addf %mul3A_1480, %mul3A_1481 : vector<16xf32>
      %mul3A_1483 = arith.mulf %gather3A_1433, %gather3A_1397 : vector<16xf32>
      %add3A_1484 = arith.addf %add3A_1482, %mul3A_1483 : vector<16xf32>
      %broadcast_in_dim3A_1485 = arith.constant 4 : i32
      %broadcast_in_dim3A_1486 = vector.broadcast %broadcast_in_dim3A_1485 : i32 to vector<16xi32>
      tpu.vector_store_idx %arg14[%add3A_1365, %broadcast_in_dim3A_1486], %add3A_1484 : memref<128x16xf32, #tpu.memory_space<vmem>>[vector<16xi32>, vector<16xi32>], vector<16xf32>,
      %mul3A_1487 = arith.mulf %gather3A_1436, %gather3A_1391 : vector<16xf32>
      %mul3A_1488 = arith.mulf %gather3A_1439, %gather3A_1394 : vector<16xf32>
      %add3A_1489 = arith.addf %mul3A_1487, %mul3A_1488 : vector<16xf32>
      %mul3A_1490 = arith.mulf %gather3A_1442, %gather3A_1397 : vector<16xf32>
      %add3A_1491 = arith.addf %add3A_1489, %mul3A_1490 : vector<16xf32>
      %broadcast_in_dim3A_1492 = arith.constant 5 : i32
      %broadcast_in_dim3A_1493 = vector.broadcast %broadcast_in_dim3A_1492 : i32 to vector<16xi32>
      tpu.vector_store_idx %arg14[%add3A_1365, %broadcast_in_dim3A_1493], %add3A_1491 : memref<128x16xf32, #tpu.memory_space<vmem>>[vector<16xi32>, vector<16xi32>], vector<16xf32>,
      %mul3A_1494 = arith.mulf %gather3A_1418, %gather3A_1400 : vector<16xf32>
      %mul3A_1495 = arith.mulf %gather3A_1421, %gather3A_1403 : vector<16xf32>
      %add3A_1496 = arith.addf %mul3A_1494, %mul3A_1495 : vector<16xf32>
      %mul3A_1497 = arith.mulf %gather3A_1424, %gather3A_1406 : vector<16xf32>
      %add3A_1498 = arith.addf %add3A_1496, %mul3A_1497 : vector<16xf32>
      %broadcast_in_dim3A_1499 = arith.constant 6 : i32
      %broadcast_in_dim3A_1500 = vector.broadcast %broadcast_in_dim3A_1499 : i32 to vector<16xi32>
      tpu.vector_store_idx %arg14[%add3A_1365, %broadcast_in_dim3A_1500], %add3A_1498 : memref<128x16xf32, #tpu.memory_space<vmem>>[vector<16xi32>, vector<16xi32>], vector<16xf32>,
      %mul3A_1501 = arith.mulf %gather3A_1427, %gather3A_1400 : vector<16xf32>
      %mul3A_1502 = arith.mulf %gather3A_1430, %gather3A_1403 : vector<16xf32>
      %add3A_1503 = arith.addf %mul3A_1501, %mul3A_1502 : vector<16xf32>
      %mul3A_1504 = arith.mulf %gather3A_1433, %gather3A_1406 : vector<16xf32>
      %add3A_1505 = arith.addf %add3A_1503, %mul3A_1504 : vector<16xf32>
      %broadcast_in_dim3A_1506 = arith.constant 7 : i32
      %broadcast_in_dim3A_1507 = vector.broadcast %broadcast_in_dim3A_1506 : i32 to vector<16xi32>
      tpu.vector_store_idx %arg14[%add3A_1365, %broadcast_in_dim3A_1507], %add3A_1505 : memref<128x16xf32, #tpu.memory_space<vmem>>[vector<16xi32>, vector<16xi32>], vector<16xf32>,
      %mul3A_1508 = arith.mulf %gather3A_1436, %gather3A_1400 : vector<16xf32>
      %mul3A_1509 = arith.mulf %gather3A_1439, %gather3A_1403 : vector<16xf32>
      %add3A_1510 = arith.addf %mul3A_1508, %mul3A_1509 : vector<16xf32>
      %mul3A_1511 = arith.mulf %gather3A_1442, %gather3A_1406 : vector<16xf32>
      %add3A_1512 = arith.addf %add3A_1510, %mul3A_1511 : vector<16xf32>
      %broadcast_in_dim3A_1513 = arith.constant 8 : i32
      %broadcast_in_dim3A_1514 = vector.broadcast %broadcast_in_dim3A_1513 : i32 to vector<16xi32>
      tpu.vector_store_idx %arg14[%add3A_1365, %broadcast_in_dim3A_1514], %add3A_1512 : memref<128x16xf32, #tpu.memory_space<vmem>>[vector<16xi32>, vector<16xi32>], vector<16xf32>,
      %mul3A_1515 = arith.mulf %gather3A_1418, %gather3A_1409 : vector<16xf32>
      %mul3A_1516 = arith.mulf %gather3A_1421, %gather3A_1412 : vector<16xf32>
      %add3A_1517 = arith.addf %mul3A_1515, %mul3A_1516 : vector<16xf32>
      %mul3A_1518 = arith.mulf %gather3A_1424, %gather3A_1415 : vector<16xf32>
      %add3A_1519 = arith.addf %add3A_1517, %mul3A_1518 : vector<16xf32>
      %broadcast_in_dim3A_1520 = arith.constant 9 : i32
      %broadcast_in_dim3A_1521 = vector.broadcast %broadcast_in_dim3A_1520 : i32 to vector<16xi32>
      tpu.vector_store_idx %arg14[%add3A_1365, %broadcast_in_dim3A_1521], %add3A_1519 : memref<128x16xf32, #tpu.memory_space<vmem>>[vector<16xi32>, vector<16xi32>], vector<16xf32>,
      %mul3A_1522 = arith.mulf %gather3A_1427, %gather3A_1409 : vector<16xf32>
      %mul3A_1523 = arith.mulf %gather3A_1430, %gather3A_1412 : vector<16xf32>
      %add3A_1524 = arith.addf %mul3A_1522, %mul3A_1523 : vector<16xf32>
      %mul3A_1525 = arith.mulf %gather3A_1433, %gather3A_1415 : vector<16xf32>
      %add3A_1526 = arith.addf %add3A_1524, %mul3A_1525 : vector<16xf32>
      %broadcast_in_dim3A_1527 = arith.constant 10 : i32
      %broadcast_in_dim3A_1528 = vector.broadcast %broadcast_in_dim3A_1527 : i32 to vector<16xi32>
      tpu.vector_store_idx %arg14[%add3A_1365, %broadcast_in_dim3A_1528], %add3A_1526 : memref<128x16xf32, #tpu.memory_space<vmem>>[vector<16xi32>, vector<16xi32>], vector<16xf32>,
      %mul3A_1529 = arith.mulf %gather3A_1436, %gather3A_1409 : vector<16xf32>
      %mul3A_1530 = arith.mulf %gather3A_1439, %gather3A_1412 : vector<16xf32>
      %add3A_1531 = arith.addf %mul3A_1529, %mul3A_1530 : vector<16xf32>
      %mul3A_1532 = arith.mulf %gather3A_1442, %gather3A_1415 : vector<16xf32>
      %add3A_1533 = arith.addf %add3A_1531, %mul3A_1532 : vector<16xf32>
      %broadcast_in_dim3A_1534 = arith.constant 11 : i32
      %broadcast_in_dim3A_1535 = vector.broadcast %broadcast_in_dim3A_1534 : i32 to vector<16xi32>
      tpu.vector_store_idx %arg14[%add3A_1365, %broadcast_in_dim3A_1535], %add3A_1533 : memref<128x16xf32, #tpu.memory_space<vmem>>[vector<16xi32>, vector<16xi32>], vector<16xf32>,
      %broadcast_in_dim3A_1536 = arith.constant 12 : i32
      %broadcast_in_dim3A_1537 = vector.broadcast %broadcast_in_dim3A_1536 : i32 to vector<16xi32>
      tpu.vector_store_idx %arg14[%add3A_1365, %broadcast_in_dim3A_1537], %exp3A_1451 : memref<128x16xf32, #tpu.memory_space<vmem>>[vector<16xi32>, vector<16xi32>], vector<16xf32>,
      %broadcast_in_dim3A_1538 = arith.constant 0.000000e+00 : f32
      %broadcast_in_dim3A_1539 = vector.broadcast %broadcast_in_dim3A_1538 : f32 to vector<16xf32>
      %broadcast_in_dim3A_1540 = arith.constant 13 : i32
      %broadcast_in_dim3A_1541 = vector.broadcast %broadcast_in_dim3A_1540 : i32 to vector<16xi32>
      tpu.vector_store_idx %arg14[%add3A_1365, %broadcast_in_dim3A_1541], %broadcast_in_dim3A_1539 : memref<128x16xf32, #tpu.memory_space<vmem>>[vector<16xi32>, vector<16xi32>], vector<16xf32>,
      %broadcast_in_dim3A_1542 = arith.constant 14 : i32
      %broadcast_in_dim3A_1543 = vector.broadcast %broadcast_in_dim3A_1542 : i32 to vector<16xi32>
      tpu.vector_store_idx %arg14[%add3A_1365, %broadcast_in_dim3A_1543], %broadcast_in_dim3A_1539 : memref<128x16xf32, #tpu.memory_space<vmem>>[vector<16xi32>, vector<16xi32>], vector<16xf32>,
      %broadcast_in_dim3A_1544 = arith.constant 15 : i32
      %broadcast_in_dim3A_1545 = vector.broadcast %broadcast_in_dim3A_1544 : i32 to vector<16xi32>
      tpu.vector_store_idx %arg14[%add3A_1365, %broadcast_in_dim3A_1545], %broadcast_in_dim3A_1539 : memref<128x16xf32, #tpu.memory_space<vmem>>[vector<16xi32>, vector<16xi32>], vector<16xf32>,
      %mul3A_1546 = arith.constant 128 : i32
      %mul3A_1547 = arith.muli %mul3A_36, %mul3A_1546 : i32
      %add3A_1548 = arith.addi %mul3A_2, %mul3A_1547 : i32
      %run_scoped3A = arith.constant 0 : i32
      "tpu.region"() ({
        %run_scoped3A_3054 = tpu.sem_alloc : memref<!tpu.dma_semaphore, #tpu.memory_space<semaphore_mem>>
        %dma_start3A_3055 = arith.constant 0 : i32
        %dma_start3A_3056 = arith.constant 0 : i32
        %dma_start3A_3057 = tpu.memref_slice %arg9[%run_scoped3A, %dma_start3A_3055, %dma_start3A_3056] : memref<2x128x32xf32, #tpu.memory_space<vmem>> -> memref<1x128x32xf32, #tpu.memory_space<vmem>>
        %dma_start3A_3058 = tpu.memref_squeeze %dma_start3A_3057 : memref<1x128x32xf32, #tpu.memory_space<vmem>> -> memref<128x32xf32, #tpu.memory_space<vmem>>
        %dma_start3A_3059 = arith.constant 0 : i32
        %dma_start3A_3060 = tpu.memref_slice %arg6[%add3A_1548, %dma_start3A_3059] : memref<802816x32xf32, #tpu.memory_space<hbm>> -> memref<128x32xf32, #tpu.memory_space<hbm>>
        %dma_start3A_3061 = arith.constant 0 : i32
        %dma_start3A_3062 = tpu.memref_slice %arg6[%add3A_1548, %dma_start3A_3061] : memref<802816x32xf32, #tpu.memory_space<hbm>> -> memref<128x32xf32, #tpu.memory_space<hbm>>
        %dma_start3A_3063 = arith.constant 0 : i32
        %dma_start3A_3064 = arith.constant 0 : i32
        %dma_start3A_3065 = tpu.memref_slice %arg9[%run_scoped3A, %dma_start3A_3063, %dma_start3A_3064] : memref<2x128x32xf32, #tpu.memory_space<vmem>> -> memref<1x128x32xf32, #tpu.memory_space<vmem>>
        %dma_start3A_3066 = tpu.memref_squeeze %dma_start3A_3065 : memref<1x128x32xf32, #tpu.memory_space<vmem>> -> memref<128x32xf32, #tpu.memory_space<vmem>>
        tpu.enqueue_dma source(%dma_start3A_3066 : memref<128x32xf32, #tpu.memory_space<vmem>>) target(%dma_start3A_3062 : memref<128x32xf32, #tpu.memory_space<hbm>>) target_semaphore(%run_scoped3A_3054 : memref<!tpu.dma_semaphore, #tpu.memory_space<semaphore_mem>>)
        %dma_wait3A_3067 = arith.constant 0 : i32
        %dma_wait3A_3068 = arith.constant 0 : i32
        %dma_wait3A_3069 = tpu.memref_slice %arg9[%run_scoped3A, %dma_wait3A_3067, %dma_wait3A_3068] : memref<2x128x32xf32, #tpu.memory_space<vmem>> -> memref<1x128x32xf32, #tpu.memory_space<vmem>>
        %dma_wait3A_3070 = tpu.memref_squeeze %dma_wait3A_3069 : memref<1x128x32xf32, #tpu.memory_space<vmem>> -> memref<128x32xf32, #tpu.memory_space<vmem>>
        %dma_wait3A_3071 = arith.constant 0 : i32
        %dma_wait3A_3072 = tpu.memref_slice %arg6[%add3A_1548, %dma_wait3A_3071] : memref<802816x32xf32, #tpu.memory_space<hbm>> -> memref<128x32xf32, #tpu.memory_space<hbm>>
        %dma_wait3A_3073 = arith.constant 0 : i32
        %dma_wait3A_3074 = tpu.memref_slice %arg6[%add3A_1548, %dma_wait3A_3073] : memref<802816x32xf32, #tpu.memory_space<hbm>> -> memref<128x32xf32, #tpu.memory_space<hbm>>
        %dma_wait3A_3075 = arith.constant 0 : i32
        %dma_wait3A_3076 = arith.constant 0 : i32
        %dma_wait3A_3077 = tpu.memref_slice %arg9[%run_scoped3A, %dma_wait3A_3075, %dma_wait3A_3076] : memref<2x128x32xf32, #tpu.memory_space<vmem>> -> memref<1x128x32xf32, #tpu.memory_space<vmem>>
        %dma_wait3A_3078 = tpu.memref_squeeze %dma_wait3A_3077 : memref<1x128x32xf32, #tpu.memory_space<vmem>> -> memref<128x32xf32, #tpu.memory_space<vmem>>
        tpu.wait_dma2 semaphore(%run_scoped3A_3054 : memref<!tpu.dma_semaphore, #tpu.memory_space<semaphore_mem>>) src(%dma_wait3A_3078 : memref<128x32xf32, #tpu.memory_space<vmem>>) dst(%dma_wait3A_3074 : memref<128x32xf32, #tpu.memory_space<hbm>>)
        tpu.yield
      }) : () -> ()
      %mul3A_1549 = arith.constant 128 : i32
      %mul3A_1550 = arith.muli %mul3A_36, %mul3A_1549 : i32
      %add3A_1551 = arith.addi %mul3A_2, %mul3A_1550 : i32
      "tpu.region"() ({
        %run_scoped3A_3054 = tpu.sem_alloc : memref<!tpu.dma_semaphore, #tpu.memory_space<semaphore_mem>>
        %dma_start3A_3055 = arith.constant 0 : i32
        %dma_start3A_3056 = tpu.memref_slice %arg7[%add3A_1551, %dma_start3A_3055] : memref<802816x16xf32, #tpu.memory_space<hbm>> -> memref<128x16xf32, #tpu.memory_space<hbm>>
        %dma_start3A_3057 = arith.constant 0 : i32
        %dma_start3A_3058 = tpu.memref_slice %arg7[%add3A_1551, %dma_start3A_3057] : memref<802816x16xf32, #tpu.memory_space<hbm>> -> memref<128x16xf32, #tpu.memory_space<hbm>>
        tpu.enqueue_dma source(%arg14 : memref<128x16xf32, #tpu.memory_space<vmem>>) target(%dma_start3A_3058 : memref<128x16xf32, #tpu.memory_space<hbm>>) target_semaphore(%run_scoped3A_3054 : memref<!tpu.dma_semaphore, #tpu.memory_space<semaphore_mem>>)
        %dma_wait3A_3059 = arith.constant 0 : i32
        %dma_wait3A_3060 = tpu.memref_slice %arg7[%add3A_1551, %dma_wait3A_3059] : memref<802816x16xf32, #tpu.memory_space<hbm>> -> memref<128x16xf32, #tpu.memory_space<hbm>>
        %dma_wait3A_3061 = arith.constant 0 : i32
        %dma_wait3A_3062 = tpu.memref_slice %arg7[%add3A_1551, %dma_wait3A_3061] : memref<802816x16xf32, #tpu.memory_space<hbm>> -> memref<128x16xf32, #tpu.memory_space<hbm>>
        tpu.wait_dma2 semaphore(%run_scoped3A_3054 : memref<!tpu.dma_semaphore, #tpu.memory_space<semaphore_mem>>) src(%arg14 : memref<128x16xf32, #tpu.memory_space<vmem>>) dst(%dma_wait3A_3062 : memref<128x16xf32, #tpu.memory_space<hbm>>)
        tpu.yield
      }) : () -> ()
      %add3A_1552 = arith.constant 2 : i32
      %add3A_1553 = arith.addi %mul3A_36, %add3A_1552 : i32
      %lt3A = arith.constant 196 : i32
      %lt3A_1554 = arith.cmpi slt, %add3A_1553, %lt3A : i32
      %convert_element_type3A = arith.extui %lt3A_1554 : i1 to i32
      %cond3A = arith.constant 0 : i32
      %cond3A_1555 = arith.cmpi ne, %convert_element_type3A, %cond3A : i32
      scf.if %cond3A_1555 {
        %add3A_3054 = arith.constant 2 : i32
        %add3A_3055 = arith.addi %mul3A_36, %add3A_3054 : i32
        %dma_start3A_3056 = arith.constant 0 : i32
        %dma_start3A_3057 = arith.constant 0 : i32
        %dma_start3A_3058 = arith.constant 0 : i32
        %dma_start3A_3059 = tpu.memref_slice %arg9[%dma_start3A_3056, %dma_start3A_3057, %dma_start3A_3058] : memref<2x128x32xf32, #tpu.memory_space<vmem>> -> memref<1x128x32xf32, #tpu.memory_space<vmem>>
        %dma_start3A_3060 = tpu.memref_squeeze %dma_start3A_3059 : memref<1x128x32xf32, #tpu.memory_space<vmem>> -> memref<128x32xf32, #tpu.memory_space<vmem>>
        %dma_start3A_3061 = arith.constant 0 : i32
        %dma_start3A_3062 = tpu.memref_slice %arg8[%add3A_3055, %dma_start3A_3061] : memref<196x128xi32, #tpu.memory_space<vmem>> -> memref<1x128xi32, #tpu.memory_space<vmem>>
        %dma_start3A_3063 = tpu.memref_squeeze %dma_start3A_3062 : memref<1x128xi32, #tpu.memory_space<vmem>> -> memref<128xi32, #tpu.memory_space<vmem>>
        %dma_start3A_3064 = arith.constant 0 : i32
        %dma_start3A_3065 = arith.constant 0 : i32
        %dma_start3A_3066 = tpu.memref_slice %arg2[%dma_start3A_3064, %dma_start3A_3065] : memref<50000x32xf32, #tpu.memory_space<hbm>> -> memref<50000x32xf32, #tpu.memory_space<hbm>>
        tpu.enqueue_indirect_dma source(%dma_start3A_3066 : memref<50000x32xf32, #tpu.memory_space<hbm>>) target(%dma_start3A_3060 : memref<128x32xf32, #tpu.memory_space<vmem>>) offsets(%dma_start3A_3063 : memref<128xi32, #tpu.memory_space<vmem>>) semaphore(%arg15 : memref<!tpu.dma_semaphore, #tpu.memory_space<semaphore_mem>>)
        %dma_start3A_3067 = arith.constant 0 : i32
        %dma_start3A_3068 = tpu.memref_slice %arg8[%add3A_3055, %dma_start3A_3067] : memref<196x128xi32, #tpu.memory_space<vmem>> -> memref<1x128xi32, #tpu.memory_space<vmem>>
        %dma_start3A_3069 = tpu.memref_squeeze %dma_start3A_3068 : memref<1x128xi32, #tpu.memory_space<vmem>> -> memref<128xi32, #tpu.memory_space<vmem>>
        %dma_start3A_3070 = arith.constant 0 : i32
        %dma_start3A_3071 = arith.constant 0 : i32
        %dma_start3A_3072 = tpu.memref_slice %arg3[%dma_start3A_3070, %dma_start3A_3071] : memref<50000x16xf32, #tpu.memory_space<hbm>> -> memref<50000x16xf32, #tpu.memory_space<hbm>>
        tpu.enqueue_indirect_dma source(%dma_start3A_3072 : memref<50000x16xf32, #tpu.memory_space<hbm>>) target(%arg10 : memref<128x16xf32, #tpu.memory_space<vmem>>) offsets(%dma_start3A_3069 : memref<128xi32, #tpu.memory_space<vmem>>) semaphore(%arg17 : memref<!tpu.dma_semaphore, #tpu.memory_space<semaphore_mem>>)
        %mul3A_3073 = arith.constant 8 : i32
        %mul3A_3074 = arith.muli %add3A_3055, %mul3A_3073 : i32
        %add3A_3075 = arith.addi %mul3A_4, %mul3A_3074 : i32
        %dma_start3A_3076 = arith.constant 0 : i32
        %dma_start3A_3077 = tpu.memref_slice %arg4[%add3A_3075, %dma_start3A_3076] : memref<50176x16xf32, #tpu.memory_space<hbm>> -> memref<8x16xf32, #tpu.memory_space<hbm>>
        %dma_start3A_3078 = arith.constant 0 : i32
        %dma_start3A_3079 = tpu.memref_slice %arg4[%add3A_3075, %dma_start3A_3078] : memref<50176x16xf32, #tpu.memory_space<hbm>> -> memref<8x16xf32, #tpu.memory_space<hbm>>
        tpu.enqueue_dma source(%dma_start3A_3079 : memref<8x16xf32, #tpu.memory_space<hbm>>) target(%arg12 : memref<8x16xf32, #tpu.memory_space<vmem>>) target_semaphore(%arg19 : memref<!tpu.dma_semaphore, #tpu.memory_space<semaphore_mem>>)
      } else {
      }
      %add3A_1556 = arith.constant 1 : i32
      %add3A_1557 = arith.addi %mul3A_36, %add3A_1556 : i32
      %dma_wait3A_1558 = arith.constant 1 : i32
      %dma_wait3A_1559 = arith.constant 0 : i32
      %dma_wait3A_1560 = arith.constant 0 : i32
      %dma_wait3A_1561 = tpu.memref_slice %arg9[%dma_wait3A_1558, %dma_wait3A_1559, %dma_wait3A_1560] : memref<2x128x32xf32, #tpu.memory_space<vmem>> -> memref<1x128x32xf32, #tpu.memory_space<vmem>>
      %dma_wait3A_1562 = tpu.memref_squeeze %dma_wait3A_1561 : memref<1x128x32xf32, #tpu.memory_space<vmem>> -> memref<128x32xf32, #tpu.memory_space<vmem>>
      %dma_wait3A_1563 = arith.constant 0 : i32
      %dma_wait3A_1564 = tpu.memref_slice %arg8[%add3A_1557, %dma_wait3A_1563] : memref<196x128xi32, #tpu.memory_space<vmem>> -> memref<1x128xi32, #tpu.memory_space<vmem>>
      %dma_wait3A_1565 = tpu.memref_squeeze %dma_wait3A_1564 : memref<1x128xi32, #tpu.memory_space<vmem>> -> memref<128xi32, #tpu.memory_space<vmem>>
      %dma_wait3A_1566 = arith.constant 0 : i32
      %dma_wait3A_1567 = arith.constant 0 : i32
      %dma_wait3A_1568 = tpu.memref_slice %arg2[%dma_wait3A_1566, %dma_wait3A_1567] : memref<50000x32xf32, #tpu.memory_space<hbm>> -> memref<50000x32xf32, #tpu.memory_space<hbm>>
      tpu.wait_indirect_dma semaphore(%arg16 : memref<!tpu.dma_semaphore, #tpu.memory_space<semaphore_mem>>) src(%dma_wait3A_1568 : memref<50000x32xf32, #tpu.memory_space<hbm>>) dst(%dma_wait3A_1562 : memref<128x32xf32, #tpu.memory_space<vmem>>)
      %dma_wait3A_1569 = arith.constant 0 : i32
      %dma_wait3A_1570 = tpu.memref_slice %arg8[%add3A_1557, %dma_wait3A_1569] : memref<196x128xi32, #tpu.memory_space<vmem>> -> memref<1x128xi32, #tpu.memory_space<vmem>>
      %dma_wait3A_1571 = tpu.memref_squeeze %dma_wait3A_1570 : memref<1x128xi32, #tpu.memory_space<vmem>> -> memref<128xi32, #tpu.memory_space<vmem>>
      %dma_wait3A_1572 = arith.constant 0 : i32
      %dma_wait3A_1573 = arith.constant 0 : i32
      %dma_wait3A_1574 = tpu.memref_slice %arg3[%dma_wait3A_1572, %dma_wait3A_1573] : memref<50000x16xf32, #tpu.memory_space<hbm>> -> memref<50000x16xf32, #tpu.memory_space<hbm>>
      tpu.wait_indirect_dma semaphore(%arg18 : memref<!tpu.dma_semaphore, #tpu.memory_space<semaphore_mem>>) src(%dma_wait3A_1574 : memref<50000x16xf32, #tpu.memory_space<hbm>>) dst(%arg11 : memref<128x16xf32, #tpu.memory_space<vmem>>)
      %mul3A_1575 = arith.constant 8 : i32
      %mul3A_1576 = arith.muli %add3A_1557, %mul3A_1575 : i32
      %add3A_1577 = arith.addi %mul3A_4, %mul3A_1576 : i32
      %dma_wait3A_1578 = arith.constant 0 : i32
      %dma_wait3A_1579 = tpu.memref_slice %arg4[%add3A_1577, %dma_wait3A_1578] : memref<50176x16xf32, #tpu.memory_space<hbm>> -> memref<8x16xf32, #tpu.memory_space<hbm>>
      %dma_wait3A_1580 = arith.constant 0 : i32
      %dma_wait3A_1581 = tpu.memref_slice %arg4[%add3A_1577, %dma_wait3A_1580] : memref<50176x16xf32, #tpu.memory_space<hbm>> -> memref<8x16xf32, #tpu.memory_space<hbm>>
      tpu.wait_dma2 semaphore(%arg20 : memref<!tpu.dma_semaphore, #tpu.memory_space<semaphore_mem>>) src(%dma_wait3A_1581 : memref<8x16xf32, #tpu.memory_space<hbm>>) dst(%arg13 : memref<8x16xf32, #tpu.memory_space<vmem>>)
      %iota3A_1582 = tpu.iota {dimensions = array<i32: 0>} : vector<16xi32>
      %add3A_1583 = arith.constant 0 : i32
      %add3A_1584 = vector.broadcast %add3A_1583 : i32 to vector<16xi32>
      %add3A_1585 = arith.addi %iota3A_1582, %add3A_1584 : vector<16xi32>
      %broadcast_in_dim3A_1586 = arith.constant 0 : i32
      %broadcast_in_dim3A_1587 = vector.broadcast %broadcast_in_dim3A_1586 : i32 to vector<16xi32>
      %broadcast_in_dim3A_1588 = arith.constant 0 : i32
      %broadcast_in_dim3A_1589 = vector.broadcast %broadcast_in_dim3A_1588 : i32 to vector<16xi32>
      %gather3A_1590 = tpu.vector_load_idx %arg11[%add3A_1585, %broadcast_in_dim3A_1589] : memref<128x16xf32, #tpu.memory_space<vmem>>[vector<16xi32>, vector<16xi32>], vector<16xf32>,
      %broadcast_in_dim3A_1591 = arith.constant 1 : i32
      %broadcast_in_dim3A_1592 = vector.broadcast %broadcast_in_dim3A_1591 : i32 to vector<16xi32>
      %gather3A_1593 = tpu.vector_load_idx %arg13[%broadcast_in_dim3A_1587, %broadcast_in_dim3A_1592] : memref<8x16xf32, #tpu.memory_space<vmem>>[vector<16xi32>, vector<16xi32>], vector<16xf32>,
      %sub3A_1594 = arith.subf %gather3A_1590, %gather3A_1593 : vector<16xf32>
      %broadcast_in_dim3A_1595 = arith.constant 1 : i32
      %broadcast_in_dim3A_1596 = vector.broadcast %broadcast_in_dim3A_1595 : i32 to vector<16xi32>
      %gather3A_1597 = tpu.vector_load_idx %arg11[%add3A_1585, %broadcast_in_dim3A_1596] : memref<128x16xf32, #tpu.memory_space<vmem>>[vector<16xi32>, vector<16xi32>], vector<16xf32>,
      %broadcast_in_dim3A_1598 = arith.constant 2 : i32
      %broadcast_in_dim3A_1599 = vector.broadcast %broadcast_in_dim3A_1598 : i32 to vector<16xi32>
      %gather3A_1600 = tpu.vector_load_idx %arg13[%broadcast_in_dim3A_1587, %broadcast_in_dim3A_1599] : memref<8x16xf32, #tpu.memory_space<vmem>>[vector<16xi32>, vector<16xi32>], vector<16xf32>,
      %sub3A_1601 = arith.subf %gather3A_1597, %gather3A_1600 : vector<16xf32>
      %broadcast_in_dim3A_1602 = arith.constant 2 : i32
      %broadcast_in_dim3A_1603 = vector.broadcast %broadcast_in_dim3A_1602 : i32 to vector<16xi32>
      %gather3A_1604 = tpu.vector_load_idx %arg11[%add3A_1585, %broadcast_in_dim3A_1603] : memref<128x16xf32, #tpu.memory_space<vmem>>[vector<16xi32>, vector<16xi32>], vector<16xf32>,
      %broadcast_in_dim3A_1605 = arith.constant 3 : i32
      %broadcast_in_dim3A_1606 = vector.broadcast %broadcast_in_dim3A_1605 : i32 to vector<16xi32>
      %gather3A_1607 = tpu.vector_load_idx %arg13[%broadcast_in_dim3A_1587, %broadcast_in_dim3A_1606] : memref<8x16xf32, #tpu.memory_space<vmem>>[vector<16xi32>, vector<16xi32>], vector<16xf32>,
      %sub3A_1608 = arith.subf %gather3A_1604, %gather3A_1607 : vector<16xf32>
      %broadcast_in_dim3A_1609 = arith.constant 3 : i32
      %broadcast_in_dim3A_1610 = vector.broadcast %broadcast_in_dim3A_1609 : i32 to vector<16xi32>
      %gather3A_1611 = tpu.vector_load_idx %arg11[%add3A_1585, %broadcast_in_dim3A_1610] : memref<128x16xf32, #tpu.memory_space<vmem>>[vector<16xi32>, vector<16xi32>], vector<16xf32>,
      %broadcast_in_dim3A_1612 = arith.constant 4 : i32
      %broadcast_in_dim3A_1613 = vector.broadcast %broadcast_in_dim3A_1612 : i32 to vector<16xi32>
      %gather3A_1614 = tpu.vector_load_idx %arg11[%add3A_1585, %broadcast_in_dim3A_1613] : memref<128x16xf32, #tpu.memory_space<vmem>>[vector<16xi32>, vector<16xi32>], vector<16xf32>,
      %broadcast_in_dim3A_1615 = arith.constant 5 : i32
      %broadcast_in_dim3A_1616 = vector.broadcast %broadcast_in_dim3A_1615 : i32 to vector<16xi32>
      %gather3A_1617 = tpu.vector_load_idx %arg11[%add3A_1585, %broadcast_in_dim3A_1616] : memref<128x16xf32, #tpu.memory_space<vmem>>[vector<16xi32>, vector<16xi32>], vector<16xf32>,
      %broadcast_in_dim3A_1618 = arith.constant 6 : i32
      %broadcast_in_dim3A_1619 = vector.broadcast %broadcast_in_dim3A_1618 : i32 to vector<16xi32>
      %gather3A_1620 = tpu.vector_load_idx %arg11[%add3A_1585, %broadcast_in_dim3A_1619] : memref<128x16xf32, #tpu.memory_space<vmem>>[vector<16xi32>, vector<16xi32>], vector<16xf32>,
      %broadcast_in_dim3A_1621 = arith.constant 7 : i32
      %broadcast_in_dim3A_1622 = vector.broadcast %broadcast_in_dim3A_1621 : i32 to vector<16xi32>
      %gather3A_1623 = tpu.vector_load_idx %arg11[%add3A_1585, %broadcast_in_dim3A_1622] : memref<128x16xf32, #tpu.memory_space<vmem>>[vector<16xi32>, vector<16xi32>], vector<16xf32>,
      %broadcast_in_dim3A_1624 = arith.constant 8 : i32
      %broadcast_in_dim3A_1625 = vector.broadcast %broadcast_in_dim3A_1624 : i32 to vector<16xi32>
      %gather3A_1626 = tpu.vector_load_idx %arg11[%add3A_1585, %broadcast_in_dim3A_1625] : memref<128x16xf32, #tpu.memory_space<vmem>>[vector<16xi32>, vector<16xi32>], vector<16xf32>,
      %broadcast_in_dim3A_1627 = arith.constant 9 : i32
      %broadcast_in_dim3A_1628 = vector.broadcast %broadcast_in_dim3A_1627 : i32 to vector<16xi32>
      %gather3A_1629 = tpu.vector_load_idx %arg11[%add3A_1585, %broadcast_in_dim3A_1628] : memref<128x16xf32, #tpu.memory_space<vmem>>[vector<16xi32>, vector<16xi32>], vector<16xf32>,
      %broadcast_in_dim3A_1630 = arith.constant 10 : i32
      %broadcast_in_dim3A_1631 = vector.broadcast %broadcast_in_dim3A_1630 : i32 to vector<16xi32>
      %gather3A_1632 = tpu.vector_load_idx %arg11[%add3A_1585, %broadcast_in_dim3A_1631] : memref<128x16xf32, #tpu.memory_space<vmem>>[vector<16xi32>, vector<16xi32>], vector<16xf32>,
      %broadcast_in_dim3A_1633 = arith.constant 11 : i32
      %broadcast_in_dim3A_1634 = vector.broadcast %broadcast_in_dim3A_1633 : i32 to vector<16xi32>
      %gather3A_1635 = tpu.vector_load_idx %arg11[%add3A_1585, %broadcast_in_dim3A_1634] : memref<128x16xf32, #tpu.memory_space<vmem>>[vector<16xi32>, vector<16xi32>], vector<16xf32>,
      %broadcast_in_dim3A_1636 = arith.constant 4 : i32
      %broadcast_in_dim3A_1637 = vector.broadcast %broadcast_in_dim3A_1636 : i32 to vector<16xi32>
      %gather3A_1638 = tpu.vector_load_idx %arg13[%broadcast_in_dim3A_1587, %broadcast_in_dim3A_1637] : memref<8x16xf32, #tpu.memory_space<vmem>>[vector<16xi32>, vector<16xi32>], vector<16xf32>,
      %broadcast_in_dim3A_1639 = arith.constant 5 : i32
      %broadcast_in_dim3A_1640 = vector.broadcast %broadcast_in_dim3A_1639 : i32 to vector<16xi32>
      %gather3A_1641 = tpu.vector_load_idx %arg13[%broadcast_in_dim3A_1587, %broadcast_in_dim3A_1640] : memref<8x16xf32, #tpu.memory_space<vmem>>[vector<16xi32>, vector<16xi32>], vector<16xf32>,
      %broadcast_in_dim3A_1642 = arith.constant 6 : i32
      %broadcast_in_dim3A_1643 = vector.broadcast %broadcast_in_dim3A_1642 : i32 to vector<16xi32>
      %gather3A_1644 = tpu.vector_load_idx %arg13[%broadcast_in_dim3A_1587, %broadcast_in_dim3A_1643] : memref<8x16xf32, #tpu.memory_space<vmem>>[vector<16xi32>, vector<16xi32>], vector<16xf32>,
      %broadcast_in_dim3A_1645 = arith.constant 7 : i32
      %broadcast_in_dim3A_1646 = vector.broadcast %broadcast_in_dim3A_1645 : i32 to vector<16xi32>
      %gather3A_1647 = tpu.vector_load_idx %arg13[%broadcast_in_dim3A_1587, %broadcast_in_dim3A_1646] : memref<8x16xf32, #tpu.memory_space<vmem>>[vector<16xi32>, vector<16xi32>], vector<16xf32>,
      %broadcast_in_dim3A_1648 = arith.constant 8 : i32
      %broadcast_in_dim3A_1649 = vector.broadcast %broadcast_in_dim3A_1648 : i32 to vector<16xi32>
      %gather3A_1650 = tpu.vector_load_idx %arg13[%broadcast_in_dim3A_1587, %broadcast_in_dim3A_1649] : memref<8x16xf32, #tpu.memory_space<vmem>>[vector<16xi32>, vector<16xi32>], vector<16xf32>,
      %broadcast_in_dim3A_1651 = arith.constant 9 : i32
      %broadcast_in_dim3A_1652 = vector.broadcast %broadcast_in_dim3A_1651 : i32 to vector<16xi32>
      %gather3A_1653 = tpu.vector_load_idx %arg13[%broadcast_in_dim3A_1587, %broadcast_in_dim3A_1652] : memref<8x16xf32, #tpu.memory_space<vmem>>[vector<16xi32>, vector<16xi32>], vector<16xf32>,
      %broadcast_in_dim3A_1654 = arith.constant 10 : i32
      %broadcast_in_dim3A_1655 = vector.broadcast %broadcast_in_dim3A_1654 : i32 to vector<16xi32>
      %gather3A_1656 = tpu.vector_load_idx %arg13[%broadcast_in_dim3A_1587, %broadcast_in_dim3A_1655] : memref<8x16xf32, #tpu.memory_space<vmem>>[vector<16xi32>, vector<16xi32>], vector<16xf32>,
      %broadcast_in_dim3A_1657 = arith.constant 11 : i32
      %broadcast_in_dim3A_1658 = vector.broadcast %broadcast_in_dim3A_1657 : i32 to vector<16xi32>
      %gather3A_1659 = tpu.vector_load_idx %arg13[%broadcast_in_dim3A_1587, %broadcast_in_dim3A_1658] : memref<8x16xf32, #tpu.memory_space<vmem>>[vector<16xi32>, vector<16xi32>], vector<16xf32>,
      %broadcast_in_dim3A_1660 = arith.constant 12 : i32
      %broadcast_in_dim3A_1661 = vector.broadcast %broadcast_in_dim3A_1660 : i32 to vector<16xi32>
      %gather3A_1662 = tpu.vector_load_idx %arg13[%broadcast_in_dim3A_1587, %broadcast_in_dim3A_1661] : memref<8x16xf32, #tpu.memory_space<vmem>>[vector<16xi32>, vector<16xi32>], vector<16xf32>,
      %mul3A_1663 = arith.mulf %sub3A_1594, %sub3A_1594 : vector<16xf32>
      %mul3A_1664 = arith.mulf %sub3A_1601, %sub3A_1601 : vector<16xf32>
      %add3A_1665 = arith.addf %mul3A_1663, %mul3A_1664 : vector<16xf32>
      %mul3A_1666 = arith.mulf %sub3A_1608, %sub3A_1608 : vector<16xf32>
      %add3A_1667 = arith.addf %add3A_1665, %mul3A_1666 : vector<16xf32>
      %mul3A_1668 = arith.constant -5.000000e-01 : f32
      %mul3A_1669 = vector.broadcast %mul3A_1668 : f32 to vector<16xf32>
      %mul3A_1670 = arith.mulf %mul3A_1669, %add3A_1667 : vector<16xf32>
      %exp3A_1671 = math.exp %mul3A_1670 : vector<16xf32>
      %mul3A_1672 = arith.mulf %gather3A_1638, %sub3A_1594 : vector<16xf32>
      %mul3A_1673 = arith.mulf %gather3A_1641, %sub3A_1601 : vector<16xf32>
      %add3A_1674 = arith.addf %mul3A_1672, %mul3A_1673 : vector<16xf32>
      %mul3A_1675 = arith.mulf %gather3A_1644, %sub3A_1608 : vector<16xf32>
      %add3A_1676 = arith.addf %add3A_1674, %mul3A_1675 : vector<16xf32>
      %broadcast_in_dim3A_1677 = arith.constant 0 : i32
      %broadcast_in_dim3A_1678 = vector.broadcast %broadcast_in_dim3A_1677 : i32 to vector<16xi32>
      tpu.vector_store_idx %arg14[%add3A_1585, %broadcast_in_dim3A_1678], %add3A_1676 : memref<128x16xf32, #tpu.memory_space<vmem>>[vector<16xi32>, vector<16xi32>], vector<16xf32>,
      %mul3A_1679 = arith.mulf %gather3A_1647, %sub3A_1594 : vector<16xf32>
      %mul3A_1680 = arith.mulf %gather3A_1650, %sub3A_1601 : vector<16xf32>
      %add3A_1681 = arith.addf %mul3A_1679, %mul3A_1680 : vector<16xf32>
      %mul3A_1682 = arith.mulf %gather3A_1653, %sub3A_1608 : vector<16xf32>
      %add3A_1683 = arith.addf %add3A_1681, %mul3A_1682 : vector<16xf32>
      %broadcast_in_dim3A_1684 = arith.constant 1 : i32
      %broadcast_in_dim3A_1685 = vector.broadcast %broadcast_in_dim3A_1684 : i32 to vector<16xi32>
      tpu.vector_store_idx %arg14[%add3A_1585, %broadcast_in_dim3A_1685], %add3A_1683 : memref<128x16xf32, #tpu.memory_space<vmem>>[vector<16xi32>, vector<16xi32>], vector<16xf32>,
      %mul3A_1686 = arith.mulf %gather3A_1656, %sub3A_1594 : vector<16xf32>
      %mul3A_1687 = arith.mulf %gather3A_1659, %sub3A_1601 : vector<16xf32>
      %add3A_1688 = arith.addf %mul3A_1686, %mul3A_1687 : vector<16xf32>
      %mul3A_1689 = arith.mulf %gather3A_1662, %sub3A_1608 : vector<16xf32>
      %add3A_1690 = arith.addf %add3A_1688, %mul3A_1689 : vector<16xf32>
      %broadcast_in_dim3A_1691 = arith.constant 2 : i32
      %broadcast_in_dim3A_1692 = vector.broadcast %broadcast_in_dim3A_1691 : i32 to vector<16xi32>
      tpu.vector_store_idx %arg14[%add3A_1585, %broadcast_in_dim3A_1692], %add3A_1690 : memref<128x16xf32, #tpu.memory_space<vmem>>[vector<16xi32>, vector<16xi32>], vector<16xf32>,
      %mul3A_1693 = arith.mulf %gather3A_1638, %gather3A_1611 : vector<16xf32>
      %mul3A_1694 = arith.mulf %gather3A_1641, %gather3A_1614 : vector<16xf32>
      %add3A_1695 = arith.addf %mul3A_1693, %mul3A_1694 : vector<16xf32>
      %mul3A_1696 = arith.mulf %gather3A_1644, %gather3A_1617 : vector<16xf32>
      %add3A_1697 = arith.addf %add3A_1695, %mul3A_1696 : vector<16xf32>
      %broadcast_in_dim3A_1698 = arith.constant 3 : i32
      %broadcast_in_dim3A_1699 = vector.broadcast %broadcast_in_dim3A_1698 : i32 to vector<16xi32>
      tpu.vector_store_idx %arg14[%add3A_1585, %broadcast_in_dim3A_1699], %add3A_1697 : memref<128x16xf32, #tpu.memory_space<vmem>>[vector<16xi32>, vector<16xi32>], vector<16xf32>,
      %mul3A_1700 = arith.mulf %gather3A_1647, %gather3A_1611 : vector<16xf32>
      %mul3A_1701 = arith.mulf %gather3A_1650, %gather3A_1614 : vector<16xf32>
      %add3A_1702 = arith.addf %mul3A_1700, %mul3A_1701 : vector<16xf32>
      %mul3A_1703 = arith.mulf %gather3A_1653, %gather3A_1617 : vector<16xf32>
      %add3A_1704 = arith.addf %add3A_1702, %mul3A_1703 : vector<16xf32>
      %broadcast_in_dim3A_1705 = arith.constant 4 : i32
      %broadcast_in_dim3A_1706 = vector.broadcast %broadcast_in_dim3A_1705 : i32 to vector<16xi32>
      tpu.vector_store_idx %arg14[%add3A_1585, %broadcast_in_dim3A_1706], %add3A_1704 : memref<128x16xf32, #tpu.memory_space<vmem>>[vector<16xi32>, vector<16xi32>], vector<16xf32>,
      %mul3A_1707 = arith.mulf %gather3A_1656, %gather3A_1611 : vector<16xf32>
      %mul3A_1708 = arith.mulf %gather3A_1659, %gather3A_1614 : vector<16xf32>
      %add3A_1709 = arith.addf %mul3A_1707, %mul3A_1708 : vector<16xf32>
      %mul3A_1710 = arith.mulf %gather3A_1662, %gather3A_1617 : vector<16xf32>
      %add3A_1711 = arith.addf %add3A_1709, %mul3A_1710 : vector<16xf32>
      %broadcast_in_dim3A_1712 = arith.constant 5 : i32
      %broadcast_in_dim3A_1713 = vector.broadcast %broadcast_in_dim3A_1712 : i32 to vector<16xi32>
      tpu.vector_store_idx %arg14[%add3A_1585, %broadcast_in_dim3A_1713], %add3A_1711 : memref<128x16xf32, #tpu.memory_space<vmem>>[vector<16xi32>, vector<16xi32>], vector<16xf32>,
      %mul3A_1714 = arith.mulf %gather3A_1638, %gather3A_1620 : vector<16xf32>
      %mul3A_1715 = arith.mulf %gather3A_1641, %gather3A_1623 : vector<16xf32>
      %add3A_1716 = arith.addf %mul3A_1714, %mul3A_1715 : vector<16xf32>
      %mul3A_1717 = arith.mulf %gather3A_1644, %gather3A_1626 : vector<16xf32>
      %add3A_1718 = arith.addf %add3A_1716, %mul3A_1717 : vector<16xf32>
      %broadcast_in_dim3A_1719 = arith.constant 6 : i32
      %broadcast_in_dim3A_1720 = vector.broadcast %broadcast_in_dim3A_1719 : i32 to vector<16xi32>
      tpu.vector_store_idx %arg14[%add3A_1585, %broadcast_in_dim3A_1720], %add3A_1718 : memref<128x16xf32, #tpu.memory_space<vmem>>[vector<16xi32>, vector<16xi32>], vector<16xf32>,
      %mul3A_1721 = arith.mulf %gather3A_1647, %gather3A_1620 : vector<16xf32>
      %mul3A_1722 = arith.mulf %gather3A_1650, %gather3A_1623 : vector<16xf32>
      %add3A_1723 = arith.addf %mul3A_1721, %mul3A_1722 : vector<16xf32>
      %mul3A_1724 = arith.mulf %gather3A_1653, %gather3A_1626 : vector<16xf32>
      %add3A_1725 = arith.addf %add3A_1723, %mul3A_1724 : vector<16xf32>
      %broadcast_in_dim3A_1726 = arith.constant 7 : i32
      %broadcast_in_dim3A_1727 = vector.broadcast %broadcast_in_dim3A_1726 : i32 to vector<16xi32>
      tpu.vector_store_idx %arg14[%add3A_1585, %broadcast_in_dim3A_1727], %add3A_1725 : memref<128x16xf32, #tpu.memory_space<vmem>>[vector<16xi32>, vector<16xi32>], vector<16xf32>,
      %mul3A_1728 = arith.mulf %gather3A_1656, %gather3A_1620 : vector<16xf32>
      %mul3A_1729 = arith.mulf %gather3A_1659, %gather3A_1623 : vector<16xf32>
      %add3A_1730 = arith.addf %mul3A_1728, %mul3A_1729 : vector<16xf32>
      %mul3A_1731 = arith.mulf %gather3A_1662, %gather3A_1626 : vector<16xf32>
      %add3A_1732 = arith.addf %add3A_1730, %mul3A_1731 : vector<16xf32>
      %broadcast_in_dim3A_1733 = arith.constant 8 : i32
      %broadcast_in_dim3A_1734 = vector.broadcast %broadcast_in_dim3A_1733 : i32 to vector<16xi32>
      tpu.vector_store_idx %arg14[%add3A_1585, %broadcast_in_dim3A_1734], %add3A_1732 : memref<128x16xf32, #tpu.memory_space<vmem>>[vector<16xi32>, vector<16xi32>], vector<16xf32>,
      %mul3A_1735 = arith.mulf %gather3A_1638, %gather3A_1629 : vector<16xf32>
      %mul3A_1736 = arith.mulf %gather3A_1641, %gather3A_1632 : vector<16xf32>
      %add3A_1737 = arith.addf %mul3A_1735, %mul3A_1736 : vector<16xf32>
      %mul3A_1738 = arith.mulf %gather3A_1644, %gather3A_1635 : vector<16xf32>
      %add3A_1739 = arith.addf %add3A_1737, %mul3A_1738 : vector<16xf32>
      %broadcast_in_dim3A_1740 = arith.constant 9 : i32
      %broadcast_in_dim3A_1741 = vector.broadcast %broadcast_in_dim3A_1740 : i32 to vector<16xi32>
      tpu.vector_store_idx %arg14[%add3A_1585, %broadcast_in_dim3A_1741], %add3A_1739 : memref<128x16xf32, #tpu.memory_space<vmem>>[vector<16xi32>, vector<16xi32>], vector<16xf32>,
      %mul3A_1742 = arith.mulf %gather3A_1647, %gather3A_1629 : vector<16xf32>
      %mul3A_1743 = arith.mulf %gather3A_1650, %gather3A_1632 : vector<16xf32>
      %add3A_1744 = arith.addf %mul3A_1742, %mul3A_1743 : vector<16xf32>
      %mul3A_1745 = arith.mulf %gather3A_1653, %gather3A_1635 : vector<16xf32>
      %add3A_1746 = arith.addf %add3A_1744, %mul3A_1745 : vector<16xf32>
      %broadcast_in_dim3A_1747 = arith.constant 10 : i32
      %broadcast_in_dim3A_1748 = vector.broadcast %broadcast_in_dim3A_1747 : i32 to vector<16xi32>
      tpu.vector_store_idx %arg14[%add3A_1585, %broadcast_in_dim3A_1748], %add3A_1746 : memref<128x16xf32, #tpu.memory_space<vmem>>[vector<16xi32>, vector<16xi32>], vector<16xf32>,
      %mul3A_1749 = arith.mulf %gather3A_1656, %gather3A_1629 : vector<16xf32>
      %mul3A_1750 = arith.mulf %gather3A_1659, %gather3A_1632 : vector<16xf32>
      %add3A_1751 = arith.addf %mul3A_1749, %mul3A_1750 : vector<16xf32>
      %mul3A_1752 = arith.mulf %gather3A_1662, %gather3A_1635 : vector<16xf32>
      %add3A_1753 = arith.addf %add3A_1751, %mul3A_1752 : vector<16xf32>
      %broadcast_in_dim3A_1754 = arith.constant 11 : i32
      %broadcast_in_dim3A_1755 = vector.broadcast %broadcast_in_dim3A_1754 : i32 to vector<16xi32>
      tpu.vector_store_idx %arg14[%add3A_1585, %broadcast_in_dim3A_1755], %add3A_1753 : memref<128x16xf32, #tpu.memory_space<vmem>>[vector<16xi32>, vector<16xi32>], vector<16xf32>,
      %broadcast_in_dim3A_1756 = arith.constant 12 : i32
      %broadcast_in_dim3A_1757 = vector.broadcast %broadcast_in_dim3A_1756 : i32 to vector<16xi32>
      tpu.vector_store_idx %arg14[%add3A_1585, %broadcast_in_dim3A_1757], %exp3A_1671 : memref<128x16xf32, #tpu.memory_space<vmem>>[vector<16xi32>, vector<16xi32>], vector<16xf32>,
      %broadcast_in_dim3A_1758 = arith.constant 0.000000e+00 : f32
      %broadcast_in_dim3A_1759 = vector.broadcast %broadcast_in_dim3A_1758 : f32 to vector<16xf32>
      %broadcast_in_dim3A_1760 = arith.constant 13 : i32
      %broadcast_in_dim3A_1761 = vector.broadcast %broadcast_in_dim3A_1760 : i32 to vector<16xi32>
      tpu.vector_store_idx %arg14[%add3A_1585, %broadcast_in_dim3A_1761], %broadcast_in_dim3A_1759 : memref<128x16xf32, #tpu.memory_space<vmem>>[vector<16xi32>, vector<16xi32>], vector<16xf32>,
      %broadcast_in_dim3A_1762 = arith.constant 14 : i32
      %broadcast_in_dim3A_1763 = vector.broadcast %broadcast_in_dim3A_1762 : i32 to vector<16xi32>
      tpu.vector_store_idx %arg14[%add3A_1585, %broadcast_in_dim3A_1763], %broadcast_in_dim3A_1759 : memref<128x16xf32, #tpu.memory_space<vmem>>[vector<16xi32>, vector<16xi32>], vector<16xf32>,
      %broadcast_in_dim3A_1764 = arith.constant 15 : i32
      %broadcast_in_dim3A_1765 = vector.broadcast %broadcast_in_dim3A_1764 : i32 to vector<16xi32>
      tpu.vector_store_idx %arg14[%add3A_1585, %broadcast_in_dim3A_1765], %broadcast_in_dim3A_1759 : memref<128x16xf32, #tpu.memory_space<vmem>>[vector<16xi32>, vector<16xi32>], vector<16xf32>,
      %add3A_1766 = arith.constant 16 : i32
      %add3A_1767 = vector.broadcast %add3A_1766 : i32 to vector<16xi32>
      %add3A_1768 = arith.addi %iota3A_1582, %add3A_1767 : vector<16xi32>
      %broadcast_in_dim3A_1769 = arith.constant 1 : i32
      %broadcast_in_dim3A_1770 = vector.broadcast %broadcast_in_dim3A_1769 : i32 to vector<16xi32>
      %broadcast_in_dim3A_1771 = arith.constant 0 : i32
      %broadcast_in_dim3A_1772 = vector.broadcast %broadcast_in_dim3A_1771 : i32 to vector<16xi32>
      %gather3A_1773 = tpu.vector_load_idx %arg11[%add3A_1768, %broadcast_in_dim3A_1772] : memref<128x16xf32, #tpu.memory_space<vmem>>[vector<16xi32>, vector<16xi32>], vector<16xf32>,
      %broadcast_in_dim3A_1774 = arith.constant 1 : i32
      %broadcast_in_dim3A_1775 = vector.broadcast %broadcast_in_dim3A_1774 : i32 to vector<16xi32>
      %gather3A_1776 = tpu.vector_load_idx %arg13[%broadcast_in_dim3A_1770, %broadcast_in_dim3A_1775] : memref<8x16xf32, #tpu.memory_space<vmem>>[vector<16xi32>, vector<16xi32>], vector<16xf32>,
      %sub3A_1777 = arith.subf %gather3A_1773, %gather3A_1776 : vector<16xf32>
      %broadcast_in_dim3A_1778 = arith.constant 1 : i32
      %broadcast_in_dim3A_1779 = vector.broadcast %broadcast_in_dim3A_1778 : i32 to vector<16xi32>
      %gather3A_1780 = tpu.vector_load_idx %arg11[%add3A_1768, %broadcast_in_dim3A_1779] : memref<128x16xf32, #tpu.memory_space<vmem>>[vector<16xi32>, vector<16xi32>], vector<16xf32>,
      %broadcast_in_dim3A_1781 = arith.constant 2 : i32
      %broadcast_in_dim3A_1782 = vector.broadcast %broadcast_in_dim3A_1781 : i32 to vector<16xi32>
      %gather3A_1783 = tpu.vector_load_idx %arg13[%broadcast_in_dim3A_1770, %broadcast_in_dim3A_1782] : memref<8x16xf32, #tpu.memory_space<vmem>>[vector<16xi32>, vector<16xi32>], vector<16xf32>,
      %sub3A_1784 = arith.subf %gather3A_1780, %gather3A_1783 : vector<16xf32>
      %broadcast_in_dim3A_1785 = arith.constant 2 : i32
      %broadcast_in_dim3A_1786 = vector.broadcast %broadcast_in_dim3A_1785 : i32 to vector<16xi32>
      %gather3A_1787 = tpu.vector_load_idx %arg11[%add3A_1768, %broadcast_in_dim3A_1786] : memref<128x16xf32, #tpu.memory_space<vmem>>[vector<16xi32>, vector<16xi32>], vector<16xf32>,
      %broadcast_in_dim3A_1788 = arith.constant 3 : i32
      %broadcast_in_dim3A_1789 = vector.broadcast %broadcast_in_dim3A_1788 : i32 to vector<16xi32>
      %gather3A_1790 = tpu.vector_load_idx %arg13[%broadcast_in_dim3A_1770, %broadcast_in_dim3A_1789] : memref<8x16xf32, #tpu.memory_space<vmem>>[vector<16xi32>, vector<16xi32>], vector<16xf32>,
      %sub3A_1791 = arith.subf %gather3A_1787, %gather3A_1790 : vector<16xf32>
      %broadcast_in_dim3A_1792 = arith.constant 3 : i32
      %broadcast_in_dim3A_1793 = vector.broadcast %broadcast_in_dim3A_1792 : i32 to vector<16xi32>
      %gather3A_1794 = tpu.vector_load_idx %arg11[%add3A_1768, %broadcast_in_dim3A_1793] : memref<128x16xf32, #tpu.memory_space<vmem>>[vector<16xi32>, vector<16xi32>], vector<16xf32>,
      %broadcast_in_dim3A_1795 = arith.constant 4 : i32
      %broadcast_in_dim3A_1796 = vector.broadcast %broadcast_in_dim3A_1795 : i32 to vector<16xi32>
      %gather3A_1797 = tpu.vector_load_idx %arg11[%add3A_1768, %broadcast_in_dim3A_1796] : memref<128x16xf32, #tpu.memory_space<vmem>>[vector<16xi32>, vector<16xi32>], vector<16xf32>,
      %broadcast_in_dim3A_1798 = arith.constant 5 : i32
      %broadcast_in_dim3A_1799 = vector.broadcast %broadcast_in_dim3A_1798 : i32 to vector<16xi32>
      %gather3A_1800 = tpu.vector_load_idx %arg11[%add3A_1768, %broadcast_in_dim3A_1799] : memref<128x16xf32, #tpu.memory_space<vmem>>[vector<16xi32>, vector<16xi32>], vector<16xf32>,
      %broadcast_in_dim3A_1801 = arith.constant 6 : i32
      %broadcast_in_dim3A_1802 = vector.broadcast %broadcast_in_dim3A_1801 : i32 to vector<16xi32>
      %gather3A_1803 = tpu.vector_load_idx %arg11[%add3A_1768, %broadcast_in_dim3A_1802] : memref<128x16xf32, #tpu.memory_space<vmem>>[vector<16xi32>, vector<16xi32>], vector<16xf32>,
      %broadcast_in_dim3A_1804 = arith.constant 7 : i32
      %broadcast_in_dim3A_1805 = vector.broadcast %broadcast_in_dim3A_1804 : i32 to vector<16xi32>
      %gather3A_1806 = tpu.vector_load_idx %arg11[%add3A_1768, %broadcast_in_dim3A_1805] : memref<128x16xf32, #tpu.memory_space<vmem>>[vector<16xi32>, vector<16xi32>], vector<16xf32>,
      %broadcast_in_dim3A_1807 = arith.constant 8 : i32
      %broadcast_in_dim3A_1808 = vector.broadcast %broadcast_in_dim3A_1807 : i32 to vector<16xi32>
      %gather3A_1809 = tpu.vector_load_idx %arg11[%add3A_1768, %broadcast_in_dim3A_1808] : memref<128x16xf32, #tpu.memory_space<vmem>>[vector<16xi32>, vector<16xi32>], vector<16xf32>,
      %broadcast_in_dim3A_1810 = arith.constant 9 : i32
      %broadcast_in_dim3A_1811 = vector.broadcast %broadcast_in_dim3A_1810 : i32 to vector<16xi32>
      %gather3A_1812 = tpu.vector_load_idx %arg11[%add3A_1768, %broadcast_in_dim3A_1811] : memref<128x16xf32, #tpu.memory_space<vmem>>[vector<16xi32>, vector<16xi32>], vector<16xf32>,
      %broadcast_in_dim3A_1813 = arith.constant 10 : i32
      %broadcast_in_dim3A_1814 = vector.broadcast %broadcast_in_dim3A_1813 : i32 to vector<16xi32>
      %gather3A_1815 = tpu.vector_load_idx %arg11[%add3A_1768, %broadcast_in_dim3A_1814] : memref<128x16xf32, #tpu.memory_space<vmem>>[vector<16xi32>, vector<16xi32>], vector<16xf32>,
      %broadcast_in_dim3A_1816 = arith.constant 11 : i32
      %broadcast_in_dim3A_1817 = vector.broadcast %broadcast_in_dim3A_1816 : i32 to vector<16xi32>
      %gather3A_1818 = tpu.vector_load_idx %arg11[%add3A_1768, %broadcast_in_dim3A_1817] : memref<128x16xf32, #tpu.memory_space<vmem>>[vector<16xi32>, vector<16xi32>], vector<16xf32>,
      %broadcast_in_dim3A_1819 = arith.constant 4 : i32
      %broadcast_in_dim3A_1820 = vector.broadcast %broadcast_in_dim3A_1819 : i32 to vector<16xi32>
      %gather3A_1821 = tpu.vector_load_idx %arg13[%broadcast_in_dim3A_1770, %broadcast_in_dim3A_1820] : memref<8x16xf32, #tpu.memory_space<vmem>>[vector<16xi32>, vector<16xi32>], vector<16xf32>,
      %broadcast_in_dim3A_1822 = arith.constant 5 : i32
      %broadcast_in_dim3A_1823 = vector.broadcast %broadcast_in_dim3A_1822 : i32 to vector<16xi32>
      %gather3A_1824 = tpu.vector_load_idx %arg13[%broadcast_in_dim3A_1770, %broadcast_in_dim3A_1823] : memref<8x16xf32, #tpu.memory_space<vmem>>[vector<16xi32>, vector<16xi32>], vector<16xf32>,
      %broadcast_in_dim3A_1825 = arith.constant 6 : i32
      %broadcast_in_dim3A_1826 = vector.broadcast %broadcast_in_dim3A_1825 : i32 to vector<16xi32>
      %gather3A_1827 = tpu.vector_load_idx %arg13[%broadcast_in_dim3A_1770, %broadcast_in_dim3A_1826] : memref<8x16xf32, #tpu.memory_space<vmem>>[vector<16xi32>, vector<16xi32>], vector<16xf32>,
      %broadcast_in_dim3A_1828 = arith.constant 7 : i32
      %broadcast_in_dim3A_1829 = vector.broadcast %broadcast_in_dim3A_1828 : i32 to vector<16xi32>
      %gather3A_1830 = tpu.vector_load_idx %arg13[%broadcast_in_dim3A_1770, %broadcast_in_dim3A_1829] : memref<8x16xf32, #tpu.memory_space<vmem>>[vector<16xi32>, vector<16xi32>], vector<16xf32>,
      %broadcast_in_dim3A_1831 = arith.constant 8 : i32
      %broadcast_in_dim3A_1832 = vector.broadcast %broadcast_in_dim3A_1831 : i32 to vector<16xi32>
      %gather3A_1833 = tpu.vector_load_idx %arg13[%broadcast_in_dim3A_1770, %broadcast_in_dim3A_1832] : memref<8x16xf32, #tpu.memory_space<vmem>>[vector<16xi32>, vector<16xi32>], vector<16xf32>,
      %broadcast_in_dim3A_1834 = arith.constant 9 : i32
      %broadcast_in_dim3A_1835 = vector.broadcast %broadcast_in_dim3A_1834 : i32 to vector<16xi32>
      %gather3A_1836 = tpu.vector_load_idx %arg13[%broadcast_in_dim3A_1770, %broadcast_in_dim3A_1835] : memref<8x16xf32, #tpu.memory_space<vmem>>[vector<16xi32>, vector<16xi32>], vector<16xf32>,
      %broadcast_in_dim3A_1837 = arith.constant 10 : i32
      %broadcast_in_dim3A_1838 = vector.broadcast %broadcast_in_dim3A_1837 : i32 to vector<16xi32>
      %gather3A_1839 = tpu.vector_load_idx %arg13[%broadcast_in_dim3A_1770, %broadcast_in_dim3A_1838] : memref<8x16xf32, #tpu.memory_space<vmem>>[vector<16xi32>, vector<16xi32>], vector<16xf32>,
      %broadcast_in_dim3A_1840 = arith.constant 11 : i32
      %broadcast_in_dim3A_1841 = vector.broadcast %broadcast_in_dim3A_1840 : i32 to vector<16xi32>
      %gather3A_1842 = tpu.vector_load_idx %arg13[%broadcast_in_dim3A_1770, %broadcast_in_dim3A_1841] : memref<8x16xf32, #tpu.memory_space<vmem>>[vector<16xi32>, vector<16xi32>], vector<16xf32>,
      %broadcast_in_dim3A_1843 = arith.constant 12 : i32
      %broadcast_in_dim3A_1844 = vector.broadcast %broadcast_in_dim3A_1843 : i32 to vector<16xi32>
      %gather3A_1845 = tpu.vector_load_idx %arg13[%broadcast_in_dim3A_1770, %broadcast_in_dim3A_1844] : memref<8x16xf32, #tpu.memory_space<vmem>>[vector<16xi32>, vector<16xi32>], vector<16xf32>,
      %mul3A_1846 = arith.mulf %sub3A_1777, %sub3A_1777 : vector<16xf32>
      %mul3A_1847 = arith.mulf %sub3A_1784, %sub3A_1784 : vector<16xf32>
      %add3A_1848 = arith.addf %mul3A_1846, %mul3A_1847 : vector<16xf32>
      %mul3A_1849 = arith.mulf %sub3A_1791, %sub3A_1791 : vector<16xf32>
      %add3A_1850 = arith.addf %add3A_1848, %mul3A_1849 : vector<16xf32>
      %mul3A_1851 = arith.constant -5.000000e-01 : f32
      %mul3A_1852 = vector.broadcast %mul3A_1851 : f32 to vector<16xf32>
      %mul3A_1853 = arith.mulf %mul3A_1852, %add3A_1850 : vector<16xf32>
      %exp3A_1854 = math.exp %mul3A_1853 : vector<16xf32>
      %mul3A_1855 = arith.mulf %gather3A_1821, %sub3A_1777 : vector<16xf32>
      %mul3A_1856 = arith.mulf %gather3A_1824, %sub3A_1784 : vector<16xf32>
      %add3A_1857 = arith.addf %mul3A_1855, %mul3A_1856 : vector<16xf32>
      %mul3A_1858 = arith.mulf %gather3A_1827, %sub3A_1791 : vector<16xf32>
      %add3A_1859 = arith.addf %add3A_1857, %mul3A_1858 : vector<16xf32>
      %broadcast_in_dim3A_1860 = arith.constant 0 : i32
      %broadcast_in_dim3A_1861 = vector.broadcast %broadcast_in_dim3A_1860 : i32 to vector<16xi32>
      tpu.vector_store_idx %arg14[%add3A_1768, %broadcast_in_dim3A_1861], %add3A_1859 : memref<128x16xf32, #tpu.memory_space<vmem>>[vector<16xi32>, vector<16xi32>], vector<16xf32>,
      %mul3A_1862 = arith.mulf %gather3A_1830, %sub3A_1777 : vector<16xf32>
      %mul3A_1863 = arith.mulf %gather3A_1833, %sub3A_1784 : vector<16xf32>
      %add3A_1864 = arith.addf %mul3A_1862, %mul3A_1863 : vector<16xf32>
      %mul3A_1865 = arith.mulf %gather3A_1836, %sub3A_1791 : vector<16xf32>
      %add3A_1866 = arith.addf %add3A_1864, %mul3A_1865 : vector<16xf32>
      %broadcast_in_dim3A_1867 = arith.constant 1 : i32
      %broadcast_in_dim3A_1868 = vector.broadcast %broadcast_in_dim3A_1867 : i32 to vector<16xi32>
      tpu.vector_store_idx %arg14[%add3A_1768, %broadcast_in_dim3A_1868], %add3A_1866 : memref<128x16xf32, #tpu.memory_space<vmem>>[vector<16xi32>, vector<16xi32>], vector<16xf32>,
      %mul3A_1869 = arith.mulf %gather3A_1839, %sub3A_1777 : vector<16xf32>
      %mul3A_1870 = arith.mulf %gather3A_1842, %sub3A_1784 : vector<16xf32>
      %add3A_1871 = arith.addf %mul3A_1869, %mul3A_1870 : vector<16xf32>
      %mul3A_1872 = arith.mulf %gather3A_1845, %sub3A_1791 : vector<16xf32>
      %add3A_1873 = arith.addf %add3A_1871, %mul3A_1872 : vector<16xf32>
      %broadcast_in_dim3A_1874 = arith.constant 2 : i32
      %broadcast_in_dim3A_1875 = vector.broadcast %broadcast_in_dim3A_1874 : i32 to vector<16xi32>
      tpu.vector_store_idx %arg14[%add3A_1768, %broadcast_in_dim3A_1875], %add3A_1873 : memref<128x16xf32, #tpu.memory_space<vmem>>[vector<16xi32>, vector<16xi32>], vector<16xf32>,
      %mul3A_1876 = arith.mulf %gather3A_1821, %gather3A_1794 : vector<16xf32>
      %mul3A_1877 = arith.mulf %gather3A_1824, %gather3A_1797 : vector<16xf32>
      %add3A_1878 = arith.addf %mul3A_1876, %mul3A_1877 : vector<16xf32>
      %mul3A_1879 = arith.mulf %gather3A_1827, %gather3A_1800 : vector<16xf32>
      %add3A_1880 = arith.addf %add3A_1878, %mul3A_1879 : vector<16xf32>
      %broadcast_in_dim3A_1881 = arith.constant 3 : i32
      %broadcast_in_dim3A_1882 = vector.broadcast %broadcast_in_dim3A_1881 : i32 to vector<16xi32>
      tpu.vector_store_idx %arg14[%add3A_1768, %broadcast_in_dim3A_1882], %add3A_1880 : memref<128x16xf32, #tpu.memory_space<vmem>>[vector<16xi32>, vector<16xi32>], vector<16xf32>,
      %mul3A_1883 = arith.mulf %gather3A_1830, %gather3A_1794 : vector<16xf32>
      %mul3A_1884 = arith.mulf %gather3A_1833, %gather3A_1797 : vector<16xf32>
      %add3A_1885 = arith.addf %mul3A_1883, %mul3A_1884 : vector<16xf32>
      %mul3A_1886 = arith.mulf %gather3A_1836, %gather3A_1800 : vector<16xf32>
      %add3A_1887 = arith.addf %add3A_1885, %mul3A_1886 : vector<16xf32>
      %broadcast_in_dim3A_1888 = arith.constant 4 : i32
      %broadcast_in_dim3A_1889 = vector.broadcast %broadcast_in_dim3A_1888 : i32 to vector<16xi32>
      tpu.vector_store_idx %arg14[%add3A_1768, %broadcast_in_dim3A_1889], %add3A_1887 : memref<128x16xf32, #tpu.memory_space<vmem>>[vector<16xi32>, vector<16xi32>], vector<16xf32>,
      %mul3A_1890 = arith.mulf %gather3A_1839, %gather3A_1794 : vector<16xf32>
      %mul3A_1891 = arith.mulf %gather3A_1842, %gather3A_1797 : vector<16xf32>
      %add3A_1892 = arith.addf %mul3A_1890, %mul3A_1891 : vector<16xf32>
      %mul3A_1893 = arith.mulf %gather3A_1845, %gather3A_1800 : vector<16xf32>
      %add3A_1894 = arith.addf %add3A_1892, %mul3A_1893 : vector<16xf32>
      %broadcast_in_dim3A_1895 = arith.constant 5 : i32
      %broadcast_in_dim3A_1896 = vector.broadcast %broadcast_in_dim3A_1895 : i32 to vector<16xi32>
      tpu.vector_store_idx %arg14[%add3A_1768, %broadcast_in_dim3A_1896], %add3A_1894 : memref<128x16xf32, #tpu.memory_space<vmem>>[vector<16xi32>, vector<16xi32>], vector<16xf32>,
      %mul3A_1897 = arith.mulf %gather3A_1821, %gather3A_1803 : vector<16xf32>
      %mul3A_1898 = arith.mulf %gather3A_1824, %gather3A_1806 : vector<16xf32>
      %add3A_1899 = arith.addf %mul3A_1897, %mul3A_1898 : vector<16xf32>
      %mul3A_1900 = arith.mulf %gather3A_1827, %gather3A_1809 : vector<16xf32>
      %add3A_1901 = arith.addf %add3A_1899, %mul3A_1900 : vector<16xf32>
      %broadcast_in_dim3A_1902 = arith.constant 6 : i32
      %broadcast_in_dim3A_1903 = vector.broadcast %broadcast_in_dim3A_1902 : i32 to vector<16xi32>
      tpu.vector_store_idx %arg14[%add3A_1768, %broadcast_in_dim3A_1903], %add3A_1901 : memref<128x16xf32, #tpu.memory_space<vmem>>[vector<16xi32>, vector<16xi32>], vector<16xf32>,
      %mul3A_1904 = arith.mulf %gather3A_1830, %gather3A_1803 : vector<16xf32>
      %mul3A_1905 = arith.mulf %gather3A_1833, %gather3A_1806 : vector<16xf32>
      %add3A_1906 = arith.addf %mul3A_1904, %mul3A_1905 : vector<16xf32>
      %mul3A_1907 = arith.mulf %gather3A_1836, %gather3A_1809 : vector<16xf32>
      %add3A_1908 = arith.addf %add3A_1906, %mul3A_1907 : vector<16xf32>
      %broadcast_in_dim3A_1909 = arith.constant 7 : i32
      %broadcast_in_dim3A_1910 = vector.broadcast %broadcast_in_dim3A_1909 : i32 to vector<16xi32>
      tpu.vector_store_idx %arg14[%add3A_1768, %broadcast_in_dim3A_1910], %add3A_1908 : memref<128x16xf32, #tpu.memory_space<vmem>>[vector<16xi32>, vector<16xi32>], vector<16xf32>,
      %mul3A_1911 = arith.mulf %gather3A_1839, %gather3A_1803 : vector<16xf32>
      %mul3A_1912 = arith.mulf %gather3A_1842, %gather3A_1806 : vector<16xf32>
      %add3A_1913 = arith.addf %mul3A_1911, %mul3A_1912 : vector<16xf32>
      %mul3A_1914 = arith.mulf %gather3A_1845, %gather3A_1809 : vector<16xf32>
      %add3A_1915 = arith.addf %add3A_1913, %mul3A_1914 : vector<16xf32>
      %broadcast_in_dim3A_1916 = arith.constant 8 : i32
      %broadcast_in_dim3A_1917 = vector.broadcast %broadcast_in_dim3A_1916 : i32 to vector<16xi32>
      tpu.vector_store_idx %arg14[%add3A_1768, %broadcast_in_dim3A_1917], %add3A_1915 : memref<128x16xf32, #tpu.memory_space<vmem>>[vector<16xi32>, vector<16xi32>], vector<16xf32>,
      %mul3A_1918 = arith.mulf %gather3A_1821, %gather3A_1812 : vector<16xf32>
      %mul3A_1919 = arith.mulf %gather3A_1824, %gather3A_1815 : vector<16xf32>
      %add3A_1920 = arith.addf %mul3A_1918, %mul3A_1919 : vector<16xf32>
      %mul3A_1921 = arith.mulf %gather3A_1827, %gather3A_1818 : vector<16xf32>
      %add3A_1922 = arith.addf %add3A_1920, %mul3A_1921 : vector<16xf32>
      %broadcast_in_dim3A_1923 = arith.constant 9 : i32
      %broadcast_in_dim3A_1924 = vector.broadcast %broadcast_in_dim3A_1923 : i32 to vector<16xi32>
      tpu.vector_store_idx %arg14[%add3A_1768, %broadcast_in_dim3A_1924], %add3A_1922 : memref<128x16xf32, #tpu.memory_space<vmem>>[vector<16xi32>, vector<16xi32>], vector<16xf32>,
      %mul3A_1925 = arith.mulf %gather3A_1830, %gather3A_1812 : vector<16xf32>
      %mul3A_1926 = arith.mulf %gather3A_1833, %gather3A_1815 : vector<16xf32>
      %add3A_1927 = arith.addf %mul3A_1925, %mul3A_1926 : vector<16xf32>
      %mul3A_1928 = arith.mulf %gather3A_1836, %gather3A_1818 : vector<16xf32>
      %add3A_1929 = arith.addf %add3A_1927, %mul3A_1928 : vector<16xf32>
      %broadcast_in_dim3A_1930 = arith.constant 10 : i32
      %broadcast_in_dim3A_1931 = vector.broadcast %broadcast_in_dim3A_1930 : i32 to vector<16xi32>
      tpu.vector_store_idx %arg14[%add3A_1768, %broadcast_in_dim3A_1931], %add3A_1929 : memref<128x16xf32, #tpu.memory_space<vmem>>[vector<16xi32>, vector<16xi32>], vector<16xf32>,
      %mul3A_1932 = arith.mulf %gather3A_1839, %gather3A_1812 : vector<16xf32>
      %mul3A_1933 = arith.mulf %gather3A_1842, %gather3A_1815 : vector<16xf32>
      %add3A_1934 = arith.addf %mul3A_1932, %mul3A_1933 : vector<16xf32>
      %mul3A_1935 = arith.mulf %gather3A_1845, %gather3A_1818 : vector<16xf32>
      %add3A_1936 = arith.addf %add3A_1934, %mul3A_1935 : vector<16xf32>
      %broadcast_in_dim3A_1937 = arith.constant 11 : i32
      %broadcast_in_dim3A_1938 = vector.broadcast %broadcast_in_dim3A_1937 : i32 to vector<16xi32>
      tpu.vector_store_idx %arg14[%add3A_1768, %broadcast_in_dim3A_1938], %add3A_1936 : memref<128x16xf32, #tpu.memory_space<vmem>>[vector<16xi32>, vector<16xi32>], vector<16xf32>,
      %broadcast_in_dim3A_1939 = arith.constant 12 : i32
      %broadcast_in_dim3A_1940 = vector.broadcast %broadcast_in_dim3A_1939 : i32 to vector<16xi32>
      tpu.vector_store_idx %arg14[%add3A_1768, %broadcast_in_dim3A_1940], %exp3A_1854 : memref<128x16xf32, #tpu.memory_space<vmem>>[vector<16xi32>, vector<16xi32>], vector<16xf32>,
      %broadcast_in_dim3A_1941 = arith.constant 0.000000e+00 : f32
      %broadcast_in_dim3A_1942 = vector.broadcast %broadcast_in_dim3A_1941 : f32 to vector<16xf32>
      %broadcast_in_dim3A_1943 = arith.constant 13 : i32
      %broadcast_in_dim3A_1944 = vector.broadcast %broadcast_in_dim3A_1943 : i32 to vector<16xi32>
      tpu.vector_store_idx %arg14[%add3A_1768, %broadcast_in_dim3A_1944], %broadcast_in_dim3A_1942 : memref<128x16xf32, #tpu.memory_space<vmem>>[vector<16xi32>, vector<16xi32>], vector<16xf32>,
      %broadcast_in_dim3A_1945 = arith.constant 14 : i32
      %broadcast_in_dim3A_1946 = vector.broadcast %broadcast_in_dim3A_1945 : i32 to vector<16xi32>
      tpu.vector_store_idx %arg14[%add3A_1768, %broadcast_in_dim3A_1946], %broadcast_in_dim3A_1942 : memref<128x16xf32, #tpu.memory_space<vmem>>[vector<16xi32>, vector<16xi32>], vector<16xf32>,
      %broadcast_in_dim3A_1947 = arith.constant 15 : i32
      %broadcast_in_dim3A_1948 = vector.broadcast %broadcast_in_dim3A_1947 : i32 to vector<16xi32>
      tpu.vector_store_idx %arg14[%add3A_1768, %broadcast_in_dim3A_1948], %broadcast_in_dim3A_1942 : memref<128x16xf32, #tpu.memory_space<vmem>>[vector<16xi32>, vector<16xi32>], vector<16xf32>,
      %add3A_1949 = arith.constant 32 : i32
      %add3A_1950 = vector.broadcast %add3A_1949 : i32 to vector<16xi32>
      %add3A_1951 = arith.addi %iota3A_1582, %add3A_1950 : vector<16xi32>
      %broadcast_in_dim3A_1952 = arith.constant 2 : i32
      %broadcast_in_dim3A_1953 = vector.broadcast %broadcast_in_dim3A_1952 : i32 to vector<16xi32>
      %broadcast_in_dim3A_1954 = arith.constant 0 : i32
      %broadcast_in_dim3A_1955 = vector.broadcast %broadcast_in_dim3A_1954 : i32 to vector<16xi32>
      %gather3A_1956 = tpu.vector_load_idx %arg11[%add3A_1951, %broadcast_in_dim3A_1955] : memref<128x16xf32, #tpu.memory_space<vmem>>[vector<16xi32>, vector<16xi32>], vector<16xf32>,
      %broadcast_in_dim3A_1957 = arith.constant 1 : i32
      %broadcast_in_dim3A_1958 = vector.broadcast %broadcast_in_dim3A_1957 : i32 to vector<16xi32>
      %gather3A_1959 = tpu.vector_load_idx %arg13[%broadcast_in_dim3A_1953, %broadcast_in_dim3A_1958] : memref<8x16xf32, #tpu.memory_space<vmem>>[vector<16xi32>, vector<16xi32>], vector<16xf32>,
      %sub3A_1960 = arith.subf %gather3A_1956, %gather3A_1959 : vector<16xf32>
      %broadcast_in_dim3A_1961 = arith.constant 1 : i32
      %broadcast_in_dim3A_1962 = vector.broadcast %broadcast_in_dim3A_1961 : i32 to vector<16xi32>
      %gather3A_1963 = tpu.vector_load_idx %arg11[%add3A_1951, %broadcast_in_dim3A_1962] : memref<128x16xf32, #tpu.memory_space<vmem>>[vector<16xi32>, vector<16xi32>], vector<16xf32>,
      %broadcast_in_dim3A_1964 = arith.constant 2 : i32
      %broadcast_in_dim3A_1965 = vector.broadcast %broadcast_in_dim3A_1964 : i32 to vector<16xi32>
      %gather3A_1966 = tpu.vector_load_idx %arg13[%broadcast_in_dim3A_1953, %broadcast_in_dim3A_1965] : memref<8x16xf32, #tpu.memory_space<vmem>>[vector<16xi32>, vector<16xi32>], vector<16xf32>,
      %sub3A_1967 = arith.subf %gather3A_1963, %gather3A_1966 : vector<16xf32>
      %broadcast_in_dim3A_1968 = arith.constant 2 : i32
      %broadcast_in_dim3A_1969 = vector.broadcast %broadcast_in_dim3A_1968 : i32 to vector<16xi32>
      %gather3A_1970 = tpu.vector_load_idx %arg11[%add3A_1951, %broadcast_in_dim3A_1969] : memref<128x16xf32, #tpu.memory_space<vmem>>[vector<16xi32>, vector<16xi32>], vector<16xf32>,
      %broadcast_in_dim3A_1971 = arith.constant 3 : i32
      %broadcast_in_dim3A_1972 = vector.broadcast %broadcast_in_dim3A_1971 : i32 to vector<16xi32>
      %gather3A_1973 = tpu.vector_load_idx %arg13[%broadcast_in_dim3A_1953, %broadcast_in_dim3A_1972] : memref<8x16xf32, #tpu.memory_space<vmem>>[vector<16xi32>, vector<16xi32>], vector<16xf32>,
      %sub3A_1974 = arith.subf %gather3A_1970, %gather3A_1973 : vector<16xf32>
      %broadcast_in_dim3A_1975 = arith.constant 3 : i32
      %broadcast_in_dim3A_1976 = vector.broadcast %broadcast_in_dim3A_1975 : i32 to vector<16xi32>
      %gather3A_1977 = tpu.vector_load_idx %arg11[%add3A_1951, %broadcast_in_dim3A_1976] : memref<128x16xf32, #tpu.memory_space<vmem>>[vector<16xi32>, vector<16xi32>], vector<16xf32>,
      %broadcast_in_dim3A_1978 = arith.constant 4 : i32
      %broadcast_in_dim3A_1979 = vector.broadcast %broadcast_in_dim3A_1978 : i32 to vector<16xi32>
      %gather3A_1980 = tpu.vector_load_idx %arg11[%add3A_1951, %broadcast_in_dim3A_1979] : memref<128x16xf32, #tpu.memory_space<vmem>>[vector<16xi32>, vector<16xi32>], vector<16xf32>,
      %broadcast_in_dim3A_1981 = arith.constant 5 : i32
      %broadcast_in_dim3A_1982 = vector.broadcast %broadcast_in_dim3A_1981 : i32 to vector<16xi32>
      %gather3A_1983 = tpu.vector_load_idx %arg11[%add3A_1951, %broadcast_in_dim3A_1982] : memref<128x16xf32, #tpu.memory_space<vmem>>[vector<16xi32>, vector<16xi32>], vector<16xf32>,
      %broadcast_in_dim3A_1984 = arith.constant 6 : i32
      %broadcast_in_dim3A_1985 = vector.broadcast %broadcast_in_dim3A_1984 : i32 to vector<16xi32>
      %gather3A_1986 = tpu.vector_load_idx %arg11[%add3A_1951, %broadcast_in_dim3A_1985] : memref<128x16xf32, #tpu.memory_space<vmem>>[vector<16xi32>, vector<16xi32>], vector<16xf32>,
      %broadcast_in_dim3A_1987 = arith.constant 7 : i32
      %broadcast_in_dim3A_1988 = vector.broadcast %broadcast_in_dim3A_1987 : i32 to vector<16xi32>
      %gather3A_1989 = tpu.vector_load_idx %arg11[%add3A_1951, %broadcast_in_dim3A_1988] : memref<128x16xf32, #tpu.memory_space<vmem>>[vector<16xi32>, vector<16xi32>], vector<16xf32>,
      %broadcast_in_dim3A_1990 = arith.constant 8 : i32
      %broadcast_in_dim3A_1991 = vector.broadcast %broadcast_in_dim3A_1990 : i32 to vector<16xi32>
      %gather3A_1992 = tpu.vector_load_idx %arg11[%add3A_1951, %broadcast_in_dim3A_1991] : memref<128x16xf32, #tpu.memory_space<vmem>>[vector<16xi32>, vector<16xi32>], vector<16xf32>,
      %broadcast_in_dim3A_1993 = arith.constant 9 : i32
      %broadcast_in_dim3A_1994 = vector.broadcast %broadcast_in_dim3A_1993 : i32 to vector<16xi32>
      %gather3A_1995 = tpu.vector_load_idx %arg11[%add3A_1951, %broadcast_in_dim3A_1994] : memref<128x16xf32, #tpu.memory_space<vmem>>[vector<16xi32>, vector<16xi32>], vector<16xf32>,
      %broadcast_in_dim3A_1996 = arith.constant 10 : i32
      %broadcast_in_dim3A_1997 = vector.broadcast %broadcast_in_dim3A_1996 : i32 to vector<16xi32>
      %gather3A_1998 = tpu.vector_load_idx %arg11[%add3A_1951, %broadcast_in_dim3A_1997] : memref<128x16xf32, #tpu.memory_space<vmem>>[vector<16xi32>, vector<16xi32>], vector<16xf32>,
      %broadcast_in_dim3A_1999 = arith.constant 11 : i32
      %broadcast_in_dim3A_2000 = vector.broadcast %broadcast_in_dim3A_1999 : i32 to vector<16xi32>
      %gather3A_2001 = tpu.vector_load_idx %arg11[%add3A_1951, %broadcast_in_dim3A_2000] : memref<128x16xf32, #tpu.memory_space<vmem>>[vector<16xi32>, vector<16xi32>], vector<16xf32>,
      %broadcast_in_dim3A_2002 = arith.constant 4 : i32
      %broadcast_in_dim3A_2003 = vector.broadcast %broadcast_in_dim3A_2002 : i32 to vector<16xi32>
      %gather3A_2004 = tpu.vector_load_idx %arg13[%broadcast_in_dim3A_1953, %broadcast_in_dim3A_2003] : memref<8x16xf32, #tpu.memory_space<vmem>>[vector<16xi32>, vector<16xi32>], vector<16xf32>,
      %broadcast_in_dim3A_2005 = arith.constant 5 : i32
      %broadcast_in_dim3A_2006 = vector.broadcast %broadcast_in_dim3A_2005 : i32 to vector<16xi32>
      %gather3A_2007 = tpu.vector_load_idx %arg13[%broadcast_in_dim3A_1953, %broadcast_in_dim3A_2006] : memref<8x16xf32, #tpu.memory_space<vmem>>[vector<16xi32>, vector<16xi32>], vector<16xf32>,
      %broadcast_in_dim3A_2008 = arith.constant 6 : i32
      %broadcast_in_dim3A_2009 = vector.broadcast %broadcast_in_dim3A_2008 : i32 to vector<16xi32>
      %gather3A_2010 = tpu.vector_load_idx %arg13[%broadcast_in_dim3A_1953, %broadcast_in_dim3A_2009] : memref<8x16xf32, #tpu.memory_space<vmem>>[vector<16xi32>, vector<16xi32>], vector<16xf32>,
      %broadcast_in_dim3A_2011 = arith.constant 7 : i32
      %broadcast_in_dim3A_2012 = vector.broadcast %broadcast_in_dim3A_2011 : i32 to vector<16xi32>
      %gather3A_2013 = tpu.vector_load_idx %arg13[%broadcast_in_dim3A_1953, %broadcast_in_dim3A_2012] : memref<8x16xf32, #tpu.memory_space<vmem>>[vector<16xi32>, vector<16xi32>], vector<16xf32>,
      %broadcast_in_dim3A_2014 = arith.constant 8 : i32
      %broadcast_in_dim3A_2015 = vector.broadcast %broadcast_in_dim3A_2014 : i32 to vector<16xi32>
      %gather3A_2016 = tpu.vector_load_idx %arg13[%broadcast_in_dim3A_1953, %broadcast_in_dim3A_2015] : memref<8x16xf32, #tpu.memory_space<vmem>>[vector<16xi32>, vector<16xi32>], vector<16xf32>,
      %broadcast_in_dim3A_2017 = arith.constant 9 : i32
      %broadcast_in_dim3A_2018 = vector.broadcast %broadcast_in_dim3A_2017 : i32 to vector<16xi32>
      %gather3A_2019 = tpu.vector_load_idx %arg13[%broadcast_in_dim3A_1953, %broadcast_in_dim3A_2018] : memref<8x16xf32, #tpu.memory_space<vmem>>[vector<16xi32>, vector<16xi32>], vector<16xf32>,
      %broadcast_in_dim3A_2020 = arith.constant 10 : i32
      %broadcast_in_dim3A_2021 = vector.broadcast %broadcast_in_dim3A_2020 : i32 to vector<16xi32>
      %gather3A_2022 = tpu.vector_load_idx %arg13[%broadcast_in_dim3A_1953, %broadcast_in_dim3A_2021] : memref<8x16xf32, #tpu.memory_space<vmem>>[vector<16xi32>, vector<16xi32>], vector<16xf32>,
      %broadcast_in_dim3A_2023 = arith.constant 11 : i32
      %broadcast_in_dim3A_2024 = vector.broadcast %broadcast_in_dim3A_2023 : i32 to vector<16xi32>
      %gather3A_2025 = tpu.vector_load_idx %arg13[%broadcast_in_dim3A_1953, %broadcast_in_dim3A_2024] : memref<8x16xf32, #tpu.memory_space<vmem>>[vector<16xi32>, vector<16xi32>], vector<16xf32>,
      %broadcast_in_dim3A_2026 = arith.constant 12 : i32
      %broadcast_in_dim3A_2027 = vector.broadcast %broadcast_in_dim3A_2026 : i32 to vector<16xi32>
      %gather3A_2028 = tpu.vector_load_idx %arg13[%broadcast_in_dim3A_1953, %broadcast_in_dim3A_2027] : memref<8x16xf32, #tpu.memory_space<vmem>>[vector<16xi32>, vector<16xi32>], vector<16xf32>,
      %mul3A_2029 = arith.mulf %sub3A_1960, %sub3A_1960 : vector<16xf32>
      %mul3A_2030 = arith.mulf %sub3A_1967, %sub3A_1967 : vector<16xf32>
      %add3A_2031 = arith.addf %mul3A_2029, %mul3A_2030 : vector<16xf32>
      %mul3A_2032 = arith.mulf %sub3A_1974, %sub3A_1974 : vector<16xf32>
      %add3A_2033 = arith.addf %add3A_2031, %mul3A_2032 : vector<16xf32>
      %mul3A_2034 = arith.constant -5.000000e-01 : f32
      %mul3A_2035 = vector.broadcast %mul3A_2034 : f32 to vector<16xf32>
      %mul3A_2036 = arith.mulf %mul3A_2035, %add3A_2033 : vector<16xf32>
      %exp3A_2037 = math.exp %mul3A_2036 : vector<16xf32>
      %mul3A_2038 = arith.mulf %gather3A_2004, %sub3A_1960 : vector<16xf32>
      %mul3A_2039 = arith.mulf %gather3A_2007, %sub3A_1967 : vector<16xf32>
      %add3A_2040 = arith.addf %mul3A_2038, %mul3A_2039 : vector<16xf32>
      %mul3A_2041 = arith.mulf %gather3A_2010, %sub3A_1974 : vector<16xf32>
      %add3A_2042 = arith.addf %add3A_2040, %mul3A_2041 : vector<16xf32>
      %broadcast_in_dim3A_2043 = arith.constant 0 : i32
      %broadcast_in_dim3A_2044 = vector.broadcast %broadcast_in_dim3A_2043 : i32 to vector<16xi32>
      tpu.vector_store_idx %arg14[%add3A_1951, %broadcast_in_dim3A_2044], %add3A_2042 : memref<128x16xf32, #tpu.memory_space<vmem>>[vector<16xi32>, vector<16xi32>], vector<16xf32>,
      %mul3A_2045 = arith.mulf %gather3A_2013, %sub3A_1960 : vector<16xf32>
      %mul3A_2046 = arith.mulf %gather3A_2016, %sub3A_1967 : vector<16xf32>
      %add3A_2047 = arith.addf %mul3A_2045, %mul3A_2046 : vector<16xf32>
      %mul3A_2048 = arith.mulf %gather3A_2019, %sub3A_1974 : vector<16xf32>
      %add3A_2049 = arith.addf %add3A_2047, %mul3A_2048 : vector<16xf32>
      %broadcast_in_dim3A_2050 = arith.constant 1 : i32
      %broadcast_in_dim3A_2051 = vector.broadcast %broadcast_in_dim3A_2050 : i32 to vector<16xi32>
      tpu.vector_store_idx %arg14[%add3A_1951, %broadcast_in_dim3A_2051], %add3A_2049 : memref<128x16xf32, #tpu.memory_space<vmem>>[vector<16xi32>, vector<16xi32>], vector<16xf32>,
      %mul3A_2052 = arith.mulf %gather3A_2022, %sub3A_1960 : vector<16xf32>
      %mul3A_2053 = arith.mulf %gather3A_2025, %sub3A_1967 : vector<16xf32>
      %add3A_2054 = arith.addf %mul3A_2052, %mul3A_2053 : vector<16xf32>
      %mul3A_2055 = arith.mulf %gather3A_2028, %sub3A_1974 : vector<16xf32>
      %add3A_2056 = arith.addf %add3A_2054, %mul3A_2055 : vector<16xf32>
      %broadcast_in_dim3A_2057 = arith.constant 2 : i32
      %broadcast_in_dim3A_2058 = vector.broadcast %broadcast_in_dim3A_2057 : i32 to vector<16xi32>
      tpu.vector_store_idx %arg14[%add3A_1951, %broadcast_in_dim3A_2058], %add3A_2056 : memref<128x16xf32, #tpu.memory_space<vmem>>[vector<16xi32>, vector<16xi32>], vector<16xf32>,
      %mul3A_2059 = arith.mulf %gather3A_2004, %gather3A_1977 : vector<16xf32>
      %mul3A_2060 = arith.mulf %gather3A_2007, %gather3A_1980 : vector<16xf32>
      %add3A_2061 = arith.addf %mul3A_2059, %mul3A_2060 : vector<16xf32>
      %mul3A_2062 = arith.mulf %gather3A_2010, %gather3A_1983 : vector<16xf32>
      %add3A_2063 = arith.addf %add3A_2061, %mul3A_2062 : vector<16xf32>
      %broadcast_in_dim3A_2064 = arith.constant 3 : i32
      %broadcast_in_dim3A_2065 = vector.broadcast %broadcast_in_dim3A_2064 : i32 to vector<16xi32>
      tpu.vector_store_idx %arg14[%add3A_1951, %broadcast_in_dim3A_2065], %add3A_2063 : memref<128x16xf32, #tpu.memory_space<vmem>>[vector<16xi32>, vector<16xi32>], vector<16xf32>,
      %mul3A_2066 = arith.mulf %gather3A_2013, %gather3A_1977 : vector<16xf32>
      %mul3A_2067 = arith.mulf %gather3A_2016, %gather3A_1980 : vector<16xf32>
      %add3A_2068 = arith.addf %mul3A_2066, %mul3A_2067 : vector<16xf32>
      %mul3A_2069 = arith.mulf %gather3A_2019, %gather3A_1983 : vector<16xf32>
      %add3A_2070 = arith.addf %add3A_2068, %mul3A_2069 : vector<16xf32>
      %broadcast_in_dim3A_2071 = arith.constant 4 : i32
      %broadcast_in_dim3A_2072 = vector.broadcast %broadcast_in_dim3A_2071 : i32 to vector<16xi32>
      tpu.vector_store_idx %arg14[%add3A_1951, %broadcast_in_dim3A_2072], %add3A_2070 : memref<128x16xf32, #tpu.memory_space<vmem>>[vector<16xi32>, vector<16xi32>], vector<16xf32>,
      %mul3A_2073 = arith.mulf %gather3A_2022, %gather3A_1977 : vector<16xf32>
      %mul3A_2074 = arith.mulf %gather3A_2025, %gather3A_1980 : vector<16xf32>
      %add3A_2075 = arith.addf %mul3A_2073, %mul3A_2074 : vector<16xf32>
      %mul3A_2076 = arith.mulf %gather3A_2028, %gather3A_1983 : vector<16xf32>
      %add3A_2077 = arith.addf %add3A_2075, %mul3A_2076 : vector<16xf32>
      %broadcast_in_dim3A_2078 = arith.constant 5 : i32
      %broadcast_in_dim3A_2079 = vector.broadcast %broadcast_in_dim3A_2078 : i32 to vector<16xi32>
      tpu.vector_store_idx %arg14[%add3A_1951, %broadcast_in_dim3A_2079], %add3A_2077 : memref<128x16xf32, #tpu.memory_space<vmem>>[vector<16xi32>, vector<16xi32>], vector<16xf32>,
      %mul3A_2080 = arith.mulf %gather3A_2004, %gather3A_1986 : vector<16xf32>
      %mul3A_2081 = arith.mulf %gather3A_2007, %gather3A_1989 : vector<16xf32>
      %add3A_2082 = arith.addf %mul3A_2080, %mul3A_2081 : vector<16xf32>
      %mul3A_2083 = arith.mulf %gather3A_2010, %gather3A_1992 : vector<16xf32>
      %add3A_2084 = arith.addf %add3A_2082, %mul3A_2083 : vector<16xf32>
      %broadcast_in_dim3A_2085 = arith.constant 6 : i32
      %broadcast_in_dim3A_2086 = vector.broadcast %broadcast_in_dim3A_2085 : i32 to vector<16xi32>
      tpu.vector_store_idx %arg14[%add3A_1951, %broadcast_in_dim3A_2086], %add3A_2084 : memref<128x16xf32, #tpu.memory_space<vmem>>[vector<16xi32>, vector<16xi32>], vector<16xf32>,
      %mul3A_2087 = arith.mulf %gather3A_2013, %gather3A_1986 : vector<16xf32>
      %mul3A_2088 = arith.mulf %gather3A_2016, %gather3A_1989 : vector<16xf32>
      %add3A_2089 = arith.addf %mul3A_2087, %mul3A_2088 : vector<16xf32>
      %mul3A_2090 = arith.mulf %gather3A_2019, %gather3A_1992 : vector<16xf32>
      %add3A_2091 = arith.addf %add3A_2089, %mul3A_2090 : vector<16xf32>
      %broadcast_in_dim3A_2092 = arith.constant 7 : i32
      %broadcast_in_dim3A_2093 = vector.broadcast %broadcast_in_dim3A_2092 : i32 to vector<16xi32>
      tpu.vector_store_idx %arg14[%add3A_1951, %broadcast_in_dim3A_2093], %add3A_2091 : memref<128x16xf32, #tpu.memory_space<vmem>>[vector<16xi32>, vector<16xi32>], vector<16xf32>,
      %mul3A_2094 = arith.mulf %gather3A_2022, %gather3A_1986 : vector<16xf32>
      %mul3A_2095 = arith.mulf %gather3A_2025, %gather3A_1989 : vector<16xf32>
      %add3A_2096 = arith.addf %mul3A_2094, %mul3A_2095 : vector<16xf32>
      %mul3A_2097 = arith.mulf %gather3A_2028, %gather3A_1992 : vector<16xf32>
      %add3A_2098 = arith.addf %add3A_2096, %mul3A_2097 : vector<16xf32>
      %broadcast_in_dim3A_2099 = arith.constant 8 : i32
      %broadcast_in_dim3A_2100 = vector.broadcast %broadcast_in_dim3A_2099 : i32 to vector<16xi32>
      tpu.vector_store_idx %arg14[%add3A_1951, %broadcast_in_dim3A_2100], %add3A_2098 : memref<128x16xf32, #tpu.memory_space<vmem>>[vector<16xi32>, vector<16xi32>], vector<16xf32>,
      %mul3A_2101 = arith.mulf %gather3A_2004, %gather3A_1995 : vector<16xf32>
      %mul3A_2102 = arith.mulf %gather3A_2007, %gather3A_1998 : vector<16xf32>
      %add3A_2103 = arith.addf %mul3A_2101, %mul3A_2102 : vector<16xf32>
      %mul3A_2104 = arith.mulf %gather3A_2010, %gather3A_2001 : vector<16xf32>
      %add3A_2105 = arith.addf %add3A_2103, %mul3A_2104 : vector<16xf32>
      %broadcast_in_dim3A_2106 = arith.constant 9 : i32
      %broadcast_in_dim3A_2107 = vector.broadcast %broadcast_in_dim3A_2106 : i32 to vector<16xi32>
      tpu.vector_store_idx %arg14[%add3A_1951, %broadcast_in_dim3A_2107], %add3A_2105 : memref<128x16xf32, #tpu.memory_space<vmem>>[vector<16xi32>, vector<16xi32>], vector<16xf32>,
      %mul3A_2108 = arith.mulf %gather3A_2013, %gather3A_1995 : vector<16xf32>
      %mul3A_2109 = arith.mulf %gather3A_2016, %gather3A_1998 : vector<16xf32>
      %add3A_2110 = arith.addf %mul3A_2108, %mul3A_2109 : vector<16xf32>
      %mul3A_2111 = arith.mulf %gather3A_2019, %gather3A_2001 : vector<16xf32>
      %add3A_2112 = arith.addf %add3A_2110, %mul3A_2111 : vector<16xf32>
      %broadcast_in_dim3A_2113 = arith.constant 10 : i32
      %broadcast_in_dim3A_2114 = vector.broadcast %broadcast_in_dim3A_2113 : i32 to vector<16xi32>
      tpu.vector_store_idx %arg14[%add3A_1951, %broadcast_in_dim3A_2114], %add3A_2112 : memref<128x16xf32, #tpu.memory_space<vmem>>[vector<16xi32>, vector<16xi32>], vector<16xf32>,
      %mul3A_2115 = arith.mulf %gather3A_2022, %gather3A_1995 : vector<16xf32>
      %mul3A_2116 = arith.mulf %gather3A_2025, %gather3A_1998 : vector<16xf32>
      %add3A_2117 = arith.addf %mul3A_2115, %mul3A_2116 : vector<16xf32>
      %mul3A_2118 = arith.mulf %gather3A_2028, %gather3A_2001 : vector<16xf32>
      %add3A_2119 = arith.addf %add3A_2117, %mul3A_2118 : vector<16xf32>
      %broadcast_in_dim3A_2120 = arith.constant 11 : i32
      %broadcast_in_dim3A_2121 = vector.broadcast %broadcast_in_dim3A_2120 : i32 to vector<16xi32>
      tpu.vector_store_idx %arg14[%add3A_1951, %broadcast_in_dim3A_2121], %add3A_2119 : memref<128x16xf32, #tpu.memory_space<vmem>>[vector<16xi32>, vector<16xi32>], vector<16xf32>,
      %broadcast_in_dim3A_2122 = arith.constant 12 : i32
      %broadcast_in_dim3A_2123 = vector.broadcast %broadcast_in_dim3A_2122 : i32 to vector<16xi32>
      tpu.vector_store_idx %arg14[%add3A_1951, %broadcast_in_dim3A_2123], %exp3A_2037 : memref<128x16xf32, #tpu.memory_space<vmem>>[vector<16xi32>, vector<16xi32>], vector<16xf32>,
      %broadcast_in_dim3A_2124 = arith.constant 0.000000e+00 : f32
      %broadcast_in_dim3A_2125 = vector.broadcast %broadcast_in_dim3A_2124 : f32 to vector<16xf32>
      %broadcast_in_dim3A_2126 = arith.constant 13 : i32
      %broadcast_in_dim3A_2127 = vector.broadcast %broadcast_in_dim3A_2126 : i32 to vector<16xi32>
      tpu.vector_store_idx %arg14[%add3A_1951, %broadcast_in_dim3A_2127], %broadcast_in_dim3A_2125 : memref<128x16xf32, #tpu.memory_space<vmem>>[vector<16xi32>, vector<16xi32>], vector<16xf32>,
      %broadcast_in_dim3A_2128 = arith.constant 14 : i32
      %broadcast_in_dim3A_2129 = vector.broadcast %broadcast_in_dim3A_2128 : i32 to vector<16xi32>
      tpu.vector_store_idx %arg14[%add3A_1951, %broadcast_in_dim3A_2129], %broadcast_in_dim3A_2125 : memref<128x16xf32, #tpu.memory_space<vmem>>[vector<16xi32>, vector<16xi32>], vector<16xf32>,
      %broadcast_in_dim3A_2130 = arith.constant 15 : i32
      %broadcast_in_dim3A_2131 = vector.broadcast %broadcast_in_dim3A_2130 : i32 to vector<16xi32>
      tpu.vector_store_idx %arg14[%add3A_1951, %broadcast_in_dim3A_2131], %broadcast_in_dim3A_2125 : memref<128x16xf32, #tpu.memory_space<vmem>>[vector<16xi32>, vector<16xi32>], vector<16xf32>,
      %add3A_2132 = arith.constant 48 : i32
      %add3A_2133 = vector.broadcast %add3A_2132 : i32 to vector<16xi32>
      %add3A_2134 = arith.addi %iota3A_1582, %add3A_2133 : vector<16xi32>
      %broadcast_in_dim3A_2135 = arith.constant 3 : i32
      %broadcast_in_dim3A_2136 = vector.broadcast %broadcast_in_dim3A_2135 : i32 to vector<16xi32>
      %broadcast_in_dim3A_2137 = arith.constant 0 : i32
      %broadcast_in_dim3A_2138 = vector.broadcast %broadcast_in_dim3A_2137 : i32 to vector<16xi32>
      %gather3A_2139 = tpu.vector_load_idx %arg11[%add3A_2134, %broadcast_in_dim3A_2138] : memref<128x16xf32, #tpu.memory_space<vmem>>[vector<16xi32>, vector<16xi32>], vector<16xf32>,
      %broadcast_in_dim3A_2140 = arith.constant 1 : i32
      %broadcast_in_dim3A_2141 = vector.broadcast %broadcast_in_dim3A_2140 : i32 to vector<16xi32>
      %gather3A_2142 = tpu.vector_load_idx %arg13[%broadcast_in_dim3A_2136, %broadcast_in_dim3A_2141] : memref<8x16xf32, #tpu.memory_space<vmem>>[vector<16xi32>, vector<16xi32>], vector<16xf32>,
      %sub3A_2143 = arith.subf %gather3A_2139, %gather3A_2142 : vector<16xf32>
      %broadcast_in_dim3A_2144 = arith.constant 1 : i32
      %broadcast_in_dim3A_2145 = vector.broadcast %broadcast_in_dim3A_2144 : i32 to vector<16xi32>
      %gather3A_2146 = tpu.vector_load_idx %arg11[%add3A_2134, %broadcast_in_dim3A_2145] : memref<128x16xf32, #tpu.memory_space<vmem>>[vector<16xi32>, vector<16xi32>], vector<16xf32>,
      %broadcast_in_dim3A_2147 = arith.constant 2 : i32
      %broadcast_in_dim3A_2148 = vector.broadcast %broadcast_in_dim3A_2147 : i32 to vector<16xi32>
      %gather3A_2149 = tpu.vector_load_idx %arg13[%broadcast_in_dim3A_2136, %broadcast_in_dim3A_2148] : memref<8x16xf32, #tpu.memory_space<vmem>>[vector<16xi32>, vector<16xi32>], vector<16xf32>,
      %sub3A_2150 = arith.subf %gather3A_2146, %gather3A_2149 : vector<16xf32>
      %broadcast_in_dim3A_2151 = arith.constant 2 : i32
      %broadcast_in_dim3A_2152 = vector.broadcast %broadcast_in_dim3A_2151 : i32 to vector<16xi32>
      %gather3A_2153 = tpu.vector_load_idx %arg11[%add3A_2134, %broadcast_in_dim3A_2152] : memref<128x16xf32, #tpu.memory_space<vmem>>[vector<16xi32>, vector<16xi32>], vector<16xf32>,
      %broadcast_in_dim3A_2154 = arith.constant 3 : i32
      %broadcast_in_dim3A_2155 = vector.broadcast %broadcast_in_dim3A_2154 : i32 to vector<16xi32>
      %gather3A_2156 = tpu.vector_load_idx %arg13[%broadcast_in_dim3A_2136, %broadcast_in_dim3A_2155] : memref<8x16xf32, #tpu.memory_space<vmem>>[vector<16xi32>, vector<16xi32>], vector<16xf32>,
      %sub3A_2157 = arith.subf %gather3A_2153, %gather3A_2156 : vector<16xf32>
      %broadcast_in_dim3A_2158 = arith.constant 3 : i32
      %broadcast_in_dim3A_2159 = vector.broadcast %broadcast_in_dim3A_2158 : i32 to vector<16xi32>
      %gather3A_2160 = tpu.vector_load_idx %arg11[%add3A_2134, %broadcast_in_dim3A_2159] : memref<128x16xf32, #tpu.memory_space<vmem>>[vector<16xi32>, vector<16xi32>], vector<16xf32>,
      %broadcast_in_dim3A_2161 = arith.constant 4 : i32
      %broadcast_in_dim3A_2162 = vector.broadcast %broadcast_in_dim3A_2161 : i32 to vector<16xi32>
      %gather3A_2163 = tpu.vector_load_idx %arg11[%add3A_2134, %broadcast_in_dim3A_2162] : memref<128x16xf32, #tpu.memory_space<vmem>>[vector<16xi32>, vector<16xi32>], vector<16xf32>,
      %broadcast_in_dim3A_2164 = arith.constant 5 : i32
      %broadcast_in_dim3A_2165 = vector.broadcast %broadcast_in_dim3A_2164 : i32 to vector<16xi32>
      %gather3A_2166 = tpu.vector_load_idx %arg11[%add3A_2134, %broadcast_in_dim3A_2165] : memref<128x16xf32, #tpu.memory_space<vmem>>[vector<16xi32>, vector<16xi32>], vector<16xf32>,
      %broadcast_in_dim3A_2167 = arith.constant 6 : i32
      %broadcast_in_dim3A_2168 = vector.broadcast %broadcast_in_dim3A_2167 : i32 to vector<16xi32>
      %gather3A_2169 = tpu.vector_load_idx %arg11[%add3A_2134, %broadcast_in_dim3A_2168] : memref<128x16xf32, #tpu.memory_space<vmem>>[vector<16xi32>, vector<16xi32>], vector<16xf32>,
      %broadcast_in_dim3A_2170 = arith.constant 7 : i32
      %broadcast_in_dim3A_2171 = vector.broadcast %broadcast_in_dim3A_2170 : i32 to vector<16xi32>
      %gather3A_2172 = tpu.vector_load_idx %arg11[%add3A_2134, %broadcast_in_dim3A_2171] : memref<128x16xf32, #tpu.memory_space<vmem>>[vector<16xi32>, vector<16xi32>], vector<16xf32>,
      %broadcast_in_dim3A_2173 = arith.constant 8 : i32
      %broadcast_in_dim3A_2174 = vector.broadcast %broadcast_in_dim3A_2173 : i32 to vector<16xi32>
      %gather3A_2175 = tpu.vector_load_idx %arg11[%add3A_2134, %broadcast_in_dim3A_2174] : memref<128x16xf32, #tpu.memory_space<vmem>>[vector<16xi32>, vector<16xi32>], vector<16xf32>,
      %broadcast_in_dim3A_2176 = arith.constant 9 : i32
      %broadcast_in_dim3A_2177 = vector.broadcast %broadcast_in_dim3A_2176 : i32 to vector<16xi32>
      %gather3A_2178 = tpu.vector_load_idx %arg11[%add3A_2134, %broadcast_in_dim3A_2177] : memref<128x16xf32, #tpu.memory_space<vmem>>[vector<16xi32>, vector<16xi32>], vector<16xf32>,
      %broadcast_in_dim3A_2179 = arith.constant 10 : i32
      %broadcast_in_dim3A_2180 = vector.broadcast %broadcast_in_dim3A_2179 : i32 to vector<16xi32>
      %gather3A_2181 = tpu.vector_load_idx %arg11[%add3A_2134, %broadcast_in_dim3A_2180] : memref<128x16xf32, #tpu.memory_space<vmem>>[vector<16xi32>, vector<16xi32>], vector<16xf32>,
      %broadcast_in_dim3A_2182 = arith.constant 11 : i32
      %broadcast_in_dim3A_2183 = vector.broadcast %broadcast_in_dim3A_2182 : i32 to vector<16xi32>
      %gather3A_2184 = tpu.vector_load_idx %arg11[%add3A_2134, %broadcast_in_dim3A_2183] : memref<128x16xf32, #tpu.memory_space<vmem>>[vector<16xi32>, vector<16xi32>], vector<16xf32>,
      %broadcast_in_dim3A_2185 = arith.constant 4 : i32
      %broadcast_in_dim3A_2186 = vector.broadcast %broadcast_in_dim3A_2185 : i32 to vector<16xi32>
      %gather3A_2187 = tpu.vector_load_idx %arg13[%broadcast_in_dim3A_2136, %broadcast_in_dim3A_2186] : memref<8x16xf32, #tpu.memory_space<vmem>>[vector<16xi32>, vector<16xi32>], vector<16xf32>,
      %broadcast_in_dim3A_2188 = arith.constant 5 : i32
      %broadcast_in_dim3A_2189 = vector.broadcast %broadcast_in_dim3A_2188 : i32 to vector<16xi32>
      %gather3A_2190 = tpu.vector_load_idx %arg13[%broadcast_in_dim3A_2136, %broadcast_in_dim3A_2189] : memref<8x16xf32, #tpu.memory_space<vmem>>[vector<16xi32>, vector<16xi32>], vector<16xf32>,
      %broadcast_in_dim3A_2191 = arith.constant 6 : i32
      %broadcast_in_dim3A_2192 = vector.broadcast %broadcast_in_dim3A_2191 : i32 to vector<16xi32>
      %gather3A_2193 = tpu.vector_load_idx %arg13[%broadcast_in_dim3A_2136, %broadcast_in_dim3A_2192] : memref<8x16xf32, #tpu.memory_space<vmem>>[vector<16xi32>, vector<16xi32>], vector<16xf32>,
      %broadcast_in_dim3A_2194 = arith.constant 7 : i32
      %broadcast_in_dim3A_2195 = vector.broadcast %broadcast_in_dim3A_2194 : i32 to vector<16xi32>
      %gather3A_2196 = tpu.vector_load_idx %arg13[%broadcast_in_dim3A_2136, %broadcast_in_dim3A_2195] : memref<8x16xf32, #tpu.memory_space<vmem>>[vector<16xi32>, vector<16xi32>], vector<16xf32>,
      %broadcast_in_dim3A_2197 = arith.constant 8 : i32
      %broadcast_in_dim3A_2198 = vector.broadcast %broadcast_in_dim3A_2197 : i32 to vector<16xi32>
      %gather3A_2199 = tpu.vector_load_idx %arg13[%broadcast_in_dim3A_2136, %broadcast_in_dim3A_2198] : memref<8x16xf32, #tpu.memory_space<vmem>>[vector<16xi32>, vector<16xi32>], vector<16xf32>,
      %broadcast_in_dim3A_2200 = arith.constant 9 : i32
      %broadcast_in_dim3A_2201 = vector.broadcast %broadcast_in_dim3A_2200 : i32 to vector<16xi32>
      %gather3A_2202 = tpu.vector_load_idx %arg13[%broadcast_in_dim3A_2136, %broadcast_in_dim3A_2201] : memref<8x16xf32, #tpu.memory_space<vmem>>[vector<16xi32>, vector<16xi32>], vector<16xf32>,
      %broadcast_in_dim3A_2203 = arith.constant 10 : i32
      %broadcast_in_dim3A_2204 = vector.broadcast %broadcast_in_dim3A_2203 : i32 to vector<16xi32>
      %gather3A_2205 = tpu.vector_load_idx %arg13[%broadcast_in_dim3A_2136, %broadcast_in_dim3A_2204] : memref<8x16xf32, #tpu.memory_space<vmem>>[vector<16xi32>, vector<16xi32>], vector<16xf32>,
      %broadcast_in_dim3A_2206 = arith.constant 11 : i32
      %broadcast_in_dim3A_2207 = vector.broadcast %broadcast_in_dim3A_2206 : i32 to vector<16xi32>
      %gather3A_2208 = tpu.vector_load_idx %arg13[%broadcast_in_dim3A_2136, %broadcast_in_dim3A_2207] : memref<8x16xf32, #tpu.memory_space<vmem>>[vector<16xi32>, vector<16xi32>], vector<16xf32>,
      %broadcast_in_dim3A_2209 = arith.constant 12 : i32
      %broadcast_in_dim3A_2210 = vector.broadcast %broadcast_in_dim3A_2209 : i32 to vector<16xi32>
      %gather3A_2211 = tpu.vector_load_idx %arg13[%broadcast_in_dim3A_2136, %broadcast_in_dim3A_2210] : memref<8x16xf32, #tpu.memory_space<vmem>>[vector<16xi32>, vector<16xi32>], vector<16xf32>,
      %mul3A_2212 = arith.mulf %sub3A_2143, %sub3A_2143 : vector<16xf32>
      %mul3A_2213 = arith.mulf %sub3A_2150, %sub3A_2150 : vector<16xf32>
      %add3A_2214 = arith.addf %mul3A_2212, %mul3A_2213 : vector<16xf32>
      %mul3A_2215 = arith.mulf %sub3A_2157, %sub3A_2157 : vector<16xf32>
      %add3A_2216 = arith.addf %add3A_2214, %mul3A_2215 : vector<16xf32>
      %mul3A_2217 = arith.constant -5.000000e-01 : f32
      %mul3A_2218 = vector.broadcast %mul3A_2217 : f32 to vector<16xf32>
      %mul3A_2219 = arith.mulf %mul3A_2218, %add3A_2216 : vector<16xf32>
      %exp3A_2220 = math.exp %mul3A_2219 : vector<16xf32>
      %mul3A_2221 = arith.mulf %gather3A_2187, %sub3A_2143 : vector<16xf32>
      %mul3A_2222 = arith.mulf %gather3A_2190, %sub3A_2150 : vector<16xf32>
      %add3A_2223 = arith.addf %mul3A_2221, %mul3A_2222 : vector<16xf32>
      %mul3A_2224 = arith.mulf %gather3A_2193, %sub3A_2157 : vector<16xf32>
      %add3A_2225 = arith.addf %add3A_2223, %mul3A_2224 : vector<16xf32>
      %broadcast_in_dim3A_2226 = arith.constant 0 : i32
      %broadcast_in_dim3A_2227 = vector.broadcast %broadcast_in_dim3A_2226 : i32 to vector<16xi32>
      tpu.vector_store_idx %arg14[%add3A_2134, %broadcast_in_dim3A_2227], %add3A_2225 : memref<128x16xf32, #tpu.memory_space<vmem>>[vector<16xi32>, vector<16xi32>], vector<16xf32>,
      %mul3A_2228 = arith.mulf %gather3A_2196, %sub3A_2143 : vector<16xf32>
      %mul3A_2229 = arith.mulf %gather3A_2199, %sub3A_2150 : vector<16xf32>
      %add3A_2230 = arith.addf %mul3A_2228, %mul3A_2229 : vector<16xf32>
      %mul3A_2231 = arith.mulf %gather3A_2202, %sub3A_2157 : vector<16xf32>
      %add3A_2232 = arith.addf %add3A_2230, %mul3A_2231 : vector<16xf32>
      %broadcast_in_dim3A_2233 = arith.constant 1 : i32
      %broadcast_in_dim3A_2234 = vector.broadcast %broadcast_in_dim3A_2233 : i32 to vector<16xi32>
      tpu.vector_store_idx %arg14[%add3A_2134, %broadcast_in_dim3A_2234], %add3A_2232 : memref<128x16xf32, #tpu.memory_space<vmem>>[vector<16xi32>, vector<16xi32>], vector<16xf32>,
      %mul3A_2235 = arith.mulf %gather3A_2205, %sub3A_2143 : vector<16xf32>
      %mul3A_2236 = arith.mulf %gather3A_2208, %sub3A_2150 : vector<16xf32>
      %add3A_2237 = arith.addf %mul3A_2235, %mul3A_2236 : vector<16xf32>
      %mul3A_2238 = arith.mulf %gather3A_2211, %sub3A_2157 : vector<16xf32>
      %add3A_2239 = arith.addf %add3A_2237, %mul3A_2238 : vector<16xf32>
      %broadcast_in_dim3A_2240 = arith.constant 2 : i32
      %broadcast_in_dim3A_2241 = vector.broadcast %broadcast_in_dim3A_2240 : i32 to vector<16xi32>
      tpu.vector_store_idx %arg14[%add3A_2134, %broadcast_in_dim3A_2241], %add3A_2239 : memref<128x16xf32, #tpu.memory_space<vmem>>[vector<16xi32>, vector<16xi32>], vector<16xf32>,
      %mul3A_2242 = arith.mulf %gather3A_2187, %gather3A_2160 : vector<16xf32>
      %mul3A_2243 = arith.mulf %gather3A_2190, %gather3A_2163 : vector<16xf32>
      %add3A_2244 = arith.addf %mul3A_2242, %mul3A_2243 : vector<16xf32>
      %mul3A_2245 = arith.mulf %gather3A_2193, %gather3A_2166 : vector<16xf32>
      %add3A_2246 = arith.addf %add3A_2244, %mul3A_2245 : vector<16xf32>
      %broadcast_in_dim3A_2247 = arith.constant 3 : i32
      %broadcast_in_dim3A_2248 = vector.broadcast %broadcast_in_dim3A_2247 : i32 to vector<16xi32>
      tpu.vector_store_idx %arg14[%add3A_2134, %broadcast_in_dim3A_2248], %add3A_2246 : memref<128x16xf32, #tpu.memory_space<vmem>>[vector<16xi32>, vector<16xi32>], vector<16xf32>,
      %mul3A_2249 = arith.mulf %gather3A_2196, %gather3A_2160 : vector<16xf32>
      %mul3A_2250 = arith.mulf %gather3A_2199, %gather3A_2163 : vector<16xf32>
      %add3A_2251 = arith.addf %mul3A_2249, %mul3A_2250 : vector<16xf32>
      %mul3A_2252 = arith.mulf %gather3A_2202, %gather3A_2166 : vector<16xf32>
      %add3A_2253 = arith.addf %add3A_2251, %mul3A_2252 : vector<16xf32>
      %broadcast_in_dim3A_2254 = arith.constant 4 : i32
      %broadcast_in_dim3A_2255 = vector.broadcast %broadcast_in_dim3A_2254 : i32 to vector<16xi32>
      tpu.vector_store_idx %arg14[%add3A_2134, %broadcast_in_dim3A_2255], %add3A_2253 : memref<128x16xf32, #tpu.memory_space<vmem>>[vector<16xi32>, vector<16xi32>], vector<16xf32>,
      %mul3A_2256 = arith.mulf %gather3A_2205, %gather3A_2160 : vector<16xf32>
      %mul3A_2257 = arith.mulf %gather3A_2208, %gather3A_2163 : vector<16xf32>
      %add3A_2258 = arith.addf %mul3A_2256, %mul3A_2257 : vector<16xf32>
      %mul3A_2259 = arith.mulf %gather3A_2211, %gather3A_2166 : vector<16xf32>
      %add3A_2260 = arith.addf %add3A_2258, %mul3A_2259 : vector<16xf32>
      %broadcast_in_dim3A_2261 = arith.constant 5 : i32
      %broadcast_in_dim3A_2262 = vector.broadcast %broadcast_in_dim3A_2261 : i32 to vector<16xi32>
      tpu.vector_store_idx %arg14[%add3A_2134, %broadcast_in_dim3A_2262], %add3A_2260 : memref<128x16xf32, #tpu.memory_space<vmem>>[vector<16xi32>, vector<16xi32>], vector<16xf32>,
      %mul3A_2263 = arith.mulf %gather3A_2187, %gather3A_2169 : vector<16xf32>
      %mul3A_2264 = arith.mulf %gather3A_2190, %gather3A_2172 : vector<16xf32>
      %add3A_2265 = arith.addf %mul3A_2263, %mul3A_2264 : vector<16xf32>
      %mul3A_2266 = arith.mulf %gather3A_2193, %gather3A_2175 : vector<16xf32>
      %add3A_2267 = arith.addf %add3A_2265, %mul3A_2266 : vector<16xf32>
      %broadcast_in_dim3A_2268 = arith.constant 6 : i32
      %broadcast_in_dim3A_2269 = vector.broadcast %broadcast_in_dim3A_2268 : i32 to vector<16xi32>
      tpu.vector_store_idx %arg14[%add3A_2134, %broadcast_in_dim3A_2269], %add3A_2267 : memref<128x16xf32, #tpu.memory_space<vmem>>[vector<16xi32>, vector<16xi32>], vector<16xf32>,
      %mul3A_2270 = arith.mulf %gather3A_2196, %gather3A_2169 : vector<16xf32>
      %mul3A_2271 = arith.mulf %gather3A_2199, %gather3A_2172 : vector<16xf32>
      %add3A_2272 = arith.addf %mul3A_2270, %mul3A_2271 : vector<16xf32>
      %mul3A_2273 = arith.mulf %gather3A_2202, %gather3A_2175 : vector<16xf32>
      %add3A_2274 = arith.addf %add3A_2272, %mul3A_2273 : vector<16xf32>
      %broadcast_in_dim3A_2275 = arith.constant 7 : i32
      %broadcast_in_dim3A_2276 = vector.broadcast %broadcast_in_dim3A_2275 : i32 to vector<16xi32>
      tpu.vector_store_idx %arg14[%add3A_2134, %broadcast_in_dim3A_2276], %add3A_2274 : memref<128x16xf32, #tpu.memory_space<vmem>>[vector<16xi32>, vector<16xi32>], vector<16xf32>,
      %mul3A_2277 = arith.mulf %gather3A_2205, %gather3A_2169 : vector<16xf32>
      %mul3A_2278 = arith.mulf %gather3A_2208, %gather3A_2172 : vector<16xf32>
      %add3A_2279 = arith.addf %mul3A_2277, %mul3A_2278 : vector<16xf32>
      %mul3A_2280 = arith.mulf %gather3A_2211, %gather3A_2175 : vector<16xf32>
      %add3A_2281 = arith.addf %add3A_2279, %mul3A_2280 : vector<16xf32>
      %broadcast_in_dim3A_2282 = arith.constant 8 : i32
      %broadcast_in_dim3A_2283 = vector.broadcast %broadcast_in_dim3A_2282 : i32 to vector<16xi32>
      tpu.vector_store_idx %arg14[%add3A_2134, %broadcast_in_dim3A_2283], %add3A_2281 : memref<128x16xf32, #tpu.memory_space<vmem>>[vector<16xi32>, vector<16xi32>], vector<16xf32>,
      %mul3A_2284 = arith.mulf %gather3A_2187, %gather3A_2178 : vector<16xf32>
      %mul3A_2285 = arith.mulf %gather3A_2190, %gather3A_2181 : vector<16xf32>
      %add3A_2286 = arith.addf %mul3A_2284, %mul3A_2285 : vector<16xf32>
      %mul3A_2287 = arith.mulf %gather3A_2193, %gather3A_2184 : vector<16xf32>
      %add3A_2288 = arith.addf %add3A_2286, %mul3A_2287 : vector<16xf32>
      %broadcast_in_dim3A_2289 = arith.constant 9 : i32
      %broadcast_in_dim3A_2290 = vector.broadcast %broadcast_in_dim3A_2289 : i32 to vector<16xi32>
      tpu.vector_store_idx %arg14[%add3A_2134, %broadcast_in_dim3A_2290], %add3A_2288 : memref<128x16xf32, #tpu.memory_space<vmem>>[vector<16xi32>, vector<16xi32>], vector<16xf32>,
      %mul3A_2291 = arith.mulf %gather3A_2196, %gather3A_2178 : vector<16xf32>
      %mul3A_2292 = arith.mulf %gather3A_2199, %gather3A_2181 : vector<16xf32>
      %add3A_2293 = arith.addf %mul3A_2291, %mul3A_2292 : vector<16xf32>
      %mul3A_2294 = arith.mulf %gather3A_2202, %gather3A_2184 : vector<16xf32>
      %add3A_2295 = arith.addf %add3A_2293, %mul3A_2294 : vector<16xf32>
      %broadcast_in_dim3A_2296 = arith.constant 10 : i32
      %broadcast_in_dim3A_2297 = vector.broadcast %broadcast_in_dim3A_2296 : i32 to vector<16xi32>
      tpu.vector_store_idx %arg14[%add3A_2134, %broadcast_in_dim3A_2297], %add3A_2295 : memref<128x16xf32, #tpu.memory_space<vmem>>[vector<16xi32>, vector<16xi32>], vector<16xf32>,
      %mul3A_2298 = arith.mulf %gather3A_2205, %gather3A_2178 : vector<16xf32>
      %mul3A_2299 = arith.mulf %gather3A_2208, %gather3A_2181 : vector<16xf32>
      %add3A_2300 = arith.addf %mul3A_2298, %mul3A_2299 : vector<16xf32>
      %mul3A_2301 = arith.mulf %gather3A_2211, %gather3A_2184 : vector<16xf32>
      %add3A_2302 = arith.addf %add3A_2300, %mul3A_2301 : vector<16xf32>
      %broadcast_in_dim3A_2303 = arith.constant 11 : i32
      %broadcast_in_dim3A_2304 = vector.broadcast %broadcast_in_dim3A_2303 : i32 to vector<16xi32>
      tpu.vector_store_idx %arg14[%add3A_2134, %broadcast_in_dim3A_2304], %add3A_2302 : memref<128x16xf32, #tpu.memory_space<vmem>>[vector<16xi32>, vector<16xi32>], vector<16xf32>,
      %broadcast_in_dim3A_2305 = arith.constant 12 : i32
      %broadcast_in_dim3A_2306 = vector.broadcast %broadcast_in_dim3A_2305 : i32 to vector<16xi32>
      tpu.vector_store_idx %arg14[%add3A_2134, %broadcast_in_dim3A_2306], %exp3A_2220 : memref<128x16xf32, #tpu.memory_space<vmem>>[vector<16xi32>, vector<16xi32>], vector<16xf32>,
      %broadcast_in_dim3A_2307 = arith.constant 0.000000e+00 : f32
      %broadcast_in_dim3A_2308 = vector.broadcast %broadcast_in_dim3A_2307 : f32 to vector<16xf32>
      %broadcast_in_dim3A_2309 = arith.constant 13 : i32
      %broadcast_in_dim3A_2310 = vector.broadcast %broadcast_in_dim3A_2309 : i32 to vector<16xi32>
      tpu.vector_store_idx %arg14[%add3A_2134, %broadcast_in_dim3A_2310], %broadcast_in_dim3A_2308 : memref<128x16xf32, #tpu.memory_space<vmem>>[vector<16xi32>, vector<16xi32>], vector<16xf32>,
      %broadcast_in_dim3A_2311 = arith.constant 14 : i32
      %broadcast_in_dim3A_2312 = vector.broadcast %broadcast_in_dim3A_2311 : i32 to vector<16xi32>
      tpu.vector_store_idx %arg14[%add3A_2134, %broadcast_in_dim3A_2312], %broadcast_in_dim3A_2308 : memref<128x16xf32, #tpu.memory_space<vmem>>[vector<16xi32>, vector<16xi32>], vector<16xf32>,
      %broadcast_in_dim3A_2313 = arith.constant 15 : i32
      %broadcast_in_dim3A_2314 = vector.broadcast %broadcast_in_dim3A_2313 : i32 to vector<16xi32>
      tpu.vector_store_idx %arg14[%add3A_2134, %broadcast_in_dim3A_2314], %broadcast_in_dim3A_2308 : memref<128x16xf32, #tpu.memory_space<vmem>>[vector<16xi32>, vector<16xi32>], vector<16xf32>,
      %add3A_2315 = arith.constant 64 : i32
      %add3A_2316 = vector.broadcast %add3A_2315 : i32 to vector<16xi32>
      %add3A_2317 = arith.addi %iota3A_1582, %add3A_2316 : vector<16xi32>
      %broadcast_in_dim3A_2318 = arith.constant 4 : i32
      %broadcast_in_dim3A_2319 = vector.broadcast %broadcast_in_dim3A_2318 : i32 to vector<16xi32>
      %broadcast_in_dim3A_2320 = arith.constant 0 : i32
      %broadcast_in_dim3A_2321 = vector.broadcast %broadcast_in_dim3A_2320 : i32 to vector<16xi32>
      %gather3A_2322 = tpu.vector_load_idx %arg11[%add3A_2317, %broadcast_in_dim3A_2321] : memref<128x16xf32, #tpu.memory_space<vmem>>[vector<16xi32>, vector<16xi32>], vector<16xf32>,
      %broadcast_in_dim3A_2323 = arith.constant 1 : i32
      %broadcast_in_dim3A_2324 = vector.broadcast %broadcast_in_dim3A_2323 : i32 to vector<16xi32>
      %gather3A_2325 = tpu.vector_load_idx %arg13[%broadcast_in_dim3A_2319, %broadcast_in_dim3A_2324] : memref<8x16xf32, #tpu.memory_space<vmem>>[vector<16xi32>, vector<16xi32>], vector<16xf32>,
      %sub3A_2326 = arith.subf %gather3A_2322, %gather3A_2325 : vector<16xf32>
      %broadcast_in_dim3A_2327 = arith.constant 1 : i32
      %broadcast_in_dim3A_2328 = vector.broadcast %broadcast_in_dim3A_2327 : i32 to vector<16xi32>
      %gather3A_2329 = tpu.vector_load_idx %arg11[%add3A_2317, %broadcast_in_dim3A_2328] : memref<128x16xf32, #tpu.memory_space<vmem>>[vector<16xi32>, vector<16xi32>], vector<16xf32>,
      %broadcast_in_dim3A_2330 = arith.constant 2 : i32
      %broadcast_in_dim3A_2331 = vector.broadcast %broadcast_in_dim3A_2330 : i32 to vector<16xi32>
      %gather3A_2332 = tpu.vector_load_idx %arg13[%broadcast_in_dim3A_2319, %broadcast_in_dim3A_2331] : memref<8x16xf32, #tpu.memory_space<vmem>>[vector<16xi32>, vector<16xi32>], vector<16xf32>,
      %sub3A_2333 = arith.subf %gather3A_2329, %gather3A_2332 : vector<16xf32>
      %broadcast_in_dim3A_2334 = arith.constant 2 : i32
      %broadcast_in_dim3A_2335 = vector.broadcast %broadcast_in_dim3A_2334 : i32 to vector<16xi32>
      %gather3A_2336 = tpu.vector_load_idx %arg11[%add3A_2317, %broadcast_in_dim3A_2335] : memref<128x16xf32, #tpu.memory_space<vmem>>[vector<16xi32>, vector<16xi32>], vector<16xf32>,
      %broadcast_in_dim3A_2337 = arith.constant 3 : i32
      %broadcast_in_dim3A_2338 = vector.broadcast %broadcast_in_dim3A_2337 : i32 to vector<16xi32>
      %gather3A_2339 = tpu.vector_load_idx %arg13[%broadcast_in_dim3A_2319, %broadcast_in_dim3A_2338] : memref<8x16xf32, #tpu.memory_space<vmem>>[vector<16xi32>, vector<16xi32>], vector<16xf32>,
      %sub3A_2340 = arith.subf %gather3A_2336, %gather3A_2339 : vector<16xf32>
      %broadcast_in_dim3A_2341 = arith.constant 3 : i32
      %broadcast_in_dim3A_2342 = vector.broadcast %broadcast_in_dim3A_2341 : i32 to vector<16xi32>
      %gather3A_2343 = tpu.vector_load_idx %arg11[%add3A_2317, %broadcast_in_dim3A_2342] : memref<128x16xf32, #tpu.memory_space<vmem>>[vector<16xi32>, vector<16xi32>], vector<16xf32>,
      %broadcast_in_dim3A_2344 = arith.constant 4 : i32
      %broadcast_in_dim3A_2345 = vector.broadcast %broadcast_in_dim3A_2344 : i32 to vector<16xi32>
      %gather3A_2346 = tpu.vector_load_idx %arg11[%add3A_2317, %broadcast_in_dim3A_2345] : memref<128x16xf32, #tpu.memory_space<vmem>>[vector<16xi32>, vector<16xi32>], vector<16xf32>,
      %broadcast_in_dim3A_2347 = arith.constant 5 : i32
      %broadcast_in_dim3A_2348 = vector.broadcast %broadcast_in_dim3A_2347 : i32 to vector<16xi32>
      %gather3A_2349 = tpu.vector_load_idx %arg11[%add3A_2317, %broadcast_in_dim3A_2348] : memref<128x16xf32, #tpu.memory_space<vmem>>[vector<16xi32>, vector<16xi32>], vector<16xf32>,
      %broadcast_in_dim3A_2350 = arith.constant 6 : i32
      %broadcast_in_dim3A_2351 = vector.broadcast %broadcast_in_dim3A_2350 : i32 to vector<16xi32>
      %gather3A_2352 = tpu.vector_load_idx %arg11[%add3A_2317, %broadcast_in_dim3A_2351] : memref<128x16xf32, #tpu.memory_space<vmem>>[vector<16xi32>, vector<16xi32>], vector<16xf32>,
      %broadcast_in_dim3A_2353 = arith.constant 7 : i32
      %broadcast_in_dim3A_2354 = vector.broadcast %broadcast_in_dim3A_2353 : i32 to vector<16xi32>
      %gather3A_2355 = tpu.vector_load_idx %arg11[%add3A_2317, %broadcast_in_dim3A_2354] : memref<128x16xf32, #tpu.memory_space<vmem>>[vector<16xi32>, vector<16xi32>], vector<16xf32>,
      %broadcast_in_dim3A_2356 = arith.constant 8 : i32
      %broadcast_in_dim3A_2357 = vector.broadcast %broadcast_in_dim3A_2356 : i32 to vector<16xi32>
      %gather3A_2358 = tpu.vector_load_idx %arg11[%add3A_2317, %broadcast_in_dim3A_2357] : memref<128x16xf32, #tpu.memory_space<vmem>>[vector<16xi32>, vector<16xi32>], vector<16xf32>,
      %broadcast_in_dim3A_2359 = arith.constant 9 : i32
      %broadcast_in_dim3A_2360 = vector.broadcast %broadcast_in_dim3A_2359 : i32 to vector<16xi32>
      %gather3A_2361 = tpu.vector_load_idx %arg11[%add3A_2317, %broadcast_in_dim3A_2360] : memref<128x16xf32, #tpu.memory_space<vmem>>[vector<16xi32>, vector<16xi32>], vector<16xf32>,
      %broadcast_in_dim3A_2362 = arith.constant 10 : i32
      %broadcast_in_dim3A_2363 = vector.broadcast %broadcast_in_dim3A_2362 : i32 to vector<16xi32>
      %gather3A_2364 = tpu.vector_load_idx %arg11[%add3A_2317, %broadcast_in_dim3A_2363] : memref<128x16xf32, #tpu.memory_space<vmem>>[vector<16xi32>, vector<16xi32>], vector<16xf32>,
      %broadcast_in_dim3A_2365 = arith.constant 11 : i32
      %broadcast_in_dim3A_2366 = vector.broadcast %broadcast_in_dim3A_2365 : i32 to vector<16xi32>
      %gather3A_2367 = tpu.vector_load_idx %arg11[%add3A_2317, %broadcast_in_dim3A_2366] : memref<128x16xf32, #tpu.memory_space<vmem>>[vector<16xi32>, vector<16xi32>], vector<16xf32>,
      %broadcast_in_dim3A_2368 = arith.constant 4 : i32
      %broadcast_in_dim3A_2369 = vector.broadcast %broadcast_in_dim3A_2368 : i32 to vector<16xi32>
      %gather3A_2370 = tpu.vector_load_idx %arg13[%broadcast_in_dim3A_2319, %broadcast_in_dim3A_2369] : memref<8x16xf32, #tpu.memory_space<vmem>>[vector<16xi32>, vector<16xi32>], vector<16xf32>,
      %broadcast_in_dim3A_2371 = arith.constant 5 : i32
      %broadcast_in_dim3A_2372 = vector.broadcast %broadcast_in_dim3A_2371 : i32 to vector<16xi32>
      %gather3A_2373 = tpu.vector_load_idx %arg13[%broadcast_in_dim3A_2319, %broadcast_in_dim3A_2372] : memref<8x16xf32, #tpu.memory_space<vmem>>[vector<16xi32>, vector<16xi32>], vector<16xf32>,
      %broadcast_in_dim3A_2374 = arith.constant 6 : i32
      %broadcast_in_dim3A_2375 = vector.broadcast %broadcast_in_dim3A_2374 : i32 to vector<16xi32>
      %gather3A_2376 = tpu.vector_load_idx %arg13[%broadcast_in_dim3A_2319, %broadcast_in_dim3A_2375] : memref<8x16xf32, #tpu.memory_space<vmem>>[vector<16xi32>, vector<16xi32>], vector<16xf32>,
      %broadcast_in_dim3A_2377 = arith.constant 7 : i32
      %broadcast_in_dim3A_2378 = vector.broadcast %broadcast_in_dim3A_2377 : i32 to vector<16xi32>
      %gather3A_2379 = tpu.vector_load_idx %arg13[%broadcast_in_dim3A_2319, %broadcast_in_dim3A_2378] : memref<8x16xf32, #tpu.memory_space<vmem>>[vector<16xi32>, vector<16xi32>], vector<16xf32>,
      %broadcast_in_dim3A_2380 = arith.constant 8 : i32
      %broadcast_in_dim3A_2381 = vector.broadcast %broadcast_in_dim3A_2380 : i32 to vector<16xi32>
      %gather3A_2382 = tpu.vector_load_idx %arg13[%broadcast_in_dim3A_2319, %broadcast_in_dim3A_2381] : memref<8x16xf32, #tpu.memory_space<vmem>>[vector<16xi32>, vector<16xi32>], vector<16xf32>,
      %broadcast_in_dim3A_2383 = arith.constant 9 : i32
      %broadcast_in_dim3A_2384 = vector.broadcast %broadcast_in_dim3A_2383 : i32 to vector<16xi32>
      %gather3A_2385 = tpu.vector_load_idx %arg13[%broadcast_in_dim3A_2319, %broadcast_in_dim3A_2384] : memref<8x16xf32, #tpu.memory_space<vmem>>[vector<16xi32>, vector<16xi32>], vector<16xf32>,
      %broadcast_in_dim3A_2386 = arith.constant 10 : i32
      %broadcast_in_dim3A_2387 = vector.broadcast %broadcast_in_dim3A_2386 : i32 to vector<16xi32>
      %gather3A_2388 = tpu.vector_load_idx %arg13[%broadcast_in_dim3A_2319, %broadcast_in_dim3A_2387] : memref<8x16xf32, #tpu.memory_space<vmem>>[vector<16xi32>, vector<16xi32>], vector<16xf32>,
      %broadcast_in_dim3A_2389 = arith.constant 11 : i32
      %broadcast_in_dim3A_2390 = vector.broadcast %broadcast_in_dim3A_2389 : i32 to vector<16xi32>
      %gather3A_2391 = tpu.vector_load_idx %arg13[%broadcast_in_dim3A_2319, %broadcast_in_dim3A_2390] : memref<8x16xf32, #tpu.memory_space<vmem>>[vector<16xi32>, vector<16xi32>], vector<16xf32>,
      %broadcast_in_dim3A_2392 = arith.constant 12 : i32
      %broadcast_in_dim3A_2393 = vector.broadcast %broadcast_in_dim3A_2392 : i32 to vector<16xi32>
      %gather3A_2394 = tpu.vector_load_idx %arg13[%broadcast_in_dim3A_2319, %broadcast_in_dim3A_2393] : memref<8x16xf32, #tpu.memory_space<vmem>>[vector<16xi32>, vector<16xi32>], vector<16xf32>,
      %mul3A_2395 = arith.mulf %sub3A_2326, %sub3A_2326 : vector<16xf32>
      %mul3A_2396 = arith.mulf %sub3A_2333, %sub3A_2333 : vector<16xf32>
      %add3A_2397 = arith.addf %mul3A_2395, %mul3A_2396 : vector<16xf32>
      %mul3A_2398 = arith.mulf %sub3A_2340, %sub3A_2340 : vector<16xf32>
      %add3A_2399 = arith.addf %add3A_2397, %mul3A_2398 : vector<16xf32>
      %mul3A_2400 = arith.constant -5.000000e-01 : f32
      %mul3A_2401 = vector.broadcast %mul3A_2400 : f32 to vector<16xf32>
      %mul3A_2402 = arith.mulf %mul3A_2401, %add3A_2399 : vector<16xf32>
      %exp3A_2403 = math.exp %mul3A_2402 : vector<16xf32>
      %mul3A_2404 = arith.mulf %gather3A_2370, %sub3A_2326 : vector<16xf32>
      %mul3A_2405 = arith.mulf %gather3A_2373, %sub3A_2333 : vector<16xf32>
      %add3A_2406 = arith.addf %mul3A_2404, %mul3A_2405 : vector<16xf32>
      %mul3A_2407 = arith.mulf %gather3A_2376, %sub3A_2340 : vector<16xf32>
      %add3A_2408 = arith.addf %add3A_2406, %mul3A_2407 : vector<16xf32>
      %broadcast_in_dim3A_2409 = arith.constant 0 : i32
      %broadcast_in_dim3A_2410 = vector.broadcast %broadcast_in_dim3A_2409 : i32 to vector<16xi32>
      tpu.vector_store_idx %arg14[%add3A_2317, %broadcast_in_dim3A_2410], %add3A_2408 : memref<128x16xf32, #tpu.memory_space<vmem>>[vector<16xi32>, vector<16xi32>], vector<16xf32>,
      %mul3A_2411 = arith.mulf %gather3A_2379, %sub3A_2326 : vector<16xf32>
      %mul3A_2412 = arith.mulf %gather3A_2382, %sub3A_2333 : vector<16xf32>
      %add3A_2413 = arith.addf %mul3A_2411, %mul3A_2412 : vector<16xf32>
      %mul3A_2414 = arith.mulf %gather3A_2385, %sub3A_2340 : vector<16xf32>
      %add3A_2415 = arith.addf %add3A_2413, %mul3A_2414 : vector<16xf32>
      %broadcast_in_dim3A_2416 = arith.constant 1 : i32
      %broadcast_in_dim3A_2417 = vector.broadcast %broadcast_in_dim3A_2416 : i32 to vector<16xi32>
      tpu.vector_store_idx %arg14[%add3A_2317, %broadcast_in_dim3A_2417], %add3A_2415 : memref<128x16xf32, #tpu.memory_space<vmem>>[vector<16xi32>, vector<16xi32>], vector<16xf32>,
      %mul3A_2418 = arith.mulf %gather3A_2388, %sub3A_2326 : vector<16xf32>
      %mul3A_2419 = arith.mulf %gather3A_2391, %sub3A_2333 : vector<16xf32>
      %add3A_2420 = arith.addf %mul3A_2418, %mul3A_2419 : vector<16xf32>
      %mul3A_2421 = arith.mulf %gather3A_2394, %sub3A_2340 : vector<16xf32>
      %add3A_2422 = arith.addf %add3A_2420, %mul3A_2421 : vector<16xf32>
      %broadcast_in_dim3A_2423 = arith.constant 2 : i32
      %broadcast_in_dim3A_2424 = vector.broadcast %broadcast_in_dim3A_2423 : i32 to vector<16xi32>
      tpu.vector_store_idx %arg14[%add3A_2317, %broadcast_in_dim3A_2424], %add3A_2422 : memref<128x16xf32, #tpu.memory_space<vmem>>[vector<16xi32>, vector<16xi32>], vector<16xf32>,
      %mul3A_2425 = arith.mulf %gather3A_2370, %gather3A_2343 : vector<16xf32>
      %mul3A_2426 = arith.mulf %gather3A_2373, %gather3A_2346 : vector<16xf32>
      %add3A_2427 = arith.addf %mul3A_2425, %mul3A_2426 : vector<16xf32>
      %mul3A_2428 = arith.mulf %gather3A_2376, %gather3A_2349 : vector<16xf32>
      %add3A_2429 = arith.addf %add3A_2427, %mul3A_2428 : vector<16xf32>
      %broadcast_in_dim3A_2430 = arith.constant 3 : i32
      %broadcast_in_dim3A_2431 = vector.broadcast %broadcast_in_dim3A_2430 : i32 to vector<16xi32>
      tpu.vector_store_idx %arg14[%add3A_2317, %broadcast_in_dim3A_2431], %add3A_2429 : memref<128x16xf32, #tpu.memory_space<vmem>>[vector<16xi32>, vector<16xi32>], vector<16xf32>,
      %mul3A_2432 = arith.mulf %gather3A_2379, %gather3A_2343 : vector<16xf32>
      %mul3A_2433 = arith.mulf %gather3A_2382, %gather3A_2346 : vector<16xf32>
      %add3A_2434 = arith.addf %mul3A_2432, %mul3A_2433 : vector<16xf32>
      %mul3A_2435 = arith.mulf %gather3A_2385, %gather3A_2349 : vector<16xf32>
      %add3A_2436 = arith.addf %add3A_2434, %mul3A_2435 : vector<16xf32>
      %broadcast_in_dim3A_2437 = arith.constant 4 : i32
      %broadcast_in_dim3A_2438 = vector.broadcast %broadcast_in_dim3A_2437 : i32 to vector<16xi32>
      tpu.vector_store_idx %arg14[%add3A_2317, %broadcast_in_dim3A_2438], %add3A_2436 : memref<128x16xf32, #tpu.memory_space<vmem>>[vector<16xi32>, vector<16xi32>], vector<16xf32>,
      %mul3A_2439 = arith.mulf %gather3A_2388, %gather3A_2343 : vector<16xf32>
      %mul3A_2440 = arith.mulf %gather3A_2391, %gather3A_2346 : vector<16xf32>
      %add3A_2441 = arith.addf %mul3A_2439, %mul3A_2440 : vector<16xf32>
      %mul3A_2442 = arith.mulf %gather3A_2394, %gather3A_2349 : vector<16xf32>
      %add3A_2443 = arith.addf %add3A_2441, %mul3A_2442 : vector<16xf32>
      %broadcast_in_dim3A_2444 = arith.constant 5 : i32
      %broadcast_in_dim3A_2445 = vector.broadcast %broadcast_in_dim3A_2444 : i32 to vector<16xi32>
      tpu.vector_store_idx %arg14[%add3A_2317, %broadcast_in_dim3A_2445], %add3A_2443 : memref<128x16xf32, #tpu.memory_space<vmem>>[vector<16xi32>, vector<16xi32>], vector<16xf32>,
      %mul3A_2446 = arith.mulf %gather3A_2370, %gather3A_2352 : vector<16xf32>
      %mul3A_2447 = arith.mulf %gather3A_2373, %gather3A_2355 : vector<16xf32>
      %add3A_2448 = arith.addf %mul3A_2446, %mul3A_2447 : vector<16xf32>
      %mul3A_2449 = arith.mulf %gather3A_2376, %gather3A_2358 : vector<16xf32>
      %add3A_2450 = arith.addf %add3A_2448, %mul3A_2449 : vector<16xf32>
      %broadcast_in_dim3A_2451 = arith.constant 6 : i32
      %broadcast_in_dim3A_2452 = vector.broadcast %broadcast_in_dim3A_2451 : i32 to vector<16xi32>
      tpu.vector_store_idx %arg14[%add3A_2317, %broadcast_in_dim3A_2452], %add3A_2450 : memref<128x16xf32, #tpu.memory_space<vmem>>[vector<16xi32>, vector<16xi32>], vector<16xf32>,
      %mul3A_2453 = arith.mulf %gather3A_2379, %gather3A_2352 : vector<16xf32>
      %mul3A_2454 = arith.mulf %gather3A_2382, %gather3A_2355 : vector<16xf32>
      %add3A_2455 = arith.addf %mul3A_2453, %mul3A_2454 : vector<16xf32>
      %mul3A_2456 = arith.mulf %gather3A_2385, %gather3A_2358 : vector<16xf32>
      %add3A_2457 = arith.addf %add3A_2455, %mul3A_2456 : vector<16xf32>
      %broadcast_in_dim3A_2458 = arith.constant 7 : i32
      %broadcast_in_dim3A_2459 = vector.broadcast %broadcast_in_dim3A_2458 : i32 to vector<16xi32>
      tpu.vector_store_idx %arg14[%add3A_2317, %broadcast_in_dim3A_2459], %add3A_2457 : memref<128x16xf32, #tpu.memory_space<vmem>>[vector<16xi32>, vector<16xi32>], vector<16xf32>,
      %mul3A_2460 = arith.mulf %gather3A_2388, %gather3A_2352 : vector<16xf32>
      %mul3A_2461 = arith.mulf %gather3A_2391, %gather3A_2355 : vector<16xf32>
      %add3A_2462 = arith.addf %mul3A_2460, %mul3A_2461 : vector<16xf32>
      %mul3A_2463 = arith.mulf %gather3A_2394, %gather3A_2358 : vector<16xf32>
      %add3A_2464 = arith.addf %add3A_2462, %mul3A_2463 : vector<16xf32>
      %broadcast_in_dim3A_2465 = arith.constant 8 : i32
      %broadcast_in_dim3A_2466 = vector.broadcast %broadcast_in_dim3A_2465 : i32 to vector<16xi32>
      tpu.vector_store_idx %arg14[%add3A_2317, %broadcast_in_dim3A_2466], %add3A_2464 : memref<128x16xf32, #tpu.memory_space<vmem>>[vector<16xi32>, vector<16xi32>], vector<16xf32>,
      %mul3A_2467 = arith.mulf %gather3A_2370, %gather3A_2361 : vector<16xf32>
      %mul3A_2468 = arith.mulf %gather3A_2373, %gather3A_2364 : vector<16xf32>
      %add3A_2469 = arith.addf %mul3A_2467, %mul3A_2468 : vector<16xf32>
      %mul3A_2470 = arith.mulf %gather3A_2376, %gather3A_2367 : vector<16xf32>
      %add3A_2471 = arith.addf %add3A_2469, %mul3A_2470 : vector<16xf32>
      %broadcast_in_dim3A_2472 = arith.constant 9 : i32
      %broadcast_in_dim3A_2473 = vector.broadcast %broadcast_in_dim3A_2472 : i32 to vector<16xi32>
      tpu.vector_store_idx %arg14[%add3A_2317, %broadcast_in_dim3A_2473], %add3A_2471 : memref<128x16xf32, #tpu.memory_space<vmem>>[vector<16xi32>, vector<16xi32>], vector<16xf32>,
      %mul3A_2474 = arith.mulf %gather3A_2379, %gather3A_2361 : vector<16xf32>
      %mul3A_2475 = arith.mulf %gather3A_2382, %gather3A_2364 : vector<16xf32>
      %add3A_2476 = arith.addf %mul3A_2474, %mul3A_2475 : vector<16xf32>
      %mul3A_2477 = arith.mulf %gather3A_2385, %gather3A_2367 : vector<16xf32>
      %add3A_2478 = arith.addf %add3A_2476, %mul3A_2477 : vector<16xf32>
      %broadcast_in_dim3A_2479 = arith.constant 10 : i32
      %broadcast_in_dim3A_2480 = vector.broadcast %broadcast_in_dim3A_2479 : i32 to vector<16xi32>
      tpu.vector_store_idx %arg14[%add3A_2317, %broadcast_in_dim3A_2480], %add3A_2478 : memref<128x16xf32, #tpu.memory_space<vmem>>[vector<16xi32>, vector<16xi32>], vector<16xf32>,
      %mul3A_2481 = arith.mulf %gather3A_2388, %gather3A_2361 : vector<16xf32>
      %mul3A_2482 = arith.mulf %gather3A_2391, %gather3A_2364 : vector<16xf32>
      %add3A_2483 = arith.addf %mul3A_2481, %mul3A_2482 : vector<16xf32>
      %mul3A_2484 = arith.mulf %gather3A_2394, %gather3A_2367 : vector<16xf32>
      %add3A_2485 = arith.addf %add3A_2483, %mul3A_2484 : vector<16xf32>
      %broadcast_in_dim3A_2486 = arith.constant 11 : i32
      %broadcast_in_dim3A_2487 = vector.broadcast %broadcast_in_dim3A_2486 : i32 to vector<16xi32>
      tpu.vector_store_idx %arg14[%add3A_2317, %broadcast_in_dim3A_2487], %add3A_2485 : memref<128x16xf32, #tpu.memory_space<vmem>>[vector<16xi32>, vector<16xi32>], vector<16xf32>,
      %broadcast_in_dim3A_2488 = arith.constant 12 : i32
      %broadcast_in_dim3A_2489 = vector.broadcast %broadcast_in_dim3A_2488 : i32 to vector<16xi32>
      tpu.vector_store_idx %arg14[%add3A_2317, %broadcast_in_dim3A_2489], %exp3A_2403 : memref<128x16xf32, #tpu.memory_space<vmem>>[vector<16xi32>, vector<16xi32>], vector<16xf32>,
      %broadcast_in_dim3A_2490 = arith.constant 0.000000e+00 : f32
      %broadcast_in_dim3A_2491 = vector.broadcast %broadcast_in_dim3A_2490 : f32 to vector<16xf32>
      %broadcast_in_dim3A_2492 = arith.constant 13 : i32
      %broadcast_in_dim3A_2493 = vector.broadcast %broadcast_in_dim3A_2492 : i32 to vector<16xi32>
      tpu.vector_store_idx %arg14[%add3A_2317, %broadcast_in_dim3A_2493], %broadcast_in_dim3A_2491 : memref<128x16xf32, #tpu.memory_space<vmem>>[vector<16xi32>, vector<16xi32>], vector<16xf32>,
      %broadcast_in_dim3A_2494 = arith.constant 14 : i32
      %broadcast_in_dim3A_2495 = vector.broadcast %broadcast_in_dim3A_2494 : i32 to vector<16xi32>
      tpu.vector_store_idx %arg14[%add3A_2317, %broadcast_in_dim3A_2495], %broadcast_in_dim3A_2491 : memref<128x16xf32, #tpu.memory_space<vmem>>[vector<16xi32>, vector<16xi32>], vector<16xf32>,
      %broadcast_in_dim3A_2496 = arith.constant 15 : i32
      %broadcast_in_dim3A_2497 = vector.broadcast %broadcast_in_dim3A_2496 : i32 to vector<16xi32>
      tpu.vector_store_idx %arg14[%add3A_2317, %broadcast_in_dim3A_2497], %broadcast_in_dim3A_2491 : memref<128x16xf32, #tpu.memory_space<vmem>>[vector<16xi32>, vector<16xi32>], vector<16xf32>,
      %add3A_2498 = arith.constant 80 : i32
      %add3A_2499 = vector.broadcast %add3A_2498 : i32 to vector<16xi32>
      %add3A_2500 = arith.addi %iota3A_1582, %add3A_2499 : vector<16xi32>
      %broadcast_in_dim3A_2501 = arith.constant 5 : i32
      %broadcast_in_dim3A_2502 = vector.broadcast %broadcast_in_dim3A_2501 : i32 to vector<16xi32>
      %broadcast_in_dim3A_2503 = arith.constant 0 : i32
      %broadcast_in_dim3A_2504 = vector.broadcast %broadcast_in_dim3A_2503 : i32 to vector<16xi32>
      %gather3A_2505 = tpu.vector_load_idx %arg11[%add3A_2500, %broadcast_in_dim3A_2504] : memref<128x16xf32, #tpu.memory_space<vmem>>[vector<16xi32>, vector<16xi32>], vector<16xf32>,
      %broadcast_in_dim3A_2506 = arith.constant 1 : i32
      %broadcast_in_dim3A_2507 = vector.broadcast %broadcast_in_dim3A_2506 : i32 to vector<16xi32>
      %gather3A_2508 = tpu.vector_load_idx %arg13[%broadcast_in_dim3A_2502, %broadcast_in_dim3A_2507] : memref<8x16xf32, #tpu.memory_space<vmem>>[vector<16xi32>, vector<16xi32>], vector<16xf32>,
      %sub3A_2509 = arith.subf %gather3A_2505, %gather3A_2508 : vector<16xf32>
      %broadcast_in_dim3A_2510 = arith.constant 1 : i32
      %broadcast_in_dim3A_2511 = vector.broadcast %broadcast_in_dim3A_2510 : i32 to vector<16xi32>
      %gather3A_2512 = tpu.vector_load_idx %arg11[%add3A_2500, %broadcast_in_dim3A_2511] : memref<128x16xf32, #tpu.memory_space<vmem>>[vector<16xi32>, vector<16xi32>], vector<16xf32>,
      %broadcast_in_dim3A_2513 = arith.constant 2 : i32
      %broadcast_in_dim3A_2514 = vector.broadcast %broadcast_in_dim3A_2513 : i32 to vector<16xi32>
      %gather3A_2515 = tpu.vector_load_idx %arg13[%broadcast_in_dim3A_2502, %broadcast_in_dim3A_2514] : memref<8x16xf32, #tpu.memory_space<vmem>>[vector<16xi32>, vector<16xi32>], vector<16xf32>,
      %sub3A_2516 = arith.subf %gather3A_2512, %gather3A_2515 : vector<16xf32>
      %broadcast_in_dim3A_2517 = arith.constant 2 : i32
      %broadcast_in_dim3A_2518 = vector.broadcast %broadcast_in_dim3A_2517 : i32 to vector<16xi32>
      %gather3A_2519 = tpu.vector_load_idx %arg11[%add3A_2500, %broadcast_in_dim3A_2518] : memref<128x16xf32, #tpu.memory_space<vmem>>[vector<16xi32>, vector<16xi32>], vector<16xf32>,
      %broadcast_in_dim3A_2520 = arith.constant 3 : i32
      %broadcast_in_dim3A_2521 = vector.broadcast %broadcast_in_dim3A_2520 : i32 to vector<16xi32>
      %gather3A_2522 = tpu.vector_load_idx %arg13[%broadcast_in_dim3A_2502, %broadcast_in_dim3A_2521] : memref<8x16xf32, #tpu.memory_space<vmem>>[vector<16xi32>, vector<16xi32>], vector<16xf32>,
      %sub3A_2523 = arith.subf %gather3A_2519, %gather3A_2522 : vector<16xf32>
      %broadcast_in_dim3A_2524 = arith.constant 3 : i32
      %broadcast_in_dim3A_2525 = vector.broadcast %broadcast_in_dim3A_2524 : i32 to vector<16xi32>
      %gather3A_2526 = tpu.vector_load_idx %arg11[%add3A_2500, %broadcast_in_dim3A_2525] : memref<128x16xf32, #tpu.memory_space<vmem>>[vector<16xi32>, vector<16xi32>], vector<16xf32>,
      %broadcast_in_dim3A_2527 = arith.constant 4 : i32
      %broadcast_in_dim3A_2528 = vector.broadcast %broadcast_in_dim3A_2527 : i32 to vector<16xi32>
      %gather3A_2529 = tpu.vector_load_idx %arg11[%add3A_2500, %broadcast_in_dim3A_2528] : memref<128x16xf32, #tpu.memory_space<vmem>>[vector<16xi32>, vector<16xi32>], vector<16xf32>,
      %broadcast_in_dim3A_2530 = arith.constant 5 : i32
      %broadcast_in_dim3A_2531 = vector.broadcast %broadcast_in_dim3A_2530 : i32 to vector<16xi32>
      %gather3A_2532 = tpu.vector_load_idx %arg11[%add3A_2500, %broadcast_in_dim3A_2531] : memref<128x16xf32, #tpu.memory_space<vmem>>[vector<16xi32>, vector<16xi32>], vector<16xf32>,
      %broadcast_in_dim3A_2533 = arith.constant 6 : i32
      %broadcast_in_dim3A_2534 = vector.broadcast %broadcast_in_dim3A_2533 : i32 to vector<16xi32>
      %gather3A_2535 = tpu.vector_load_idx %arg11[%add3A_2500, %broadcast_in_dim3A_2534] : memref<128x16xf32, #tpu.memory_space<vmem>>[vector<16xi32>, vector<16xi32>], vector<16xf32>,
      %broadcast_in_dim3A_2536 = arith.constant 7 : i32
      %broadcast_in_dim3A_2537 = vector.broadcast %broadcast_in_dim3A_2536 : i32 to vector<16xi32>
      %gather3A_2538 = tpu.vector_load_idx %arg11[%add3A_2500, %broadcast_in_dim3A_2537] : memref<128x16xf32, #tpu.memory_space<vmem>>[vector<16xi32>, vector<16xi32>], vector<16xf32>,
      %broadcast_in_dim3A_2539 = arith.constant 8 : i32
      %broadcast_in_dim3A_2540 = vector.broadcast %broadcast_in_dim3A_2539 : i32 to vector<16xi32>
      %gather3A_2541 = tpu.vector_load_idx %arg11[%add3A_2500, %broadcast_in_dim3A_2540] : memref<128x16xf32, #tpu.memory_space<vmem>>[vector<16xi32>, vector<16xi32>], vector<16xf32>,
      %broadcast_in_dim3A_2542 = arith.constant 9 : i32
      %broadcast_in_dim3A_2543 = vector.broadcast %broadcast_in_dim3A_2542 : i32 to vector<16xi32>
      %gather3A_2544 = tpu.vector_load_idx %arg11[%add3A_2500, %broadcast_in_dim3A_2543] : memref<128x16xf32, #tpu.memory_space<vmem>>[vector<16xi32>, vector<16xi32>], vector<16xf32>,
      %broadcast_in_dim3A_2545 = arith.constant 10 : i32
      %broadcast_in_dim3A_2546 = vector.broadcast %broadcast_in_dim3A_2545 : i32 to vector<16xi32>
      %gather3A_2547 = tpu.vector_load_idx %arg11[%add3A_2500, %broadcast_in_dim3A_2546] : memref<128x16xf32, #tpu.memory_space<vmem>>[vector<16xi32>, vector<16xi32>], vector<16xf32>,
      %broadcast_in_dim3A_2548 = arith.constant 11 : i32
      %broadcast_in_dim3A_2549 = vector.broadcast %broadcast_in_dim3A_2548 : i32 to vector<16xi32>
      %gather3A_2550 = tpu.vector_load_idx %arg11[%add3A_2500, %broadcast_in_dim3A_2549] : memref<128x16xf32, #tpu.memory_space<vmem>>[vector<16xi32>, vector<16xi32>], vector<16xf32>,
      %broadcast_in_dim3A_2551 = arith.constant 4 : i32
      %broadcast_in_dim3A_2552 = vector.broadcast %broadcast_in_dim3A_2551 : i32 to vector<16xi32>
      %gather3A_2553 = tpu.vector_load_idx %arg13[%broadcast_in_dim3A_2502, %broadcast_in_dim3A_2552] : memref<8x16xf32, #tpu.memory_space<vmem>>[vector<16xi32>, vector<16xi32>], vector<16xf32>,
      %broadcast_in_dim3A_2554 = arith.constant 5 : i32
      %broadcast_in_dim3A_2555 = vector.broadcast %broadcast_in_dim3A_2554 : i32 to vector<16xi32>
      %gather3A_2556 = tpu.vector_load_idx %arg13[%broadcast_in_dim3A_2502, %broadcast_in_dim3A_2555] : memref<8x16xf32, #tpu.memory_space<vmem>>[vector<16xi32>, vector<16xi32>], vector<16xf32>,
      %broadcast_in_dim3A_2557 = arith.constant 6 : i32
      %broadcast_in_dim3A_2558 = vector.broadcast %broadcast_in_dim3A_2557 : i32 to vector<16xi32>
      %gather3A_2559 = tpu.vector_load_idx %arg13[%broadcast_in_dim3A_2502, %broadcast_in_dim3A_2558] : memref<8x16xf32, #tpu.memory_space<vmem>>[vector<16xi32>, vector<16xi32>], vector<16xf32>,
      %broadcast_in_dim3A_2560 = arith.constant 7 : i32
      %broadcast_in_dim3A_2561 = vector.broadcast %broadcast_in_dim3A_2560 : i32 to vector<16xi32>
      %gather3A_2562 = tpu.vector_load_idx %arg13[%broadcast_in_dim3A_2502, %broadcast_in_dim3A_2561] : memref<8x16xf32, #tpu.memory_space<vmem>>[vector<16xi32>, vector<16xi32>], vector<16xf32>,
      %broadcast_in_dim3A_2563 = arith.constant 8 : i32
      %broadcast_in_dim3A_2564 = vector.broadcast %broadcast_in_dim3A_2563 : i32 to vector<16xi32>
      %gather3A_2565 = tpu.vector_load_idx %arg13[%broadcast_in_dim3A_2502, %broadcast_in_dim3A_2564] : memref<8x16xf32, #tpu.memory_space<vmem>>[vector<16xi32>, vector<16xi32>], vector<16xf32>,
      %broadcast_in_dim3A_2566 = arith.constant 9 : i32
      %broadcast_in_dim3A_2567 = vector.broadcast %broadcast_in_dim3A_2566 : i32 to vector<16xi32>
      %gather3A_2568 = tpu.vector_load_idx %arg13[%broadcast_in_dim3A_2502, %broadcast_in_dim3A_2567] : memref<8x16xf32, #tpu.memory_space<vmem>>[vector<16xi32>, vector<16xi32>], vector<16xf32>,
      %broadcast_in_dim3A_2569 = arith.constant 10 : i32
      %broadcast_in_dim3A_2570 = vector.broadcast %broadcast_in_dim3A_2569 : i32 to vector<16xi32>
      %gather3A_2571 = tpu.vector_load_idx %arg13[%broadcast_in_dim3A_2502, %broadcast_in_dim3A_2570] : memref<8x16xf32, #tpu.memory_space<vmem>>[vector<16xi32>, vector<16xi32>], vector<16xf32>,
      %broadcast_in_dim3A_2572 = arith.constant 11 : i32
      %broadcast_in_dim3A_2573 = vector.broadcast %broadcast_in_dim3A_2572 : i32 to vector<16xi32>
      %gather3A_2574 = tpu.vector_load_idx %arg13[%broadcast_in_dim3A_2502, %broadcast_in_dim3A_2573] : memref<8x16xf32, #tpu.memory_space<vmem>>[vector<16xi32>, vector<16xi32>], vector<16xf32>,
      %broadcast_in_dim3A_2575 = arith.constant 12 : i32
      %broadcast_in_dim3A_2576 = vector.broadcast %broadcast_in_dim3A_2575 : i32 to vector<16xi32>
      %gather3A_2577 = tpu.vector_load_idx %arg13[%broadcast_in_dim3A_2502, %broadcast_in_dim3A_2576] : memref<8x16xf32, #tpu.memory_space<vmem>>[vector<16xi32>, vector<16xi32>], vector<16xf32>,
      %mul3A_2578 = arith.mulf %sub3A_2509, %sub3A_2509 : vector<16xf32>
      %mul3A_2579 = arith.mulf %sub3A_2516, %sub3A_2516 : vector<16xf32>
      %add3A_2580 = arith.addf %mul3A_2578, %mul3A_2579 : vector<16xf32>
      %mul3A_2581 = arith.mulf %sub3A_2523, %sub3A_2523 : vector<16xf32>
      %add3A_2582 = arith.addf %add3A_2580, %mul3A_2581 : vector<16xf32>
      %mul3A_2583 = arith.constant -5.000000e-01 : f32
      %mul3A_2584 = vector.broadcast %mul3A_2583 : f32 to vector<16xf32>
      %mul3A_2585 = arith.mulf %mul3A_2584, %add3A_2582 : vector<16xf32>
      %exp3A_2586 = math.exp %mul3A_2585 : vector<16xf32>
      %mul3A_2587 = arith.mulf %gather3A_2553, %sub3A_2509 : vector<16xf32>
      %mul3A_2588 = arith.mulf %gather3A_2556, %sub3A_2516 : vector<16xf32>
      %add3A_2589 = arith.addf %mul3A_2587, %mul3A_2588 : vector<16xf32>
      %mul3A_2590 = arith.mulf %gather3A_2559, %sub3A_2523 : vector<16xf32>
      %add3A_2591 = arith.addf %add3A_2589, %mul3A_2590 : vector<16xf32>
      %broadcast_in_dim3A_2592 = arith.constant 0 : i32
      %broadcast_in_dim3A_2593 = vector.broadcast %broadcast_in_dim3A_2592 : i32 to vector<16xi32>
      tpu.vector_store_idx %arg14[%add3A_2500, %broadcast_in_dim3A_2593], %add3A_2591 : memref<128x16xf32, #tpu.memory_space<vmem>>[vector<16xi32>, vector<16xi32>], vector<16xf32>,
      %mul3A_2594 = arith.mulf %gather3A_2562, %sub3A_2509 : vector<16xf32>
      %mul3A_2595 = arith.mulf %gather3A_2565, %sub3A_2516 : vector<16xf32>
      %add3A_2596 = arith.addf %mul3A_2594, %mul3A_2595 : vector<16xf32>
      %mul3A_2597 = arith.mulf %gather3A_2568, %sub3A_2523 : vector<16xf32>
      %add3A_2598 = arith.addf %add3A_2596, %mul3A_2597 : vector<16xf32>
      %broadcast_in_dim3A_2599 = arith.constant 1 : i32
      %broadcast_in_dim3A_2600 = vector.broadcast %broadcast_in_dim3A_2599 : i32 to vector<16xi32>
      tpu.vector_store_idx %arg14[%add3A_2500, %broadcast_in_dim3A_2600], %add3A_2598 : memref<128x16xf32, #tpu.memory_space<vmem>>[vector<16xi32>, vector<16xi32>], vector<16xf32>,
      %mul3A_2601 = arith.mulf %gather3A_2571, %sub3A_2509 : vector<16xf32>
      %mul3A_2602 = arith.mulf %gather3A_2574, %sub3A_2516 : vector<16xf32>
      %add3A_2603 = arith.addf %mul3A_2601, %mul3A_2602 : vector<16xf32>
      %mul3A_2604 = arith.mulf %gather3A_2577, %sub3A_2523 : vector<16xf32>
      %add3A_2605 = arith.addf %add3A_2603, %mul3A_2604 : vector<16xf32>
      %broadcast_in_dim3A_2606 = arith.constant 2 : i32
      %broadcast_in_dim3A_2607 = vector.broadcast %broadcast_in_dim3A_2606 : i32 to vector<16xi32>
      tpu.vector_store_idx %arg14[%add3A_2500, %broadcast_in_dim3A_2607], %add3A_2605 : memref<128x16xf32, #tpu.memory_space<vmem>>[vector<16xi32>, vector<16xi32>], vector<16xf32>,
      %mul3A_2608 = arith.mulf %gather3A_2553, %gather3A_2526 : vector<16xf32>
      %mul3A_2609 = arith.mulf %gather3A_2556, %gather3A_2529 : vector<16xf32>
      %add3A_2610 = arith.addf %mul3A_2608, %mul3A_2609 : vector<16xf32>
      %mul3A_2611 = arith.mulf %gather3A_2559, %gather3A_2532 : vector<16xf32>
      %add3A_2612 = arith.addf %add3A_2610, %mul3A_2611 : vector<16xf32>
      %broadcast_in_dim3A_2613 = arith.constant 3 : i32
      %broadcast_in_dim3A_2614 = vector.broadcast %broadcast_in_dim3A_2613 : i32 to vector<16xi32>
      tpu.vector_store_idx %arg14[%add3A_2500, %broadcast_in_dim3A_2614], %add3A_2612 : memref<128x16xf32, #tpu.memory_space<vmem>>[vector<16xi32>, vector<16xi32>], vector<16xf32>,
      %mul3A_2615 = arith.mulf %gather3A_2562, %gather3A_2526 : vector<16xf32>
      %mul3A_2616 = arith.mulf %gather3A_2565, %gather3A_2529 : vector<16xf32>
      %add3A_2617 = arith.addf %mul3A_2615, %mul3A_2616 : vector<16xf32>
      %mul3A_2618 = arith.mulf %gather3A_2568, %gather3A_2532 : vector<16xf32>
      %add3A_2619 = arith.addf %add3A_2617, %mul3A_2618 : vector<16xf32>
      %broadcast_in_dim3A_2620 = arith.constant 4 : i32
      %broadcast_in_dim3A_2621 = vector.broadcast %broadcast_in_dim3A_2620 : i32 to vector<16xi32>
      tpu.vector_store_idx %arg14[%add3A_2500, %broadcast_in_dim3A_2621], %add3A_2619 : memref<128x16xf32, #tpu.memory_space<vmem>>[vector<16xi32>, vector<16xi32>], vector<16xf32>,
      %mul3A_2622 = arith.mulf %gather3A_2571, %gather3A_2526 : vector<16xf32>
      %mul3A_2623 = arith.mulf %gather3A_2574, %gather3A_2529 : vector<16xf32>
      %add3A_2624 = arith.addf %mul3A_2622, %mul3A_2623 : vector<16xf32>
      %mul3A_2625 = arith.mulf %gather3A_2577, %gather3A_2532 : vector<16xf32>
      %add3A_2626 = arith.addf %add3A_2624, %mul3A_2625 : vector<16xf32>
      %broadcast_in_dim3A_2627 = arith.constant 5 : i32
      %broadcast_in_dim3A_2628 = vector.broadcast %broadcast_in_dim3A_2627 : i32 to vector<16xi32>
      tpu.vector_store_idx %arg14[%add3A_2500, %broadcast_in_dim3A_2628], %add3A_2626 : memref<128x16xf32, #tpu.memory_space<vmem>>[vector<16xi32>, vector<16xi32>], vector<16xf32>,
      %mul3A_2629 = arith.mulf %gather3A_2553, %gather3A_2535 : vector<16xf32>
      %mul3A_2630 = arith.mulf %gather3A_2556, %gather3A_2538 : vector<16xf32>
      %add3A_2631 = arith.addf %mul3A_2629, %mul3A_2630 : vector<16xf32>
      %mul3A_2632 = arith.mulf %gather3A_2559, %gather3A_2541 : vector<16xf32>
      %add3A_2633 = arith.addf %add3A_2631, %mul3A_2632 : vector<16xf32>
      %broadcast_in_dim3A_2634 = arith.constant 6 : i32
      %broadcast_in_dim3A_2635 = vector.broadcast %broadcast_in_dim3A_2634 : i32 to vector<16xi32>
      tpu.vector_store_idx %arg14[%add3A_2500, %broadcast_in_dim3A_2635], %add3A_2633 : memref<128x16xf32, #tpu.memory_space<vmem>>[vector<16xi32>, vector<16xi32>], vector<16xf32>,
      %mul3A_2636 = arith.mulf %gather3A_2562, %gather3A_2535 : vector<16xf32>
      %mul3A_2637 = arith.mulf %gather3A_2565, %gather3A_2538 : vector<16xf32>
      %add3A_2638 = arith.addf %mul3A_2636, %mul3A_2637 : vector<16xf32>
      %mul3A_2639 = arith.mulf %gather3A_2568, %gather3A_2541 : vector<16xf32>
      %add3A_2640 = arith.addf %add3A_2638, %mul3A_2639 : vector<16xf32>
      %broadcast_in_dim3A_2641 = arith.constant 7 : i32
      %broadcast_in_dim3A_2642 = vector.broadcast %broadcast_in_dim3A_2641 : i32 to vector<16xi32>
      tpu.vector_store_idx %arg14[%add3A_2500, %broadcast_in_dim3A_2642], %add3A_2640 : memref<128x16xf32, #tpu.memory_space<vmem>>[vector<16xi32>, vector<16xi32>], vector<16xf32>,
      %mul3A_2643 = arith.mulf %gather3A_2571, %gather3A_2535 : vector<16xf32>
      %mul3A_2644 = arith.mulf %gather3A_2574, %gather3A_2538 : vector<16xf32>
      %add3A_2645 = arith.addf %mul3A_2643, %mul3A_2644 : vector<16xf32>
      %mul3A_2646 = arith.mulf %gather3A_2577, %gather3A_2541 : vector<16xf32>
      %add3A_2647 = arith.addf %add3A_2645, %mul3A_2646 : vector<16xf32>
      %broadcast_in_dim3A_2648 = arith.constant 8 : i32
      %broadcast_in_dim3A_2649 = vector.broadcast %broadcast_in_dim3A_2648 : i32 to vector<16xi32>
      tpu.vector_store_idx %arg14[%add3A_2500, %broadcast_in_dim3A_2649], %add3A_2647 : memref<128x16xf32, #tpu.memory_space<vmem>>[vector<16xi32>, vector<16xi32>], vector<16xf32>,
      %mul3A_2650 = arith.mulf %gather3A_2553, %gather3A_2544 : vector<16xf32>
      %mul3A_2651 = arith.mulf %gather3A_2556, %gather3A_2547 : vector<16xf32>
      %add3A_2652 = arith.addf %mul3A_2650, %mul3A_2651 : vector<16xf32>
      %mul3A_2653 = arith.mulf %gather3A_2559, %gather3A_2550 : vector<16xf32>
      %add3A_2654 = arith.addf %add3A_2652, %mul3A_2653 : vector<16xf32>
      %broadcast_in_dim3A_2655 = arith.constant 9 : i32
      %broadcast_in_dim3A_2656 = vector.broadcast %broadcast_in_dim3A_2655 : i32 to vector<16xi32>
      tpu.vector_store_idx %arg14[%add3A_2500, %broadcast_in_dim3A_2656], %add3A_2654 : memref<128x16xf32, #tpu.memory_space<vmem>>[vector<16xi32>, vector<16xi32>], vector<16xf32>,
      %mul3A_2657 = arith.mulf %gather3A_2562, %gather3A_2544 : vector<16xf32>
      %mul3A_2658 = arith.mulf %gather3A_2565, %gather3A_2547 : vector<16xf32>
      %add3A_2659 = arith.addf %mul3A_2657, %mul3A_2658 : vector<16xf32>
      %mul3A_2660 = arith.mulf %gather3A_2568, %gather3A_2550 : vector<16xf32>
      %add3A_2661 = arith.addf %add3A_2659, %mul3A_2660 : vector<16xf32>
      %broadcast_in_dim3A_2662 = arith.constant 10 : i32
      %broadcast_in_dim3A_2663 = vector.broadcast %broadcast_in_dim3A_2662 : i32 to vector<16xi32>
      tpu.vector_store_idx %arg14[%add3A_2500, %broadcast_in_dim3A_2663], %add3A_2661 : memref<128x16xf32, #tpu.memory_space<vmem>>[vector<16xi32>, vector<16xi32>], vector<16xf32>,
      %mul3A_2664 = arith.mulf %gather3A_2571, %gather3A_2544 : vector<16xf32>
      %mul3A_2665 = arith.mulf %gather3A_2574, %gather3A_2547 : vector<16xf32>
      %add3A_2666 = arith.addf %mul3A_2664, %mul3A_2665 : vector<16xf32>
      %mul3A_2667 = arith.mulf %gather3A_2577, %gather3A_2550 : vector<16xf32>
      %add3A_2668 = arith.addf %add3A_2666, %mul3A_2667 : vector<16xf32>
      %broadcast_in_dim3A_2669 = arith.constant 11 : i32
      %broadcast_in_dim3A_2670 = vector.broadcast %broadcast_in_dim3A_2669 : i32 to vector<16xi32>
      tpu.vector_store_idx %arg14[%add3A_2500, %broadcast_in_dim3A_2670], %add3A_2668 : memref<128x16xf32, #tpu.memory_space<vmem>>[vector<16xi32>, vector<16xi32>], vector<16xf32>,
      %broadcast_in_dim3A_2671 = arith.constant 12 : i32
      %broadcast_in_dim3A_2672 = vector.broadcast %broadcast_in_dim3A_2671 : i32 to vector<16xi32>
      tpu.vector_store_idx %arg14[%add3A_2500, %broadcast_in_dim3A_2672], %exp3A_2586 : memref<128x16xf32, #tpu.memory_space<vmem>>[vector<16xi32>, vector<16xi32>], vector<16xf32>,
      %broadcast_in_dim3A_2673 = arith.constant 0.000000e+00 : f32
      %broadcast_in_dim3A_2674 = vector.broadcast %broadcast_in_dim3A_2673 : f32 to vector<16xf32>
      %broadcast_in_dim3A_2675 = arith.constant 13 : i32
      %broadcast_in_dim3A_2676 = vector.broadcast %broadcast_in_dim3A_2675 : i32 to vector<16xi32>
      tpu.vector_store_idx %arg14[%add3A_2500, %broadcast_in_dim3A_2676], %broadcast_in_dim3A_2674 : memref<128x16xf32, #tpu.memory_space<vmem>>[vector<16xi32>, vector<16xi32>], vector<16xf32>,
      %broadcast_in_dim3A_2677 = arith.constant 14 : i32
      %broadcast_in_dim3A_2678 = vector.broadcast %broadcast_in_dim3A_2677 : i32 to vector<16xi32>
      tpu.vector_store_idx %arg14[%add3A_2500, %broadcast_in_dim3A_2678], %broadcast_in_dim3A_2674 : memref<128x16xf32, #tpu.memory_space<vmem>>[vector<16xi32>, vector<16xi32>], vector<16xf32>,
      %broadcast_in_dim3A_2679 = arith.constant 15 : i32
      %broadcast_in_dim3A_2680 = vector.broadcast %broadcast_in_dim3A_2679 : i32 to vector<16xi32>
      tpu.vector_store_idx %arg14[%add3A_2500, %broadcast_in_dim3A_2680], %broadcast_in_dim3A_2674 : memref<128x16xf32, #tpu.memory_space<vmem>>[vector<16xi32>, vector<16xi32>], vector<16xf32>,
      %add3A_2681 = arith.constant 96 : i32
      %add3A_2682 = vector.broadcast %add3A_2681 : i32 to vector<16xi32>
      %add3A_2683 = arith.addi %iota3A_1582, %add3A_2682 : vector<16xi32>
      %broadcast_in_dim3A_2684 = arith.constant 6 : i32
      %broadcast_in_dim3A_2685 = vector.broadcast %broadcast_in_dim3A_2684 : i32 to vector<16xi32>
      %broadcast_in_dim3A_2686 = arith.constant 0 : i32
      %broadcast_in_dim3A_2687 = vector.broadcast %broadcast_in_dim3A_2686 : i32 to vector<16xi32>
      %gather3A_2688 = tpu.vector_load_idx %arg11[%add3A_2683, %broadcast_in_dim3A_2687] : memref<128x16xf32, #tpu.memory_space<vmem>>[vector<16xi32>, vector<16xi32>], vector<16xf32>,
      %broadcast_in_dim3A_2689 = arith.constant 1 : i32
      %broadcast_in_dim3A_2690 = vector.broadcast %broadcast_in_dim3A_2689 : i32 to vector<16xi32>
      %gather3A_2691 = tpu.vector_load_idx %arg13[%broadcast_in_dim3A_2685, %broadcast_in_dim3A_2690] : memref<8x16xf32, #tpu.memory_space<vmem>>[vector<16xi32>, vector<16xi32>], vector<16xf32>,
      %sub3A_2692 = arith.subf %gather3A_2688, %gather3A_2691 : vector<16xf32>
      %broadcast_in_dim3A_2693 = arith.constant 1 : i32
      %broadcast_in_dim3A_2694 = vector.broadcast %broadcast_in_dim3A_2693 : i32 to vector<16xi32>
      %gather3A_2695 = tpu.vector_load_idx %arg11[%add3A_2683, %broadcast_in_dim3A_2694] : memref<128x16xf32, #tpu.memory_space<vmem>>[vector<16xi32>, vector<16xi32>], vector<16xf32>,
      %broadcast_in_dim3A_2696 = arith.constant 2 : i32
      %broadcast_in_dim3A_2697 = vector.broadcast %broadcast_in_dim3A_2696 : i32 to vector<16xi32>
      %gather3A_2698 = tpu.vector_load_idx %arg13[%broadcast_in_dim3A_2685, %broadcast_in_dim3A_2697] : memref<8x16xf32, #tpu.memory_space<vmem>>[vector<16xi32>, vector<16xi32>], vector<16xf32>,
      %sub3A_2699 = arith.subf %gather3A_2695, %gather3A_2698 : vector<16xf32>
      %broadcast_in_dim3A_2700 = arith.constant 2 : i32
      %broadcast_in_dim3A_2701 = vector.broadcast %broadcast_in_dim3A_2700 : i32 to vector<16xi32>
      %gather3A_2702 = tpu.vector_load_idx %arg11[%add3A_2683, %broadcast_in_dim3A_2701] : memref<128x16xf32, #tpu.memory_space<vmem>>[vector<16xi32>, vector<16xi32>], vector<16xf32>,
      %broadcast_in_dim3A_2703 = arith.constant 3 : i32
      %broadcast_in_dim3A_2704 = vector.broadcast %broadcast_in_dim3A_2703 : i32 to vector<16xi32>
      %gather3A_2705 = tpu.vector_load_idx %arg13[%broadcast_in_dim3A_2685, %broadcast_in_dim3A_2704] : memref<8x16xf32, #tpu.memory_space<vmem>>[vector<16xi32>, vector<16xi32>], vector<16xf32>,
      %sub3A_2706 = arith.subf %gather3A_2702, %gather3A_2705 : vector<16xf32>
      %broadcast_in_dim3A_2707 = arith.constant 3 : i32
      %broadcast_in_dim3A_2708 = vector.broadcast %broadcast_in_dim3A_2707 : i32 to vector<16xi32>
      %gather3A_2709 = tpu.vector_load_idx %arg11[%add3A_2683, %broadcast_in_dim3A_2708] : memref<128x16xf32, #tpu.memory_space<vmem>>[vector<16xi32>, vector<16xi32>], vector<16xf32>,
      %broadcast_in_dim3A_2710 = arith.constant 4 : i32
      %broadcast_in_dim3A_2711 = vector.broadcast %broadcast_in_dim3A_2710 : i32 to vector<16xi32>
      %gather3A_2712 = tpu.vector_load_idx %arg11[%add3A_2683, %broadcast_in_dim3A_2711] : memref<128x16xf32, #tpu.memory_space<vmem>>[vector<16xi32>, vector<16xi32>], vector<16xf32>,
      %broadcast_in_dim3A_2713 = arith.constant 5 : i32
      %broadcast_in_dim3A_2714 = vector.broadcast %broadcast_in_dim3A_2713 : i32 to vector<16xi32>
      %gather3A_2715 = tpu.vector_load_idx %arg11[%add3A_2683, %broadcast_in_dim3A_2714] : memref<128x16xf32, #tpu.memory_space<vmem>>[vector<16xi32>, vector<16xi32>], vector<16xf32>,
      %broadcast_in_dim3A_2716 = arith.constant 6 : i32
      %broadcast_in_dim3A_2717 = vector.broadcast %broadcast_in_dim3A_2716 : i32 to vector<16xi32>
      %gather3A_2718 = tpu.vector_load_idx %arg11[%add3A_2683, %broadcast_in_dim3A_2717] : memref<128x16xf32, #tpu.memory_space<vmem>>[vector<16xi32>, vector<16xi32>], vector<16xf32>,
      %broadcast_in_dim3A_2719 = arith.constant 7 : i32
      %broadcast_in_dim3A_2720 = vector.broadcast %broadcast_in_dim3A_2719 : i32 to vector<16xi32>
      %gather3A_2721 = tpu.vector_load_idx %arg11[%add3A_2683, %broadcast_in_dim3A_2720] : memref<128x16xf32, #tpu.memory_space<vmem>>[vector<16xi32>, vector<16xi32>], vector<16xf32>,
      %broadcast_in_dim3A_2722 = arith.constant 8 : i32
      %broadcast_in_dim3A_2723 = vector.broadcast %broadcast_in_dim3A_2722 : i32 to vector<16xi32>
      %gather3A_2724 = tpu.vector_load_idx %arg11[%add3A_2683, %broadcast_in_dim3A_2723] : memref<128x16xf32, #tpu.memory_space<vmem>>[vector<16xi32>, vector<16xi32>], vector<16xf32>,
      %broadcast_in_dim3A_2725 = arith.constant 9 : i32
      %broadcast_in_dim3A_2726 = vector.broadcast %broadcast_in_dim3A_2725 : i32 to vector<16xi32>
      %gather3A_2727 = tpu.vector_load_idx %arg11[%add3A_2683, %broadcast_in_dim3A_2726] : memref<128x16xf32, #tpu.memory_space<vmem>>[vector<16xi32>, vector<16xi32>], vector<16xf32>,
      %broadcast_in_dim3A_2728 = arith.constant 10 : i32
      %broadcast_in_dim3A_2729 = vector.broadcast %broadcast_in_dim3A_2728 : i32 to vector<16xi32>
      %gather3A_2730 = tpu.vector_load_idx %arg11[%add3A_2683, %broadcast_in_dim3A_2729] : memref<128x16xf32, #tpu.memory_space<vmem>>[vector<16xi32>, vector<16xi32>], vector<16xf32>,
      %broadcast_in_dim3A_2731 = arith.constant 11 : i32
      %broadcast_in_dim3A_2732 = vector.broadcast %broadcast_in_dim3A_2731 : i32 to vector<16xi32>
      %gather3A_2733 = tpu.vector_load_idx %arg11[%add3A_2683, %broadcast_in_dim3A_2732] : memref<128x16xf32, #tpu.memory_space<vmem>>[vector<16xi32>, vector<16xi32>], vector<16xf32>,
      %broadcast_in_dim3A_2734 = arith.constant 4 : i32
      %broadcast_in_dim3A_2735 = vector.broadcast %broadcast_in_dim3A_2734 : i32 to vector<16xi32>
      %gather3A_2736 = tpu.vector_load_idx %arg13[%broadcast_in_dim3A_2685, %broadcast_in_dim3A_2735] : memref<8x16xf32, #tpu.memory_space<vmem>>[vector<16xi32>, vector<16xi32>], vector<16xf32>,
      %broadcast_in_dim3A_2737 = arith.constant 5 : i32
      %broadcast_in_dim3A_2738 = vector.broadcast %broadcast_in_dim3A_2737 : i32 to vector<16xi32>
      %gather3A_2739 = tpu.vector_load_idx %arg13[%broadcast_in_dim3A_2685, %broadcast_in_dim3A_2738] : memref<8x16xf32, #tpu.memory_space<vmem>>[vector<16xi32>, vector<16xi32>], vector<16xf32>,
      %broadcast_in_dim3A_2740 = arith.constant 6 : i32
      %broadcast_in_dim3A_2741 = vector.broadcast %broadcast_in_dim3A_2740 : i32 to vector<16xi32>
      %gather3A_2742 = tpu.vector_load_idx %arg13[%broadcast_in_dim3A_2685, %broadcast_in_dim3A_2741] : memref<8x16xf32, #tpu.memory_space<vmem>>[vector<16xi32>, vector<16xi32>], vector<16xf32>,
      %broadcast_in_dim3A_2743 = arith.constant 7 : i32
      %broadcast_in_dim3A_2744 = vector.broadcast %broadcast_in_dim3A_2743 : i32 to vector<16xi32>
      %gather3A_2745 = tpu.vector_load_idx %arg13[%broadcast_in_dim3A_2685, %broadcast_in_dim3A_2744] : memref<8x16xf32, #tpu.memory_space<vmem>>[vector<16xi32>, vector<16xi32>], vector<16xf32>,
      %broadcast_in_dim3A_2746 = arith.constant 8 : i32
      %broadcast_in_dim3A_2747 = vector.broadcast %broadcast_in_dim3A_2746 : i32 to vector<16xi32>
      %gather3A_2748 = tpu.vector_load_idx %arg13[%broadcast_in_dim3A_2685, %broadcast_in_dim3A_2747] : memref<8x16xf32, #tpu.memory_space<vmem>>[vector<16xi32>, vector<16xi32>], vector<16xf32>,
      %broadcast_in_dim3A_2749 = arith.constant 9 : i32
      %broadcast_in_dim3A_2750 = vector.broadcast %broadcast_in_dim3A_2749 : i32 to vector<16xi32>
      %gather3A_2751 = tpu.vector_load_idx %arg13[%broadcast_in_dim3A_2685, %broadcast_in_dim3A_2750] : memref<8x16xf32, #tpu.memory_space<vmem>>[vector<16xi32>, vector<16xi32>], vector<16xf32>,
      %broadcast_in_dim3A_2752 = arith.constant 10 : i32
      %broadcast_in_dim3A_2753 = vector.broadcast %broadcast_in_dim3A_2752 : i32 to vector<16xi32>
      %gather3A_2754 = tpu.vector_load_idx %arg13[%broadcast_in_dim3A_2685, %broadcast_in_dim3A_2753] : memref<8x16xf32, #tpu.memory_space<vmem>>[vector<16xi32>, vector<16xi32>], vector<16xf32>,
      %broadcast_in_dim3A_2755 = arith.constant 11 : i32
      %broadcast_in_dim3A_2756 = vector.broadcast %broadcast_in_dim3A_2755 : i32 to vector<16xi32>
      %gather3A_2757 = tpu.vector_load_idx %arg13[%broadcast_in_dim3A_2685, %broadcast_in_dim3A_2756] : memref<8x16xf32, #tpu.memory_space<vmem>>[vector<16xi32>, vector<16xi32>], vector<16xf32>,
      %broadcast_in_dim3A_2758 = arith.constant 12 : i32
      %broadcast_in_dim3A_2759 = vector.broadcast %broadcast_in_dim3A_2758 : i32 to vector<16xi32>
      %gather3A_2760 = tpu.vector_load_idx %arg13[%broadcast_in_dim3A_2685, %broadcast_in_dim3A_2759] : memref<8x16xf32, #tpu.memory_space<vmem>>[vector<16xi32>, vector<16xi32>], vector<16xf32>,
      %mul3A_2761 = arith.mulf %sub3A_2692, %sub3A_2692 : vector<16xf32>
      %mul3A_2762 = arith.mulf %sub3A_2699, %sub3A_2699 : vector<16xf32>
      %add3A_2763 = arith.addf %mul3A_2761, %mul3A_2762 : vector<16xf32>
      %mul3A_2764 = arith.mulf %sub3A_2706, %sub3A_2706 : vector<16xf32>
      %add3A_2765 = arith.addf %add3A_2763, %mul3A_2764 : vector<16xf32>
      %mul3A_2766 = arith.constant -5.000000e-01 : f32
      %mul3A_2767 = vector.broadcast %mul3A_2766 : f32 to vector<16xf32>
      %mul3A_2768 = arith.mulf %mul3A_2767, %add3A_2765 : vector<16xf32>
      %exp3A_2769 = math.exp %mul3A_2768 : vector<16xf32>
      %mul3A_2770 = arith.mulf %gather3A_2736, %sub3A_2692 : vector<16xf32>
      %mul3A_2771 = arith.mulf %gather3A_2739, %sub3A_2699 : vector<16xf32>
      %add3A_2772 = arith.addf %mul3A_2770, %mul3A_2771 : vector<16xf32>
      %mul3A_2773 = arith.mulf %gather3A_2742, %sub3A_2706 : vector<16xf32>
      %add3A_2774 = arith.addf %add3A_2772, %mul3A_2773 : vector<16xf32>
      %broadcast_in_dim3A_2775 = arith.constant 0 : i32
      %broadcast_in_dim3A_2776 = vector.broadcast %broadcast_in_dim3A_2775 : i32 to vector<16xi32>
      tpu.vector_store_idx %arg14[%add3A_2683, %broadcast_in_dim3A_2776], %add3A_2774 : memref<128x16xf32, #tpu.memory_space<vmem>>[vector<16xi32>, vector<16xi32>], vector<16xf32>,
      %mul3A_2777 = arith.mulf %gather3A_2745, %sub3A_2692 : vector<16xf32>
      %mul3A_2778 = arith.mulf %gather3A_2748, %sub3A_2699 : vector<16xf32>
      %add3A_2779 = arith.addf %mul3A_2777, %mul3A_2778 : vector<16xf32>
      %mul3A_2780 = arith.mulf %gather3A_2751, %sub3A_2706 : vector<16xf32>
      %add3A_2781 = arith.addf %add3A_2779, %mul3A_2780 : vector<16xf32>
      %broadcast_in_dim3A_2782 = arith.constant 1 : i32
      %broadcast_in_dim3A_2783 = vector.broadcast %broadcast_in_dim3A_2782 : i32 to vector<16xi32>
      tpu.vector_store_idx %arg14[%add3A_2683, %broadcast_in_dim3A_2783], %add3A_2781 : memref<128x16xf32, #tpu.memory_space<vmem>>[vector<16xi32>, vector<16xi32>], vector<16xf32>,
      %mul3A_2784 = arith.mulf %gather3A_2754, %sub3A_2692 : vector<16xf32>
      %mul3A_2785 = arith.mulf %gather3A_2757, %sub3A_2699 : vector<16xf32>
      %add3A_2786 = arith.addf %mul3A_2784, %mul3A_2785 : vector<16xf32>
      %mul3A_2787 = arith.mulf %gather3A_2760, %sub3A_2706 : vector<16xf32>
      %add3A_2788 = arith.addf %add3A_2786, %mul3A_2787 : vector<16xf32>
      %broadcast_in_dim3A_2789 = arith.constant 2 : i32
      %broadcast_in_dim3A_2790 = vector.broadcast %broadcast_in_dim3A_2789 : i32 to vector<16xi32>
      tpu.vector_store_idx %arg14[%add3A_2683, %broadcast_in_dim3A_2790], %add3A_2788 : memref<128x16xf32, #tpu.memory_space<vmem>>[vector<16xi32>, vector<16xi32>], vector<16xf32>,
      %mul3A_2791 = arith.mulf %gather3A_2736, %gather3A_2709 : vector<16xf32>
      %mul3A_2792 = arith.mulf %gather3A_2739, %gather3A_2712 : vector<16xf32>
      %add3A_2793 = arith.addf %mul3A_2791, %mul3A_2792 : vector<16xf32>
      %mul3A_2794 = arith.mulf %gather3A_2742, %gather3A_2715 : vector<16xf32>
      %add3A_2795 = arith.addf %add3A_2793, %mul3A_2794 : vector<16xf32>
      %broadcast_in_dim3A_2796 = arith.constant 3 : i32
      %broadcast_in_dim3A_2797 = vector.broadcast %broadcast_in_dim3A_2796 : i32 to vector<16xi32>
      tpu.vector_store_idx %arg14[%add3A_2683, %broadcast_in_dim3A_2797], %add3A_2795 : memref<128x16xf32, #tpu.memory_space<vmem>>[vector<16xi32>, vector<16xi32>], vector<16xf32>,
      %mul3A_2798 = arith.mulf %gather3A_2745, %gather3A_2709 : vector<16xf32>
      %mul3A_2799 = arith.mulf %gather3A_2748, %gather3A_2712 : vector<16xf32>
      %add3A_2800 = arith.addf %mul3A_2798, %mul3A_2799 : vector<16xf32>
      %mul3A_2801 = arith.mulf %gather3A_2751, %gather3A_2715 : vector<16xf32>
      %add3A_2802 = arith.addf %add3A_2800, %mul3A_2801 : vector<16xf32>
      %broadcast_in_dim3A_2803 = arith.constant 4 : i32
      %broadcast_in_dim3A_2804 = vector.broadcast %broadcast_in_dim3A_2803 : i32 to vector<16xi32>
      tpu.vector_store_idx %arg14[%add3A_2683, %broadcast_in_dim3A_2804], %add3A_2802 : memref<128x16xf32, #tpu.memory_space<vmem>>[vector<16xi32>, vector<16xi32>], vector<16xf32>,
      %mul3A_2805 = arith.mulf %gather3A_2754, %gather3A_2709 : vector<16xf32>
      %mul3A_2806 = arith.mulf %gather3A_2757, %gather3A_2712 : vector<16xf32>
      %add3A_2807 = arith.addf %mul3A_2805, %mul3A_2806 : vector<16xf32>
      %mul3A_2808 = arith.mulf %gather3A_2760, %gather3A_2715 : vector<16xf32>
      %add3A_2809 = arith.addf %add3A_2807, %mul3A_2808 : vector<16xf32>
      %broadcast_in_dim3A_2810 = arith.constant 5 : i32
      %broadcast_in_dim3A_2811 = vector.broadcast %broadcast_in_dim3A_2810 : i32 to vector<16xi32>
      tpu.vector_store_idx %arg14[%add3A_2683, %broadcast_in_dim3A_2811], %add3A_2809 : memref<128x16xf32, #tpu.memory_space<vmem>>[vector<16xi32>, vector<16xi32>], vector<16xf32>,
      %mul3A_2812 = arith.mulf %gather3A_2736, %gather3A_2718 : vector<16xf32>
      %mul3A_2813 = arith.mulf %gather3A_2739, %gather3A_2721 : vector<16xf32>
      %add3A_2814 = arith.addf %mul3A_2812, %mul3A_2813 : vector<16xf32>
      %mul3A_2815 = arith.mulf %gather3A_2742, %gather3A_2724 : vector<16xf32>
      %add3A_2816 = arith.addf %add3A_2814, %mul3A_2815 : vector<16xf32>
      %broadcast_in_dim3A_2817 = arith.constant 6 : i32
      %broadcast_in_dim3A_2818 = vector.broadcast %broadcast_in_dim3A_2817 : i32 to vector<16xi32>
      tpu.vector_store_idx %arg14[%add3A_2683, %broadcast_in_dim3A_2818], %add3A_2816 : memref<128x16xf32, #tpu.memory_space<vmem>>[vector<16xi32>, vector<16xi32>], vector<16xf32>,
      %mul3A_2819 = arith.mulf %gather3A_2745, %gather3A_2718 : vector<16xf32>
      %mul3A_2820 = arith.mulf %gather3A_2748, %gather3A_2721 : vector<16xf32>
      %add3A_2821 = arith.addf %mul3A_2819, %mul3A_2820 : vector<16xf32>
      %mul3A_2822 = arith.mulf %gather3A_2751, %gather3A_2724 : vector<16xf32>
      %add3A_2823 = arith.addf %add3A_2821, %mul3A_2822 : vector<16xf32>
      %broadcast_in_dim3A_2824 = arith.constant 7 : i32
      %broadcast_in_dim3A_2825 = vector.broadcast %broadcast_in_dim3A_2824 : i32 to vector<16xi32>
      tpu.vector_store_idx %arg14[%add3A_2683, %broadcast_in_dim3A_2825], %add3A_2823 : memref<128x16xf32, #tpu.memory_space<vmem>>[vector<16xi32>, vector<16xi32>], vector<16xf32>,
      %mul3A_2826 = arith.mulf %gather3A_2754, %gather3A_2718 : vector<16xf32>
      %mul3A_2827 = arith.mulf %gather3A_2757, %gather3A_2721 : vector<16xf32>
      %add3A_2828 = arith.addf %mul3A_2826, %mul3A_2827 : vector<16xf32>
      %mul3A_2829 = arith.mulf %gather3A_2760, %gather3A_2724 : vector<16xf32>
      %add3A_2830 = arith.addf %add3A_2828, %mul3A_2829 : vector<16xf32>
      %broadcast_in_dim3A_2831 = arith.constant 8 : i32
      %broadcast_in_dim3A_2832 = vector.broadcast %broadcast_in_dim3A_2831 : i32 to vector<16xi32>
      tpu.vector_store_idx %arg14[%add3A_2683, %broadcast_in_dim3A_2832], %add3A_2830 : memref<128x16xf32, #tpu.memory_space<vmem>>[vector<16xi32>, vector<16xi32>], vector<16xf32>,
      %mul3A_2833 = arith.mulf %gather3A_2736, %gather3A_2727 : vector<16xf32>
      %mul3A_2834 = arith.mulf %gather3A_2739, %gather3A_2730 : vector<16xf32>
      %add3A_2835 = arith.addf %mul3A_2833, %mul3A_2834 : vector<16xf32>
      %mul3A_2836 = arith.mulf %gather3A_2742, %gather3A_2733 : vector<16xf32>
      %add3A_2837 = arith.addf %add3A_2835, %mul3A_2836 : vector<16xf32>
      %broadcast_in_dim3A_2838 = arith.constant 9 : i32
      %broadcast_in_dim3A_2839 = vector.broadcast %broadcast_in_dim3A_2838 : i32 to vector<16xi32>
      tpu.vector_store_idx %arg14[%add3A_2683, %broadcast_in_dim3A_2839], %add3A_2837 : memref<128x16xf32, #tpu.memory_space<vmem>>[vector<16xi32>, vector<16xi32>], vector<16xf32>,
      %mul3A_2840 = arith.mulf %gather3A_2745, %gather3A_2727 : vector<16xf32>
      %mul3A_2841 = arith.mulf %gather3A_2748, %gather3A_2730 : vector<16xf32>
      %add3A_2842 = arith.addf %mul3A_2840, %mul3A_2841 : vector<16xf32>
      %mul3A_2843 = arith.mulf %gather3A_2751, %gather3A_2733 : vector<16xf32>
      %add3A_2844 = arith.addf %add3A_2842, %mul3A_2843 : vector<16xf32>
      %broadcast_in_dim3A_2845 = arith.constant 10 : i32
      %broadcast_in_dim3A_2846 = vector.broadcast %broadcast_in_dim3A_2845 : i32 to vector<16xi32>
      tpu.vector_store_idx %arg14[%add3A_2683, %broadcast_in_dim3A_2846], %add3A_2844 : memref<128x16xf32, #tpu.memory_space<vmem>>[vector<16xi32>, vector<16xi32>], vector<16xf32>,
      %mul3A_2847 = arith.mulf %gather3A_2754, %gather3A_2727 : vector<16xf32>
      %mul3A_2848 = arith.mulf %gather3A_2757, %gather3A_2730 : vector<16xf32>
      %add3A_2849 = arith.addf %mul3A_2847, %mul3A_2848 : vector<16xf32>
      %mul3A_2850 = arith.mulf %gather3A_2760, %gather3A_2733 : vector<16xf32>
      %add3A_2851 = arith.addf %add3A_2849, %mul3A_2850 : vector<16xf32>
      %broadcast_in_dim3A_2852 = arith.constant 11 : i32
      %broadcast_in_dim3A_2853 = vector.broadcast %broadcast_in_dim3A_2852 : i32 to vector<16xi32>
      tpu.vector_store_idx %arg14[%add3A_2683, %broadcast_in_dim3A_2853], %add3A_2851 : memref<128x16xf32, #tpu.memory_space<vmem>>[vector<16xi32>, vector<16xi32>], vector<16xf32>,
      %broadcast_in_dim3A_2854 = arith.constant 12 : i32
      %broadcast_in_dim3A_2855 = vector.broadcast %broadcast_in_dim3A_2854 : i32 to vector<16xi32>
      tpu.vector_store_idx %arg14[%add3A_2683, %broadcast_in_dim3A_2855], %exp3A_2769 : memref<128x16xf32, #tpu.memory_space<vmem>>[vector<16xi32>, vector<16xi32>], vector<16xf32>,
      %broadcast_in_dim3A_2856 = arith.constant 0.000000e+00 : f32
      %broadcast_in_dim3A_2857 = vector.broadcast %broadcast_in_dim3A_2856 : f32 to vector<16xf32>
      %broadcast_in_dim3A_2858 = arith.constant 13 : i32
      %broadcast_in_dim3A_2859 = vector.broadcast %broadcast_in_dim3A_2858 : i32 to vector<16xi32>
      tpu.vector_store_idx %arg14[%add3A_2683, %broadcast_in_dim3A_2859], %broadcast_in_dim3A_2857 : memref<128x16xf32, #tpu.memory_space<vmem>>[vector<16xi32>, vector<16xi32>], vector<16xf32>,
      %broadcast_in_dim3A_2860 = arith.constant 14 : i32
      %broadcast_in_dim3A_2861 = vector.broadcast %broadcast_in_dim3A_2860 : i32 to vector<16xi32>
      tpu.vector_store_idx %arg14[%add3A_2683, %broadcast_in_dim3A_2861], %broadcast_in_dim3A_2857 : memref<128x16xf32, #tpu.memory_space<vmem>>[vector<16xi32>, vector<16xi32>], vector<16xf32>,
      %broadcast_in_dim3A_2862 = arith.constant 15 : i32
      %broadcast_in_dim3A_2863 = vector.broadcast %broadcast_in_dim3A_2862 : i32 to vector<16xi32>
      tpu.vector_store_idx %arg14[%add3A_2683, %broadcast_in_dim3A_2863], %broadcast_in_dim3A_2857 : memref<128x16xf32, #tpu.memory_space<vmem>>[vector<16xi32>, vector<16xi32>], vector<16xf32>,
      %add3A_2864 = arith.constant 112 : i32
      %add3A_2865 = vector.broadcast %add3A_2864 : i32 to vector<16xi32>
      %add3A_2866 = arith.addi %iota3A_1582, %add3A_2865 : vector<16xi32>
      %broadcast_in_dim3A_2867 = arith.constant 7 : i32
      %broadcast_in_dim3A_2868 = vector.broadcast %broadcast_in_dim3A_2867 : i32 to vector<16xi32>
      %broadcast_in_dim3A_2869 = arith.constant 0 : i32
      %broadcast_in_dim3A_2870 = vector.broadcast %broadcast_in_dim3A_2869 : i32 to vector<16xi32>
      %gather3A_2871 = tpu.vector_load_idx %arg11[%add3A_2866, %broadcast_in_dim3A_2870] : memref<128x16xf32, #tpu.memory_space<vmem>>[vector<16xi32>, vector<16xi32>], vector<16xf32>,
      %broadcast_in_dim3A_2872 = arith.constant 1 : i32
      %broadcast_in_dim3A_2873 = vector.broadcast %broadcast_in_dim3A_2872 : i32 to vector<16xi32>
      %gather3A_2874 = tpu.vector_load_idx %arg13[%broadcast_in_dim3A_2868, %broadcast_in_dim3A_2873] : memref<8x16xf32, #tpu.memory_space<vmem>>[vector<16xi32>, vector<16xi32>], vector<16xf32>,
      %sub3A_2875 = arith.subf %gather3A_2871, %gather3A_2874 : vector<16xf32>
      %broadcast_in_dim3A_2876 = arith.constant 1 : i32
      %broadcast_in_dim3A_2877 = vector.broadcast %broadcast_in_dim3A_2876 : i32 to vector<16xi32>
      %gather3A_2878 = tpu.vector_load_idx %arg11[%add3A_2866, %broadcast_in_dim3A_2877] : memref<128x16xf32, #tpu.memory_space<vmem>>[vector<16xi32>, vector<16xi32>], vector<16xf32>,
      %broadcast_in_dim3A_2879 = arith.constant 2 : i32
      %broadcast_in_dim3A_2880 = vector.broadcast %broadcast_in_dim3A_2879 : i32 to vector<16xi32>
      %gather3A_2881 = tpu.vector_load_idx %arg13[%broadcast_in_dim3A_2868, %broadcast_in_dim3A_2880] : memref<8x16xf32, #tpu.memory_space<vmem>>[vector<16xi32>, vector<16xi32>], vector<16xf32>,
      %sub3A_2882 = arith.subf %gather3A_2878, %gather3A_2881 : vector<16xf32>
      %broadcast_in_dim3A_2883 = arith.constant 2 : i32
      %broadcast_in_dim3A_2884 = vector.broadcast %broadcast_in_dim3A_2883 : i32 to vector<16xi32>
      %gather3A_2885 = tpu.vector_load_idx %arg11[%add3A_2866, %broadcast_in_dim3A_2884] : memref<128x16xf32, #tpu.memory_space<vmem>>[vector<16xi32>, vector<16xi32>], vector<16xf32>,
      %broadcast_in_dim3A_2886 = arith.constant 3 : i32
      %broadcast_in_dim3A_2887 = vector.broadcast %broadcast_in_dim3A_2886 : i32 to vector<16xi32>
      %gather3A_2888 = tpu.vector_load_idx %arg13[%broadcast_in_dim3A_2868, %broadcast_in_dim3A_2887] : memref<8x16xf32, #tpu.memory_space<vmem>>[vector<16xi32>, vector<16xi32>], vector<16xf32>,
      %sub3A_2889 = arith.subf %gather3A_2885, %gather3A_2888 : vector<16xf32>
      %broadcast_in_dim3A_2890 = arith.constant 3 : i32
      %broadcast_in_dim3A_2891 = vector.broadcast %broadcast_in_dim3A_2890 : i32 to vector<16xi32>
      %gather3A_2892 = tpu.vector_load_idx %arg11[%add3A_2866, %broadcast_in_dim3A_2891] : memref<128x16xf32, #tpu.memory_space<vmem>>[vector<16xi32>, vector<16xi32>], vector<16xf32>,
      %broadcast_in_dim3A_2893 = arith.constant 4 : i32
      %broadcast_in_dim3A_2894 = vector.broadcast %broadcast_in_dim3A_2893 : i32 to vector<16xi32>
      %gather3A_2895 = tpu.vector_load_idx %arg11[%add3A_2866, %broadcast_in_dim3A_2894] : memref<128x16xf32, #tpu.memory_space<vmem>>[vector<16xi32>, vector<16xi32>], vector<16xf32>,
      %broadcast_in_dim3A_2896 = arith.constant 5 : i32
      %broadcast_in_dim3A_2897 = vector.broadcast %broadcast_in_dim3A_2896 : i32 to vector<16xi32>
      %gather3A_2898 = tpu.vector_load_idx %arg11[%add3A_2866, %broadcast_in_dim3A_2897] : memref<128x16xf32, #tpu.memory_space<vmem>>[vector<16xi32>, vector<16xi32>], vector<16xf32>,
      %broadcast_in_dim3A_2899 = arith.constant 6 : i32
      %broadcast_in_dim3A_2900 = vector.broadcast %broadcast_in_dim3A_2899 : i32 to vector<16xi32>
      %gather3A_2901 = tpu.vector_load_idx %arg11[%add3A_2866, %broadcast_in_dim3A_2900] : memref<128x16xf32, #tpu.memory_space<vmem>>[vector<16xi32>, vector<16xi32>], vector<16xf32>,
      %broadcast_in_dim3A_2902 = arith.constant 7 : i32
      %broadcast_in_dim3A_2903 = vector.broadcast %broadcast_in_dim3A_2902 : i32 to vector<16xi32>
      %gather3A_2904 = tpu.vector_load_idx %arg11[%add3A_2866, %broadcast_in_dim3A_2903] : memref<128x16xf32, #tpu.memory_space<vmem>>[vector<16xi32>, vector<16xi32>], vector<16xf32>,
      %broadcast_in_dim3A_2905 = arith.constant 8 : i32
      %broadcast_in_dim3A_2906 = vector.broadcast %broadcast_in_dim3A_2905 : i32 to vector<16xi32>
      %gather3A_2907 = tpu.vector_load_idx %arg11[%add3A_2866, %broadcast_in_dim3A_2906] : memref<128x16xf32, #tpu.memory_space<vmem>>[vector<16xi32>, vector<16xi32>], vector<16xf32>,
      %broadcast_in_dim3A_2908 = arith.constant 9 : i32
      %broadcast_in_dim3A_2909 = vector.broadcast %broadcast_in_dim3A_2908 : i32 to vector<16xi32>
      %gather3A_2910 = tpu.vector_load_idx %arg11[%add3A_2866, %broadcast_in_dim3A_2909] : memref<128x16xf32, #tpu.memory_space<vmem>>[vector<16xi32>, vector<16xi32>], vector<16xf32>,
      %broadcast_in_dim3A_2911 = arith.constant 10 : i32
      %broadcast_in_dim3A_2912 = vector.broadcast %broadcast_in_dim3A_2911 : i32 to vector<16xi32>
      %gather3A_2913 = tpu.vector_load_idx %arg11[%add3A_2866, %broadcast_in_dim3A_2912] : memref<128x16xf32, #tpu.memory_space<vmem>>[vector<16xi32>, vector<16xi32>], vector<16xf32>,
      %broadcast_in_dim3A_2914 = arith.constant 11 : i32
      %broadcast_in_dim3A_2915 = vector.broadcast %broadcast_in_dim3A_2914 : i32 to vector<16xi32>
      %gather3A_2916 = tpu.vector_load_idx %arg11[%add3A_2866, %broadcast_in_dim3A_2915] : memref<128x16xf32, #tpu.memory_space<vmem>>[vector<16xi32>, vector<16xi32>], vector<16xf32>,
      %broadcast_in_dim3A_2917 = arith.constant 4 : i32
      %broadcast_in_dim3A_2918 = vector.broadcast %broadcast_in_dim3A_2917 : i32 to vector<16xi32>
      %gather3A_2919 = tpu.vector_load_idx %arg13[%broadcast_in_dim3A_2868, %broadcast_in_dim3A_2918] : memref<8x16xf32, #tpu.memory_space<vmem>>[vector<16xi32>, vector<16xi32>], vector<16xf32>,
      %broadcast_in_dim3A_2920 = arith.constant 5 : i32
      %broadcast_in_dim3A_2921 = vector.broadcast %broadcast_in_dim3A_2920 : i32 to vector<16xi32>
      %gather3A_2922 = tpu.vector_load_idx %arg13[%broadcast_in_dim3A_2868, %broadcast_in_dim3A_2921] : memref<8x16xf32, #tpu.memory_space<vmem>>[vector<16xi32>, vector<16xi32>], vector<16xf32>,
      %broadcast_in_dim3A_2923 = arith.constant 6 : i32
      %broadcast_in_dim3A_2924 = vector.broadcast %broadcast_in_dim3A_2923 : i32 to vector<16xi32>
      %gather3A_2925 = tpu.vector_load_idx %arg13[%broadcast_in_dim3A_2868, %broadcast_in_dim3A_2924] : memref<8x16xf32, #tpu.memory_space<vmem>>[vector<16xi32>, vector<16xi32>], vector<16xf32>,
      %broadcast_in_dim3A_2926 = arith.constant 7 : i32
      %broadcast_in_dim3A_2927 = vector.broadcast %broadcast_in_dim3A_2926 : i32 to vector<16xi32>
      %gather3A_2928 = tpu.vector_load_idx %arg13[%broadcast_in_dim3A_2868, %broadcast_in_dim3A_2927] : memref<8x16xf32, #tpu.memory_space<vmem>>[vector<16xi32>, vector<16xi32>], vector<16xf32>,
      %broadcast_in_dim3A_2929 = arith.constant 8 : i32
      %broadcast_in_dim3A_2930 = vector.broadcast %broadcast_in_dim3A_2929 : i32 to vector<16xi32>
      %gather3A_2931 = tpu.vector_load_idx %arg13[%broadcast_in_dim3A_2868, %broadcast_in_dim3A_2930] : memref<8x16xf32, #tpu.memory_space<vmem>>[vector<16xi32>, vector<16xi32>], vector<16xf32>,
      %broadcast_in_dim3A_2932 = arith.constant 9 : i32
      %broadcast_in_dim3A_2933 = vector.broadcast %broadcast_in_dim3A_2932 : i32 to vector<16xi32>
      %gather3A_2934 = tpu.vector_load_idx %arg13[%broadcast_in_dim3A_2868, %broadcast_in_dim3A_2933] : memref<8x16xf32, #tpu.memory_space<vmem>>[vector<16xi32>, vector<16xi32>], vector<16xf32>,
      %broadcast_in_dim3A_2935 = arith.constant 10 : i32
      %broadcast_in_dim3A_2936 = vector.broadcast %broadcast_in_dim3A_2935 : i32 to vector<16xi32>
      %gather3A_2937 = tpu.vector_load_idx %arg13[%broadcast_in_dim3A_2868, %broadcast_in_dim3A_2936] : memref<8x16xf32, #tpu.memory_space<vmem>>[vector<16xi32>, vector<16xi32>], vector<16xf32>,
      %broadcast_in_dim3A_2938 = arith.constant 11 : i32
      %broadcast_in_dim3A_2939 = vector.broadcast %broadcast_in_dim3A_2938 : i32 to vector<16xi32>
      %gather3A_2940 = tpu.vector_load_idx %arg13[%broadcast_in_dim3A_2868, %broadcast_in_dim3A_2939] : memref<8x16xf32, #tpu.memory_space<vmem>>[vector<16xi32>, vector<16xi32>], vector<16xf32>,
      %broadcast_in_dim3A_2941 = arith.constant 12 : i32
      %broadcast_in_dim3A_2942 = vector.broadcast %broadcast_in_dim3A_2941 : i32 to vector<16xi32>
      %gather3A_2943 = tpu.vector_load_idx %arg13[%broadcast_in_dim3A_2868, %broadcast_in_dim3A_2942] : memref<8x16xf32, #tpu.memory_space<vmem>>[vector<16xi32>, vector<16xi32>], vector<16xf32>,
      %mul3A_2944 = arith.mulf %sub3A_2875, %sub3A_2875 : vector<16xf32>
      %mul3A_2945 = arith.mulf %sub3A_2882, %sub3A_2882 : vector<16xf32>
      %add3A_2946 = arith.addf %mul3A_2944, %mul3A_2945 : vector<16xf32>
      %mul3A_2947 = arith.mulf %sub3A_2889, %sub3A_2889 : vector<16xf32>
      %add3A_2948 = arith.addf %add3A_2946, %mul3A_2947 : vector<16xf32>
      %mul3A_2949 = arith.constant -5.000000e-01 : f32
      %mul3A_2950 = vector.broadcast %mul3A_2949 : f32 to vector<16xf32>
      %mul3A_2951 = arith.mulf %mul3A_2950, %add3A_2948 : vector<16xf32>
      %exp3A_2952 = math.exp %mul3A_2951 : vector<16xf32>
      %mul3A_2953 = arith.mulf %gather3A_2919, %sub3A_2875 : vector<16xf32>
      %mul3A_2954 = arith.mulf %gather3A_2922, %sub3A_2882 : vector<16xf32>
      %add3A_2955 = arith.addf %mul3A_2953, %mul3A_2954 : vector<16xf32>
      %mul3A_2956 = arith.mulf %gather3A_2925, %sub3A_2889 : vector<16xf32>
      %add3A_2957 = arith.addf %add3A_2955, %mul3A_2956 : vector<16xf32>
      %broadcast_in_dim3A_2958 = arith.constant 0 : i32
      %broadcast_in_dim3A_2959 = vector.broadcast %broadcast_in_dim3A_2958 : i32 to vector<16xi32>
      tpu.vector_store_idx %arg14[%add3A_2866, %broadcast_in_dim3A_2959], %add3A_2957 : memref<128x16xf32, #tpu.memory_space<vmem>>[vector<16xi32>, vector<16xi32>], vector<16xf32>,
      %mul3A_2960 = arith.mulf %gather3A_2928, %sub3A_2875 : vector<16xf32>
      %mul3A_2961 = arith.mulf %gather3A_2931, %sub3A_2882 : vector<16xf32>
      %add3A_2962 = arith.addf %mul3A_2960, %mul3A_2961 : vector<16xf32>
      %mul3A_2963 = arith.mulf %gather3A_2934, %sub3A_2889 : vector<16xf32>
      %add3A_2964 = arith.addf %add3A_2962, %mul3A_2963 : vector<16xf32>
      %broadcast_in_dim3A_2965 = arith.constant 1 : i32
      %broadcast_in_dim3A_2966 = vector.broadcast %broadcast_in_dim3A_2965 : i32 to vector<16xi32>
      tpu.vector_store_idx %arg14[%add3A_2866, %broadcast_in_dim3A_2966], %add3A_2964 : memref<128x16xf32, #tpu.memory_space<vmem>>[vector<16xi32>, vector<16xi32>], vector<16xf32>,
      %mul3A_2967 = arith.mulf %gather3A_2937, %sub3A_2875 : vector<16xf32>
      %mul3A_2968 = arith.mulf %gather3A_2940, %sub3A_2882 : vector<16xf32>
      %add3A_2969 = arith.addf %mul3A_2967, %mul3A_2968 : vector<16xf32>
      %mul3A_2970 = arith.mulf %gather3A_2943, %sub3A_2889 : vector<16xf32>
      %add3A_2971 = arith.addf %add3A_2969, %mul3A_2970 : vector<16xf32>
      %broadcast_in_dim3A_2972 = arith.constant 2 : i32
      %broadcast_in_dim3A_2973 = vector.broadcast %broadcast_in_dim3A_2972 : i32 to vector<16xi32>
      tpu.vector_store_idx %arg14[%add3A_2866, %broadcast_in_dim3A_2973], %add3A_2971 : memref<128x16xf32, #tpu.memory_space<vmem>>[vector<16xi32>, vector<16xi32>], vector<16xf32>,
      %mul3A_2974 = arith.mulf %gather3A_2919, %gather3A_2892 : vector<16xf32>
      %mul3A_2975 = arith.mulf %gather3A_2922, %gather3A_2895 : vector<16xf32>
      %add3A_2976 = arith.addf %mul3A_2974, %mul3A_2975 : vector<16xf32>
      %mul3A_2977 = arith.mulf %gather3A_2925, %gather3A_2898 : vector<16xf32>
      %add3A_2978 = arith.addf %add3A_2976, %mul3A_2977 : vector<16xf32>
      %broadcast_in_dim3A_2979 = arith.constant 3 : i32
      %broadcast_in_dim3A_2980 = vector.broadcast %broadcast_in_dim3A_2979 : i32 to vector<16xi32>
      tpu.vector_store_idx %arg14[%add3A_2866, %broadcast_in_dim3A_2980], %add3A_2978 : memref<128x16xf32, #tpu.memory_space<vmem>>[vector<16xi32>, vector<16xi32>], vector<16xf32>,
      %mul3A_2981 = arith.mulf %gather3A_2928, %gather3A_2892 : vector<16xf32>
      %mul3A_2982 = arith.mulf %gather3A_2931, %gather3A_2895 : vector<16xf32>
      %add3A_2983 = arith.addf %mul3A_2981, %mul3A_2982 : vector<16xf32>
      %mul3A_2984 = arith.mulf %gather3A_2934, %gather3A_2898 : vector<16xf32>
      %add3A_2985 = arith.addf %add3A_2983, %mul3A_2984 : vector<16xf32>
      %broadcast_in_dim3A_2986 = arith.constant 4 : i32
      %broadcast_in_dim3A_2987 = vector.broadcast %broadcast_in_dim3A_2986 : i32 to vector<16xi32>
      tpu.vector_store_idx %arg14[%add3A_2866, %broadcast_in_dim3A_2987], %add3A_2985 : memref<128x16xf32, #tpu.memory_space<vmem>>[vector<16xi32>, vector<16xi32>], vector<16xf32>,
      %mul3A_2988 = arith.mulf %gather3A_2937, %gather3A_2892 : vector<16xf32>
      %mul3A_2989 = arith.mulf %gather3A_2940, %gather3A_2895 : vector<16xf32>
      %add3A_2990 = arith.addf %mul3A_2988, %mul3A_2989 : vector<16xf32>
      %mul3A_2991 = arith.mulf %gather3A_2943, %gather3A_2898 : vector<16xf32>
      %add3A_2992 = arith.addf %add3A_2990, %mul3A_2991 : vector<16xf32>
      %broadcast_in_dim3A_2993 = arith.constant 5 : i32
      %broadcast_in_dim3A_2994 = vector.broadcast %broadcast_in_dim3A_2993 : i32 to vector<16xi32>
      tpu.vector_store_idx %arg14[%add3A_2866, %broadcast_in_dim3A_2994], %add3A_2992 : memref<128x16xf32, #tpu.memory_space<vmem>>[vector<16xi32>, vector<16xi32>], vector<16xf32>,
      %mul3A_2995 = arith.mulf %gather3A_2919, %gather3A_2901 : vector<16xf32>
      %mul3A_2996 = arith.mulf %gather3A_2922, %gather3A_2904 : vector<16xf32>
      %add3A_2997 = arith.addf %mul3A_2995, %mul3A_2996 : vector<16xf32>
      %mul3A_2998 = arith.mulf %gather3A_2925, %gather3A_2907 : vector<16xf32>
      %add3A_2999 = arith.addf %add3A_2997, %mul3A_2998 : vector<16xf32>
      %broadcast_in_dim3A_3000 = arith.constant 6 : i32
      %broadcast_in_dim3A_3001 = vector.broadcast %broadcast_in_dim3A_3000 : i32 to vector<16xi32>
      tpu.vector_store_idx %arg14[%add3A_2866, %broadcast_in_dim3A_3001], %add3A_2999 : memref<128x16xf32, #tpu.memory_space<vmem>>[vector<16xi32>, vector<16xi32>], vector<16xf32>,
      %mul3A_3002 = arith.mulf %gather3A_2928, %gather3A_2901 : vector<16xf32>
      %mul3A_3003 = arith.mulf %gather3A_2931, %gather3A_2904 : vector<16xf32>
      %add3A_3004 = arith.addf %mul3A_3002, %mul3A_3003 : vector<16xf32>
      %mul3A_3005 = arith.mulf %gather3A_2934, %gather3A_2907 : vector<16xf32>
      %add3A_3006 = arith.addf %add3A_3004, %mul3A_3005 : vector<16xf32>
      %broadcast_in_dim3A_3007 = arith.constant 7 : i32
      %broadcast_in_dim3A_3008 = vector.broadcast %broadcast_in_dim3A_3007 : i32 to vector<16xi32>
      tpu.vector_store_idx %arg14[%add3A_2866, %broadcast_in_dim3A_3008], %add3A_3006 : memref<128x16xf32, #tpu.memory_space<vmem>>[vector<16xi32>, vector<16xi32>], vector<16xf32>,
      %mul3A_3009 = arith.mulf %gather3A_2937, %gather3A_2901 : vector<16xf32>
      %mul3A_3010 = arith.mulf %gather3A_2940, %gather3A_2904 : vector<16xf32>
      %add3A_3011 = arith.addf %mul3A_3009, %mul3A_3010 : vector<16xf32>
      %mul3A_3012 = arith.mulf %gather3A_2943, %gather3A_2907 : vector<16xf32>
      %add3A_3013 = arith.addf %add3A_3011, %mul3A_3012 : vector<16xf32>
      %broadcast_in_dim3A_3014 = arith.constant 8 : i32
      %broadcast_in_dim3A_3015 = vector.broadcast %broadcast_in_dim3A_3014 : i32 to vector<16xi32>
      tpu.vector_store_idx %arg14[%add3A_2866, %broadcast_in_dim3A_3015], %add3A_3013 : memref<128x16xf32, #tpu.memory_space<vmem>>[vector<16xi32>, vector<16xi32>], vector<16xf32>,
      %mul3A_3016 = arith.mulf %gather3A_2919, %gather3A_2910 : vector<16xf32>
      %mul3A_3017 = arith.mulf %gather3A_2922, %gather3A_2913 : vector<16xf32>
      %add3A_3018 = arith.addf %mul3A_3016, %mul3A_3017 : vector<16xf32>
      %mul3A_3019 = arith.mulf %gather3A_2925, %gather3A_2916 : vector<16xf32>
      %add3A_3020 = arith.addf %add3A_3018, %mul3A_3019 : vector<16xf32>
      %broadcast_in_dim3A_3021 = arith.constant 9 : i32
      %broadcast_in_dim3A_3022 = vector.broadcast %broadcast_in_dim3A_3021 : i32 to vector<16xi32>
      tpu.vector_store_idx %arg14[%add3A_2866, %broadcast_in_dim3A_3022], %add3A_3020 : memref<128x16xf32, #tpu.memory_space<vmem>>[vector<16xi32>, vector<16xi32>], vector<16xf32>,
      %mul3A_3023 = arith.mulf %gather3A_2928, %gather3A_2910 : vector<16xf32>
      %mul3A_3024 = arith.mulf %gather3A_2931, %gather3A_2913 : vector<16xf32>
      %add3A_3025 = arith.addf %mul3A_3023, %mul3A_3024 : vector<16xf32>
      %mul3A_3026 = arith.mulf %gather3A_2934, %gather3A_2916 : vector<16xf32>
      %add3A_3027 = arith.addf %add3A_3025, %mul3A_3026 : vector<16xf32>
      %broadcast_in_dim3A_3028 = arith.constant 10 : i32
      %broadcast_in_dim3A_3029 = vector.broadcast %broadcast_in_dim3A_3028 : i32 to vector<16xi32>
      tpu.vector_store_idx %arg14[%add3A_2866, %broadcast_in_dim3A_3029], %add3A_3027 : memref<128x16xf32, #tpu.memory_space<vmem>>[vector<16xi32>, vector<16xi32>], vector<16xf32>,
      %mul3A_3030 = arith.mulf %gather3A_2937, %gather3A_2910 : vector<16xf32>
      %mul3A_3031 = arith.mulf %gather3A_2940, %gather3A_2913 : vector<16xf32>
      %add3A_3032 = arith.addf %mul3A_3030, %mul3A_3031 : vector<16xf32>
      %mul3A_3033 = arith.mulf %gather3A_2943, %gather3A_2916 : vector<16xf32>
      %add3A_3034 = arith.addf %add3A_3032, %mul3A_3033 : vector<16xf32>
      %broadcast_in_dim3A_3035 = arith.constant 11 : i32
      %broadcast_in_dim3A_3036 = vector.broadcast %broadcast_in_dim3A_3035 : i32 to vector<16xi32>
      tpu.vector_store_idx %arg14[%add3A_2866, %broadcast_in_dim3A_3036], %add3A_3034 : memref<128x16xf32, #tpu.memory_space<vmem>>[vector<16xi32>, vector<16xi32>], vector<16xf32>,
      %broadcast_in_dim3A_3037 = arith.constant 12 : i32
      %broadcast_in_dim3A_3038 = vector.broadcast %broadcast_in_dim3A_3037 : i32 to vector<16xi32>
      tpu.vector_store_idx %arg14[%add3A_2866, %broadcast_in_dim3A_3038], %exp3A_2952 : memref<128x16xf32, #tpu.memory_space<vmem>>[vector<16xi32>, vector<16xi32>], vector<16xf32>,
      %broadcast_in_dim3A_3039 = arith.constant 0.000000e+00 : f32
      %broadcast_in_dim3A_3040 = vector.broadcast %broadcast_in_dim3A_3039 : f32 to vector<16xf32>
      %broadcast_in_dim3A_3041 = arith.constant 13 : i32
      %broadcast_in_dim3A_3042 = vector.broadcast %broadcast_in_dim3A_3041 : i32 to vector<16xi32>
      tpu.vector_store_idx %arg14[%add3A_2866, %broadcast_in_dim3A_3042], %broadcast_in_dim3A_3040 : memref<128x16xf32, #tpu.memory_space<vmem>>[vector<16xi32>, vector<16xi32>], vector<16xf32>,
      %broadcast_in_dim3A_3043 = arith.constant 14 : i32
      %broadcast_in_dim3A_3044 = vector.broadcast %broadcast_in_dim3A_3043 : i32 to vector<16xi32>
      tpu.vector_store_idx %arg14[%add3A_2866, %broadcast_in_dim3A_3044], %broadcast_in_dim3A_3040 : memref<128x16xf32, #tpu.memory_space<vmem>>[vector<16xi32>, vector<16xi32>], vector<16xf32>,
      %broadcast_in_dim3A_3045 = arith.constant 15 : i32
      %broadcast_in_dim3A_3046 = vector.broadcast %broadcast_in_dim3A_3045 : i32 to vector<16xi32>
      tpu.vector_store_idx %arg14[%add3A_2866, %broadcast_in_dim3A_3046], %broadcast_in_dim3A_3040 : memref<128x16xf32, #tpu.memory_space<vmem>>[vector<16xi32>, vector<16xi32>], vector<16xf32>,
      %mul3A_3047 = arith.constant 128 : i32
      %mul3A_3048 = arith.muli %add3A_1557, %mul3A_3047 : i32
      %add3A_3049 = arith.addi %mul3A_2, %mul3A_3048 : i32
      %run_scoped3A_3050 = arith.constant 1 : i32
      "tpu.region"() ({
        %run_scoped3A_3054 = tpu.sem_alloc : memref<!tpu.dma_semaphore, #tpu.memory_space<semaphore_mem>>
        %dma_start3A_3055 = arith.constant 0 : i32
        %dma_start3A_3056 = arith.constant 0 : i32
        %dma_start3A_3057 = tpu.memref_slice %arg9[%run_scoped3A_3050, %dma_start3A_3055, %dma_start3A_3056] : memref<2x128x32xf32, #tpu.memory_space<vmem>> -> memref<1x128x32xf32, #tpu.memory_space<vmem>>
        %dma_start3A_3058 = tpu.memref_squeeze %dma_start3A_3057 : memref<1x128x32xf32, #tpu.memory_space<vmem>> -> memref<128x32xf32, #tpu.memory_space<vmem>>
        %dma_start3A_3059 = arith.constant 0 : i32
        %dma_start3A_3060 = tpu.memref_slice %arg6[%add3A_3049, %dma_start3A_3059] : memref<802816x32xf32, #tpu.memory_space<hbm>> -> memref<128x32xf32, #tpu.memory_space<hbm>>
        %dma_start3A_3061 = arith.constant 0 : i32
        %dma_start3A_3062 = tpu.memref_slice %arg6[%add3A_3049, %dma_start3A_3061] : memref<802816x32xf32, #tpu.memory_space<hbm>> -> memref<128x32xf32, #tpu.memory_space<hbm>>
        %dma_start3A_3063 = arith.constant 0 : i32
        %dma_start3A_3064 = arith.constant 0 : i32
        %dma_start3A_3065 = tpu.memref_slice %arg9[%run_scoped3A_3050, %dma_start3A_3063, %dma_start3A_3064] : memref<2x128x32xf32, #tpu.memory_space<vmem>> -> memref<1x128x32xf32, #tpu.memory_space<vmem>>
        %dma_start3A_3066 = tpu.memref_squeeze %dma_start3A_3065 : memref<1x128x32xf32, #tpu.memory_space<vmem>> -> memref<128x32xf32, #tpu.memory_space<vmem>>
        tpu.enqueue_dma source(%dma_start3A_3066 : memref<128x32xf32, #tpu.memory_space<vmem>>) target(%dma_start3A_3062 : memref<128x32xf32, #tpu.memory_space<hbm>>) target_semaphore(%run_scoped3A_3054 : memref<!tpu.dma_semaphore, #tpu.memory_space<semaphore_mem>>)
        %dma_wait3A_3067 = arith.constant 0 : i32
        %dma_wait3A_3068 = arith.constant 0 : i32
        %dma_wait3A_3069 = tpu.memref_slice %arg9[%run_scoped3A_3050, %dma_wait3A_3067, %dma_wait3A_3068] : memref<2x128x32xf32, #tpu.memory_space<vmem>> -> memref<1x128x32xf32, #tpu.memory_space<vmem>>
        %dma_wait3A_3070 = tpu.memref_squeeze %dma_wait3A_3069 : memref<1x128x32xf32, #tpu.memory_space<vmem>> -> memref<128x32xf32, #tpu.memory_space<vmem>>
        %dma_wait3A_3071 = arith.constant 0 : i32
        %dma_wait3A_3072 = tpu.memref_slice %arg6[%add3A_3049, %dma_wait3A_3071] : memref<802816x32xf32, #tpu.memory_space<hbm>> -> memref<128x32xf32, #tpu.memory_space<hbm>>
        %dma_wait3A_3073 = arith.constant 0 : i32
        %dma_wait3A_3074 = tpu.memref_slice %arg6[%add3A_3049, %dma_wait3A_3073] : memref<802816x32xf32, #tpu.memory_space<hbm>> -> memref<128x32xf32, #tpu.memory_space<hbm>>
        %dma_wait3A_3075 = arith.constant 0 : i32
        %dma_wait3A_3076 = arith.constant 0 : i32
        %dma_wait3A_3077 = tpu.memref_slice %arg9[%run_scoped3A_3050, %dma_wait3A_3075, %dma_wait3A_3076] : memref<2x128x32xf32, #tpu.memory_space<vmem>> -> memref<1x128x32xf32, #tpu.memory_space<vmem>>
        %dma_wait3A_3078 = tpu.memref_squeeze %dma_wait3A_3077 : memref<1x128x32xf32, #tpu.memory_space<vmem>> -> memref<128x32xf32, #tpu.memory_space<vmem>>
        tpu.wait_dma2 semaphore(%run_scoped3A_3054 : memref<!tpu.dma_semaphore, #tpu.memory_space<semaphore_mem>>) src(%dma_wait3A_3078 : memref<128x32xf32, #tpu.memory_space<vmem>>) dst(%dma_wait3A_3074 : memref<128x32xf32, #tpu.memory_space<hbm>>)
        tpu.yield
      }) : () -> ()
      %mul3A_3051 = arith.constant 128 : i32
      %mul3A_3052 = arith.muli %add3A_1557, %mul3A_3051 : i32
      %add3A_3053 = arith.addi %mul3A_2, %mul3A_3052 : i32
      "tpu.region"() ({
        %run_scoped3A_3054 = tpu.sem_alloc : memref<!tpu.dma_semaphore, #tpu.memory_space<semaphore_mem>>
        %dma_start3A_3055 = arith.constant 0 : i32
        %dma_start3A_3056 = tpu.memref_slice %arg7[%add3A_3053, %dma_start3A_3055] : memref<802816x16xf32, #tpu.memory_space<hbm>> -> memref<128x16xf32, #tpu.memory_space<hbm>>
        %dma_start3A_3057 = arith.constant 0 : i32
        %dma_start3A_3058 = tpu.memref_slice %arg7[%add3A_3053, %dma_start3A_3057] : memref<802816x16xf32, #tpu.memory_space<hbm>> -> memref<128x16xf32, #tpu.memory_space<hbm>>
        tpu.enqueue_dma source(%arg14 : memref<128x16xf32, #tpu.memory_space<vmem>>) target(%dma_start3A_3058 : memref<128x16xf32, #tpu.memory_space<hbm>>) target_semaphore(%run_scoped3A_3054 : memref<!tpu.dma_semaphore, #tpu.memory_space<semaphore_mem>>)
        %dma_wait3A_3059 = arith.constant 0 : i32
        %dma_wait3A_3060 = tpu.memref_slice %arg7[%add3A_3053, %dma_wait3A_3059] : memref<802816x16xf32, #tpu.memory_space<hbm>> -> memref<128x16xf32, #tpu.memory_space<hbm>>
        %dma_wait3A_3061 = arith.constant 0 : i32
        %dma_wait3A_3062 = tpu.memref_slice %arg7[%add3A_3053, %dma_wait3A_3061] : memref<802816x16xf32, #tpu.memory_space<hbm>> -> memref<128x16xf32, #tpu.memory_space<hbm>>
        tpu.wait_dma2 semaphore(%run_scoped3A_3054 : memref<!tpu.dma_semaphore, #tpu.memory_space<semaphore_mem>>) src(%arg14 : memref<128x16xf32, #tpu.memory_space<vmem>>) dst(%dma_wait3A_3062 : memref<128x16xf32, #tpu.memory_space<hbm>>)
        tpu.yield
      }) : () -> ()
    }
    %scan3A_33 = arith.constant 98 : i32
    return
  }
}

module attributes {stable_mosaic.version = 14 : i64} {
  func.func @_dense_body(%arg0: i32, %arg1: memref<1000x128xf32, #tpu.memory_space<vmem>>, %arg2: memref<4000x128xf32, #tpu.memory_space<vmem>>, %arg3: memref<4000x64xf32, #tpu.memory_space<vmem>>, %arg4: memref<4000x4xi32, #tpu.memory_space<vmem>>, %arg5: memref<128x32xf32, #tpu.memory_space<vmem>>, %arg6: memref<1x32xf32, #tpu.memory_space<vmem>>, %arg7: memref<32x128xf32, #tpu.memory_space<vmem>>, %arg8: memref<1x128xf32, #tpu.memory_space<vmem>>, %arg9: memref<64x128xf32, #tpu.memory_space<vmem>>, %arg10: memref<1x128xf32, #tpu.memory_space<vmem>>, %arg11: memref<128x128xf32, #tpu.memory_space<vmem>>, %arg12: memref<1x128xf32, #tpu.memory_space<vmem>>, %arg13: memref<128x128xf32, #tpu.memory_space<vmem>>, %arg14: memref<128x128xf32, #tpu.memory_space<vmem>>, %arg15: memref<128x128xf32, #tpu.memory_space<vmem>>, %arg16: memref<128x128xf32, #tpu.memory_space<vmem>>, %arg17: memref<128x128xf32, #tpu.memory_space<vmem>>, %arg18: memref<32x32xf32, #tpu.memory_space<vmem>>, %arg19: memref<64x128xf32, #tpu.memory_space<vmem>>, %arg20: memref<4x128xf32, #tpu.memory_space<vmem>>, %arg21: memref<128x512xf32, #tpu.memory_space<vmem>>, %arg22: memref<128x128xf32, #tpu.memory_space<vmem>>, %arg23: memref<1000x32xf32, #tpu.memory_space<vmem>>) attributes {dimension_semantics = [#tpu.dimension_semantics<arbitrary>], iteration_bounds = array<i64: 50>, scalar_prefetch = 0 : i64, scratch_operands = 0 : i64, tpu.core_type = #tpu.core_type<tc>, window_params = [{transform_indices = @transform_0, window_bounds = array<i64: 1000, 128>}, {transform_indices = @transform_1, window_bounds = array<i64: 4000, 128>}, {transform_indices = @transform_2, window_bounds = array<i64: 4000, 64>}, {transform_indices = @transform_3, window_bounds = array<i64: 4000, 4>}, {pipeline_mode = #tpu.pipeline_mode<synchronous>, transform_indices = @transform_4, window_bounds = array<i64: 128, 32>}, {pipeline_mode = #tpu.pipeline_mode<synchronous>, transform_indices = @transform_5, window_bounds = array<i64: 1, 32>}, {pipeline_mode = #tpu.pipeline_mode<synchronous>, transform_indices = @transform_6, window_bounds = array<i64: 32, 128>}, {pipeline_mode = #tpu.pipeline_mode<synchronous>, transform_indices = @transform_7, window_bounds = array<i64: 1, 128>}, {pipeline_mode = #tpu.pipeline_mode<synchronous>, transform_indices = @transform_8, window_bounds = array<i64: 64, 128>}, {pipeline_mode = #tpu.pipeline_mode<synchronous>, transform_indices = @transform_9, window_bounds = array<i64: 1, 128>}, {pipeline_mode = #tpu.pipeline_mode<synchronous>, transform_indices = @transform_10, window_bounds = array<i64: 128, 128>}, {pipeline_mode = #tpu.pipeline_mode<synchronous>, transform_indices = @transform_11, window_bounds = array<i64: 1, 128>}, {pipeline_mode = #tpu.pipeline_mode<synchronous>, transform_indices = @transform_12, window_bounds = array<i64: 128, 128>}, {pipeline_mode = #tpu.pipeline_mode<synchronous>, transform_indices = @transform_13, window_bounds = array<i64: 128, 128>}, {pipeline_mode = #tpu.pipeline_mode<synchronous>, transform_indices = @transform_14, window_bounds = array<i64: 128, 128>}, {pipeline_mode = #tpu.pipeline_mode<synchronous>, transform_indices = @transform_15, window_bounds = array<i64: 128, 128>}, {pipeline_mode = #tpu.pipeline_mode<synchronous>, transform_indices = @transform_16, window_bounds = array<i64: 128, 128>}, {pipeline_mode = #tpu.pipeline_mode<synchronous>, transform_indices = @transform_17, window_bounds = array<i64: 32, 32>}, {pipeline_mode = #tpu.pipeline_mode<synchronous>, transform_indices = @transform_18, window_bounds = array<i64: 64, 128>}, {pipeline_mode = #tpu.pipeline_mode<synchronous>, transform_indices = @transform_19, window_bounds = array<i64: 4, 128>}, {pipeline_mode = #tpu.pipeline_mode<synchronous>, transform_indices = @transform_20, window_bounds = array<i64: 128, 512>}, {pipeline_mode = #tpu.pipeline_mode<synchronous>, transform_indices = @transform_21, window_bounds = array<i64: 128, 128>}, {transform_indices = @transform_22, window_bounds = array<i64: 1000, 32>}]} {
    %get3A = arith.constant 0 : index
    %get3A_0 = arith.constant 0 : index
    %get3A_1 = vector.load %arg1[%get3A, %get3A_0] : memref<1000x128xf32, #tpu.memory_space<vmem>>, vector<1000x128xf32>
    %get3A_2 = arith.constant 0 : index
    %get3A_3 = arith.constant 0 : index
    %get3A_4 = vector.load %arg5[%get3A_2, %get3A_3] : memref<128x32xf32, #tpu.memory_space<vmem>>, vector<128x32xf32>
    %dot_general3A = arith.constant dense<0.000000e+00> : vector<1000x32xf32>
    %dot_general3A_5 = tpu.matmul %get3A_1, %get3A_4, %dot_general3A {dimension_numbers = #tpu.dot_dimension_numbers<[1], [0], [0], [1], [0, 0, 1, 1], [], []>, transpose_lhs_hint = false} : vector<1000x128xf32>, vector<128x32xf32>, vector<1000x32xf32> -> vector<1000x32xf32>
    %get3A_6 = arith.constant 0 : index
    %get3A_7 = arith.constant 0 : index
    %get3A_8 = vector.load %arg6[%get3A_6, %get3A_7] : memref<1x32xf32, #tpu.memory_space<vmem>>, vector<1x32xf32>
    %add3A = vector.broadcast %get3A_8 : vector<1x32xf32> to vector<1000x32xf32>
    %add3A_9 = arith.addf %dot_general3A_5, %add3A : vector<1000x32xf32>
    %min3A = arith.constant 0.000000e+00 : f32
    %min3A_10 = vector.broadcast %min3A : f32 to vector<1000x32xf32>
    %min3A_11 = arith.minimumf %add3A_9, %min3A_10 : vector<1000x32xf32>
    %exp3A = math.exp %min3A_11 : vector<1000x32xf32>
    %sub3A = arith.constant 1.000000e+00 : f32
    %sub3A_12 = vector.broadcast %sub3A : f32 to vector<1000x32xf32>
    %sub3A_13 = arith.subf %exp3A, %sub3A_12 : vector<1000x32xf32>
    %mul3A = arith.constant 0.166666672 : f32
    %mul3A_14 = vector.broadcast %mul3A : f32 to vector<1000x32xf32>
    %mul3A_15 = arith.mulf %min3A_11, %mul3A_14 : vector<1000x32xf32>
    %add3A_16 = arith.constant 5.000000e-01 : f32
    %add3A_17 = vector.broadcast %add3A_16 : f32 to vector<1000x32xf32>
    %add3A_18 = arith.addf %add3A_17, %mul3A_15 : vector<1000x32xf32>
    %mul3A_19 = arith.mulf %min3A_11, %add3A_18 : vector<1000x32xf32>
    %add3A_20 = arith.constant 1.000000e+00 : f32
    %add3A_21 = vector.broadcast %add3A_20 : f32 to vector<1000x32xf32>
    %add3A_22 = arith.addf %add3A_21, %mul3A_19 : vector<1000x32xf32>
    %mul3A_23 = arith.mulf %min3A_11, %add3A_22 : vector<1000x32xf32>
    %gt3A = arith.constant -6.250000e-02 : f32
    %gt3A_24 = vector.broadcast %gt3A : f32 to vector<1000x32xf32>
    %gt3A_25 = arith.cmpf ogt, %min3A_11, %gt3A_24 : vector<1000x32xf32>
    %select_n3A = arith.select %gt3A_25, %mul3A_23, %sub3A_13 : vector<1000x32xi1>, vector<1000x32xf32>
    %gt3A_26 = arith.constant 0.000000e+00 : f32
    %gt3A_27 = vector.broadcast %gt3A_26 : f32 to vector<1000x32xf32>
    %gt3A_28 = arith.cmpf ogt, %add3A_9, %gt3A_27 : vector<1000x32xf32>
    %select_n3A_29 = arith.select %gt3A_28, %add3A_9, %select_n3A : vector<1000x32xi1>, vector<1000x32xf32>
    %get3A_30 = arith.constant 0 : index
    %get3A_31 = arith.constant 0 : index
    %get3A_32 = vector.load %arg7[%get3A_30, %get3A_31] : memref<32x128xf32, #tpu.memory_space<vmem>>, vector<32x128xf32>
    %dot_general3A_33 = arith.constant dense<0.000000e+00> : vector<1000x128xf32>
    %dot_general3A_34 = tpu.matmul %select_n3A_29, %get3A_32, %dot_general3A_33 {dimension_numbers = #tpu.dot_dimension_numbers<[1], [0], [0], [1], [0, 0, 1, 1], [], []>, transpose_lhs_hint = false} : vector<1000x32xf32>, vector<32x128xf32>, vector<1000x128xf32> -> vector<1000x128xf32>
    %get3A_35 = arith.constant 0 : index
    %get3A_36 = arith.constant 0 : index
    %get3A_37 = vector.load %arg8[%get3A_35, %get3A_36] : memref<1x128xf32, #tpu.memory_space<vmem>>, vector<1x128xf32>
    %add3A_38 = vector.broadcast %get3A_37 : vector<1x128xf32> to vector<1000x128xf32>
    %add3A_39 = arith.addf %dot_general3A_34, %add3A_38 : vector<1000x128xf32>
    %get3A_40 = arith.constant 0 : index
    %get3A_41 = arith.constant 0 : index
    %get3A_42 = vector.load %arg3[%get3A_40, %get3A_41] : memref<4000x64xf32, #tpu.memory_space<vmem>>, vector<4000x64xf32>
    %get3A_43 = arith.constant 0 : index
    %get3A_44 = arith.constant 0 : index
    %get3A_45 = vector.load %arg2[%get3A_43, %get3A_44] : memref<4000x128xf32, #tpu.memory_space<vmem>>, vector<4000x128xf32>
    %get3A_46 = arith.constant 0 : index
    %get3A_47 = arith.constant 0 : index
    %get3A_48 = vector.load %arg19[%get3A_46, %get3A_47] : memref<64x128xf32, #tpu.memory_space<vmem>>, vector<64x128xf32>
    %dot_general3A_49 = arith.constant dense<0.000000e+00> : vector<4000x128xf32>
    %dot_general3A_50 = tpu.matmul %get3A_42, %get3A_48, %dot_general3A_49 {dimension_numbers = #tpu.dot_dimension_numbers<[1], [0], [0], [1], [0, 0, 1, 1], [], []>, transpose_lhs_hint = false} : vector<4000x64xf32>, vector<64x128xf32>, vector<4000x128xf32> -> vector<4000x128xf32>
    %get3A_51 = arith.constant 0 : index
    %get3A_52 = arith.constant 0 : index
    %get3A_53 = vector.load %arg9[%get3A_51, %get3A_52] : memref<64x128xf32, #tpu.memory_space<vmem>>, vector<64x128xf32>
    %dot_general3A_54 = arith.constant dense<0.000000e+00> : vector<4000x128xf32>
    %dot_general3A_55 = tpu.matmul %get3A_42, %get3A_53, %dot_general3A_54 {dimension_numbers = #tpu.dot_dimension_numbers<[1], [0], [0], [1], [0, 0, 1, 1], [], []>, transpose_lhs_hint = false} : vector<4000x64xf32>, vector<64x128xf32>, vector<4000x128xf32> -> vector<4000x128xf32>
    %get3A_56 = arith.constant 0 : index
    %get3A_57 = arith.constant 0 : index
    %get3A_58 = vector.load %arg10[%get3A_56, %get3A_57] : memref<1x128xf32, #tpu.memory_space<vmem>>, vector<1x128xf32>
    %add3A_59 = vector.broadcast %get3A_58 : vector<1x128xf32> to vector<4000x128xf32>
    %add3A_60 = arith.addf %dot_general3A_55, %add3A_59 : vector<4000x128xf32>
    %min3A_61 = arith.constant 0.000000e+00 : f32
    %min3A_62 = vector.broadcast %min3A_61 : f32 to vector<4000x128xf32>
    %min3A_63 = arith.minimumf %add3A_60, %min3A_62 : vector<4000x128xf32>
    %exp3A_64 = math.exp %min3A_63 : vector<4000x128xf32>
    %sub3A_65 = arith.constant 1.000000e+00 : f32
    %sub3A_66 = vector.broadcast %sub3A_65 : f32 to vector<4000x128xf32>
    %sub3A_67 = arith.subf %exp3A_64, %sub3A_66 : vector<4000x128xf32>
    %mul3A_68 = arith.constant 0.166666672 : f32
    %mul3A_69 = vector.broadcast %mul3A_68 : f32 to vector<4000x128xf32>
    %mul3A_70 = arith.mulf %min3A_63, %mul3A_69 : vector<4000x128xf32>
    %add3A_71 = arith.constant 5.000000e-01 : f32
    %add3A_72 = vector.broadcast %add3A_71 : f32 to vector<4000x128xf32>
    %add3A_73 = arith.addf %add3A_72, %mul3A_70 : vector<4000x128xf32>
    %mul3A_74 = arith.mulf %min3A_63, %add3A_73 : vector<4000x128xf32>
    %add3A_75 = arith.constant 1.000000e+00 : f32
    %add3A_76 = vector.broadcast %add3A_75 : f32 to vector<4000x128xf32>
    %add3A_77 = arith.addf %add3A_76, %mul3A_74 : vector<4000x128xf32>
    %mul3A_78 = arith.mulf %min3A_63, %add3A_77 : vector<4000x128xf32>
    %gt3A_79 = arith.constant -6.250000e-02 : f32
    %gt3A_80 = vector.broadcast %gt3A_79 : f32 to vector<4000x128xf32>
    %gt3A_81 = arith.cmpf ogt, %min3A_63, %gt3A_80 : vector<4000x128xf32>
    %select_n3A_82 = arith.select %gt3A_81, %mul3A_78, %sub3A_67 : vector<4000x128xi1>, vector<4000x128xf32>
    %gt3A_83 = arith.constant 0.000000e+00 : f32
    %gt3A_84 = vector.broadcast %gt3A_83 : f32 to vector<4000x128xf32>
    %gt3A_85 = arith.cmpf ogt, %add3A_60, %gt3A_84 : vector<4000x128xf32>
    %select_n3A_86 = arith.select %gt3A_85, %add3A_60, %select_n3A_82 : vector<4000x128xi1>, vector<4000x128xf32>
    %get3A_87 = arith.constant 0 : index
    %get3A_88 = arith.constant 0 : index
    %get3A_89 = vector.load %arg11[%get3A_87, %get3A_88] : memref<128x128xf32, #tpu.memory_space<vmem>>, vector<128x128xf32>
    %dot_general3A_90 = arith.constant dense<0.000000e+00> : vector<4000x128xf32>
    %dot_general3A_91 = tpu.matmul %select_n3A_86, %get3A_89, %dot_general3A_90 {dimension_numbers = #tpu.dot_dimension_numbers<[1], [0], [0], [1], [0, 0, 1, 1], [], []>, transpose_lhs_hint = false} : vector<4000x128xf32>, vector<128x128xf32>, vector<4000x128xf32> -> vector<4000x128xf32>
    %get3A_92 = arith.constant 0 : index
    %get3A_93 = arith.constant 0 : index
    %get3A_94 = vector.load %arg12[%get3A_92, %get3A_93] : memref<1x128xf32, #tpu.memory_space<vmem>>, vector<1x128xf32>
    %add3A_95 = vector.broadcast %get3A_94 : vector<1x128xf32> to vector<4000x128xf32>
    %add3A_96 = arith.addf %dot_general3A_91, %add3A_95 : vector<4000x128xf32>
    %mul3A_97 = arith.mulf %add3A_96, %get3A_45 : vector<4000x128xf32>
    %mul3A_98 = arith.mulf %mul3A_97, %dot_general3A_50 : vector<4000x128xf32>
    %get3A_99 = arith.constant 0 : index
    %get3A_100 = arith.constant 0 : index
    %get3A_101 = vector.load %arg13[%get3A_99, %get3A_100] : memref<128x128xf32, #tpu.memory_space<vmem>>, vector<128x128xf32>
    %dot_general3A_102 = arith.constant dense<0.000000e+00> : vector<4000x128xf32>
    %dot_general3A_103 = tpu.matmul %mul3A_98, %get3A_101, %dot_general3A_102 {dimension_numbers = #tpu.dot_dimension_numbers<[1], [0], [0], [1], [0, 0, 1, 1], [], []>, transpose_lhs_hint = false} : vector<4000x128xf32>, vector<128x128xf32>, vector<4000x128xf32> -> vector<4000x128xf32>
    %min3A_104 = arith.constant 0.000000e+00 : f32
    %min3A_105 = vector.broadcast %min3A_104 : f32 to vector<4000x128xf32>
    %min3A_106 = arith.minimumf %dot_general3A_103, %min3A_105 : vector<4000x128xf32>
    %exp3A_107 = math.exp %min3A_106 : vector<4000x128xf32>
    %sub3A_108 = arith.constant 1.000000e+00 : f32
    %sub3A_109 = vector.broadcast %sub3A_108 : f32 to vector<4000x128xf32>
    %sub3A_110 = arith.subf %exp3A_107, %sub3A_109 : vector<4000x128xf32>
    %mul3A_111 = arith.constant 0.166666672 : f32
    %mul3A_112 = vector.broadcast %mul3A_111 : f32 to vector<4000x128xf32>
    %mul3A_113 = arith.mulf %min3A_106, %mul3A_112 : vector<4000x128xf32>
    %add3A_114 = arith.constant 5.000000e-01 : f32
    %add3A_115 = vector.broadcast %add3A_114 : f32 to vector<4000x128xf32>
    %add3A_116 = arith.addf %add3A_115, %mul3A_113 : vector<4000x128xf32>
    %mul3A_117 = arith.mulf %min3A_106, %add3A_116 : vector<4000x128xf32>
    %add3A_118 = arith.constant 1.000000e+00 : f32
    %add3A_119 = vector.broadcast %add3A_118 : f32 to vector<4000x128xf32>
    %add3A_120 = arith.addf %add3A_119, %mul3A_117 : vector<4000x128xf32>
    %mul3A_121 = arith.mulf %min3A_106, %add3A_120 : vector<4000x128xf32>
    %gt3A_122 = arith.constant -6.250000e-02 : f32
    %gt3A_123 = vector.broadcast %gt3A_122 : f32 to vector<4000x128xf32>
    %gt3A_124 = arith.cmpf ogt, %min3A_106, %gt3A_123 : vector<4000x128xf32>
    %select_n3A_125 = arith.select %gt3A_124, %mul3A_121, %sub3A_110 : vector<4000x128xi1>, vector<4000x128xf32>
    %gt3A_126 = arith.constant 0.000000e+00 : f32
    %gt3A_127 = vector.broadcast %gt3A_126 : f32 to vector<4000x128xf32>
    %gt3A_128 = arith.cmpf ogt, %dot_general3A_103, %gt3A_127 : vector<4000x128xf32>
    %select_n3A_129 = arith.select %gt3A_128, %dot_general3A_103, %select_n3A_125 : vector<4000x128xi1>, vector<4000x128xf32>
    %get3A_130 = arith.constant 0 : index
    %get3A_131 = arith.constant 0 : index
    %get3A_132 = vector.load %arg14[%get3A_130, %get3A_131] : memref<128x128xf32, #tpu.memory_space<vmem>>, vector<128x128xf32>
    %dot_general3A_133 = arith.constant dense<0.000000e+00> : vector<4000x128xf32>
    %dot_general3A_134 = tpu.matmul %select_n3A_129, %get3A_132, %dot_general3A_133 {dimension_numbers = #tpu.dot_dimension_numbers<[1], [0], [0], [1], [0, 0, 1, 1], [], []>, transpose_lhs_hint = false} : vector<4000x128xf32>, vector<128x128xf32>, vector<4000x128xf32> -> vector<4000x128xf32>
    %get3A_135 = arith.constant 0 : index
    %get3A_136 = arith.constant 0 : index
    %get3A_137 = vector.load %arg15[%get3A_135, %get3A_136] : memref<128x128xf32, #tpu.memory_space<vmem>>, vector<128x128xf32>
    %dot_general3A_138 = arith.constant dense<0.000000e+00> : vector<4000x128xf32>
    %dot_general3A_139 = tpu.matmul %mul3A_98, %get3A_137, %dot_general3A_138 {dimension_numbers = #tpu.dot_dimension_numbers<[1], [0], [0], [1], [0, 0, 1, 1], [], []>, transpose_lhs_hint = false} : vector<4000x128xf32>, vector<128x128xf32>, vector<4000x128xf32> -> vector<4000x128xf32>
    %min3A_140 = arith.constant 0.000000e+00 : f32
    %min3A_141 = vector.broadcast %min3A_140 : f32 to vector<4000x128xf32>
    %min3A_142 = arith.minimumf %dot_general3A_139, %min3A_141 : vector<4000x128xf32>
    %exp3A_143 = math.exp %min3A_142 : vector<4000x128xf32>
    %sub3A_144 = arith.constant 1.000000e+00 : f32
    %sub3A_145 = vector.broadcast %sub3A_144 : f32 to vector<4000x128xf32>
    %sub3A_146 = arith.subf %exp3A_143, %sub3A_145 : vector<4000x128xf32>
    %mul3A_147 = arith.constant 0.166666672 : f32
    %mul3A_148 = vector.broadcast %mul3A_147 : f32 to vector<4000x128xf32>
    %mul3A_149 = arith.mulf %min3A_142, %mul3A_148 : vector<4000x128xf32>
    %add3A_150 = arith.constant 5.000000e-01 : f32
    %add3A_151 = vector.broadcast %add3A_150 : f32 to vector<4000x128xf32>
    %add3A_152 = arith.addf %add3A_151, %mul3A_149 : vector<4000x128xf32>
    %mul3A_153 = arith.mulf %min3A_142, %add3A_152 : vector<4000x128xf32>
    %add3A_154 = arith.constant 1.000000e+00 : f32
    %add3A_155 = vector.broadcast %add3A_154 : f32 to vector<4000x128xf32>
    %add3A_156 = arith.addf %add3A_155, %mul3A_153 : vector<4000x128xf32>
    %mul3A_157 = arith.mulf %min3A_142, %add3A_156 : vector<4000x128xf32>
    %gt3A_158 = arith.constant -6.250000e-02 : f32
    %gt3A_159 = vector.broadcast %gt3A_158 : f32 to vector<4000x128xf32>
    %gt3A_160 = arith.cmpf ogt, %min3A_142, %gt3A_159 : vector<4000x128xf32>
    %select_n3A_161 = arith.select %gt3A_160, %mul3A_157, %sub3A_146 : vector<4000x128xi1>, vector<4000x128xf32>
    %gt3A_162 = arith.constant 0.000000e+00 : f32
    %gt3A_163 = vector.broadcast %gt3A_162 : f32 to vector<4000x128xf32>
    %gt3A_164 = arith.cmpf ogt, %dot_general3A_139, %gt3A_163 : vector<4000x128xf32>
    %select_n3A_165 = arith.select %gt3A_164, %dot_general3A_139, %select_n3A_161 : vector<4000x128xi1>, vector<4000x128xf32>
    %get3A_166 = arith.constant 0 : index
    %get3A_167 = arith.constant 0 : index
    %get3A_168 = vector.load %arg16[%get3A_166, %get3A_167] : memref<128x128xf32, #tpu.memory_space<vmem>>, vector<128x128xf32>
    %dot_general3A_169 = arith.constant dense<0.000000e+00> : vector<4000x128xf32>
    %dot_general3A_170 = tpu.matmul %select_n3A_165, %get3A_168, %dot_general3A_169 {dimension_numbers = #tpu.dot_dimension_numbers<[1], [0], [0], [1], [0, 0, 1, 1], [], []>, transpose_lhs_hint = false} : vector<4000x128xf32>, vector<128x128xf32>, vector<4000x128xf32> -> vector<4000x128xf32>
    %get3A_171 = arith.constant 0 : index
    %get3A_172 = arith.constant 0 : index
    %get3A_173 = vector.load %arg4[%get3A_171, %get3A_172] : memref<4000x4xi32, #tpu.memory_space<vmem>>, vector<4000x4xi32>
    %eq3A = arith.constant 0 : i32
    %eq3A_174 = vector.broadcast %eq3A : i32 to vector<4000x4xi32>
    %eq3A_175 = arith.cmpi eq, %get3A_173, %eq3A_174 : vector<4000x4xi32>
    %jit3A = arith.constant 0.000000e+00 : f32
    %jit3A_176 = arith.constant 1.000000e+00 : f32
    %broadcast_in_dim3A = vector.broadcast %jit3A : f32 to vector<4000x4xf32>
    %broadcast_in_dim3A_177 = vector.broadcast %jit3A_176 : f32 to vector<4000x4xf32>
    %select_n3A_178 = arith.select %eq3A_175, %broadcast_in_dim3A, %broadcast_in_dim3A_177 : vector<4000x4xi1>, vector<4000x4xf32>
    %get3A_179 = arith.constant 0 : index
    %get3A_180 = arith.constant 0 : index
    %get3A_181 = vector.load %arg20[%get3A_179, %get3A_180] : memref<4x128xf32, #tpu.memory_space<vmem>>, vector<4x128xf32>
    %dot_general3A_182 = arith.constant dense<0.000000e+00> : vector<4000x128xf32>
    %dot_general3A_183 = tpu.matmul %select_n3A_178, %get3A_181, %dot_general3A_182 {dimension_numbers = #tpu.dot_dimension_numbers<[1], [0], [0], [1], [0, 0, 1, 1], [], []>, transpose_lhs_hint = false} : vector<4000x4xf32>, vector<4x128xf32>, vector<4000x128xf32> -> vector<4000x128xf32>
    %mul3A_184 = arith.mulf %dot_general3A_134, %dot_general3A_183 : vector<4000x128xf32>
    %get3A_185 = arith.constant 0 : index
    %get3A_186 = arith.constant 0 : index
    %get3A_187 = vector.load %arg21[%get3A_185, %get3A_186] : memref<128x512xf32, #tpu.memory_space<vmem>>, vector<128x512xf32>
    %dot_general3A_188 = arith.constant dense<0.000000e+00> : vector<1000x512xf32>
    %dot_general3A_189 = tpu.matmul %add3A_39, %get3A_187, %dot_general3A_188 {dimension_numbers = #tpu.dot_dimension_numbers<[1], [0], [0], [1], [0, 0, 1, 1], [], []>, transpose_lhs_hint = false} : vector<1000x128xf32>, vector<128x512xf32>, vector<1000x512xf32> -> vector<1000x512xf32>
    %reshape3A = vector.shape_cast %mul3A_184 : vector<4000x128xf32> to vector<1000x4x128xf32>
    %get3A_190 = arith.constant 0 : index
    %get3A_191 = arith.constant 0 : index
    %get3A_192 = vector.load %arg22[%get3A_190, %get3A_191] : memref<128x128xf32, #tpu.memory_space<vmem>>, vector<128x128xf32>
    %slice3A = vector.extract_strided_slice %dot_general3A_189 {offsets = [0, 0], sizes = [1000, 128], strides = [1, 1]} : vector<1000x512xf32> to vector<1000x128xf32>
    %broadcast_in_dim3A_193 = vector.shape_cast %slice3A : vector<1000x128xf32> to vector<1000x1x128xf32>
    %mul3A_194 = vector.broadcast %broadcast_in_dim3A_193 : vector<1000x1x128xf32> to vector<1000x4x128xf32>
    %mul3A_195 = arith.mulf %reshape3A, %mul3A_194 : vector<1000x4x128xf32>
    %reshape3A_196 = vector.shape_cast %mul3A_195 : vector<1000x4x128xf32> to vector<4000x128xf32>
    %dot_general3A_197 = arith.constant dense<0.000000e+00> : vector<4000x128xf32>
    %dot_general3A_198 = tpu.matmul %reshape3A_196, %get3A_192, %dot_general3A_197 {dimension_numbers = #tpu.dot_dimension_numbers<[1], [0], [0], [1], [0, 0, 1, 1], [], []>, transpose_lhs_hint = false} : vector<4000x128xf32>, vector<128x128xf32>, vector<4000x128xf32> -> vector<4000x128xf32>
    %mul3A_199 = arith.mulf %dot_general3A_198, %dot_general3A_170 : vector<4000x128xf32>
    %get3A_200 = arith.constant 0 : index
    %get3A_201 = arith.constant 0 : index
    %get3A_202 = vector.load %arg17[%get3A_200, %get3A_201] : memref<128x128xf32, #tpu.memory_space<vmem>>, vector<128x32xf32>
    %dot_general3A_203 = arith.constant dense<0.000000e+00> : vector<4000x32xf32>
    %dot_general3A_204 = tpu.matmul %mul3A_199, %get3A_202, %dot_general3A_203 {dimension_numbers = #tpu.dot_dimension_numbers<[1], [0], [0], [1], [0, 0, 1, 1], [], []>, transpose_lhs_hint = false} : vector<4000x128xf32>, vector<128x32xf32>, vector<4000x32xf32> -> vector<4000x32xf32>
    %slice3A_205 = vector.extract_strided_slice %dot_general3A_189 {offsets = [0, 128], sizes = [1000, 128], strides = [1, 1]} : vector<1000x512xf32> to vector<1000x128xf32>
    %broadcast_in_dim3A_206 = vector.shape_cast %slice3A_205 : vector<1000x128xf32> to vector<1000x1x128xf32>
    %mul3A_207 = vector.broadcast %broadcast_in_dim3A_206 : vector<1000x1x128xf32> to vector<1000x4x128xf32>
    %mul3A_208 = arith.mulf %reshape3A, %mul3A_207 : vector<1000x4x128xf32>
    %reshape3A_209 = vector.shape_cast %mul3A_208 : vector<1000x4x128xf32> to vector<4000x128xf32>
    %dot_general3A_210 = arith.constant dense<0.000000e+00> : vector<4000x128xf32>
    %dot_general3A_211 = tpu.matmul %reshape3A_209, %get3A_192, %dot_general3A_210 {dimension_numbers = #tpu.dot_dimension_numbers<[1], [0], [0], [1], [0, 0, 1, 1], [], []>, transpose_lhs_hint = false} : vector<4000x128xf32>, vector<128x128xf32>, vector<4000x128xf32> -> vector<4000x128xf32>
    %mul3A_212 = arith.mulf %dot_general3A_211, %dot_general3A_170 : vector<4000x128xf32>
    %get3A_213 = arith.constant 0 : index
    %get3A_214 = arith.constant 32 : index
    %get3A_215 = vector.load %arg17[%get3A_213, %get3A_214] : memref<128x128xf32, #tpu.memory_space<vmem>>, vector<128x32xf32>
    %dot_general3A_216 = arith.constant dense<0.000000e+00> : vector<4000x32xf32>
    %dot_general3A_217 = tpu.matmul %mul3A_212, %get3A_215, %dot_general3A_216 {dimension_numbers = #tpu.dot_dimension_numbers<[1], [0], [0], [1], [0, 0, 1, 1], [], []>, transpose_lhs_hint = false} : vector<4000x128xf32>, vector<128x32xf32>, vector<4000x32xf32> -> vector<4000x32xf32>
    %add3A_218 = arith.addf %dot_general3A_204, %dot_general3A_217 : vector<4000x32xf32>
    %slice3A_219 = vector.extract_strided_slice %dot_general3A_189 {offsets = [0, 256], sizes = [1000, 128], strides = [1, 1]} : vector<1000x512xf32> to vector<1000x128xf32>
    %broadcast_in_dim3A_220 = vector.shape_cast %slice3A_219 : vector<1000x128xf32> to vector<1000x1x128xf32>
    %mul3A_221 = vector.broadcast %broadcast_in_dim3A_220 : vector<1000x1x128xf32> to vector<1000x4x128xf32>
    %mul3A_222 = arith.mulf %reshape3A, %mul3A_221 : vector<1000x4x128xf32>
    %reshape3A_223 = vector.shape_cast %mul3A_222 : vector<1000x4x128xf32> to vector<4000x128xf32>
    %dot_general3A_224 = arith.constant dense<0.000000e+00> : vector<4000x128xf32>
    %dot_general3A_225 = tpu.matmul %reshape3A_223, %get3A_192, %dot_general3A_224 {dimension_numbers = #tpu.dot_dimension_numbers<[1], [0], [0], [1], [0, 0, 1, 1], [], []>, transpose_lhs_hint = false} : vector<4000x128xf32>, vector<128x128xf32>, vector<4000x128xf32> -> vector<4000x128xf32>
    %mul3A_226 = arith.mulf %dot_general3A_225, %dot_general3A_170 : vector<4000x128xf32>
    %get3A_227 = arith.constant 0 : index
    %get3A_228 = arith.constant 64 : index
    %get3A_229 = vector.load %arg17[%get3A_227, %get3A_228] : memref<128x128xf32, #tpu.memory_space<vmem>>, vector<128x32xf32>
    %dot_general3A_230 = arith.constant dense<0.000000e+00> : vector<4000x32xf32>
    %dot_general3A_231 = tpu.matmul %mul3A_226, %get3A_229, %dot_general3A_230 {dimension_numbers = #tpu.dot_dimension_numbers<[1], [0], [0], [1], [0, 0, 1, 1], [], []>, transpose_lhs_hint = false} : vector<4000x128xf32>, vector<128x32xf32>, vector<4000x32xf32> -> vector<4000x32xf32>
    %add3A_232 = arith.addf %add3A_218, %dot_general3A_231 : vector<4000x32xf32>
    %slice3A_233 = vector.extract_strided_slice %dot_general3A_189 {offsets = [0, 384], sizes = [1000, 128], strides = [1, 1]} : vector<1000x512xf32> to vector<1000x128xf32>
    %broadcast_in_dim3A_234 = vector.shape_cast %slice3A_233 : vector<1000x128xf32> to vector<1000x1x128xf32>
    %mul3A_235 = vector.broadcast %broadcast_in_dim3A_234 : vector<1000x1x128xf32> to vector<1000x4x128xf32>
    %mul3A_236 = arith.mulf %reshape3A, %mul3A_235 : vector<1000x4x128xf32>
    %reshape3A_237 = vector.shape_cast %mul3A_236 : vector<1000x4x128xf32> to vector<4000x128xf32>
    %dot_general3A_238 = arith.constant dense<0.000000e+00> : vector<4000x128xf32>
    %dot_general3A_239 = tpu.matmul %reshape3A_237, %get3A_192, %dot_general3A_238 {dimension_numbers = #tpu.dot_dimension_numbers<[1], [0], [0], [1], [0, 0, 1, 1], [], []>, transpose_lhs_hint = false} : vector<4000x128xf32>, vector<128x128xf32>, vector<4000x128xf32> -> vector<4000x128xf32>
    %mul3A_240 = arith.mulf %dot_general3A_239, %dot_general3A_170 : vector<4000x128xf32>
    %get3A_241 = arith.constant 0 : index
    %get3A_242 = arith.constant 96 : index
    %get3A_243 = vector.load %arg17[%get3A_241, %get3A_242] : memref<128x128xf32, #tpu.memory_space<vmem>>, vector<128x32xf32>
    %dot_general3A_244 = arith.constant dense<0.000000e+00> : vector<4000x32xf32>
    %dot_general3A_245 = tpu.matmul %mul3A_240, %get3A_243, %dot_general3A_244 {dimension_numbers = #tpu.dot_dimension_numbers<[1], [0], [0], [1], [0, 0, 1, 1], [], []>, transpose_lhs_hint = false} : vector<4000x128xf32>, vector<128x32xf32>, vector<4000x32xf32> -> vector<4000x32xf32>
    %add3A_246 = arith.addf %add3A_232, %dot_general3A_245 : vector<4000x32xf32>
    %reshape3A_247 = vector.shape_cast %add3A_246 : vector<4000x32xf32> to vector<1000x4x32xf32>
    %reduce_sum3A = arith.constant dense<0.000000e+00> : vector<1000x32xf32>
    %reduce_sum3A_248 = vector.multi_reduction <add>, %reshape3A_247, %reduce_sum3A [1] : vector<1000x4x32xf32> to vector<1000x32xf32>
    %min3A_249 = arith.constant 0.000000e+00 : f32
    %min3A_250 = vector.broadcast %min3A_249 : f32 to vector<1000x32xf32>
    %min3A_251 = arith.minimumf %reduce_sum3A_248, %min3A_250 : vector<1000x32xf32>
    %exp3A_252 = math.exp %min3A_251 : vector<1000x32xf32>
    %sub3A_253 = arith.constant 1.000000e+00 : f32
    %sub3A_254 = vector.broadcast %sub3A_253 : f32 to vector<1000x32xf32>
    %sub3A_255 = arith.subf %exp3A_252, %sub3A_254 : vector<1000x32xf32>
    %mul3A_256 = arith.constant 0.166666672 : f32
    %mul3A_257 = vector.broadcast %mul3A_256 : f32 to vector<1000x32xf32>
    %mul3A_258 = arith.mulf %min3A_251, %mul3A_257 : vector<1000x32xf32>
    %add3A_259 = arith.constant 5.000000e-01 : f32
    %add3A_260 = vector.broadcast %add3A_259 : f32 to vector<1000x32xf32>
    %add3A_261 = arith.addf %add3A_260, %mul3A_258 : vector<1000x32xf32>
    %mul3A_262 = arith.mulf %min3A_251, %add3A_261 : vector<1000x32xf32>
    %add3A_263 = arith.constant 1.000000e+00 : f32
    %add3A_264 = vector.broadcast %add3A_263 : f32 to vector<1000x32xf32>
    %add3A_265 = arith.addf %add3A_264, %mul3A_262 : vector<1000x32xf32>
    %mul3A_266 = arith.mulf %min3A_251, %add3A_265 : vector<1000x32xf32>
    %gt3A_267 = arith.constant -6.250000e-02 : f32
    %gt3A_268 = vector.broadcast %gt3A_267 : f32 to vector<1000x32xf32>
    %gt3A_269 = arith.cmpf ogt, %min3A_251, %gt3A_268 : vector<1000x32xf32>
    %select_n3A_270 = arith.select %gt3A_269, %mul3A_266, %sub3A_255 : vector<1000x32xi1>, vector<1000x32xf32>
    %gt3A_271 = arith.constant 0.000000e+00 : f32
    %gt3A_272 = vector.broadcast %gt3A_271 : f32 to vector<1000x32xf32>
    %gt3A_273 = arith.cmpf ogt, %reduce_sum3A_248, %gt3A_272 : vector<1000x32xf32>
    %select_n3A_274 = arith.select %gt3A_273, %reduce_sum3A_248, %select_n3A_270 : vector<1000x32xi1>, vector<1000x32xf32>
    %get3A_275 = arith.constant 0 : index
    %get3A_276 = arith.constant 0 : index
    %get3A_277 = vector.load %arg18[%get3A_275, %get3A_276] : memref<32x32xf32, #tpu.memory_space<vmem>>, vector<32x32xf32>
    %dot_general3A_278 = arith.constant dense<0.000000e+00> : vector<1000x32xf32>
    %dot_general3A_279 = tpu.matmul %select_n3A_274, %get3A_277, %dot_general3A_278 {dimension_numbers = #tpu.dot_dimension_numbers<[1], [0], [0], [1], [0, 0, 1, 1], [], []>, transpose_lhs_hint = false} : vector<1000x32xf32>, vector<32x32xf32>, vector<1000x32xf32> -> vector<1000x32xf32>
    %min3A_280 = arith.constant 0.000000e+00 : f32
    %min3A_281 = vector.broadcast %min3A_280 : f32 to vector<1000x32xf32>
    %min3A_282 = arith.minimumf %dot_general3A_279, %min3A_281 : vector<1000x32xf32>
    %exp3A_283 = math.exp %min3A_282 : vector<1000x32xf32>
    %sub3A_284 = arith.constant 1.000000e+00 : f32
    %sub3A_285 = vector.broadcast %sub3A_284 : f32 to vector<1000x32xf32>
    %sub3A_286 = arith.subf %exp3A_283, %sub3A_285 : vector<1000x32xf32>
    %mul3A_287 = arith.constant 0.166666672 : f32
    %mul3A_288 = vector.broadcast %mul3A_287 : f32 to vector<1000x32xf32>
    %mul3A_289 = arith.mulf %min3A_282, %mul3A_288 : vector<1000x32xf32>
    %add3A_290 = arith.constant 5.000000e-01 : f32
    %add3A_291 = vector.broadcast %add3A_290 : f32 to vector<1000x32xf32>
    %add3A_292 = arith.addf %add3A_291, %mul3A_289 : vector<1000x32xf32>
    %mul3A_293 = arith.mulf %min3A_282, %add3A_292 : vector<1000x32xf32>
    %add3A_294 = arith.constant 1.000000e+00 : f32
    %add3A_295 = vector.broadcast %add3A_294 : f32 to vector<1000x32xf32>
    %add3A_296 = arith.addf %add3A_295, %mul3A_293 : vector<1000x32xf32>
    %mul3A_297 = arith.mulf %min3A_282, %add3A_296 : vector<1000x32xf32>
    %gt3A_298 = arith.constant -6.250000e-02 : f32
    %gt3A_299 = vector.broadcast %gt3A_298 : f32 to vector<1000x32xf32>
    %gt3A_300 = arith.cmpf ogt, %min3A_282, %gt3A_299 : vector<1000x32xf32>
    %select_n3A_301 = arith.select %gt3A_300, %mul3A_297, %sub3A_286 : vector<1000x32xi1>, vector<1000x32xf32>
    %gt3A_302 = arith.constant 0.000000e+00 : f32
    %gt3A_303 = vector.broadcast %gt3A_302 : f32 to vector<1000x32xf32>
    %gt3A_304 = arith.cmpf ogt, %dot_general3A_279, %gt3A_303 : vector<1000x32xf32>
    %select_n3A_305 = arith.select %gt3A_304, %dot_general3A_279, %select_n3A_301 : vector<1000x32xi1>, vector<1000x32xf32>
    %swap3A = arith.constant 0 : index
    %swap3A_306 = arith.constant 0 : index
    %swap3A_307 = vector.load %arg23[%swap3A, %swap3A_306] : memref<1000x32xf32, #tpu.memory_space<vmem>>, vector<1000x32xf32>
    tpu.vector_store %arg23[%swap3A, %swap3A_306], %select_n3A_305 {strides = array<i32>} : memref<1000x32xf32, #tpu.memory_space<vmem>>, vector<1000x32xf32>,
    return
  }
  func.func @transform_0(%arg0: i32) -> (i32, i32) {
    %c0_i32 = arith.constant 0 : i32
    %c0_i32_0 = arith.constant 0 : i32
    return %arg0, %c0_i32 : i32, i32
  }
  func.func @transform_1(%arg0: i32) -> (i32, i32) {
    %c0_i32 = arith.constant 0 : i32
    %c0_i32_0 = arith.constant 0 : i32
    return %arg0, %c0_i32 : i32, i32
  }
  func.func @transform_2(%arg0: i32) -> (i32, i32) {
    %c0_i32 = arith.constant 0 : i32
    %c0_i32_0 = arith.constant 0 : i32
    return %arg0, %c0_i32 : i32, i32
  }
  func.func @transform_3(%arg0: i32) -> (i32, i32) {
    %c0_i32 = arith.constant 0 : i32
    %c0_i32_0 = arith.constant 0 : i32
    return %arg0, %c0_i32 : i32, i32
  }
  func.func @transform_4(%arg0: i32) -> (i32, i32) {
    %c0_i32 = arith.constant 0 : i32
    %c0_i32_0 = arith.constant 0 : i32
    %c0_i32_1 = arith.constant 0 : i32
    return %c0_i32, %c0_i32_0 : i32, i32
  }
  func.func @transform_5(%arg0: i32) -> (i32, i32) {
    %c0_i32 = arith.constant 0 : i32
    %c0_i32_0 = arith.constant 0 : i32
    %c0_i32_1 = arith.constant 0 : i32
    return %c0_i32, %c0_i32_0 : i32, i32
  }
  func.func @transform_6(%arg0: i32) -> (i32, i32) {
    %c0_i32 = arith.constant 0 : i32
    %c0_i32_0 = arith.constant 0 : i32
    %c0_i32_1 = arith.constant 0 : i32
    return %c0_i32, %c0_i32_0 : i32, i32
  }
  func.func @transform_7(%arg0: i32) -> (i32, i32) {
    %c0_i32 = arith.constant 0 : i32
    %c0_i32_0 = arith.constant 0 : i32
    %c0_i32_1 = arith.constant 0 : i32
    return %c0_i32, %c0_i32_0 : i32, i32
  }
  func.func @transform_8(%arg0: i32) -> (i32, i32) {
    %c0_i32 = arith.constant 0 : i32
    %c0_i32_0 = arith.constant 0 : i32
    %c0_i32_1 = arith.constant 0 : i32
    return %c0_i32, %c0_i32_0 : i32, i32
  }
  func.func @transform_9(%arg0: i32) -> (i32, i32) {
    %c0_i32 = arith.constant 0 : i32
    %c0_i32_0 = arith.constant 0 : i32
    %c0_i32_1 = arith.constant 0 : i32
    return %c0_i32, %c0_i32_0 : i32, i32
  }
  func.func @transform_10(%arg0: i32) -> (i32, i32) {
    %c0_i32 = arith.constant 0 : i32
    %c0_i32_0 = arith.constant 0 : i32
    %c0_i32_1 = arith.constant 0 : i32
    return %c0_i32, %c0_i32_0 : i32, i32
  }
  func.func @transform_11(%arg0: i32) -> (i32, i32) {
    %c0_i32 = arith.constant 0 : i32
    %c0_i32_0 = arith.constant 0 : i32
    %c0_i32_1 = arith.constant 0 : i32
    return %c0_i32, %c0_i32_0 : i32, i32
  }
  func.func @transform_12(%arg0: i32) -> (i32, i32) {
    %c0_i32 = arith.constant 0 : i32
    %c0_i32_0 = arith.constant 0 : i32
    %c0_i32_1 = arith.constant 0 : i32
    return %c0_i32, %c0_i32_0 : i32, i32
  }
  func.func @transform_13(%arg0: i32) -> (i32, i32) {
    %c0_i32 = arith.constant 0 : i32
    %c0_i32_0 = arith.constant 0 : i32
    %c0_i32_1 = arith.constant 0 : i32
    return %c0_i32, %c0_i32_0 : i32, i32
  }
  func.func @transform_14(%arg0: i32) -> (i32, i32) {
    %c0_i32 = arith.constant 0 : i32
    %c0_i32_0 = arith.constant 0 : i32
    %c0_i32_1 = arith.constant 0 : i32
    return %c0_i32, %c0_i32_0 : i32, i32
  }
  func.func @transform_15(%arg0: i32) -> (i32, i32) {
    %c0_i32 = arith.constant 0 : i32
    %c0_i32_0 = arith.constant 0 : i32
    %c0_i32_1 = arith.constant 0 : i32
    return %c0_i32, %c0_i32_0 : i32, i32
  }
  func.func @transform_16(%arg0: i32) -> (i32, i32) {
    %c0_i32 = arith.constant 0 : i32
    %c0_i32_0 = arith.constant 0 : i32
    %c0_i32_1 = arith.constant 0 : i32
    return %c0_i32, %c0_i32_0 : i32, i32
  }
  func.func @transform_17(%arg0: i32) -> (i32, i32) {
    %c0_i32 = arith.constant 0 : i32
    %c0_i32_0 = arith.constant 0 : i32
    %c0_i32_1 = arith.constant 0 : i32
    return %c0_i32, %c0_i32_0 : i32, i32
  }
  func.func @transform_18(%arg0: i32) -> (i32, i32) {
    %c0_i32 = arith.constant 0 : i32
    %c0_i32_0 = arith.constant 0 : i32
    %c0_i32_1 = arith.constant 0 : i32
    return %c0_i32, %c0_i32_0 : i32, i32
  }
  func.func @transform_19(%arg0: i32) -> (i32, i32) {
    %c0_i32 = arith.constant 0 : i32
    %c0_i32_0 = arith.constant 0 : i32
    %c0_i32_1 = arith.constant 0 : i32
    return %c0_i32, %c0_i32_0 : i32, i32
  }
  func.func @transform_20(%arg0: i32) -> (i32, i32) {
    %c0_i32 = arith.constant 0 : i32
    %c0_i32_0 = arith.constant 0 : i32
    %c0_i32_1 = arith.constant 0 : i32
    return %c0_i32, %c0_i32_0 : i32, i32
  }
  func.func @transform_21(%arg0: i32) -> (i32, i32) {
    %c0_i32 = arith.constant 0 : i32
    %c0_i32_0 = arith.constant 0 : i32
    %c0_i32_1 = arith.constant 0 : i32
    return %c0_i32, %c0_i32_0 : i32, i32
  }
  func.func @transform_22(%arg0: i32) -> (i32, i32) {
    %c0_i32 = arith.constant 0 : i32
    %c0_i32_0 = arith.constant 0 : i32
    return %arg0, %c0_i32 : i32, i32
  }
}

</mosaic_0001>

<sc_bundles>
// kernel: kernel.4.cloned.1.call-start
scs
__scs_entry_jumppad:
0x0: {  	(pc) =	sbr.rel $0x88, $3  }
0x1: {  	(tag) =	ssettag $0x0;
	lr =	simm.s32 $0x1  }
0x2: {  	[smem:$0x3F8C] =	sst lr;
	_ =	strace $0xD0000000  }
0x3: {  	_ = 	snop  }
0x4: {  	_ = 	snop  }
0x5: {  	_ = 	snop  }
0x6: {  	_ = 	snop  }
0x7: {  	_ = 	snop  }
__scs_overlays_trampoline_lowered:
0x8: {  	[smem:$0x3F9B] =	sst s0  }
0x9: {  	[smem:$0x3F9C] =	sst s1  }
0xa: {  	[smem:$0x3F9D] =	sst s2  }
0xb: {  	[smem:$0x3F9E] =	sst s3  }
0xc: {  	[smem:$0x3F9F] =	sst s4  }
0xd: {  	[smem:$0x3FA0] =	sst s5  }
0xe: {  	[smem:$0x3FA1] =	sst s6  }
0xf: {  	[smem:$0x3FA2] =	sst s7  }
0x10: {  	[smem:$0x3FA3] =	sst s8  }
0x11: {  	[smem:$0x3FA4] =	sst s9;
	s0 =	simm.s32 @!p0 $0x0  }
0x12: {  	s1 =	sld [smem:$0x3F8A];
	s0 =	simm.s32 @p0 $0x1  }
0x13: {  	[smem:$0x3FA5] =	sst s0;
	s0 =	simm.s32 @!p1 $0x0  }
0x14: {  	s2 =	sld [smem:$0x3F89];
	s0 =	simm.s32 @p1 $0x1  }
0x15: {  	[smem:$0x3FA6] =	sst s0;
	s0 =	simm.s32 @!p2 $0x0  }
0x16: {  	s3 =	sld [smem:$0x3FDB];
	s0 =	simm.s32 @p2 $0x1  }
0x17: {  	s4 =	simm.s32 $0x1BF5;
	[smem:$0x3FA8] =	sst s0  }
0x18: {  	s0 =	sld [smem:$0x3F8B];
	_ =	swait.ge [sflag:s4], $0x0  }
0x19: {  	s7 =	sld [smem:$0x3F8C]  }
0x1a: {  	s8 =	sadd.s32 $0xFFFFE003, lr  }
0x1b: {  	s9 =	sadd.s32 $0xFFFFFEF7, lr;
	s5 =	simm.s32 $0xFFFFFFFF;
	p2 =	slt.u32 s8, $0xFFFFF086  }
0x1c: {  	p1 =	slt.u32 s9, $0xF7A;
	s5 =	simm.s32 @!p2 $0x0  }
0x1d: {  	s5 =	simm.s32 @p1 $0x1;
	p0 =	seq.s32 s7, s2  }
0x1e: {  	s7 =	smul.u32 @!p0 $0xF7A, s2;
	p2 =	seq.s32 @!p0 s5, $0x0  }
0x1f: {  	s9 =	smul.u32 $0xF7A, s1;
	s8 =	simm.s32 @!p0 $0x1BF5;
	p2 =	por !p2, p0  }
0x20: {  	[sflag:s8] =	ssyncset.s32 @!p0 $0xFFFFF086;
	s6 =	sadd.s32 @!p0 s3, s7;
	s7 =	simm.s32 @!p0 $0x108  }
0x21: {  	s3 =	sadd.s32 s3, s9;
	s6 =	sadd.s32 @!p0 $0x88, s6;
	s7 =	simm.s32 @p2 $0x1082  }
0x22: {  	[simem:s7], [sflag:s8] =	dma.local @!p0 [hbm:s6], $0xF7A  }
0x23: {  	s9 =	sor.u32 $0xD0000000, s2;
	s6 =	simm.s32 $0x108;
	_ =	swait.ge @!p0 [sflag:s8], $0x0  }
0x24: {  	s3 =	sadd.s32 $0x88, s3;
	s6 =	simm.s32 @!p1 $0x1082;
	[sflag:s4] =	ssyncset.s32 $0xFFFFF086  }
0x25: {  	[simem:s6], [sflag:s4] =	dma.local [hbm:s3], $0xF7A  }
0x26: {  	[smem:$0x3F8C] =	sst s1;
	(tag) =	ssettag s2;
	_ =	strace s9  }
0x27: {  	s1 =	sld [smem:$0x3F9C]  }
0x28: {  	s2 =	sld [smem:$0x3F9D]  }
0x29: {  	s4 =	sld [smem:$0x3F9F]  }
0x2a: {  	p0 =	seq.s32 s5, $0x0;
	s5 =	sld [smem:$0x3FA0]  }
0x2b: {  	s6 =	sld [smem:$0x3FA1]  }
0x2c: {  	s7 =	sld [smem:$0x3FA2]  }
0x2d: {  	s3 =	simm.s32 $0x108;
	s8 =	sld [smem:$0x3FA3]  }
0x2e: {  	s3 =	simm.s32 @!p0 $0x1082;
	s9 =	sld [smem:$0x3FA4]  }
0x2f: {  	lr =	sadd.s32 s0, s3;
	s0 =	sld [smem:$0x3F9B]  }
0x30: {  	s3 =	sld [smem:$0x3F9E]  }
0x31: {  	[smem:$0x3FA7] =	sst s10  }
0x32: {  	s10 =	sld [smem:$0x3FA5];
	_ =	sdelay $0x3  }
0x33: {  	p0 =	seq.s32 s10, $0x1;
	s10 =	sld [smem:$0x3FA7];
	_ =	sdelay $0x3  }
0x34: {  	[smem:$0x3FA7] =	sst s10  }
0x35: {  	s10 =	sld [smem:$0x3FA6];
	_ =	sdelay $0x3  }
0x36: {  	p1 =	seq.s32 s10, $0x1;
	s10 =	sld [smem:$0x3FA7];
	_ =	sdelay $0x3  }
0x37: {  	[smem:$0x3FA7] =	sst s10  }
0x38: {  	s10 =	sld [smem:$0x3FA8]  }
0x39: {  	_ = 	snop;
	(pc) =	sbr.ind lr, $3  }
0x3a: {  	_ = 	snop  }
0x3b: {  	_ = 	snop  }
0x3c: {  	p2 =	seq.s32 s10, $0x1;
	s10 =	sld [smem:$0x3FA7]  }
0x3d: {  	_ =	shalt  }
0x3e: {  	_ =	shalt  }
0x3f: {  	_ =	shalt  }
0x40: {  	_ =	shalt  }
0x41: {  	_ =	shalt  }
0x42: {  	_ =	shalt  }
0x43: {  	_ =	shalt  }
0x44: {  	_ =	shalt  }
0x45: {  	_ =	shalt  }
0x46: {  	_ =	shalt  }
0x47: {  	_ =	shalt  }
0x48: {  	_ =	shalt  }
0x49: {  	_ =	shalt  }
0x4a: {  	_ =	shalt  }
0x4b: {  	_ =	shalt  }
0x4c: {  	_ =	shalt  }
0x4d: {  	_ =	shalt  }
0x4e: {  	_ =	shalt  }
0x4f: {  	_ =	shalt  }
0x50: {  	_ =	shalt  }
0x51: {  	_ =	shalt  }
0x52: {  	_ =	shalt  }
0x53: {  	_ =	shalt  }
0x54: {  	_ =	shalt  }
0x55: {  	_ =	shalt  }
0x56: {  	_ =	shalt  }
0x57: {  	_ =	shalt  }
0x58: {  	_ =	shalt  }
0x59: {  	_ =	shalt  }
0x5a: {  	_ =	shalt  }
0x5b: {  	_ =	shalt  }
0x5c: {  	_ =	shalt  }
0x5d: {  	_ =	shalt  }
0x5e: {  	_ =	shalt  }
0x5f: {  	_ =	shalt  }
0x60: {  	_ =	shalt  }
0x61: {  	_ =	shalt  }
0x62: {  	_ =	shalt  }
0x63: {  	_ =	shalt  }
0x64: {  	_ =	shalt  }
0x65: {  	_ =	shalt  }
0x66: {  	_ =	shalt  }
0x67: {  	_ =	shalt  }
0x68: {  	_ =	shalt  }
0x69: {  	_ =	shalt  }
0x6a: {  	_ =	shalt  }
0x6b: {  	_ =	shalt  }
0x6c: {  	_ =	shalt  }
0x6d: {  	_ =	shalt  }
0x6e: {  	_ =	shalt  }
0x6f: {  	_ =	shalt  }
0x70: {  	_ =	shalt  }
0x71: {  	_ =	shalt  }
0x72: {  	_ =	shalt  }
0x73: {  	_ =	shalt  }
0x74: {  	_ =	shalt  }
0x75: {  	_ =	shalt  }
0x76: {  	_ =	shalt  }
0x77: {  	_ =	shalt  }
0x78: {  	_ =	shalt  }
0x79: {  	_ =	shalt  }
0x7a: {  	_ =	shalt  }
0x7b: {  	_ =	shalt  }
0x7c: {  	_ =	shalt  }
0x7d: {  	_ =	shalt  }
0x7e: {  	_ =	shalt  }
0x7f: {  	_ =	shalt  }
0x80: {  	_ =	shalt  }
0x81: {  	_ =	shalt  }
0x82: {  	_ =	shalt  }
0x83: {  	_ =	shalt  }
0x84: {  	_ =	shalt  }
0x85: {  	_ =	shalt  }
0x86: {  	_ =	shalt  }
0x87: {  	_ =	shalt  }
.Lfunc_end0:
.L_simem_size_0:
called_computation_lowered:
.L_overlay_start_0:
0x88: {  	s2 =	sld [smem:$0x3FD9]  }
0x89: {  	s3 =	sld [smem:$0x3FFE];
	_ =	sdelay $0x1  }
0x8a: {  	s1 =	srdreg.scid  }
0x8b: {  	s0 =	sand.u32 $0x1, s1  }
0x8c: {  	s17 =	sshll.u32 s0, $0xA;
	s2 =	sadd.s32 s3, s2  }
0x8d: {  	s2 =	sadd.s32 s2, s17  }
0x8e: {  	[smem:$0x3FB3] =	sst s2  }
0x8f: {  	_ = 	snop  }
0x90: {  	s2 =	sld [smem:$0x3FD0];
	(tm) =	ssettm $0x1  }
0x91: {  	s18 =	sld [smem:$0x3FFB];
	_ =	sdelay $0x3  }
0x92: {  	_ =	strace s18  }
0x93: {  	s3 =	sld [smem:$0x3FFC];
	_ =	sdelay $0x3  }
0x94: {  	_ =	strace s3  }
0x95: {  	s3 =	sld [smem:$0x3FFD];
	_ =	sdelay $0x3  }
0x96: {  	_ =	strace s3  }
0x97: {  	_ =	strace $0x8FFFFFFF  }
0x98: {  	s19 =	sld [smem:$0x3FDB];
	_ =	sdelay $0x1  }
0x99: {  	s4 =	simm.s32 $_scs_section_size  }
0x9a: {  	s5 =	simm.s32 $_size__tile_overlayer_lowered;
	s6 =	simm.s32 $_tile_overlayer_lowered  }
0x9b: {  	s22 =	simm.s32 $0x1BFF;
	s21 =	sshll.u32 s6, $0x1;
	s3 =	sadd.s32 s4, s19  }
0x9c: {  	s7 =	simm.s32 $0x0;
	s20 =	sshll.u32 s5, $0x1;
	s5 =	sadd.s32 s21, s3  }
0x9d: {  	[timem:s7], [sflag:s22] =	dma.local [hbm:s5], s20  }
0x9e: {  	_ =	swait.ge [sflag:s22], s20  }
0x9f: {  	s4 =	ssub.s32 $0x0, s20;
	[sflag:s22] =	ssyncset.done $0x0  }
0xa0: {  	[sflag:s22] =	ssyncadd.s32 s4;
	_ =	sdelay $0x1  }
0xa1: {  	s23 =	simm.s32 $0x1B8B  }
0xa2: {  	_ =	swait.ge [sflag:s23], $0x1  }
0xa3: {  	[sflag:s23] =	ssyncset.done $0x0  }
0xa4: {  	s25 =	simm.s32 $0x1B8E;
	s24 =	sld [smem:$0x3FFE];
	[sflag:s23] =	ssyncadd.s32 $0xFFFFFFFF  }
0xa5: {  	s26 =	simm.s32 $execute0_lowered;
	[smem:$0x3FD2] =	sst s25  }
0xa6: {  	s5 =	sshll.u32 s26, $0x1;
	_ =	strace $0x80000046;
	[dreg:$0x1] =	wrdreg $0xFFFFFFFF  }
0xa7: {  	s28 =	simm.s32 $_size_execute0_lowered;
	s3 =	sadd.s32 s3, s5;
	[dreg:$0x0] =	wrdreg $0x0  }
0xa8: {  	s5 =	sshll.u32 s28, $0x1;
	[dreg:$0x2] =	wrdreg s3  }
0xa9: {  	[dreg:$0x3] =	wrdreg s5  }
0xaa: {  	[dreg:$0x4] =	wrdreg $0xC0  }
0xab: {  	_ =	task [dreg:s7], $0x5FFFF  }
0xac: {  	[dreg:$0x1] =	wrdreg $0xFFFFFFFF  }
0xad: {  	[dreg:$0x0] =	wrdreg $0x60  }
0xae: {  	[dreg:$0x2] =	wrdreg s2  }
0xaf: {  	[dreg:$0x3] =	wrdreg s24  }
0xb0: {  	[dreg:$0x4] =	wrdreg $0x9  }
0xb1: {  	_ =	task.clear_ibuf [dreg:s7], $0x5FFFF;
	_ =	strace $0x90000046  }
0xb2: {  	s29 =	simm.s32 $0x9;
	_ =	strace $0x80000048  }
0xb3: {  	_ =	swait.ge [sflag:s29], $0x1  }
0xb4: {  	[sflag:s29] =	ssyncadd.s32 $0xFFFFFFFF  }
0xb5: {  	_ =	strace $0x90000048  }
0xb6: {  	_ =	sfence  }
0xb7: {  	s30 =	sld [smem:$0x0];
	_ =	sdelay $0x2  }
0xb8: {  	s31 =	sshll.u32 s1, $0xD;
	s1 =	sshrl.u32 s1, $0x2  }
0xb9: {  	s3 =	sand.u32 $0x4000, s31;
	s1 =	sadd.s32 s1, s30  }
0xba: {  	s0 =	sor.u32 s3, s0;
	s1 =	sshll.u32 s1, $0x11  }
0xbb: {  	s0 =	sor.u32 s1, s0  }
0xbc: {  	s0 =	sadd.s32 $0x8F2B, s0  }
0xbd: {  	[sflag:s0] =	ssyncadd.remote.s32 $0x1  }
0xbe: {  	_ =	sfence.sel $0xFFFF  }
0xbf: {  	[dreg:$0x0] =	wrdreg $0xFFFFFFFF;
	(pc) =	sbr.abs _section_cstart, $3  }
0xc0: {  	[dreg:$0x1] =	wrdreg $0xFFFFFFFF  }
0xc1: {  	_ =	task.clear_ibuf [dreg:s7], $0x2FFFF;
	_ =	strace $0x9FFFFFFF  }
0xc2: {  	(tm) =	ssettm $0x7FFFFFFF  }
0xc3: {  	_ =	shalt  }
tec
execute0_lowered:
.L_overlay_start_1:
0x0: {  	(tag) =	ssettag $0x1  }
0x1: {  	v0 =	vlaneseq.u32  }
0x2: {  	v0 =	vmul.u32 $0x10, v0;
	_ =	sdelay $0x1  }
0x3: {  	v1 =	vor.u32 $0x200, v0  }
0x4: {  	[tilespmem:$0x1FDD0] =	vst v1;
	v1 =	vor.u32 $0x201, v0  }
0x5: {  	[tilespmem:$0x1FDE0] =	vst v1;
	v1 =	vor.u32 $0x202, v0  }
0x6: {  	s1 =	rddreg [dreg:$0x0];
	s3 =	simm.s32 $0x0;
	[tilespmem:$0x1FDF0] =	vst v1;
	v1 =	vor.u32 $0x203, v0  }
0x7: {  	[smem:$0x7FF] =	sst s3;
	v2 =	vor.u32 $0x1, v0;
	[tilespmem:$0x1FE00] =	vst v1  }
0x8: {  	s5 =	rddreg [dreg:$0x1];
	v4 =	vor.u32 $0x2, v0;
	_ =	strace $0x80000047;
	[tilespmem:$0x1FE10] =	vst v2  }
0x9: {  	v7 =	vor.u32 $0x3, v0;
	[tilespmem:$0x1FE20] =	vst v4  }
0xa: {  	v8 =	vor.u32 $0x4, v0;
	[tilespmem:$0x1FE30] =	vst v7  }
0xb: {  	v15 =	vor.u32 $0x5, v0;
	[tilespmem:$0x1FE40] =	vst v8  }
0xc: {  	v9 =	vor.u32 $0x6, v0;
	[tilespmem:$0x1FE50] =	vst v15  }
0xd: {  	v11 =	vor.u32 $0x7, v0;
	[tilespmem:$0x1FE60] =	vst v9  }
0xe: {  	v13 =	vor.u32 $0x8, v0;
	[tilespmem:$0x1FE70] =	vst v11  }
0xf: {  	v26 =	vor.u32 $0x9, v0;
	[tilespmem:$0x1FE80] =	vst v13  }
0x10: {  	v14 =	vor.u32 $0xA, v0;
	[tilespmem:$0x1FE90] =	vst v26  }
0x11: {  	v29 =	vor.u32 $0xB, v0;
	[tilespmem:$0x1FEA0] =	vst v14  }
0x12: {  	s0 =	srdreg.scid;
	s14 =	stileid.u32;
	v27 =	vor.u32 $0xC, v0;
	[tilespmem:$0x1FEB0] =	vst v29  }
0x13: {  	s17 =	simm.s32 $0x7200;
	s18 =	simm.s32 $0x8A00;
	s7 =	smul.u32 $0xC400, s14;
	v31 =	vor.u32 $0xD, v0;
	[tilespmem:$0x1FEC0] =	vst v27  }
0x14: {  	s19 =	simm.s32 $0x9280;
	s20 =	simm.s32 $0x1;
	s13 =	smul.u32 $0x18800, s14;
	v32 =	vor.u32 $0xE, v0;
	[tilespmem:$0x1FED0] =	vst v31  }
0x15: {  	s28 =	simm.s32 $0x0;
	s2 =	sand.u32 $0x1, s0;
	s26 =	smul.u32 $0x31000, s14;
	v33 =	vor.u32 $0xF, v0;
	[tilespmem:$0x1FEE0] =	vst v32  }
0x16: {  	s21 =	sshll.u32 s14, $0x1;
	s4 =	sadd.s32 $0x3C00, s5;
	s11 =	smul.u32 $0x6200, s2;
	v34 =	vor.u32 $0x100, v0;
	[tilespmem:$0x1FEF0] =	vst v33  }
0x17: {  	s8 =	sadd.s32 $0x1C400, s5;
	s10 =	sadd.s32 $0x1D5400, s5;
	s29 =	smul.u32 $0x18800, s2;
	v36 =	vor.u32 $0x101, v0;
	[tilespmem:$0x1FF00] =	vst v34  }
0x18: {  	s0 =	sor.u32 s2, s21;
	s9 =	ssub.s32 $0x2, s2;
	s2 =	smul.u32 $0xC400, s2;
	v40 =	vor.u32 $0x102, v0;
	[tilespmem:$0x1FF10] =	vst v36  }
0x19: {  	s12 =	sadd.s32 $0x4D400, s5;
	s21 =	simm.s32 $0x3;
	v42 =	vor.u32 $0x103, v0;
	s6 =	smul.u32 $0x6200, s0;
	[tilespmem:$0x1FF20] =	vst v40  }
0x1a: {  	v43 =	vor.u32 $0x104, v0;
	s22 =	sshrl.u32 s9, $0x1;
	s0 =	smul.u32 $0xC40, s0;
	s13 =	sadd.s32 s13, s12;
	[tilespmem:$0x1FF30] =	vst v42  }
0x1b: {  	v44 =	vor.u32 $0x105, v0;
	s9 =	ssub.s32 s9, s22;
	s11 =	sadd.s32 s11, s7;
	s22 =	simm.s32 $0x5;
	[tilespmem:$0x1FF40] =	vst v43  }
0x1c: {  	v45 =	vor.u32 $0x106, v0;
	s6 =	sshrl.u32 s6, $0x3;
	s0 =	sadd.s32 s8, s0;
	s24 =	sor.u32 $0x100, s11;
	[tilespmem:$0x1FF50] =	vst v44  }
0x1d: {  	v10 =	vimm.s32 $0x4;
	v12 =	vimm.s32 $0x5;
	v46 =	vor.u32 $0x107, v0;
	s25 =	smax.u32 s9, $0x1;
	s11 =	sor.u32 $0x80, s11;
	s9 =	sadd.s32 s26, s10;
	[tilespmem:$0x1FF60] =	vst v45  }
0x1e: {  	v16 =	vimm.s32 $0x6;
	v17 =	vimm.s32 $0x7;
	v47 =	vor.u32 $0x108, v0;
	s26 =	simm.s32 $0x6;
	s6 =	sadd.s32 s6, s5;
	s15 =	sshrl.u32 s11, $0x7;
	[tilespmem:$0x1FF70] =	vst v46  }
0x1f: {  	v18 =	vimm.s32 $0x8;
	v19 =	vimm.s32 $0x9;
	v48 =	vor.u32 $0x109, v0;
	s14 =	sadd.s32 s29, s9;
	s9 =	sadd.s32 s2, s13;
	s23 =	sadd.s32 $0x34C00, s6;
	[tilespmem:$0x1FF80] =	vst v47  }
0x20: {  	v20 =	vimm.s32 $0xA;
	v21 =	vimm.s32 $0xB;
	v49 =	vor.u32 $0x10A, v0;
	s11 =	sshrl.u32 s11, $0x3;
	s13 =	simm.s32 $0x80;
	[dreg:$0x5] =	wrdreg s23;
	[tilespmem:$0x1FF90] =	vst v48  }
0x21: {  	v22 =	vimm.s32 $0xC;
	v38 =	vimm.s32 $0x11;
	v50 =	vor.u32 $0x10B, v0;
	s16 =	sshll.u32 s15, $0x9;
	s31 =	sshll.u32 s15, $0x8;
	[dreg:$0x6] =	wrdreg s0;
	[tilespmem:$0x1FFA0] =	vst v49  }
0x22: {  	v37 =	vimm.s32 $0x12;
	v41 =	vimm.s32 $0x13;
	v60 =	vor.u32 $0x10C, v0;
	s11 =	sadd.s32 s11, s8;
	s15 =	simm.s32 $0x8200;
	[dreg:$0x7] =	wrdreg s25;
	[tilespmem:$0x1FFB0] =	vst v50  }
0x23: {  	v51 =	vimm.s32 $0x14;
	v52 =	vimm.s32 $0x15;
	v63 =	vor.u32 $0x10D, v0;
	s0 =	sshrl.u32 s24, $0x3;
	[dreg:$0x3] =	wrdreg s14;
	s30 =	sadd.s32 s16, s10;
	[tilespmem:$0x1FFC0] =	vst v60  }
0x24: {  	v53 =	vimm.s32 $0x16;
	v54 =	vimm.s32 $0x17;
	v61 =	vor.u32 $0x10E, v0;
	s10 =	sadd.s32 s31, s12;
	s12 =	simm.s32 $0x7;
	s14 =	simm.s32 $0x6200;
	[tilespmem:$0x1FFD0] =	vst v63  }
0x25: {  	v55 =	vimm.s32 $0x18;
	v56 =	vimm.s32 $0x19;
	v30 =	vor.u32 $0x10F, v0;
	s16 =	simm.s32 $0x9200;
	s23 =	simm.s32 $0x9300;
	s24 =	simm.s32 $0x2;
	[tilespmem:$0x1FFE0] =	vst v61  }
0x26: {  	v57 =	vimm.s32 $0x1A;
	v58 =	vimm.s32 $0x1B;
	v59 =	vimm.s32 $0x1C;
	s25 =	simm.s32 $0x4;
	[tilespmem:$0x1FFF0] =	vst v30;
	s0 =	sadd.s32 s0, s8;
	[dreg:$0x4] =	wrdreg s30  }
.LBB2_1:
0x27: {  	s2 =	rddreg [dreg:$0x5]  }
0x28: {  	[tilespmem:s3], [sflag:$0x7] =	stream.linear.gather [hbm4b:s2+s3], $0x6200, $0x38;
	[tilespmem:$0x9B00] =	vst v63  }
0x29: {  	_ =	swait.ge [sflag:s12], $0x6200  }
0x2a: {  	[sflag:s12] =	ssyncset.done $0x0  }
0x2b: {  	[sflag:s12] =	ssyncadd.s32 $0xFFFF9E00  }
0x2c: {  	[tilespmem:s14], [sflag:$0x1] =	stream.indirect.gather [hbm4b:s1+s13], $0x20, s3, s13, $0xb8;
	[tilespmem:$0x9B00] =	vst v63  }
0x2d: {  	_ = 	snop  }
0x2e: {  	[tilespmem:s15], [sflag:$0x3] =	stream.indirect.gather [hbm4b:s4+s13], $0x10, s3, s13, $0xb8;
	[tilespmem:$0x9B00] =	vst v63  }
0x2f: {  	s29 =	smov.u32 s11;
	s30 =	smov.u32 s10;
	s8 =	rddreg [dreg:$0x6]  }
0x30: {  	[tilespmem:s16], [sflag:$0x5] =	stream.linear.gather [hbm4b:s8+s3], $0x80, $0x38;
	[tilespmem:$0x9B00] =	vst v63  }
0x31: {  	s31 =	smov.u32 s9;
	s2 =	simm.s32 $0x0;
	s8 =	smov.u32 s0  }
.LBB2_2:
0x32: {  	s5 =	sshra.s32 s2, $0x2  }
0x33: {  	s5 =	sadd.s32 $0x80, s5  }
0x34: {  	[tilespmem:s17], [sflag:$0x2] =	stream.indirect.gather [hbm4b:s1+s13], $0x20, s5, s13, $0xb8;
	[tilespmem:$0x9B00] =	vst v63  }
0x35: {  	_ = 	snop  }
0x36: {  	[tilespmem:s18], [sflag:$0x4] =	stream.indirect.gather [hbm4b:s4+s13], $0x10, s5, s13, $0xb8;
	[tilespmem:$0x9B00] =	vst v63  }
0x37: {  	_ = 	snop  }
0x38: {  	[tilespmem:s19], [sflag:$0x6] =	stream.linear.gather [hbm4b:s29+s3], $0x80, $0x38;
	[tilespmem:$0x9B00] =	vst v63  }
0x39: {  	_ =	swait.ge [sflag:s20], $0x1000  }
0x3a: {  	[sflag:s20] =	ssyncset.done $0x0  }
0x3b: {  	[sflag:s20] =	ssyncadd.s32 $0xFFFFF000  }
0x3c: {  	_ =	swait.ge [sflag:s21], $0x800  }
0x3d: {  	[sflag:s21] =	ssyncset.done $0x0  }
0x3e: {  	[sflag:s21] =	ssyncadd.s32 $0xFFFFF800  }
0x3f: {  	_ =	swait.ge [sflag:s22], $0x80  }
0x40: {  	v3 =	vld [tilespmem:$0x1FE10]  }
0x41: {  	v5 =	vld [tilespmem:$0x1FE20]  }
0x42: {  	v7 =	vld [tilespmem:$0x1FE30]  }
0x43: {  	v2 =	vimm.s32 $0x1;
	v8 =	vld [tilespmem:$0x1FE40]  }
0x44: {  	v4 =	vimm.s32 $0x2;
	v15 =	vld [tilespmem:$0x1FE50]  }
0x45: {  	v6 =	vimm.s32 $0x3;
	[sflag:s22] =	ssyncset.done $0x0;
	v25 =	vld [tilespmem:$0x1FE80]  }
0x46: {  	v28 =	vld [tilespmem:$0x1FEA0];
	[sflag:s22] =	ssyncadd.s32 $0xFFFFFF80  }
0x47: {  	v1 =	vld.idx.msk [tilespmem:v0+s15+$0x0], $0xffff  }
0x48: {  	v2 =	vld.idx.msk [tilespmem:v2+s16+$0x0], $0xffff  }
0x49: {  	v4 =	vld.idx.msk [tilespmem:v4+s16+$0x0], $0xffff  }
0x4a: {  	v6 =	vld.idx.msk [tilespmem:v6+s16+$0x0], $0xffff  }
0x4b: {  	v39 =	vld.idx.msk [tilespmem:v16+s16+$0x0], $0xffff  }
0x4c: {  	v11 =	vld.idx.msk [tilespmem:v17+s16+$0x0], $0xffff  }
0x4d: {  	v3 =	vld.idx.msk [tilespmem:v3+s15+$0x0], $0xffff  }
0x4e: {  	v13 =	vld.idx.msk [tilespmem:v19+s16+$0x0], $0xffff  }
0x4f: {  	v5 =	vld.idx.msk [tilespmem:v5+s15+$0x0], $0xffff  }
0x50: {  	v14 =	vld.idx.msk [tilespmem:v20+s16+$0x0], $0xffff  }
0x51: {  	v16 =	vld.idx.msk [tilespmem:v22+s16+$0x0], $0xffff  }
0x52: {  	v19 =	vld [tilespmem:$0x1FE60];
	v1 =	vsub.f32 v1, v2;
	v2 =	vsub.f32 v3, v4  }
0x53: {  	v22 =	vld [tilespmem:$0x1FE70]  }
0x54: {  	v9 =	vmul.f32 v1, v1;
	v3 =	vld.idx.msk [tilespmem:v10+s16+$0x0], $0xffff;
	v5 =	vsub.f32 v5, v6;
	v10 =	vmul.f32 v2, v2  }
0x55: {  	v7 =	vld.idx.msk [tilespmem:v7+s15+$0x0], $0xffff  }
0x56: {  	v4 =	vld.idx.msk [tilespmem:v12+s16+$0x0], $0xffff;
	v9 =	vadd.f32 v10, v9;
	v10 =	vmul.f32 v5, v5  }
0x57: {  	v12 =	vld.idx.msk [tilespmem:v18+s16+$0x0], $0xffff  }
0x58: {  	v9 =	vadd.f32 v10, v9;
	v10 =	vld.idx.msk [tilespmem:v21+s16+$0x0], $0xffff  }
0x59: {  	v8 =	vld.idx.msk [tilespmem:v8+s15+$0x0], $0xffff  }
0x5a: {  	v15 =	vld.idx.msk [tilespmem:v15+s15+$0x0], $0xffff  }
0x5b: {  	v25 =	vld.idx.msk [tilespmem:v25+s15+$0x0], $0xffff;
	v17 =	vmul.f32 v3, v1;
	v18 =	vmul.f32 v4, v2  }
0x5c: {  	v28 =	vld.idx.msk [tilespmem:v28+s15+$0x0], $0xffff;
	v23 =	vmul.f32 v12, v2;
	v21 =	vmul.f32 v11, v1  }
0x5d: {  	v19 =	vld.idx.msk [tilespmem:v19+s15+$0x0], $0xffff;
	v1 =	vmul.f32 v14, v1;
	v2 =	vmul.f32 v10, v2  }
0x5e: {  	v22 =	vld.idx.msk [tilespmem:v22+s15+$0x0], $0xffff;
	v20 =	vmul.f32 v39, v5;
	v17 =	vadd.f32 v18, v17  }
0x5f: {  	v18 =	vld.idx.msk [tilespmem:v26+s15+$0x0], $0xffff;
	v9 =	vmul.f32 $-5.000000000e-01, v9;
	v1 =	vadd.f32 v2, v1;
	v2 =	vmul.f32 v16, v5  }
0x60: {  	v24 =	vmul.f32 v13, v5;
	v17 =	vadd.f32 v20, v17;
	v5 =	vld.idx.msk [tilespmem:v29+s15+$0x0], $0xffff  }
0x61: {  	v1 =	vadd.f32 v2, v1;
	v2 =	vmul.f32 $1.442695020e+00, v9;
	v9 =	vld [tilespmem:$0x1FE10]  }
0x62: {  	[tilespmem:v0+s23+$0x0] =	vst.idx.msk $0xffff, v17;
	v17 =	vld [tilespmem:$0x1FE20];
	_ =	sdelay $0x2  }
0x63: {  	v21 =	vadd.f32 v23, v21;
	_ =	sdelay $0x1  }
0x64: {  	v20 =	vadd.f32 v24, v21;
	_ =	sdelay $0x1  }
0x65: {  	v35 =	vmov v27;
	v27 =	vmul.f32 v4, v8;
	v23 =	vmul.f32 v3, v7;
	[tilespmem:v9+s23+$0x0] =	vst.idx.msk $0xffff, v20  }
0x66: {  	[tilespmem:v17+s23+$0x0] =	vst.idx.msk $0xffff, v1;
	v1 =	vmul.f32 v11, v7;
	v17 =	vmul.f32 v12, v8  }
0x67: {  	v20 =	vld [tilespmem:$0x1FE30];
	v7 =	vmul.f32 v14, v7;
	v8 =	vmul.f32 v10, v8  }
0x68: {  	v1 =	vadd.f32 v17, v1  }
0x69: {  	v7 =	vadd.f32 v8, v7;
	v8 =	vmul.f32 v3, v19;
	v17 =	vmul.f32 v4, v22;
	_ =	sdelay $0x1  }
0x6a: {  	v21 =	vadd.f32 v27, v23;
	v23 =	vmul.f32 v39, v15;
	v8 =	vadd.f32 v17, v8;
	v17 =	vld [tilespmem:$0x1FE40];
	_ =	sdelay $0x1  }
0x6b: {  	v9 =	vadd.f32 v23, v21;
	_ =	sdelay $0x1  }
0x6c: {  	[tilespmem:v20+s23+$0x0] =	vst.idx.msk $0xffff, v9;
	v9 =	vmul.f32 v13, v15;
	_ =	sdelay $0x1  }
0x6d: {  	v20 =	vmul.f32 v12, v22;
	v1 =	vadd.f32 v9, v1;
	v9 =	vmul.f32 v11, v19;
	_ =	sdelay $0x1  }
0x6e: {  	(erf) = vpow2.f32 v2;
	v2 =	vld [tilespmem:$0x1FE50];
	[tilespmem:v17+s23+$0x0] =	vst.idx.msk $0xffff, v1;
	v1 =	vadd.f32 v20, v9;
	v9 =	vmul.f32 v13, v25;
	_ =	sdelay $0x1  }
0x6f: {  	v1 =	vadd.f32 v9, v1;
	v9 =	vld [tilespmem:$0x1FE60];
	_ =	sdelay $0x1  }
0x70: {  	v15 =	vmul.f32 v16, v15;
	_ =	sdelay $0x1  }
0x71: {  	v7 =	vadd.f32 v15, v7;
	v15 =	vmul.f32 v39, v25;
	_ =	sdelay $0x1  }
0x72: {  	[tilespmem:v2+s23+$0x0] =	vst.idx.msk $0xffff, v7;
	v2 =	vadd.f32 v15, v8;
	_ =	sdelay $0x1  }
0x73: {  	[tilespmem:v9+s23+$0x0] =	vst.idx.msk $0xffff, v2;
	v9 =	vld [tilespmem:$0x1FE70];
	_ =	sdelay $0x6  }
0x74: {  	v62 =	vmul.f32 v14, v19;
	v8 =	vmul.f32 v10, v22  }
0x75: {  	[tilespmem:v9+s23+$0x0] =	vst.idx.msk $0xffff, v1;
	v1 =	vmul.f32 v4, v28;
	v4 =	vmul.f32 v39, v5  }
0x76: {  	v39 =	vadd.f32 v8, v62;
	v62 =	vmul.f32 v11, v18;
	v8 =	vmul.f32 v12, v28;
	_ =	sdelay $0x1  }
0x77: {  	v6 =	vadd.f32 v8, v62;
	v62 =	vld [tilespmem:$0x1FE80];
	_ =	sdelay $0x2  }
0x78: {  	v3 =	vmul.f32 v3, v18  }
0x79: {  	v2 =	vmul.f32 v16, v25  }
0x7a: {  	v9 =	vmul.f32 v10, v28;
	v1 =	vadd.f32 v1, v3;
	v3 =	vmul.f32 v14, v18  }
0x7b: {  	v2 =	vadd.f32 v2, v39  }
0x7c: {  	v39 =	vmul.f32 v16, v5;
	v1 =	vadd.f32 v4, v1;
	v3 =	vadd.f32 v9, v3  }
0x7d: {  	[tilespmem:v62+s23+$0x0] =	vst.idx.msk $0xffff, v2  }
0x7e: {  	[tilespmem:v26+s23+$0x0] =	vst.idx.msk $0xffff, v1;
	v1 =	vadd.f32 v39, v3;
	v3 =	vld [tilespmem:$0x1FEA0];
	_ =	sdelay $0x2  }
0x7f: {  	v7 =	vmul.f32 v13, v5;
	_ =	sdelay $0x1  }
0x80: {  	v2 =	vadd.f32 v7, v6;
	_ =	sdelay $0x2  }
0x81: {  	[tilespmem:v3+s23+$0x0] =	vst.idx.msk $0xffff, v2  }
0x82: {  	v2 =	vpop (erf);
	[tilespmem:v29+s23+$0x0] =	vst.idx.msk $0xffff, v1  }
0x83: {  	v39 =	vimm.f32 $0.0e+00;
	[tilespmem:v35+s23+$0x0] =	vst.idx.msk $0xffff, v2  }
0x84: {  	[tilespmem:v31+s23+$0x0] =	vst.idx.msk $0xffff, v39  }
0x85: {  	[tilespmem:v32+s23+$0x0] =	vst.idx.msk $0xffff, v39  }
0x86: {  	[tilespmem:v33+s23+$0x0] =	vst.idx.msk $0xffff, v39  }
0x87: {  	v1 =	vld.idx.msk [tilespmem:v34+s15+$0x0], $0xffff  }
0x88: {  	v2 =	vld.idx.msk [tilespmem:v38+s16+$0x0], $0xffff  }
0x89: {  	v3 =	vld.idx.msk [tilespmem:v36+s15+$0x0], $0xffff  }
0x8a: {  	v38 =	vld.idx.msk [tilespmem:v37+s16+$0x0], $0xffff  }
0x8b: {  	v5 =	vld.idx.msk [tilespmem:v40+s15+$0x0], $0xffff  }
0x8c: {  	v62 =	vld.idx.msk [tilespmem:v41+s16+$0x0], $0xffff  }
0x8d: {  	v32 =	vld.idx.msk [tilespmem:v42+s15+$0x0], $0xffff  }
0x8e: {  	v8 =	vld.idx.msk [tilespmem:v43+s15+$0x0], $0xffff  }
0x8f: {  	v33 =	vld.idx.msk [tilespmem:v52+s16+$0x0], $0xffff  }
0x90: {  	v35 =	vld.idx.msk [tilespmem:v53+s16+$0x0], $0xffff;
	v1 =	vsub.f32 v1, v2;
	v2 =	vsub.f32 v3, v38  }
0x91: {  	v11 =	vld.idx.msk [tilespmem:v54+s16+$0x0], $0xffff  }
0x92: {  	v14 =	vld.idx.msk [tilespmem:v57+s16+$0x0], $0xffff;
	v5 =	vsub.f32 v5, v62;
	v9 =	vmul.f32 v1, v1;
	v10 =	vmul.f32 v2, v2  }
0x93: {  	v12 =	vld.idx.msk [tilespmem:v55+s16+$0x0], $0xffff  }
0x94: {  	v3 =	vld.idx.msk [tilespmem:v51+s16+$0x0], $0xffff;
	v9 =	vadd.f32 v10, v9;
	v10 =	vmul.f32 v5, v5  }
0x95: {  	v13 =	vld.idx.msk [tilespmem:v56+s16+$0x0], $0xffff  }
0x96: {  	v9 =	vadd.f32 v10, v9;
	v10 =	vld.idx.msk [tilespmem:v58+s16+$0x0], $0xffff  }
0x97: {  	v27 =	vmul.f32 v33, v8;
	v7 =	vmul.f32 v14, v32  }
0x98: {  	v16 =	vld.idx.msk [tilespmem:v59+s16+$0x0], $0xffff;
	v18 =	vmul.f32 v33, v2;
	v20 =	vmul.f32 v35, v5  }
0x99: {  	v15 =	vld.idx.msk [tilespmem:v44+s15+$0x0], $0xffff;
	v21 =	vmul.f32 v11, v1;
	v17 =	vmul.f32 v3, v1  }
0x9a: {  	v19 =	vld.idx.msk [tilespmem:v45+s15+$0x0], $0xffff;
	v23 =	vmul.f32 v12, v2;
	v24 =	vmul.f32 v13, v5  }
0x9b: {  	v22 =	vld.idx.msk [tilespmem:v46+s15+$0x0], $0xffff;
	v1 =	vmul.f32 v14, v1;
	v17 =	vadd.f32 v18, v17;
	v2 =	vmul.f32 v10, v2  }
0x9c: {  	v25 =	vld.idx.msk [tilespmem:v47+s15+$0x0], $0xffff;
	v21 =	vadd.f32 v23, v21;
	v23 =	vmul.f32 v3, v32;
	v9 =	vmul.f32 $-5.000000000e-01, v9  }
0x9d: {  	v28 =	vld.idx.msk [tilespmem:v49+s15+$0x0], $0xffff;
	v17 =	vadd.f32 v20, v17;
	v1 =	vadd.f32 v2, v1;
	v2 =	vmul.f32 v16, v5  }
0x9e: {  	v37 =	vld.idx.msk [tilespmem:v50+s15+$0x0], $0xffff;
	v20 =	vadd.f32 v24, v21;
	v21 =	vadd.f32 v27, v23;
	v23 =	vmul.f32 v35, v15  }
0x9f: {  	v18 =	vld.idx.msk [tilespmem:v48+s15+$0x0], $0xffff;
	[tilespmem:v34+s23+$0x0] =	vst.idx.msk $0xffff, v17;
	v17 =	vmul.f32 v12, v8;
	v1 =	vadd.f32 v2, v1  }
0xa0: {  	v8 =	vmul.f32 v10, v8;
	[tilespmem:v36+s23+$0x0] =	vst.idx.msk $0xffff, v20;
	v2 =	vmul.f32 $1.442695020e+00, v9;
	v9 =	vadd.f32 v23, v21  }
0xa1: {  	[tilespmem:v40+s23+$0x0] =	vst.idx.msk $0xffff, v1;
	v1 =	vmul.f32 v11, v32  }
0xa2: {  	v7 =	vadd.f32 v8, v7;
	[tilespmem:v42+s23+$0x0] =	vst.idx.msk $0xffff, v9  }
0xa3: {  	v9 =	vmul.f32 v13, v15;
	v15 =	vmul.f32 v16, v15;
	v1 =	vadd.f32 v17, v1  }
0xa4: {  	v8 =	vmul.f32 v3, v19;
	v17 =	vmul.f32 v33, v22  }
0xa5: {  	v20 =	vmul.f32 v12, v22;
	v7 =	vadd.f32 v15, v7;
	v1 =	vadd.f32 v9, v1  }
0xa6: {  	v15 =	vmul.f32 v35, v25;
	v9 =	vmul.f32 v11, v19;
	v8 =	vadd.f32 v17, v8  }
0xa7: {  	v38 =	vmul.f32 v14, v19;
	(erf) = vpow2.f32 v2;
	[tilespmem:v43+s23+$0x0] =	vst.idx.msk $0xffff, v1  }
0xa8: {  	v1 =	vadd.f32 v20, v9;
	v9 =	vmul.f32 v13, v25;
	v2 =	vadd.f32 v15, v8  }
0xa9: {  	v3 =	vmul.f32 v3, v18;
	v8 =	vmul.f32 v10, v22;
	[tilespmem:v44+s23+$0x0] =	vst.idx.msk $0xffff, v7  }
0xaa: {  	v42 =	vmul.f32 v11, v18;
	v1 =	vadd.f32 v9, v1;
	[tilespmem:v45+s23+$0x0] =	vst.idx.msk $0xffff, v2  }
0xab: {  	v2 =	vmul.f32 v16, v25;
	v41 =	vadd.f32 v8, v38;
	v8 =	vmul.f32 v12, v28  }
0xac: {  	v40 =	vmul.f32 v35, v37;
	[tilespmem:v46+s23+$0x0] =	vst.idx.msk $0xffff, v1;
	v1 =	vmul.f32 v33, v28  }
0xad: {  	v44 =	vmul.f32 v13, v37;
	v2 =	vadd.f32 v2, v41;
	v43 =	vadd.f32 v8, v42  }
0xae: {  	v9 =	vmul.f32 v10, v28;
	v1 =	vadd.f32 v1, v3;
	v3 =	vmul.f32 v14, v18  }
0xaf: {  	[tilespmem:v47+s23+$0x0] =	vst.idx.msk $0xffff, v2;
	v2 =	vadd.f32 v44, v43  }
0xb0: {  	v45 =	vmul.f32 v16, v37;
	v1 =	vadd.f32 v40, v1;
	v3 =	vadd.f32 v9, v3  }
0xb1: {  	v46 =	vld [tilespmem:$0x1FDD0]  }
0xb2: {  	v47 =	vld [tilespmem:$0x1FDE0];
	[tilespmem:v48+s23+$0x0] =	vst.idx.msk $0xffff, v1;
	v1 =	vadd.f32 v45, v3  }
0xb3: {  	[tilespmem:v49+s23+$0x0] =	vst.idx.msk $0xffff, v2  }
0xb4: {  	v2 =	vpop (erf);
	[tilespmem:v50+s23+$0x0] =	vst.idx.msk $0xffff, v1  }
0xb5: {  	v52 =	vld [tilespmem:$0x1FE00];
	[tilespmem:v60+s23+$0x0] =	vst.idx.msk $0xffff, v2  }
0xb6: {  	v48 =	vimm.s32 $0x22;
	[tilespmem:v63+s23+$0x0] =	vst.idx.msk $0xffff, v39  }
0xb7: {  	v51 =	vimm.s32 $0x23;
	[tilespmem:v61+s23+$0x0] =	vst.idx.msk $0xffff, v39  }
0xb8: {  	v49 =	vld [tilespmem:$0x1FDF0];
	[tilespmem:v30+s23+$0x0] =	vst.idx.msk $0xffff, v39  }
0xb9: {  	v31 =	vor.u32 $0x204, v0;
	v1 =	vld.idx.msk [tilespmem:v46+s15+$0x0], $0xffff  }
0xba: {  	v2 =	vimm.s32 $0x21;
	v3 =	vld.idx.msk [tilespmem:v47+s15+$0x0], $0xffff  }
0xbb: {  	v10 =	vimm.s32 $0x24;
	v4 =	vld.idx.msk [tilespmem:v48+s16+$0x0], $0xffff  }
0xbc: {  	v11 =	vimm.s32 $0x25;
	v6 =	vld.idx.msk [tilespmem:v51+s16+$0x0], $0xffff  }
0xbd: {  	v12 =	vimm.s32 $0x26;
	v53 =	vld.idx.msk [tilespmem:v52+s15+$0x0], $0xffff  }
0xbe: {  	v8 =	vld.idx.msk [tilespmem:v31+s15+$0x0], $0xffff  }
0xbf: {  	v13 =	vimm.s32 $0x27;
	v2 =	vld.idx.msk [tilespmem:v2+s16+$0x0], $0xffff  }
0xc0: {  	v14 =	vimm.s32 $0x28;
	v10 =	vld.idx.msk [tilespmem:v10+s16+$0x0], $0xffff  }
0xc1: {  	v58 =	vimm.s32 $0x2A;
	v11 =	vld.idx.msk [tilespmem:v11+s16+$0x0], $0xffff  }
0xc2: {  	v54 =	vor.u32 $0x206, v0;
	v12 =	vld.idx.msk [tilespmem:v12+s16+$0x0], $0xffff  }
0xc3: {  	v59 =	vimm.s32 $0x2B;
	v50 =	vld.idx.msk [tilespmem:v49+s15+$0x0], $0xffff  }
0xc4: {  	v13 =	vld.idx.msk [tilespmem:v13+s16+$0x0], $0xffff;
	v1 =	vsub.f32 v1, v2;
	v2 =	vimm.s32 $0x29  }
0xc5: {  	v19 =	vimm.s32 $0x2C;
	v14 =	vld.idx.msk [tilespmem:v14+s16+$0x0], $0xffff  }
0xc6: {  	v55 =	vor.u32 $0x207, v0;
	v5 =	vld.idx.msk [tilespmem:v58+s16+$0x0], $0xffff  }
0xc7: {  	v26 =	vor.u32 $0x209, v0;
	v29 =	vor.u32 $0x20B, v0;
	v16 =	vld.idx.msk [tilespmem:v54+s15+$0x0], $0xffff;
	v3 =	vsub.f32 v3, v4  }
0xc8: {  	v30 =	vor.u32 $0x205, v0;
	v60 =	vmul.f32 v10, v53;
	v56 =	vsub.f32 v50, v6;
	v6 =	vld.idx.msk [tilespmem:v59+s16+$0x0], $0xffff  }
0xc9: {  	v57 =	vor.u32 $0x208, v0;
	v17 =	vmul.f32 v3, v3;
	v15 =	vmul.f32 v1, v1;
	v2 =	vld.idx.msk [tilespmem:v2+s16+$0x0], $0xffff  }
0xca: {  	v28 =	vor.u32 $0x20A, v0;
	v19 =	vld.idx.msk [tilespmem:v19+s16+$0x0], $0xffff;
	v21 =	vmul.f32 v11, v3;
	v20 =	vmul.f32 v10, v1  }
0xcb: {  	v22 =	vld.idx.msk [tilespmem:v55+s15+$0x0], $0xffff;
	v23 =	vmul.f32 v14, v3;
	v15 =	vadd.f32 v17, v15;
	v17 =	vmul.f32 v13, v1  }
0xcc: {  	v27 =	vld.idx.msk [tilespmem:v26+s15+$0x0], $0xffff;
	v18 =	vmul.f32 v56, v56;
	v20 =	vadd.f32 v21, v20;
	v21 =	vmul.f32 v12, v56  }
0xcd: {  	v9 =	vld.idx.msk [tilespmem:v30+s15+$0x0], $0xffff;
	v1 =	vmul.f32 v5, v1;
	v17 =	vadd.f32 v23, v17;
	v3 =	vmul.f32 v6, v3  }
0xce: {  	v24 =	vld.idx.msk [tilespmem:v57+s15+$0x0], $0xffff;
	v15 =	vadd.f32 v18, v15;
	v18 =	vadd.f32 v21, v20;
	v25 =	vmul.f32 v2, v56  }
0xcf: {  	v62 =	vmul.f32 v5, v53;
	v23 =	vld.idx.msk [tilespmem:v28+s15+$0x0], $0xffff;
	v1 =	vadd.f32 v3, v1;
	v3 =	vmul.f32 v19, v56  }
0xd0: {  	v20 =	vld.idx.msk [tilespmem:v29+s15+$0x0], $0xffff;
	[tilespmem:v46+s23+$0x0] =	vst.idx.msk $0xffff, v18;
	v18 =	vmul.f32 v11, v8;
	v17 =	vadd.f32 v25, v17  }
0xd1: {  	v37 =	vmul.f32 v13, v16;
	v41 =	vmul.f32 v10, v27;
	v1 =	vadd.f32 v3, v1  }
0xd2: {  	v61 =	vmul.f32 v12, v9;
	v3 =	vadd.f32 v18, v60;
	[tilespmem:v47+s23+$0x0] =	vst.idx.msk $0xffff, v17  }
0xd3: {  	v17 =	vmul.f32 v13, v53;
	[tilespmem:v49+s23+$0x0] =	vst.idx.msk $0xffff, v1;
	v1 =	vmul.f32 v14, v8  }
0xd4: {  	v63 =	vmul.f32 v6, v8;
	v18 =	vmul.f32 v2, v9;
	v3 =	vadd.f32 v61, v3  }
0xd5: {  	v8 =	vmul.f32 v10, v16;
	v1 =	vadd.f32 v1, v17;
	v17 =	vmul.f32 v11, v22  }
0xd6: {  	v33 =	vmul.f32 v19, v9;
	v15 =	vmul.f32 $-5.000000000e-01, v15;
	[tilespmem:v52+s23+$0x0] =	vst.idx.msk $0xffff, v3;
	v3 =	vadd.f32 v63, v62  }
0xd7: {  	v1 =	vadd.f32 v18, v1;
	v35 =	vadd.f32 v17, v8;
	v8 =	vmul.f32 v12, v24  }
0xd8: {  	v42 =	vmul.f32 v19, v24;
	v40 =	vmul.f32 v6, v22;
	v3 =	vadd.f32 v33, v3  }
0xd9: {  	v15 =	vmul.f32 $1.442695020e+00, v15;
	v9 =	vmul.f32 v14, v22;
	[tilespmem:v31+s23+$0x0] =	vst.idx.msk $0xffff, v1;
	v1 =	vadd.f32 v8, v35  }
0xda: {  	v38 =	vmul.f32 v2, v24;
	v6 =	vmul.f32 v6, v23;
	[tilespmem:v30+s23+$0x0] =	vst.idx.msk $0xffff, v3  }
0xdb: {  	v8 =	vmul.f32 v11, v23;
	[tilespmem:v54+s23+$0x0] =	vst.idx.msk $0xffff, v1;
	v1 =	vmul.f32 v5, v16  }
0xdc: {  	(erf) = vpow2.f32 v15;
	v10 =	vmul.f32 v14, v23;
	v3 =	vadd.f32 v9, v37  }
0xdd: {  	v4 =	vadd.f32 v8, v41;
	v8 =	vmul.f32 v13, v27;
	v1 =	vadd.f32 v40, v1  }
0xde: {  	v2 =	vmul.f32 v2, v20;
	v9 =	vmul.f32 v12, v20;
	v3 =	vadd.f32 v38, v3  }
0xdf: {  	v5 =	vmul.f32 v5, v27;
	v43 =	vadd.f32 v10, v8;
	v1 =	vadd.f32 v42, v1  }
0xe0: {  	v44 =	vmul.f32 v19, v20;
	v4 =	vadd.f32 v9, v4;
	[tilespmem:v55+s23+$0x0] =	vst.idx.msk $0xffff, v3  }
0xe1: {  	v45 =	vor.u32 $0x20C, v0;
	v3 =	vadd.f32 v6, v5;
	[tilespmem:v57+s23+$0x0] =	vst.idx.msk $0xffff, v1;
	v1 =	vadd.f32 v2, v43  }
0xe2: {  	v46 =	vor.u32 $0x20D, v0  }
0xe3: {  	v2 =	vadd.f32 v44, v3;
	v3 =	vor.u32 $0x20E, v0;
	[tilespmem:v26+s23+$0x0] =	vst.idx.msk $0xffff, v4  }
0xe4: {  	v47 =	vor.u32 $0x20F, v0;
	[tilespmem:v28+s23+$0x0] =	vst.idx.msk $0xffff, v1  }
0xe5: {  	v48 =	vor.u32 $0x300, v0;
	[tilespmem:v29+s23+$0x0] =	vst.idx.msk $0xffff, v2;
	v1 =	vpop (erf)  }
0xe6: {  	v2 =	vimm.s32 $0x31;
	[tilespmem:v45+s23+$0x0] =	vst.idx.msk $0xffff, v1  }
0xe7: {  	v49 =	vor.u32 $0x301, v0;
	[tilespmem:v46+s23+$0x0] =	vst.idx.msk $0xffff, v39  }
0xe8: {  	v52 =	vimm.s32 $0x32;
	[tilespmem:v3+s23+$0x0] =	vst.idx.msk $0xffff, v39  }
0xe9: {  	v50 =	vor.u32 $0x302, v0;
	[tilespmem:v47+s23+$0x0] =	vst.idx.msk $0xffff, v39  }
0xea: {  	v53 =	vimm.s32 $0x33;
	v1 =	vld.idx.msk [tilespmem:v48+s15+$0x0], $0xffff  }
0xeb: {  	[tilespmem:$0x1F990] =	vst v31;
	v51 =	vor.u32 $0x303, v0;
	v2 =	vld.idx.msk [tilespmem:v2+s16+$0x0], $0xffff  }
0xec: {  	v31 =	vor.u32 $0x304, v0;
	[tilespmem:$0x1FA30] =	vst v3;
	v3 =	vld.idx.msk [tilespmem:v49+s15+$0x0], $0xffff  }
0xed: {  	[tilespmem:$0x1F9A0] =	vst v30;
	v30 =	vor.u32 $0x305, v0;
	v4 =	vld.idx.msk [tilespmem:v52+s16+$0x0], $0xffff  }
0xee: {  	v10 =	vimm.s32 $0x34;
	v5 =	vld.idx.msk [tilespmem:v50+s15+$0x0], $0xffff  }
0xef: {  	v11 =	vimm.s32 $0x35;
	v6 =	vld.idx.msk [tilespmem:v53+s16+$0x0], $0xffff  }
0xf0: {  	v12 =	vimm.s32 $0x36;
	v7 =	vld.idx.msk [tilespmem:v51+s15+$0x0], $0xffff  }
0xf1: {  	v13 =	vimm.s32 $0x37;
	v8 =	vld.idx.msk [tilespmem:v31+s15+$0x0], $0xffff  }
0xf2: {  	v14 =	vimm.s32 $0x38;
	v9 =	vld.idx.msk [tilespmem:v30+s15+$0x0], $0xffff  }
0xf3: {  	v58 =	vimm.s32 $0x3A;
	v10 =	vld.idx.msk [tilespmem:v10+s16+$0x0], $0xffff  }
0xf4: {  	v59 =	vimm.s32 $0x3B;
	v11 =	vld.idx.msk [tilespmem:v11+s16+$0x0], $0xffff  }
0xf5: {  	v12 =	vld.idx.msk [tilespmem:v12+s16+$0x0], $0xffff;
	v1 =	vsub.f32 v1, v2;
	v2 =	vimm.s32 $0x39  }
0xf6: {  	[tilespmem:$0x1F9E0] =	vst v26;
	v19 =	vimm.s32 $0x3C;
	v13 =	vld.idx.msk [tilespmem:v13+s16+$0x0], $0xffff  }
0xf7: {  	[tilespmem:$0x1F9B0] =	vst v54;
	v54 =	vor.u32 $0x306, v0;
	v14 =	vld.idx.msk [tilespmem:v14+s16+$0x0], $0xffff  }
0xf8: {  	[tilespmem:$0x1F9C0] =	vst v55;
	v55 =	vor.u32 $0x307, v0;
	v3 =	vsub.f32 v3, v4;
	v56 =	vsub.f32 v5, v6;
	v5 =	vld.idx.msk [tilespmem:v58+s16+$0x0], $0xffff  }
0xf9: {  	[tilespmem:$0x1F9D0] =	vst v57;
	v57 =	vor.u32 $0x308, v0;
	v26 =	vor.u32 $0x309, v0;
	v6 =	vld.idx.msk [tilespmem:v59+s16+$0x0], $0xffff;
	v60 =	vmul.f32 v10, v7  }
0xfa: {  	[tilespmem:$0x1F9F0] =	vst v28;
	v28 =	vor.u32 $0x30A, v0;
	v15 =	vmul.f32 v1, v1;
	v17 =	vmul.f32 v3, v3;
	v2 =	vld.idx.msk [tilespmem:v2+s16+$0x0], $0xffff  }
0xfb: {  	[tilespmem:$0x1FA00] =	vst v29;
	v29 =	vor.u32 $0x30B, v0;
	v19 =	vld.idx.msk [tilespmem:v19+s16+$0x0], $0xffff;
	v20 =	vmul.f32 v10, v1;
	v21 =	vmul.f32 v11, v3  }
0xfc: {  	v16 =	vld.idx.msk [tilespmem:v54+s15+$0x0], $0xffff;
	v23 =	vmul.f32 v14, v3;
	v15 =	vadd.f32 v17, v15;
	v17 =	vmul.f32 v13, v1  }
0xfd: {  	v22 =	vld.idx.msk [tilespmem:v55+s15+$0x0], $0xffff;
	v18 =	vmul.f32 v56, v56;
	v20 =	vadd.f32 v21, v20;
	v21 =	vmul.f32 v12, v56  }
0xfe: {  	v24 =	vld.idx.msk [tilespmem:v57+s15+$0x0], $0xffff;
	v1 =	vmul.f32 v5, v1;
	v3 =	vmul.f32 v6, v3;
	v17 =	vadd.f32 v23, v17  }
0xff: {  	v27 =	vld.idx.msk [tilespmem:v26+s15+$0x0], $0xffff;
	v15 =	vadd.f32 v18, v15;
	v18 =	vadd.f32 v21, v20;
	v25 =	vmul.f32 v2, v56  }
0x100: {  	v61 =	vmul.f32 v12, v9;
	v23 =	vld.idx.msk [tilespmem:v28+s15+$0x0], $0xffff;
	v1 =	vadd.f32 v3, v1;
	v3 =	vmul.f32 v19, v56  }
0x101: {  	v20 =	vld.idx.msk [tilespmem:v29+s15+$0x0], $0xffff;
	[tilespmem:v48+s23+$0x0] =	vst.idx.msk $0xffff, v18;
	v18 =	vmul.f32 v11, v8;
	v17 =	vadd.f32 v25, v17  }
0x102: {  	v33 =	vmul.f32 v19, v9;
	v37 =	vmul.f32 v13, v16;
	v1 =	vadd.f32 v3, v1  }
0x103: {  	v62 =	vmul.f32 v5, v7;
	v3 =	vadd.f32 v18, v60;
	[tilespmem:v49+s23+$0x0] =	vst.idx.msk $0xffff, v17  }
0x104: {  	v17 =	vmul.f32 v13, v7;
	[tilespmem:v50+s23+$0x0] =	vst.idx.msk $0xffff, v1;
	v1 =	vmul.f32 v14, v8  }
0x105: {  	v63 =	vmul.f32 v6, v8;
	v18 =	vmul.f32 v2, v9;
	v3 =	vadd.f32 v61, v3  }
0x106: {  	v8 =	vmul.f32 v10, v16;
	v1 =	vadd.f32 v1, v17;
	v17 =	vmul.f32 v11, v22  }
0x107: {  	v41 =	vmul.f32 v10, v27;
	v15 =	vmul.f32 $-5.000000000e-01, v15;
	[tilespmem:v51+s23+$0x0] =	vst.idx.msk $0xffff, v3;
	v3 =	vadd.f32 v63, v62  }
0x108: {  	v1 =	vadd.f32 v18, v1;
	v35 =	vadd.f32 v17, v8;
	v8 =	vmul.f32 v12, v24  }
0x109: {  	v42 =	vmul.f32 v19, v24;
	v40 =	vmul.f32 v6, v22;
	v3 =	vadd.f32 v33, v3  }
0x10a: {  	v15 =	vmul.f32 $1.442695020e+00, v15;
	v9 =	vmul.f32 v14, v22;
	[tilespmem:v31+s23+$0x0] =	vst.idx.msk $0xffff, v1;
	v1 =	vadd.f32 v8, v35  }
0x10b: {  	v38 =	vmul.f32 v2, v24;
	v6 =	vmul.f32 v6, v23;
	[tilespmem:v30+s23+$0x0] =	vst.idx.msk $0xffff, v3  }
0x10c: {  	v8 =	vmul.f32 v11, v23;
	[tilespmem:v54+s23+$0x0] =	vst.idx.msk $0xffff, v1;
	v1 =	vmul.f32 v5, v16  }
0x10d: {  	[tilespmem:$0x1FA10] =	vst v45;
	(erf) = vpow2.f32 v15;
	v10 =	vmul.f32 v14, v23;
	v3 =	vadd.f32 v9, v37  }
0x10e: {  	[tilespmem:$0x1FA50] =	vst v48;
	v4 =	vadd.f32 v8, v41;
	v8 =	vmul.f32 v13, v27;
	v1 =	vadd.f32 v40, v1  }
0x10f: {  	[tilespmem:$0x1FA20] =	vst v46;
	v2 =	vmul.f32 v2, v20;
	v9 =	vmul.f32 v12, v20;
	v3 =	vadd.f32 v38, v3  }
0x110: {  	[tilespmem:$0x1FA40] =	vst v47;
	v5 =	vmul.f32 v5, v27;
	v43 =	vadd.f32 v10, v8;
	v1 =	vadd.f32 v42, v1  }
0x111: {  	v44 =	vmul.f32 v19, v20;
	v4 =	vadd.f32 v9, v4;
	[tilespmem:v55+s23+$0x0] =	vst.idx.msk $0xffff, v3  }
0x112: {  	v45 =	vor.u32 $0x30C, v0;
	v3 =	vadd.f32 v6, v5;
	[tilespmem:v57+s23+$0x0] =	vst.idx.msk $0xffff, v1;
	v1 =	vadd.f32 v2, v43  }
0x113: {  	[tilespmem:$0x1FA60] =	vst v49;
	v46 =	vor.u32 $0x30D, v0  }
0x114: {  	v2 =	vadd.f32 v44, v3;
	v3 =	vor.u32 $0x30E, v0;
	[tilespmem:v26+s23+$0x0] =	vst.idx.msk $0xffff, v4  }
0x115: {  	v47 =	vor.u32 $0x30F, v0;
	[tilespmem:v28+s23+$0x0] =	vst.idx.msk $0xffff, v1  }
0x116: {  	v22 =	vor.u32 $0x400, v0;
	[tilespmem:v29+s23+$0x0] =	vst.idx.msk $0xffff, v2;
	v1 =	vpop (erf)  }
0x117: {  	v2 =	vimm.s32 $0x41;
	[tilespmem:v45+s23+$0x0] =	vst.idx.msk $0xffff, v1  }
0x118: {  	v23 =	vor.u32 $0x401, v0;
	[tilespmem:v46+s23+$0x0] =	vst.idx.msk $0xffff, v39  }
0x119: {  	v49 =	vimm.s32 $0x42;
	[tilespmem:v3+s23+$0x0] =	vst.idx.msk $0xffff, v39  }
0x11a: {  	v48 =	vor.u32 $0x402, v0;
	[tilespmem:v47+s23+$0x0] =	vst.idx.msk $0xffff, v39  }
0x11b: {  	[tilespmem:$0x1FA80] =	vst v51;
	v51 =	vimm.s32 $0x43;
	v1 =	vld.idx.msk [tilespmem:v22+s15+$0x0], $0xffff  }
0x11c: {  	v2 =	vld.idx.msk [tilespmem:v2+s16+$0x0], $0xffff  }
0x11d: {  	[tilespmem:$0x1FB30] =	vst v3;
	v3 =	vld.idx.msk [tilespmem:v23+s15+$0x0], $0xffff  }
0x11e: {  	v4 =	vld.idx.msk [tilespmem:v49+s16+$0x0], $0xffff  }
0x11f: {  	[tilespmem:$0x1FA70] =	vst v50;
	v50 =	vld.idx.msk [tilespmem:v48+s15+$0x0], $0xffff  }
0x120: {  	v6 =	vld.idx.msk [tilespmem:v51+s16+$0x0], $0xffff  }
0x121: {  	v52 =	vor.u32 $0x403, v0  }
0x122: {  	v53 =	vor.u32 $0x404, v0  }
0x123: {  	v9 =	vimm.s32 $0x44;
	v1 =	vsub.f32 v1, v2;
	v2 =	vsub.f32 v3, v4  }
0x124: {  	v59 =	vimm.s32 $0x45;
	v10 =	vimm.s32 $0x46  }
0x125: {  	[tilespmem:$0x1FAC0] =	vst v55;
	v3 =	vsub.f32 v50, v6;
	v55 =	vmul.f32 v1, v1;
	v56 =	vmul.f32 v2, v2  }
0x126: {  	[tilespmem:$0x1FAD0] =	vst v57;
	v11 =	vimm.s32 $0x47;
	v57 =	vld.idx.msk [tilespmem:v52+s15+$0x0], $0xffff  }
0x127: {  	v12 =	vimm.s32 $0x48;
	v7 =	vld.idx.msk [tilespmem:v53+s15+$0x0], $0xffff;
	v58 =	vmul.f32 v3, v3;
	v4 =	vadd.f32 v56, v55  }
0x128: {  	v13 =	vimm.s32 $0x49;
	v9 =	vld.idx.msk [tilespmem:v9+s16+$0x0], $0xffff  }
0x129: {  	v14 =	vimm.s32 $0x4A;
	v5 =	vld.idx.msk [tilespmem:v59+s16+$0x0], $0xffff;
	v4 =	vadd.f32 v58, v4  }
0x12a: {  	v61 =	vimm.s32 $0x4B;
	v10 =	vld.idx.msk [tilespmem:v10+s16+$0x0], $0xffff  }
0x12b: {  	[tilespmem:$0x1FAB0] =	vst v54;
	v54 =	vor.u32 $0x405, v0;
	v11 =	vld.idx.msk [tilespmem:v11+s16+$0x0], $0xffff;
	v4 =	vmul.f32 $-5.000000000e-01, v4  }
0x12c: {  	v18 =	vimm.s32 $0x4C;
	v12 =	vld.idx.msk [tilespmem:v12+s16+$0x0], $0xffff  }
0x12d: {  	v60 =	vor.u32 $0x406, v0;
	v13 =	vld.idx.msk [tilespmem:v13+s16+$0x0], $0xffff;
	v4 =	vmul.f32 $1.442695020e+00, v4  }
0x12e: {  	v27 =	vor.u32 $0x407, v0;
	v14 =	vld.idx.msk [tilespmem:v14+s16+$0x0], $0xffff  }
0x12f: {  	[tilespmem:$0x1FAA0] =	vst v30;
	v15 =	vor.u32 $0x408, v0;
	(erf) = vpow2.f32 v4;
	v4 =	vld.idx.msk [tilespmem:v61+s16+$0x0], $0xffff  }
0x130: {  	[tilespmem:$0x1FAE0] =	vst v26;
	v16 =	vor.u32 $0x409, v0;
	v8 =	vld.idx.msk [tilespmem:v54+s15+$0x0], $0xffff  }
0x131: {  	[tilespmem:$0x1FAF0] =	vst v28;
	v30 =	vor.u32 $0x40A, v0;
	v18 =	vld.idx.msk [tilespmem:v18+s16+$0x0], $0xffff;
	v19 =	vmul.f32 v9, v1;
	v20 =	vmul.f32 v5, v2  }
0x132: {  	[tilespmem:$0x1FB00] =	vst v29;
	v26 =	vor.u32 $0x40B, v0;
	v17 =	vld.idx.msk [tilespmem:v60+s15+$0x0], $0xffff;
	v24 =	vmul.f32 v11, v1;
	v25 =	vmul.f32 v12, v2  }
0x133: {  	v21 =	vld.idx.msk [tilespmem:v27+s15+$0x0], $0xffff;
	v29 =	vmul.f32 v13, v3;
	v19 =	vadd.f32 v20, v19;
	v20 =	vmul.f32 v10, v3  }
0x134: {  	v28 =	vld.idx.msk [tilespmem:v15+s15+$0x0], $0xffff;
	v1 =	vmul.f32 v14, v1;
	v24 =	vadd.f32 v25, v24;
	v2 =	vmul.f32 v4, v2  }
0x135: {  	[tilespmem:$0x1FA90] =	vst v31;
	v31 =	vld.idx.msk [tilespmem:v16+s15+$0x0], $0xffff;
	v6 =	vmul.f32 v14, v57;
	v19 =	vadd.f32 v20, v19  }
0x136: {  	v25 =	vld.idx.msk [tilespmem:v30+s15+$0x0], $0xffff;
	v24 =	vadd.f32 v29, v24;
	v1 =	vadd.f32 v2, v1;
	v2 =	vmul.f32 v18, v3  }
0x137: {  	v20 =	vld.idx.msk [tilespmem:v26+s15+$0x0], $0xffff;
	v29 =	vmul.f32 v5, v7;
	[tilespmem:v22+s23+$0x0] =	vst.idx.msk $0xffff, v19;
	v19 =	vmul.f32 v9, v57  }
0x138: {  	v62 =	vmul.f32 v18, v8;
	v33 =	vmul.f32 v11, v17;
	v1 =	vadd.f32 v2, v1  }
0x139: {  	[tilespmem:v23+s23+$0x0] =	vst.idx.msk $0xffff, v24;
	v2 =	vadd.f32 v29, v19;
	v19 =	vmul.f32 v10, v8  }
0x13a: {  	v24 =	vmul.f32 v11, v57;
	[tilespmem:v48+s23+$0x0] =	vst.idx.msk $0xffff, v1;
	v1 =	vmul.f32 v12, v7  }
0x13b: {  	v29 =	vmul.f32 v13, v8;
	v2 =	vadd.f32 v19, v2;
	v7 =	vmul.f32 v4, v7  }
0x13c: {  	v19 =	vmul.f32 v9, v17;
	v1 =	vadd.f32 v1, v24;
	v24 =	vmul.f32 v5, v21  }
0x13d: {  	v34 =	vmul.f32 v13, v28;
	[tilespmem:v52+s23+$0x0] =	vst.idx.msk $0xffff, v2;
	v2 =	vadd.f32 v7, v6  }
0x13e: {  	v8 =	vmul.f32 v10, v28;
	v1 =	vadd.f32 v29, v1;
	v63 =	vadd.f32 v24, v19  }
0x13f: {  	[tilespmem:$0x1FB10] =	vst v45;
	v37 =	vmul.f32 v9, v31;
	v38 =	vmul.f32 v18, v28;
	v2 =	vadd.f32 v62, v2  }
0x140: {  	v40 =	vmul.f32 v11, v31;
	[tilespmem:v53+s23+$0x0] =	vst.idx.msk $0xffff, v1;
	v1 =	vadd.f32 v8, v63  }
0x141: {  	v36 =	vmul.f32 v4, v21;
	v19 =	vmul.f32 v12, v21;
	[tilespmem:v54+s23+$0x0] =	vst.idx.msk $0xffff, v2  }
0x142: {  	v5 =	vmul.f32 v5, v25;
	[tilespmem:v60+s23+$0x0] =	vst.idx.msk $0xffff, v1;
	v1 =	vmul.f32 v14, v17  }
0x143: {  	[tilespmem:$0x1FB20] =	vst v46;
	v41 =	vmul.f32 v14, v31;
	v9 =	vmul.f32 v12, v25;
	v2 =	vadd.f32 v19, v33  }
0x144: {  	[tilespmem:$0x1FB40] =	vst v47;
	v5 =	vadd.f32 v5, v37;
	v8 =	vmul.f32 v10, v20;
	v1 =	vadd.f32 v36, v1  }
0x145: {  	[tilespmem:$0x1FBA0] =	vst v15;
	v4 =	vmul.f32 v4, v25;
	v6 =	vadd.f32 v9, v40;
	v2 =	vadd.f32 v34, v2  }
0x146: {  	[tilespmem:$0x1FBB0] =	vst v16;
	v5 =	vadd.f32 v8, v5;
	v8 =	vmul.f32 v13, v20;
	v1 =	vadd.f32 v38, v1  }
0x147: {  	v43 =	vor.u32 $0x40C, v0;
	v42 =	vmul.f32 v18, v20;
	[tilespmem:v27+s23+$0x0] =	vst.idx.msk $0xffff, v2;
	v2 =	vadd.f32 v4, v41  }
0x148: {  	v44 =	vor.u32 $0x40D, v0;
	[tilespmem:v15+s23+$0x0] =	vst.idx.msk $0xffff, v1;
	v1 =	vadd.f32 v8, v6  }
0x149: {  	v45 =	vor.u32 $0x40E, v0;
	v2 =	vadd.f32 v42, v2;
	[tilespmem:v16+s23+$0x0] =	vst.idx.msk $0xffff, v5  }
0x14a: {  	[tilespmem:v30+s23+$0x0] =	vst.idx.msk $0xffff, v1;
	v1 =	vor.u32 $0x40F, v0  }
0x14b: {  	v3 =	vpop (erf);
	v12 =	vor.u32 $0x500, v0;
	[tilespmem:v26+s23+$0x0] =	vst.idx.msk $0xffff, v2  }
0x14c: {  	v2 =	vimm.s32 $0x51;
	[tilespmem:v43+s23+$0x0] =	vst.idx.msk $0xffff, v3  }
0x14d: {  	v15 =	vor.u32 $0x501, v0;
	[tilespmem:v44+s23+$0x0] =	vst.idx.msk $0xffff, v39  }
0x14e: {  	v46 =	vimm.s32 $0x52;
	[tilespmem:v45+s23+$0x0] =	vst.idx.msk $0xffff, v39  }
0x14f: {  	v16 =	vor.u32 $0x502, v0;
	[tilespmem:v1+s23+$0x0] =	vst.idx.msk $0xffff, v39  }
0x150: {  	v47 =	vimm.s32 $0x53;
	[tilespmem:$0x1FC10] =	vst v1;
	v1 =	vld.idx.msk [tilespmem:v12+s15+$0x0], $0xffff  }
0x151: {  	v21 =	vor.u32 $0x504, v0;
	v2 =	vld.idx.msk [tilespmem:v2+s16+$0x0], $0xffff  }
0x152: {  	v24 =	vor.u32 $0x505, v0;
	v3 =	vld.idx.msk [tilespmem:v15+s15+$0x0], $0xffff  }
0x153: {  	v10 =	vimm.s32 $0x54;
	v4 =	vld.idx.msk [tilespmem:v46+s16+$0x0], $0xffff  }
0x154: {  	v11 =	vimm.s32 $0x55;
	v5 =	vld.idx.msk [tilespmem:v16+s15+$0x0], $0xffff  }
0x155: {  	v13 =	vimm.s32 $0x56;
	v6 =	vld.idx.msk [tilespmem:v47+s16+$0x0], $0xffff  }
0x156: {  	[tilespmem:$0x1FBC0] =	vst v30;
	v30 =	vor.u32 $0x509, v0;
	v8 =	vld.idx.msk [tilespmem:v21+s15+$0x0], $0xffff  }
0x157: {  	v14 =	vimm.s32 $0x57;
	v9 =	vld.idx.msk [tilespmem:v24+s15+$0x0], $0xffff  }
0x158: {  	v17 =	vimm.s32 $0x5A;
	v10 =	vld.idx.msk [tilespmem:v10+s16+$0x0], $0xffff  }
0x159: {  	v49 =	vimm.s32 $0x5B;
	v11 =	vld.idx.msk [tilespmem:v11+s16+$0x0], $0xffff  }
0x15a: {  	v13 =	vld.idx.msk [tilespmem:v13+s16+$0x0], $0xffff;
	v1 =	vsub.f32 v1, v2;
	v2 =	vsub.f32 v3, v4;
	v3 =	vimm.s32 $0x58  }
0x15b: {  	[tilespmem:$0x1FC00] =	vst v45;
	v25 =	vimm.s32 $0x5C;
	v45 =	vld.idx.msk [tilespmem:v30+s15+$0x0], $0xffff  }
0x15c: {  	v50 =	vimm.s32 $0x59;
	v14 =	vld.idx.msk [tilespmem:v14+s16+$0x0], $0xffff  }
0x15d: {  	v19 =	vor.u32 $0x506, v0;
	v17 =	vld.idx.msk [tilespmem:v17+s16+$0x0], $0xffff  }
0x15e: {  	[tilespmem:$0x1FB50] =	vst v48;
	v18 =	vor.u32 $0x507, v0;
	v48 =	vsub.f32 v5, v6;
	v5 =	vld.idx.msk [tilespmem:v49+s16+$0x0], $0xffff  }
0x15f: {  	[tilespmem:$0x1FB60] =	vst v52;
	v20 =	vor.u32 $0x503, v0;
	v49 =	vmul.f32 v11, v8;
	v3 =	vld.idx.msk [tilespmem:v3+s16+$0x0], $0xffff  }
0x160: {  	[tilespmem:$0x1FB70] =	vst v53;
	v28 =	vor.u32 $0x50A, v0;
	v33 =	vld.idx.msk [tilespmem:v25+s16+$0x0], $0xffff;
	v57 =	vmul.f32 v10, v45;
	v29 =	vmul.f32 v1, v1  }
0x161: {  	[tilespmem:$0x1FBD0] =	vst v26;
	v26 =	vor.u32 $0x508, v0;
	v6 =	vld.idx.msk [tilespmem:v50+s16+$0x0], $0xffff;
	v31 =	vmul.f32 v2, v2;
	v51 =	vmul.f32 v10, v1  }
0x162: {  	[tilespmem:$0x1FB80] =	vst v54;
	v40 =	vld.idx.msk [tilespmem:v19+s15+$0x0], $0xffff;
	v25 =	vor.u32 $0x50B, v0;
	v52 =	vmul.f32 v14, v1;
	v1 =	vmul.f32 v17, v1  }
0x163: {  	v53 =	vmul.f32 v11, v2;
	v54 =	vmul.f32 v48, v48;
	v29 =	vadd.f32 v31, v29;
	v31 =	vld.idx.msk [tilespmem:v18+s15+$0x0], $0xffff  }
0x164: {  	v7 =	vld.idx.msk [tilespmem:v20+s15+$0x0], $0xffff;
	v34 =	vmul.f32 v13, v48;
	v55 =	vmul.f32 v3, v2  }
0x165: {  	v35 =	vadd.f32 v53, v51;
	v51 =	vmul.f32 v13, v9;
	v2 =	vmul.f32 v5, v2  }
0x166: {  	v41 =	vld.idx.msk [tilespmem:v26+s15+$0x0], $0xffff;
	v46 =	vmul.f32 v6, v48;
	v29 =	vadd.f32 v54, v29;
	v36 =	vadd.f32 v55, v52  }
0x167: {  	v47 =	vld.idx.msk [tilespmem:v28+s15+$0x0], $0xffff;
	v35 =	vadd.f32 v34, v35;
	v1 =	vadd.f32 v2, v1;
	v2 =	vmul.f32 v33, v48  }
0x168: {  	v53 =	vmul.f32 v10, v40;
	v54 =	vmul.f32 v11, v31;
	v48 =	vld.idx.msk [tilespmem:v25+s15+$0x0], $0xffff;
	v36 =	vadd.f32 v46, v36  }
0x169: {  	[tilespmem:v12+s23+$0x0] =	vst.idx.msk $0xffff, v35;
	v1 =	vadd.f32 v2, v1;
	v2 =	vmul.f32 $-5.000000000e-01, v29;
	v29 =	vmul.f32 v10, v7  }
0x16a: {  	v50 =	vmul.f32 v3, v8;
	v8 =	vmul.f32 v5, v8;
	[tilespmem:v15+s23+$0x0] =	vst.idx.msk $0xffff, v36  }
0x16b: {  	v29 =	vadd.f32 v49, v29;
	[tilespmem:v16+s23+$0x0] =	vst.idx.msk $0xffff, v1;
	v1 =	vmul.f32 v14, v7  }
0x16c: {  	v52 =	vmul.f32 v6, v9;
	v7 =	vmul.f32 v17, v7  }
0x16d: {  	v55 =	vmul.f32 v3, v31;
	v29 =	vadd.f32 v51, v29;
	v1 =	vadd.f32 v50, v1  }
0x16e: {  	v7 =	vadd.f32 v8, v7;
	v8 =	vmul.f32 v33, v9;
	v9 =	vadd.f32 v54, v53  }
0x16f: {  	[tilespmem:v20+s23+$0x0] =	vst.idx.msk $0xffff, v29;
	v29 =	vmul.f32 v13, v41;
	v1 =	vadd.f32 v52, v1  }
0x170: {  	v2 =	vmul.f32 $1.442695020e+00, v2;
	v7 =	vadd.f32 v8, v7;
	v8 =	vmul.f32 v14, v40  }
0x171: {  	v56 =	vmul.f32 v6, v41;
	[tilespmem:v21+s23+$0x0] =	vst.idx.msk $0xffff, v1;
	v1 =	vadd.f32 v29, v9  }
0x172: {  	(erf) = vpow2.f32 v2;
	v2 =	vadd.f32 v55, v8;
	v9 =	vmul.f32 v11, v47;
	[tilespmem:v24+s23+$0x0] =	vst.idx.msk $0xffff, v7  }
0x173: {  	v8 =	vmul.f32 v5, v31;
	[tilespmem:v19+s23+$0x0] =	vst.idx.msk $0xffff, v1;
	v1 =	vmul.f32 v17, v40  }
0x174: {  	v4 =	vmul.f32 v5, v47;
	v3 =	vmul.f32 v3, v47;
	v7 =	vadd.f32 v9, v57  }
0x175: {  	v9 =	vmul.f32 v14, v45;
	v1 =	vadd.f32 v8, v1;
	v8 =	vmul.f32 v33, v41  }
0x176: {  	v10 =	vmul.f32 v13, v48;
	v6 =	vmul.f32 v6, v48;
	v2 =	vadd.f32 v56, v2  }
0x177: {  	[tilespmem:$0x1FB90] =	vst v60;
	v3 =	vadd.f32 v3, v9;
	v1 =	vadd.f32 v8, v1;
	v8 =	vmul.f32 v17, v45  }
0x178: {  	v60 =	vmul.f32 v33, v48;
	v58 =	vadd.f32 v10, v7;
	[tilespmem:v18+s23+$0x0] =	vst.idx.msk $0xffff, v2  }
0x179: {  	v61 =	vor.u32 $0x50C, v0;
	v2 =	vadd.f32 v4, v8;
	[tilespmem:v26+s23+$0x0] =	vst.idx.msk $0xffff, v1;
	v1 =	vadd.f32 v6, v3  }
0x17a: {  	v3 =	vor.u32 $0x50D, v0  }
0x17b: {  	v62 =	vor.u32 $0x50E, v0;
	[tilespmem:v30+s23+$0x0] =	vst.idx.msk $0xffff, v58;
	v2 =	vadd.f32 v60, v2  }
0x17c: {  	v63 =	vor.u32 $0x50F, v0;
	[tilespmem:v28+s23+$0x0] =	vst.idx.msk $0xffff, v1  }
0x17d: {  	v13 =	vor.u32 $0x600, v0;
	v1 =	vpop (erf);
	[tilespmem:v25+s23+$0x0] =	vst.idx.msk $0xffff, v2  }
0x17e: {  	v2 =	vimm.s32 $0x61;
	[tilespmem:v61+s23+$0x0] =	vst.idx.msk $0xffff, v1  }
0x17f: {  	v14 =	vor.u32 $0x601, v0;
	[tilespmem:v3+s23+$0x0] =	vst.idx.msk $0xffff, v39  }
0x180: {  	v32 =	vimm.s32 $0x62;
	[tilespmem:v62+s23+$0x0] =	vst.idx.msk $0xffff, v39  }
0x181: {  	v59 =	vor.u32 $0x602, v0;
	[tilespmem:v63+s23+$0x0] =	vst.idx.msk $0xffff, v39  }
0x182: {  	v35 =	vimm.s32 $0x63;
	v1 =	vld.idx.msk [tilespmem:v13+s15+$0x0], $0xffff  }
0x183: {  	v33 =	vor.u32 $0x603, v0;
	v2 =	vld.idx.msk [tilespmem:v2+s16+$0x0], $0xffff  }
0x184: {  	v36 =	vimm.s32 $0x64;
	[tilespmem:$0x1FC50] =	vst v3;
	v3 =	vld.idx.msk [tilespmem:v14+s15+$0x0], $0xffff  }
0x185: {  	v38 =	vimm.s32 $0x66;
	v5 =	vld.idx.msk [tilespmem:v32+s16+$0x0], $0xffff  }
0x186: {  	v7 =	vor.u32 $0x608, v0;
	v34 =	vld.idx.msk [tilespmem:v59+s15+$0x0], $0xffff  }
0x187: {  	v42 =	vimm.s32 $0x67;
	v8 =	vld.idx.msk [tilespmem:v35+s16+$0x0], $0xffff  }
0x188: {  	[tilespmem:$0x1FBF0] =	vst v44;
	v44 =	vimm.s32 $0x6A;
	v9 =	vld.idx.msk [tilespmem:v33+s15+$0x0], $0xffff  }
0x189: {  	v37 =	vimm.s32 $0x65;
	v41 =	vld.idx.msk [tilespmem:v36+s16+$0x0], $0xffff  }
0x18a: {  	[tilespmem:$0x1FC70] =	vst v63;
	v63 =	vld.idx.msk [tilespmem:v38+s16+$0x0], $0xffff;
	v1 =	vsub.f32 v1, v2;
	v2 =	vsub.f32 v3, v5;
	v3 =	vimm.s32 $0x68  }
0x18b: {  	[tilespmem:$0x1FC40] =	vst v61;
	v45 =	vimm.s32 $0x6B;
	v60 =	vld.idx.msk [tilespmem:v7+s15+$0x0], $0xffff  }
0x18c: {  	[tilespmem:$0x1FC20] =	vst v26;
	v26 =	vld.idx.msk [tilespmem:v42+s16+$0x0], $0xffff;
	v5 =	vsub.f32 v34, v8;
	v8 =	vimm.s32 $0x69  }
0x18d: {  	[tilespmem:$0x1FC30] =	vst v30;
	v30 =	vimm.s32 $0x6C;
	v61 =	vld.idx.msk [tilespmem:v44+s16+$0x0], $0xffff  }
0x18e: {  	[tilespmem:$0x1FBE0] =	vst v43;
	v31 =	vor.u32 $0x604, v0;
	v43 =	vld.idx.msk [tilespmem:v37+s16+$0x0], $0xffff  }
0x18f: {  	v17 =	vor.u32 $0x606, v0;
	v3 =	vld.idx.msk [tilespmem:v3+s16+$0x0], $0xffff  }
0x190: {  	v36 =	vor.u32 $0x607, v0;
	v6 =	vld.idx.msk [tilespmem:v45+s16+$0x0], $0xffff;
	v55 =	vmul.f32 v63, v60;
	v46 =	vmul.f32 v1, v1  }
0x191: {  	v29 =	vor.u32 $0x605, v0;
	v47 =	vmul.f32 v2, v2;
	v34 =	vmul.f32 v41, v1;
	v8 =	vld.idx.msk [tilespmem:v8+s16+$0x0], $0xffff  }
0x192: {  	[tilespmem:$0x1FC60] =	vst v62;
	v58 =	vld.idx.msk [tilespmem:v30+s16+$0x0], $0xffff;
	v30 =	vor.u32 $0x60B, v0;
	v62 =	vmul.f32 v26, v1;
	v1 =	vmul.f32 v61, v1  }
0x193: {  	v4 =	vor.u32 $0x609, v0;
	v10 =	vld.idx.msk [tilespmem:v31+s15+$0x0], $0xffff;
	v35 =	vmul.f32 v43, v2;
	v37 =	vmul.f32 v5, v5  }
0x194: {  	v11 =	vor.u32 $0x60A, v0;
	v51 =	vld.idx.msk [tilespmem:v17+s15+$0x0], $0xffff;
	v42 =	vmul.f32 v63, v5;
	v38 =	vmul.f32 v3, v2  }
0x195: {  	v57 =	vld.idx.msk [tilespmem:v36+s15+$0x0], $0xffff;
	v52 =	vadd.f32 v47, v46;
	v50 =	vadd.f32 v35, v34;
	v2 =	vmul.f32 v6, v2  }
0x196: {  	v40 =	vld.idx.msk [tilespmem:v29+s15+$0x0], $0xffff;
	v34 =	vmul.f32 v41, v9;
	v56 =	vmul.f32 v8, v5;
	v49 =	vadd.f32 v38, v62  }
0x197: {  	v32 =	vld.idx.msk [tilespmem:v30+s15+$0x0], $0xffff;
	v47 =	vadd.f32 v42, v50;
	v1 =	vadd.f32 v2, v1;
	v2 =	vmul.f32 v58, v5  }
0x198: {  	v35 =	vmul.f32 v43, v10;
	v48 =	vadd.f32 v37, v52;
	v52 =	vld.idx.msk [tilespmem:v4+s15+$0x0], $0xffff;
	v49 =	vadd.f32 v56, v49  }
0x199: {  	v46 =	vmul.f32 v41, v51;
	v5 =	vld.idx.msk [tilespmem:v11+s15+$0x0], $0xffff;
	[tilespmem:v13+s23+$0x0] =	vst.idx.msk $0xffff, v47;
	v1 =	vadd.f32 v2, v1  }
0x19a: {  	v53 =	vmul.f32 v43, v57;
	v37 =	vmul.f32 v3, v10;
	[tilespmem:v14+s23+$0x0] =	vst.idx.msk $0xffff, v49  }
0x19b: {  	v10 =	vmul.f32 v6, v10;
	[tilespmem:v59+s23+$0x0] =	vst.idx.msk $0xffff, v1;
	v1 =	vmul.f32 v26, v9  }
0x19c: {  	v47 =	vadd.f32 v35, v34;
	v38 =	vmul.f32 v63, v40;
	v9 =	vmul.f32 v61, v9  }
0x19d: {  	v42 =	vmul.f32 v8, v40;
	v2 =	vmul.f32 $-5.000000000e-01, v48;
	v1 =	vadd.f32 v37, v1  }
0x19e: {  	v47 =	vadd.f32 v38, v47;
	v9 =	vadd.f32 v10, v9;
	v10 =	vmul.f32 v58, v40  }
0x19f: {  	v54 =	vadd.f32 v53, v46;
	v56 =	vmul.f32 v3, v57;
	v1 =	vadd.f32 v42, v1  }
0x1a0: {  	v2 =	vmul.f32 $1.442695020e+00, v2;
	[tilespmem:v33+s23+$0x0] =	vst.idx.msk $0xffff, v47;
	v9 =	vadd.f32 v10, v9;
	v10 =	vmul.f32 v26, v51  }
0x1a1: {  	[tilespmem:v31+s23+$0x0] =	vst.idx.msk $0xffff, v1;
	v1 =	vadd.f32 v55, v54  }
0x1a2: {  	(erf) = vpow2.f32 v2;
	v2 =	vadd.f32 v56, v10;
	[tilespmem:v29+s23+$0x0] =	vst.idx.msk $0xffff, v9  }
0x1a3: {  	v10 =	vmul.f32 v6, v57;
	[tilespmem:v17+s23+$0x0] =	vst.idx.msk $0xffff, v1;
	v1 =	vmul.f32 v61, v51  }
0x1a4: {  	v62 =	vmul.f32 v58, v32;
	v9 =	vmul.f32 v8, v60  }
0x1a5: {  	v3 =	vmul.f32 v3, v5;
	v1 =	vadd.f32 v10, v1;
	v10 =	vmul.f32 v58, v60  }
0x1a6: {  	v57 =	vmul.f32 v43, v5;
	v5 =	vmul.f32 v6, v5;
	v2 =	vadd.f32 v9, v2  }
0x1a7: {  	v9 =	vmul.f32 v41, v52;
	v1 =	vadd.f32 v10, v1;
	v10 =	vmul.f32 v61, v52  }
0x1a8: {  	v26 =	vmul.f32 v26, v52;
	v60 =	vmul.f32 v63, v32  }
0x1a9: {  	v9 =	vadd.f32 v57, v9;
	[tilespmem:v36+s23+$0x0] =	vst.idx.msk $0xffff, v2;
	v2 =	vadd.f32 v5, v10  }
0x1aa: {  	v3 =	vadd.f32 v3, v26;
	v8 =	vmul.f32 v8, v32  }
0x1ab: {  	v61 =	vadd.f32 v60, v9;
	v9 =	vor.u32 $0x60C, v0;
	v2 =	vadd.f32 v62, v2  }
0x1ac: {  	[tilespmem:v7+s23+$0x0] =	vst.idx.msk $0xffff, v1;
	v1 =	vadd.f32 v8, v3;
	v3 =	vor.u32 $0x60D, v0  }
0x1ad: {  	v63 =	vor.u32 $0x60E, v0;
	[tilespmem:v4+s23+$0x0] =	vst.idx.msk $0xffff, v61  }
0x1ae: {  	v32 =	vor.u32 $0x60F, v0;
	[tilespmem:v11+s23+$0x0] =	vst.idx.msk $0xffff, v1  }
0x1af: {  	v1 =	vor.u32 $0x701, v0;
	[tilespmem:v30+s23+$0x0] =	vst.idx.msk $0xffff, v2;
	v2 =	vpop (erf)  }
0x1b0: {  	[tilespmem:v9+s23+$0x0] =	vst.idx.msk $0xffff, v2  }
0x1b1: {  	[tilespmem:v3+s23+$0x0] =	vst.idx.msk $0xffff, v39  }
0x1b2: {  	[tilespmem:v63+s23+$0x0] =	vst.idx.msk $0xffff, v39  }
0x1b3: {  	[tilespmem:v32+s23+$0x0] =	vst.idx.msk $0xffff, v39  }
0x1b4: {  	v6 =	vmov v1;
	[tilespmem:$0x1FD10] =	vst v1;
	v26 =	vld.idx.msk [tilespmem:v1+s15+$0x0], $0xffff;
	v1 =	vimm.s32 $0x72;
	_ =	sdelay $0x4  }
0x1b5: {  	v34 =	vld.idx.msk [tilespmem:v1+s16+$0x0], $0xffff;
	v1 =	vor.u32 $0x705, v0;
	_ =	sdelay $0x3  }
0x1b6: {  	[tilespmem:$0x1FC80] =	vst v7  }
0x1b7: {  	v7 =	vmov v1;
	[tilespmem:$0x1FD50] =	vst v1;
	v49 =	vld.idx.msk [tilespmem:v1+s15+$0x0], $0xffff;
	v1 =	vimm.s32 $0x74;
	_ =	sdelay $0x4  }
0x1b8: {  	v50 =	vld.idx.msk [tilespmem:v1+s16+$0x0], $0xffff;
	v1 =	vimm.s32 $0x75;
	_ =	sdelay $0x4  }
0x1b9: {  	v51 =	vld.idx.msk [tilespmem:v1+s16+$0x0], $0xffff;
	v1 =	vimm.s32 $0x76;
	_ =	sdelay $0x3  }
0x1ba: {  	[tilespmem:$0x1FCA0] =	vst v11;
	v11 =	vor.u32 $0x700, v0  }
0x1bb: {  	v52 =	vld.idx.msk [tilespmem:v1+s16+$0x0], $0xffff;
	v1 =	vimm.s32 $0x77  }
0x1bc: {  	[tilespmem:$0x1FC90] =	vst v4;
	v4 =	vor.u32 $0x702, v0  }
0x1bd: {  	v37 =	vimm.s32 $0x73  }
0x1be: {  	[tilespmem:$0x1FCD0] =	vst v3;
	v3 =	vimm.s32 $0x7B  }
0x1bf: {  	v2 =	vimm.s32 $0x71;
	v5 =	vld.idx.msk [tilespmem:v11+s15+$0x0], $0xffff  }
0x1c0: {  	v57 =	vld.idx.msk [tilespmem:v1+s16+$0x0], $0xffff;
	v1 =	vimm.s32 $0x7A  }
0x1c1: {  	v35 =	vld.idx.msk [tilespmem:v4+s15+$0x0], $0xffff  }
0x1c2: {  	v38 =	vld.idx.msk [tilespmem:v37+s16+$0x0], $0xffff  }
0x1c3: {  	v62 =	vld.idx.msk [tilespmem:v3+s16+$0x0], $0xffff;
	v3 =	vimm.s32 $0x79  }
0x1c4: {  	v10 =	vld.idx.msk [tilespmem:v2+s16+$0x0], $0xffff  }
0x1c5: {  	v58 =	vld.idx.msk [tilespmem:v1+s16+$0x0], $0xffff;
	v1 =	vimm.s32 $0x78  }
0x1c6: {  	v8 =	vor.u32 $0x704, v0  }
0x1c7: {  	v2 =	vor.u32 $0x706, v0  }
0x1c8: {  	v46 =	vld.idx.msk [tilespmem:v3+s16+$0x0], $0xffff;
	v3 =	vimm.s32 $0x7C  }
0x1c9: {  	v41 =	vor.u32 $0x709, v0;
	v61 =	vsub.f32 v35, v38  }
0x1ca: {  	[tilespmem:$0x1FCC0] =	vst v9;
	v9 =	vor.u32 $0x703, v0;
	v10 =	vsub.f32 v5, v10;
	v26 =	vsub.f32 v26, v34;
	v60 =	vld.idx.msk [tilespmem:v1+s16+$0x0], $0xffff  }
0x1cb: {  	v40 =	vor.u32 $0x707, v0;
	[tilespmem:$0x1FCE0] =	vst v63;
	v48 =	vld.idx.msk [tilespmem:v8+s15+$0x0], $0xffff;
	v5 =	vmul.f32 v61, v61  }
0x1cc: {  	v43 =	vor.u32 $0x70A, v0;
	[tilespmem:$0x1FD60] =	vst v2;
	v34 =	vld.idx.msk [tilespmem:v2+s15+$0x0], $0xffff;
	v37 =	vmul.f32 v50, v10;
	v63 =	vmul.f32 v51, v26  }
0x1cd: {  	v45 =	vmul.f32 v10, v10;
	v56 =	vmul.f32 v26, v26;
	v44 =	vld.idx.msk [tilespmem:v3+s16+$0x0], $0xffff;
	v3 =	vmovc v2;
	v2 =	vor.u32 $0x70B, v0  }
0x1ce: {  	[tilespmem:$0x1FCB0] =	vst v30;
	v54 =	vld.idx.msk [tilespmem:v41+s15+$0x0], $0xffff;
	v37 =	vadd.f32 v63, v37;
	v63 =	vmul.f32 v52, v61;
	v1 =	vor.u32 $0x708, v0  }
0x1cf: {  	v47 =	vld.idx.msk [tilespmem:v9+s15+$0x0], $0xffff;
	v42 =	vadd.f32 v56, v45;
	v30 =	vmul.f32 v57, v10;
	v35 =	vmul.f32 v60, v26  }
0x1d0: {  	[tilespmem:$0x1FCF0] =	vst v32;
	v45 =	vld.idx.msk [tilespmem:v40+s15+$0x0], $0xffff;
	v32 =	vmul.f32 v58, v10;
	v26 =	vmul.f32 v62, v26  }
0x1d1: {  	v56 =	vld.idx.msk [tilespmem:v43+s15+$0x0], $0xffff;
	v42 =	vadd.f32 v5, v42;
	v5 =	vmul.f32 v46, v61;
	v30 =	vadd.f32 v35, v30  }
0x1d2: {  	v38 =	vmul.f32 v44, v61;
	v55 =	vld.idx.msk [tilespmem:v2+s15+$0x0], $0xffff;
	v37 =	vadd.f32 v63, v37;
	v26 =	vadd.f32 v26, v32  }
0x1d3: {  	v61 =	vmul.f32 v51, v48;
	v53 =	vld.idx.msk [tilespmem:v1+s15+$0x0], $0xffff;
	v63 =	vmul.f32 v60, v48;
	v30 =	vadd.f32 v5, v30  }
0x1d4: {  	[tilespmem:v11+s23+$0x0] =	vst.idx.msk $0xffff, v37;
	v37 =	vmul.f32 v58, v47;
	v32 =	vmul.f32 $-5.000000000e-01, v42;
	v26 =	vadd.f32 v38, v26  }
0x1d5: {  	v35 =	vmul.f32 v50, v34;
	[tilespmem:v6+s23+$0x0] =	vst.idx.msk $0xffff, v30;
	v30 =	vmul.f32 v50, v47  }
0x1d6: {  	v5 =	vmul.f32 v62, v48;
	[tilespmem:v4+s23+$0x0] =	vst.idx.msk $0xffff, v26;
	v26 =	vmul.f32 v57, v47  }
0x1d7: {  	[tilespmem:$0x1FD20] =	vst v4;
	v38 =	vmul.f32 v60, v45;
	v4 =	vmul.f32 v52, v49;
	v30 =	vadd.f32 v61, v30  }
0x1d8: {  	[tilespmem:$0x1FD40] =	vst v8;
	v48 =	vmul.f32 v50, v54;
	v6 =	vmul.f32 v46, v49;
	v26 =	vadd.f32 v63, v26  }
0x1d9: {  	[tilespmem:$0x1FD00] =	vst v11;
	v42 =	vmul.f32 v46, v53;
	v30 =	vadd.f32 v4, v30;
	v4 =	vmul.f32 v51, v45  }
0x1da: {  	[tilespmem:$0x1FD30] =	vst v9;
	v37 =	vadd.f32 v5, v37;
	v5 =	vmul.f32 v44, v49;
	v26 =	vadd.f32 v6, v26  }
0x1db: {  	v32 =	vmul.f32 $1.442695020e+00, v32;
	v6 =	vmul.f32 v52, v53;
	[tilespmem:v9+s23+$0x0] =	vst.idx.msk $0xffff, v30;
	v30 =	vadd.f32 v4, v35  }
0x1dc: {  	[tilespmem:$0x1FD80] =	vst v2;
	v50 =	vmul.f32 v44, v53;
	v49 =	vmul.f32 v51, v56;
	v37 =	vadd.f32 v5, v37  }
0x1dd: {  	v47 =	vmul.f32 v62, v45;
	[tilespmem:v8+s23+$0x0] =	vst.idx.msk $0xffff, v26;
	v26 =	vadd.f32 v6, v30  }
0x1de: {  	(erf) = vpow2.f32 v32;
	v32 =	vadd.f32 v49, v48;
	v35 =	vmul.f32 v57, v34;
	[tilespmem:v7+s23+$0x0] =	vst.idx.msk $0xffff, v37  }
0x1df: {  	v61 =	vor.u32 $0x70E, v0;
	v51 =	vmul.f32 v52, v55;
	[tilespmem:v3+s23+$0x0] =	vst.idx.msk $0xffff, v26;
	v26 =	vmul.f32 v58, v34  }
0x1e0: {  	[tilespmem:$0x1FD70] =	vst v1;
	v52 =	vmul.f32 v57, v54;
	v53 =	vmul.f32 v60, v56;
	v30 =	vadd.f32 v38, v35  }
0x1e1: {  	[tilespmem:$0x1FDB0] =	vst v61;
	v57 =	vmul.f32 v62, v56;
	v62 =	vor.u32 $0x70F, v0;
	v26 =	vadd.f32 v47, v26  }
0x1e2: {  	v54 =	vmul.f32 v58, v54;
	[tilespmem:$0x1FDC0] =	vst v62;
	v30 =	vadd.f32 v42, v30;
	v3 =	vor.u32 $0x70C, v0  }
0x1e3: {  	v37 =	vadd.f32 v53, v52;
	v58 =	vmul.f32 v46, v55;
	[tilespmem:$0x1FD90] =	vst v3;
	v26 =	vadd.f32 v50, v26  }
0x1e4: {  	v60 =	vmul.f32 v44, v55;
	v32 =	vadd.f32 v51, v32;
	[tilespmem:v40+s23+$0x0] =	vst.idx.msk $0xffff, v30  }
0x1e5: {  	v30 =	vadd.f32 v57, v54;
	[tilespmem:v1+s23+$0x0] =	vst.idx.msk $0xffff, v26;
	v26 =	vadd.f32 v58, v37;
	v1 =	vor.u32 $0x70D, v0  }
0x1e6: {  	[tilespmem:$0x1FDA0] =	vst v1  }
0x1e7: {  	v30 =	vadd.f32 v60, v30;
	[tilespmem:v41+s23+$0x0] =	vst.idx.msk $0xffff, v32  }
0x1e8: {  	[tilespmem:v43+s23+$0x0] =	vst.idx.msk $0xffff, v26  }
0x1e9: {  	[tilespmem:v2+s23+$0x0] =	vst.idx.msk $0xffff, v30;
	v26 =	vpop (erf)  }
0x1ea: {  	[tilespmem:v3+s23+$0x0] =	vst.idx.msk $0xffff, v26  }
0x1eb: {  	[tilespmem:v1+s23+$0x0] =	vst.idx.msk $0xffff, v39  }
0x1ec: {  	s6 =	rddreg [dreg:$0x3];
	[tilespmem:v61+s23+$0x0] =	vst.idx.msk $0xffff, v39  }
0x1ed: {  	s5 =	sadd.s32 s2, s6;
	[tilespmem:v62+s23+$0x0] =	vst.idx.msk $0xffff, v39  }
0x1ee: {  	[hbm4b:s5+s3] =	stream.linear.scatter [tilespmem:s14], [sflag:$0x7], $0x1000, $0x38;
	[tilespmem:$0x9B00] =	vst v63  }
0x1ef: {  	_ =	swait.ge [sflag:s12], $0x1000  }
0x1f0: {  	[sflag:s12] =	ssyncset.done $0x0  }
0x1f1: {  	[sflag:s12] =	ssyncadd.s32 $0xFFFFF000  }
0x1f2: {  	[hbm4b:s31+s3] =	stream.linear.scatter [tilespmem:s23], [sflag:$0x7], $0x800, $0x38;
	[tilespmem:$0x9B00] =	vst v63  }
0x1f3: {  	p0 =	seq.s32 s2, $0x18400;
	_ =	swait.ge [sflag:s12], $0x800  }
0x1f4: {  	s7 =	simm.s32 @!p0 $0x6200;
	s5 =	sshra.s32 @!p0 s2, $0x2;
	[sflag:s12] =	ssyncset.done $0x0  }
0x1f5: {  	s6 =	simm.s32 @!p0 $0x80;
	s5 =	sadd.s32 @!p0 $0x100, s5;
	[sflag:s12] =	ssyncadd.s32 $0xFFFFF800  }
0x1f6: {  	[tilespmem:s7], [sflag:$0x1] =	stream.indirect.gather @!p0 [hbm4b:s1+s6], $0x20, s5, s6, $0xb8;
	[tilespmem:$0x9B00] =	vst v63  }
0x1f7: {  	s7 =	simm.s32 @!p0 $0x8200  }
0x1f8: {  	[tilespmem:s7], [sflag:$0x3] =	stream.indirect.gather @!p0 [hbm4b:s4+s6], $0x10, s5, s6, $0xb8;
	[tilespmem:$0x9B00] =	vst v63  }
0x1f9: {  	s5 =	simm.s32 @!p0 $0x0;
	s6 =	simm.s32 @!p0 $0x9200  }
0x1fa: {  	[tilespmem:s6], [sflag:$0x5] =	stream.linear.gather @!p0 [hbm4b:s8+s5], $0x80, $0x38;
	[tilespmem:$0x9B00] =	vst v63  }
0x1fb: {  	_ =	swait.ge [sflag:s24], $0x1000  }
0x1fc: {  	[sflag:s24] =	ssyncset.done $0x0  }
0x1fd: {  	[sflag:s24] =	ssyncadd.s32 $0xFFFFF000  }
0x1fe: {  	_ =	swait.ge [sflag:s25], $0x800  }
0x1ff: {  	[sflag:s25] =	ssyncset.done $0x0  }
0x200: {  	[sflag:s25] =	ssyncadd.s32 $0xFFFFF800  }
0x201: {  	_ =	swait.ge [sflag:s26], $0x80  }
0x202: {  	v63 =	vld [tilespmem:$0x1FE10]  }
0x203: {  	v1 =	vimm.s32 $0x1;
	v5 =	vld [tilespmem:$0x1FE20]  }
0x204: {  	v4 =	vimm.s32 $0x2;
	v53 =	vld [tilespmem:$0x1FE30]  }
0x205: {  	v6 =	vimm.s32 $0x3;
	[sflag:s26] =	ssyncset.done $0x0;
	v54 =	vld [tilespmem:$0x1FE40]  }
0x206: {  	v58 =	vimm.s32 $0x4;
	v55 =	vld [tilespmem:$0x1FE50];
	[sflag:s26] =	ssyncadd.s32 $0xFFFFFF80  }
0x207: {  	v26 =	vld.idx.msk [tilespmem:v0+s18+$0x0], $0xffff  }
0x208: {  	v60 =	vimm.s32 $0x5;
	v30 =	vld.idx.msk [tilespmem:v1+s19+$0x0], $0xffff  }
0x209: {  	v34 =	vld.idx.msk [tilespmem:v4+s19+$0x0], $0xffff  }
0x20a: {  	v7 =	vld.idx.msk [tilespmem:v6+s19+$0x0], $0xffff  }
0x20b: {  	v49 =	vld.idx.msk [tilespmem:v58+s19+$0x0], $0xffff  }
0x20c: {  	v61 =	vimm.s32 $0x7;
	v32 =	vld.idx.msk [tilespmem:v63+s18+$0x0], $0xffff  }
0x20d: {  	v62 =	vimm.s32 $0x8;
	v50 =	vld.idx.msk [tilespmem:v60+s19+$0x0], $0xffff  }
0x20e: {  	v6 =	vimm.s32 $0xA;
	v37 =	vld.idx.msk [tilespmem:v5+s18+$0x0], $0xffff  }
0x20f: {  	v56 =	vld [tilespmem:$0x1FE60];
	v63 =	vimm.s32 $0x6  }
0x210: {  	v57 =	vld [tilespmem:$0x1FE70]  }
0x211: {  	v51 =	vld.idx.msk [tilespmem:v61+s19+$0x0], $0xffff;
	v26 =	vsub.f32 v26, v30;
	v30 =	vsub.f32 v32, v34  }
0x212: {  	v52 =	vld.idx.msk [tilespmem:v62+s19+$0x0], $0xffff  }
0x213: {  	v42 =	vld.idx.msk [tilespmem:v6+s19+$0x0], $0xffff;
	v37 =	vsub.f32 v37, v7;
	v7 =	vmul.f32 v49, v26;
	v35 =	vmul.f32 v50, v30  }
0x214: {  	v32 =	vld.idx.msk [tilespmem:v63+s19+$0x0], $0xffff  }
0x215: {  	v4 =	vimm.s32 $0x9;
	v6 =	vadd.f32 v35, v7;
	v7 =	vld [tilespmem:$0x1FE90]  }
0x216: {  	v45 =	vld.idx.msk [tilespmem:v54+s18+$0x0], $0xffff;
	v63 =	vimm.s32 $0xB  }
0x217: {  	v46 =	vld.idx.msk [tilespmem:v55+s18+$0x0], $0xffff  }
0x218: {  	v47 =	vld.idx.msk [tilespmem:v56+s18+$0x0], $0xffff  }
0x219: {  	v5 =	vld [tilespmem:$0x1FE80];
	v54 =	vmul.f32 v26, v26  }
0x21a: {  	v34 =	vld.idx.msk [tilespmem:v4+s19+$0x0], $0xffff;
	v55 =	vmul.f32 v30, v30;
	v35 =	vmul.f32 v32, v37  }
0x21b: {  	v58 =	vld.idx.msk [tilespmem:v63+s19+$0x0], $0xffff  }
0x21c: {  	v54 =	vadd.f32 v55, v54;
	v55 =	vadd.f32 v35, v6;
	v6 =	vld [tilespmem:$0x1FEA0]  }
0x21d: {  	v56 =	vld.idx.msk [tilespmem:v7+s18+$0x0], $0xffff  }
0x21e: {  	v7 =	vld [tilespmem:$0x1FEB0]  }
0x21f: {  	v63 =	vimm.s32 $0xC;
	v35 =	vld [tilespmem:$0x1FE10]  }
0x220: {  	v44 =	vld.idx.msk [tilespmem:v53+s18+$0x0], $0xffff  }
0x221: {  	v4 =	vmul.f32 v51, v26;
	v53 =	vld.idx.msk [tilespmem:v5+s18+$0x0], $0xffff;
	v5 =	vmul.f32 v52, v30;
	_ =	sdelay $0x1  }
0x222: {  	v48 =	vld.idx.msk [tilespmem:v57+s18+$0x0], $0xffff;
	v60 =	vadd.f32 v5, v4;
	v5 =	vmul.f32 v34, v37  }
0x223: {  	v61 =	vld.idx.msk [tilespmem:v63+s19+$0x0], $0xffff  }
0x224: {  	v62 =	vmul.f32 v49, v44;
	v38 =	vadd.f32 v5, v60;
	v63 =	vmul.f32 v50, v45;
	v57 =	vld.idx.msk [tilespmem:v6+s18+$0x0], $0xffff  }
0x225: {  	v60 =	vld.idx.msk [tilespmem:v7+s18+$0x0], $0xffff;
	[tilespmem:v0+s23+$0x0] =	vst.idx.msk $0xffff, v55  }
0x226: {  	[tilespmem:v35+s23+$0x0] =	vst.idx.msk $0xffff, v38;
	v38 =	vadd.f32 v63, v62;
	v63 =	vld [tilespmem:$0x1FE20];
	_ =	sdelay $0x1  }
0x227: {  	v26 =	vmul.f32 v42, v26;
	v30 =	vmul.f32 v58, v30  }
0x228: {  	v4 =	vmul.f32 v37, v37  }
0x229: {  	v26 =	vadd.f32 v30, v26;
	v30 =	vmul.f32 v61, v37  }
0x22a: {  	v54 =	vadd.f32 v4, v54;
	v5 =	vmul.f32 v51, v44;
	v6 =	vmul.f32 v52, v45  }
0x22b: {  	v26 =	vadd.f32 v30, v26;
	v30 =	vmul.f32 v42, v44;
	v7 =	vmul.f32 v58, v45  }
0x22c: {  	v4 =	vmul.f32 v32, v46;
	v35 =	vadd.f32 v6, v5  }
0x22d: {  	v62 =	vmul.f32 v34, v46;
	[tilespmem:v63+s23+$0x0] =	vst.idx.msk $0xffff, v26;
	v26 =	vadd.f32 v7, v30;
	v30 =	vmul.f32 $-5.000000000e-01, v54  }
0x22e: {  	v5 =	vmul.f32 v49, v47;
	v6 =	vmul.f32 v50, v48  }
0x22f: {  	v37 =	vadd.f32 v4, v38;
	v38 =	vadd.f32 v62, v35;
	v62 =	vld [tilespmem:$0x1FE30];
	v30 =	vmul.f32 $1.442695020e+00, v30  }
0x230: {  	v63 =	vadd.f32 v6, v5;
	v5 =	vld [tilespmem:$0x1FE40]  }
0x231: {  	(erf) = vpow2.f32 v30;
	v30 =	vld [tilespmem:$0x1FE50];
	_ =	sdelay $0x3  }
0x232: {  	v4 =	vmul.f32 v61, v46;
	_ =	sdelay $0x1  }
0x233: {  	v55 =	vld [tilespmem:$0x1FE60];
	v26 =	vadd.f32 v4, v26;
	[tilespmem:v62+s23+$0x0] =	vst.idx.msk $0xffff, v37;
	v4 =	vmul.f32 v32, v53  }
0x234: {  	[tilespmem:v5+s23+$0x0] =	vst.idx.msk $0xffff, v38  }
0x235: {  	[tilespmem:v30+s23+$0x0] =	vst.idx.msk $0xffff, v26;
	v26 =	vadd.f32 v4, v63;
	v63 =	vld [tilespmem:$0x1FE70]  }
0x236: {  	v35 =	vmul.f32 v52, v48;
	v7 =	vmul.f32 v51, v47;
	_ =	sdelay $0x1  }
0x237: {  	v6 =	vadd.f32 v35, v7;
	v7 =	vmul.f32 v34, v53;
	v35 =	vmul.f32 v42, v47;
	v47 =	vld [tilespmem:$0x1FE80]  }
0x238: {  	v54 =	vmul.f32 v58, v48;
	v48 =	vld [tilespmem:$0x1FE90]  }
0x239: {  	v32 =	vmul.f32 v32, v60;
	v30 =	vadd.f32 v7, v6  }
0x23a: {  	v4 =	vmul.f32 v50, v57;
	[tilespmem:v55+s23+$0x0] =	vst.idx.msk $0xffff, v26;
	v26 =	vmul.f32 v49, v56  }
0x23b: {  	v37 =	vadd.f32 v54, v35;
	v5 =	vmul.f32 v61, v53;
	v7 =	vmul.f32 v58, v57  }
0x23c: {  	v26 =	vadd.f32 v4, v26;
	[tilespmem:v63+s23+$0x0] =	vst.idx.msk $0xffff, v30;
	v30 =	vmul.f32 v42, v56  }
0x23d: {  	v37 =	vadd.f32 v5, v37  }
0x23e: {  	v46 =	vmul.f32 v61, v60;
	v26 =	vadd.f32 v32, v26;
	v30 =	vadd.f32 v7, v30  }
0x23f: {  	[tilespmem:v47+s23+$0x0] =	vst.idx.msk $0xffff, v37  }
0x240: {  	[tilespmem:v48+s23+$0x0] =	vst.idx.msk $0xffff, v26;
	v26 =	vadd.f32 v46, v30;
	v30 =	vld [tilespmem:$0x1FEA0];
	_ =	sdelay $0x1  }
0x241: {  	v62 =	vmul.f32 v51, v56;
	v6 =	vmul.f32 v52, v57;
	_ =	sdelay $0x1  }
0x242: {  	v34 =	vmul.f32 v34, v60;
	v45 =	vadd.f32 v6, v62;
	_ =	sdelay $0x1  }
0x243: {  	v34 =	vadd.f32 v34, v45;
	_ =	sdelay $0x1  }
0x244: {  	[tilespmem:v30+s23+$0x0] =	vst.idx.msk $0xffff, v34;
	v30 =	vld [tilespmem:$0x1FEB0];
	_ =	sdelay $0x7  }
0x245: {  	[tilespmem:v30+s23+$0x0] =	vst.idx.msk $0xffff, v26;
	v30 =	vld [tilespmem:$0x1FEC0];
	_ =	sdelay $0x6  }
0x246: {  	v26 =	vpop (erf)  }
0x247: {  	[tilespmem:v30+s23+$0x0] =	vst.idx.msk $0xffff, v26;
	v26 =	vld [tilespmem:$0x1FED0];
	_ =	sdelay $0x7  }
0x248: {  	[tilespmem:v26+s23+$0x0] =	vst.idx.msk $0xffff, v39;
	v26 =	vld [tilespmem:$0x1FEE0];
	_ =	sdelay $0x7  }
0x249: {  	[tilespmem:v26+s23+$0x0] =	vst.idx.msk $0xffff, v39;
	v26 =	vld [tilespmem:$0x1FEF0];
	_ =	sdelay $0x2  }
0x24a: {  	v51 =	vld [tilespmem:$0x1FF20]  }
0x24b: {  	v54 =	vld [tilespmem:$0x1FF40]  }
0x24c: {  	v49 =	vld [tilespmem:$0x1FF10]  }
0x24d: {  	v53 =	vld [tilespmem:$0x1FF30]  }
0x24e: {  	v5 =	vld [tilespmem:$0x1FF80];
	v30 =	vimm.s32 $0x11  }
0x24f: {  	[tilespmem:v26+s23+$0x0] =	vst.idx.msk $0xffff, v39;
	v26 =	vld [tilespmem:$0x1FF00]  }
0x250: {  	v50 =	vimm.s32 $0x12;
	v57 =	vld [tilespmem:$0x1FF70]  }
0x251: {  	v55 =	vld [tilespmem:$0x1FF50]  }
0x252: {  	v56 =	vld [tilespmem:$0x1FF60]  }
0x253: {  	v52 =	vimm.s32 $0x13;
	v30 =	vld.idx.msk [tilespmem:v30+s19+$0x0], $0xffff  }
0x254: {  	v58 =	vimm.s32 $0x14;
	v32 =	vld.idx.msk [tilespmem:v49+s18+$0x0], $0xffff  }
0x255: {  	v60 =	vimm.s32 $0x15;
	v34 =	vld.idx.msk [tilespmem:v50+s19+$0x0], $0xffff  }
0x256: {  	v37 =	vld.idx.msk [tilespmem:v51+s18+$0x0], $0xffff  }
0x257: {  	v26 =	vld.idx.msk [tilespmem:v26+s18+$0x0], $0xffff  }
0x258: {  	v38 =	vld.idx.msk [tilespmem:v52+s19+$0x0], $0xffff  }
0x259: {  	v4 =	vimm.s32 $0x19;
	v48 =	vld.idx.msk [tilespmem:v58+s19+$0x0], $0xffff  }
0x25a: {  	v61 =	vimm.s32 $0x17;
	v49 =	vld.idx.msk [tilespmem:v60+s19+$0x0], $0xffff  }
0x25b: {  	v63 =	vimm.s32 $0x16;
	v42 =	vld.idx.msk [tilespmem:v53+s18+$0x0], $0xffff  }
0x25c: {  	v44 =	vld.idx.msk [tilespmem:v54+s18+$0x0], $0xffff;
	v26 =	vsub.f32 v26, v30;
	v30 =	vsub.f32 v32, v34  }
0x25d: {  	v62 =	vimm.s32 $0x18;
	v47 =	vld.idx.msk [tilespmem:v57+s18+$0x0], $0xffff  }
0x25e: {  	v34 =	vld.idx.msk [tilespmem:v4+s19+$0x0], $0xffff;
	v4 =	vimm.s32 $0x1B;
	v53 =	vmul.f32 v26, v26;
	v54 =	vmul.f32 v30, v30  }
0x25f: {  	v50 =	vld.idx.msk [tilespmem:v61+s19+$0x0], $0xffff;
	v7 =	vmul.f32 v48, v26;
	v35 =	vmul.f32 v49, v30  }
0x260: {  	v32 =	vld.idx.msk [tilespmem:v63+s19+$0x0], $0xffff  }
0x261: {  	v6 =	vimm.s32 $0x1A;
	v53 =	vadd.f32 v54, v53;
	v54 =	vadd.f32 v35, v7;
	v7 =	vld [tilespmem:$0x1FF90]  }
0x262: {  	v51 =	vld.idx.msk [tilespmem:v62+s19+$0x0], $0xffff  }
0x263: {  	v37 =	vsub.f32 v37, v38;
	v57 =	vld.idx.msk [tilespmem:v4+s19+$0x0], $0xffff;
	v4 =	vimm.s32 $0x1C  }
0x264: {  	v45 =	vld.idx.msk [tilespmem:v55+s18+$0x0], $0xffff  }
0x265: {  	v52 =	vld.idx.msk [tilespmem:v5+s18+$0x0], $0xffff;
	v35 =	vmul.f32 v32, v37  }
0x266: {  	v38 =	vld.idx.msk [tilespmem:v6+s19+$0x0], $0xffff  }
0x267: {  	v54 =	vadd.f32 v35, v54;
	v35 =	vld [tilespmem:$0x1FFB0]  }
0x268: {  	v5 =	vmul.f32 v50, v26;
	v6 =	vmul.f32 v51, v30;
	v60 =	vld.idx.msk [tilespmem:v4+s19+$0x0], $0xffff  }
0x269: {  	v55 =	vld.idx.msk [tilespmem:v7+s18+$0x0], $0xffff  }
0x26a: {  	v58 =	vadd.f32 v6, v5;
	v5 =	vmul.f32 v37, v37;
	v7 =	vld [tilespmem:$0x1FFA0]  }
0x26b: {  	v4 =	vld [tilespmem:$0x1FF00]  }
0x26c: {  	v53 =	vadd.f32 v5, v53;
	v5 =	vld [tilespmem:$0x1FF10];
	_ =	sdelay $0x2  }
0x26d: {  	v6 =	vmul.f32 v34, v37  }
0x26e: {  	v46 =	vld.idx.msk [tilespmem:v56+s18+$0x0], $0xffff  }
0x26f: {  	v62 =	vld [tilespmem:$0x1FF20];
	v26 =	vmul.f32 v38, v26;
	v58 =	vadd.f32 v6, v58;
	v6 =	vmul.f32 v48, v42  }
0x270: {  	v30 =	vmul.f32 v57, v30;
	v56 =	vld.idx.msk [tilespmem:v7+s18+$0x0], $0xffff;
	v7 =	vmul.f32 v49, v44  }
0x271: {  	v61 =	vld.idx.msk [tilespmem:v35+s18+$0x0], $0xffff;
	v35 =	vmul.f32 v32, v45;
	[tilespmem:v4+s23+$0x0] =	vst.idx.msk $0xffff, v54;
	v4 =	vmul.f32 v50, v42  }
0x272: {  	[tilespmem:v5+s23+$0x0] =	vst.idx.msk $0xffff, v58;
	v5 =	vmul.f32 v51, v44;
	v54 =	vadd.f32 v7, v6  }
0x273: {  	v26 =	vadd.f32 v30, v26;
	v30 =	vmul.f32 v60, v37  }
0x274: {  	v7 =	vadd.f32 v5, v4;
	v37 =	vadd.f32 v35, v54;
	v35 =	vmul.f32 v34, v45  }
0x275: {  	v26 =	vadd.f32 v30, v26  }
0x276: {  	v30 =	vmul.f32 v38, v42;
	v6 =	vmul.f32 v57, v44;
	v44 =	vadd.f32 v35, v7;
	v35 =	vld [tilespmem:$0x1FF30];
	_ =	sdelay $0x1  }
0x277: {  	[tilespmem:v62+s23+$0x0] =	vst.idx.msk $0xffff, v26;
	v26 =	vadd.f32 v6, v30;
	v30 =	vmul.f32 $-5.000000000e-01, v53  }
0x278: {  	v4 =	vmul.f32 v48, v46;
	v5 =	vmul.f32 v49, v47  }
0x279: {  	v30 =	vmul.f32 $1.442695020e+00, v30  }
0x27a: {  	v62 =	vadd.f32 v5, v4;
	v4 =	vld [tilespmem:$0x1FF40]  }
0x27b: {  	(erf) = vpow2.f32 v30;
	v30 =	vld [tilespmem:$0x1FF50];
	_ =	sdelay $0x1  }
0x27c: {  	[tilespmem:v35+s23+$0x0] =	vst.idx.msk $0xffff, v37;
	v35 =	vld [tilespmem:$0x1FF60];
	_ =	sdelay $0x1  }
0x27d: {  	v63 =	vmul.f32 v60, v45;
	_ =	sdelay $0x1  }
0x27e: {  	v26 =	vadd.f32 v63, v26;
	v63 =	vmul.f32 v32, v52  }
0x27f: {  	[tilespmem:v4+s23+$0x0] =	vst.idx.msk $0xffff, v44  }
0x280: {  	[tilespmem:v30+s23+$0x0] =	vst.idx.msk $0xffff, v26;
	v26 =	vadd.f32 v63, v62  }
0x281: {  	v6 =	vmul.f32 v50, v46  }
0x282: {  	[tilespmem:v35+s23+$0x0] =	vst.idx.msk $0xffff, v26;
	v26 =	vmul.f32 v48, v55;
	v48 =	vmul.f32 v50, v55;
	v50 =	vld [tilespmem:$0x1FF70]  }
0x283: {  	v54 =	vmul.f32 v60, v52;
	v60 =	vmul.f32 v60, v61  }
0x284: {  	v5 =	vmul.f32 v34, v52;
	v7 =	vmul.f32 v51, v47  }
0x285: {  	v34 =	vmul.f32 v34, v61;
	v32 =	vmul.f32 v32, v61;
	v61 =	vld [tilespmem:$0x1FF80]  }
0x286: {  	v42 =	vadd.f32 v7, v6;
	v62 =	vld [tilespmem:$0x1FF90]  }
0x287: {  	v6 =	vmul.f32 v38, v46;
	v7 =	vmul.f32 v57, v47  }
0x288: {  	v53 =	vmul.f32 v49, v56;
	v30 =	vadd.f32 v5, v42  }
0x289: {  	v57 =	vmul.f32 v57, v56;
	v37 =	vadd.f32 v7, v6  }
0x28a: {  	v26 =	vadd.f32 v53, v26;
	[tilespmem:v50+s23+$0x0] =	vst.idx.msk $0xffff, v30;
	v30 =	vmul.f32 v38, v55  }
0x28b: {  	v37 =	vadd.f32 v54, v37  }
0x28c: {  	v26 =	vadd.f32 v32, v26;
	v30 =	vadd.f32 v57, v30  }
0x28d: {  	[tilespmem:v61+s23+$0x0] =	vst.idx.msk $0xffff, v37  }
0x28e: {  	[tilespmem:v62+s23+$0x0] =	vst.idx.msk $0xffff, v26;
	v26 =	vadd.f32 v60, v30;
	v30 =	vld [tilespmem:$0x1FFA0];
	_ =	sdelay $0x1  }
0x28f: {  	v55 =	vmul.f32 v51, v56;
	_ =	sdelay $0x1  }
0x290: {  	v58 =	vadd.f32 v55, v48;
	_ =	sdelay $0x1  }
0x291: {  	v34 =	vadd.f32 v34, v58;
	_ =	sdelay $0x1  }
0x292: {  	[tilespmem:v30+s23+$0x0] =	vst.idx.msk $0xffff, v34;
	v30 =	vld [tilespmem:$0x1FFB0];
	_ =	sdelay $0x7  }
0x293: {  	[tilespmem:v30+s23+$0x0] =	vst.idx.msk $0xffff, v26;
	v30 =	vld [tilespmem:$0x1FFC0];
	_ =	sdelay $0x6  }
0x294: {  	v26 =	vpop (erf)  }
0x295: {  	[tilespmem:v30+s23+$0x0] =	vst.idx.msk $0xffff, v26;
	v26 =	vld [tilespmem:$0x1FFD0];
	_ =	sdelay $0x7  }
0x296: {  	[tilespmem:v26+s23+$0x0] =	vst.idx.msk $0xffff, v39;
	v26 =	vld [tilespmem:$0x1FFE0];
	_ =	sdelay $0x7  }
0x297: {  	[tilespmem:v26+s23+$0x0] =	vst.idx.msk $0xffff, v39;
	v26 =	vld [tilespmem:$0x1FFF0];
	_ =	sdelay $0x3  }
0x298: {  	v2 =	vimm.s32 $0x21;
	_ =	sdelay $0x3  }
0x299: {  	[tilespmem:v26+s23+$0x0] =	vst.idx.msk $0xffff, v39  }
0x29a: {  	v30 =	vld.idx.msk [tilespmem:v2+s19+$0x0], $0xffff;
	v2 =	vimm.s32 $0x22;
	_ =	sdelay $0x4  }
0x29b: {  	v34 =	vld.idx.msk [tilespmem:v2+s19+$0x0], $0xffff;
	v2 =	vimm.s32 $0x23;
	_ =	sdelay $0x4  }
0x29c: {  	v38 =	vld.idx.msk [tilespmem:v2+s19+$0x0], $0xffff;
	v2 =	vimm.s32 $0x24;
	_ =	sdelay $0x4  }
0x29d: {  	v48 =	vld.idx.msk [tilespmem:v2+s19+$0x0], $0xffff;
	v2 =	vimm.s32 $0x25;
	_ =	sdelay $0x4  }
0x29e: {  	v49 =	vld.idx.msk [tilespmem:v2+s19+$0x0], $0xffff;
	v2 =	vimm.s32 $0x27;
	_ =	sdelay $0x3  }
0x29f: {  	v10 =	vmov v0;
	v0 =	vld [tilespmem:$0x1FDD0]  }
0x2a0: {  	v50 =	vld.idx.msk [tilespmem:v2+s19+$0x0], $0xffff;
	v2 =	vimm.s32 $0x28  }
0x2a1: {  	v39 =	vld [tilespmem:$0x1FDE0];
	_ =	sdelay $0x3  }
0x2a2: {  	v51 =	vld.idx.msk [tilespmem:v2+s19+$0x0], $0xffff;
	v2 =	vimm.s32 $0x26  }
0x2a3: {  	v1 =	vld [tilespmem:$0x1FDF0];
	_ =	sdelay $0x1  }
0x2a4: {  	v26 =	vld.idx.msk [tilespmem:v0+s18+$0x0], $0xffff  }
0x2a5: {  	v63 =	vld.idx.msk [tilespmem:v39+s18+$0x0], $0xffff  }
0x2a6: {  	v32 =	vld.idx.msk [tilespmem:v2+s19+$0x0], $0xffff;
	v2 =	vimm.s32 $0x29;
	_ =	sdelay $0x3  }
0x2a7: {  	v37 =	vld.idx.msk [tilespmem:v1+s18+$0x0], $0xffff  }
0x2a8: {  	v26 =	vsub.f32 v26, v30;
	v30 =	vsub.f32 v63, v34;
	v34 =	vld.idx.msk [tilespmem:v2+s19+$0x0], $0xffff;
	v2 =	vimm.s32 $0x2A;
	_ =	sdelay $0x3  }
0x2a9: {  	v3 =	vld [tilespmem:$0x1FE00]  }
0x2aa: {  	v37 =	vsub.f32 v37, v38;
	v38 =	vld.idx.msk [tilespmem:v2+s19+$0x0], $0xffff;
	v2 =	vimm.s32 $0x2B  }
0x2ab: {  	v8 =	vld [tilespmem:$0x1F9B0]  }
0x2ac: {  	v9 =	vld [tilespmem:$0x1F9C0]  }
0x2ad: {  	v6 =	vld [tilespmem:$0x1F9A0]  }
0x2ae: {  	v4 =	vld [tilespmem:$0x1F990];
	v53 =	vmul.f32 v26, v26;
	v54 =	vmul.f32 v30, v30  }
0x2af: {  	v5 =	vmul.f32 v48, v26;
	v7 =	vmul.f32 v49, v30;
	v57 =	vld.idx.msk [tilespmem:v2+s19+$0x0], $0xffff;
	v2 =	vimm.s32 $0x2C  }
0x2b0: {  	v11 =	vld [tilespmem:$0x1F9D0]  }
0x2b1: {  	v42 =	vld.idx.msk [tilespmem:v3+s18+$0x0], $0xffff;
	v53 =	vadd.f32 v54, v53;
	v54 =	vadd.f32 v7, v5;
	v5 =	vmul.f32 v32, v37  }
0x2b2: {  	v7 =	vld [tilespmem:$0x1F9E0]  }
0x2b3: {  	v54 =	vadd.f32 v5, v54;
	v5 =	vld [tilespmem:$0x1F9F0]  }
0x2b4: {  	v60 =	vld.idx.msk [tilespmem:v2+s19+$0x0], $0xffff  }
0x2b5: {  	v2 =	vld [tilespmem:$0x1FA00]  }
0x2b6: {  	v44 =	vld.idx.msk [tilespmem:v4+s18+$0x0], $0xffff;
	v61 =	vmul.f32 v37, v37  }
0x2b7: {  	v45 =	vld.idx.msk [tilespmem:v6+s18+$0x0], $0xffff;
	v58 =	vmul.f32 v50, v26;
	v35 =	vmul.f32 v51, v30  }
0x2b8: {  	v46 =	vld.idx.msk [tilespmem:v8+s18+$0x0], $0xffff;
	v26 =	vmul.f32 v38, v26;
	v30 =	vmul.f32 v57, v30  }
0x2b9: {  	v47 =	vld.idx.msk [tilespmem:v9+s18+$0x0], $0xffff;
	v58 =	vadd.f32 v35, v58;
	v35 =	vmul.f32 v34, v37  }
0x2ba: {  	v52 =	vld.idx.msk [tilespmem:v11+s18+$0x0], $0xffff;
	v53 =	vadd.f32 v61, v53;
	v26 =	vadd.f32 v30, v26;
	v30 =	vmul.f32 v60, v37  }
0x2bb: {  	v62 =	vmul.f32 v48, v42;
	v63 =	vmul.f32 v49, v44;
	v55 =	vld.idx.msk [tilespmem:v7+s18+$0x0], $0xffff;
	v58 =	vadd.f32 v35, v58  }
0x2bc: {  	v56 =	vld.idx.msk [tilespmem:v5+s18+$0x0], $0xffff;
	v37 =	vmul.f32 v32, v45;
	v26 =	vadd.f32 v30, v26;
	v30 =	vmul.f32 v38, v42  }
0x2bd: {  	v61 =	vld.idx.msk [tilespmem:v2+s18+$0x0], $0xffff;
	[tilespmem:v0+s23+$0x0] =	vst.idx.msk $0xffff, v54;
	v54 =	vadd.f32 v63, v62;
	v62 =	vmul.f32 v51, v44  }
0x2be: {  	v63 =	vmul.f32 v34, v45;
	[tilespmem:v39+s23+$0x0] =	vst.idx.msk $0xffff, v58;
	v58 =	vmul.f32 v50, v42  }
0x2bf: {  	v42 =	vmul.f32 v57, v44;
	v39 =	vmul.f32 v60, v45  }
0x2c0: {  	v37 =	vadd.f32 v37, v54;
	v54 =	vmul.f32 v60, v52;
	v62 =	vadd.f32 v62, v58  }
0x2c1: {  	[tilespmem:v1+s23+$0x0] =	vst.idx.msk $0xffff, v26;
	v26 =	vadd.f32 v42, v30;
	v30 =	vmul.f32 $-5.000000000e-01, v53;
	v58 =	vmul.f32 v48, v46  }
0x2c2: {  	v42 =	vmul.f32 v50, v46;
	v44 =	vadd.f32 v63, v62;
	v62 =	vmul.f32 v49, v47  }
0x2c3: {  	v50 =	vmul.f32 v50, v55;
	v26 =	vadd.f32 v39, v26;
	v63 =	vmul.f32 v51, v47  }
0x2c4: {  	[tilespmem:v3+s23+$0x0] =	vst.idx.msk $0xffff, v37;
	v30 =	vmul.f32 $1.442695020e+00, v30;
	v58 =	vadd.f32 v62, v58;
	v62 =	vmul.f32 v32, v52  }
0x2c5: {  	[tilespmem:v4+s23+$0x0] =	vst.idx.msk $0xffff, v44;
	v42 =	vadd.f32 v63, v42;
	v63 =	vmul.f32 v34, v52  }
0x2c6: {  	v53 =	vmul.f32 v49, v56;
	(erf) = vpow2.f32 v30;
	[tilespmem:v6+s23+$0x0] =	vst.idx.msk $0xffff, v26;
	v26 =	vadd.f32 v62, v58  }
0x2c7: {  	v4 =	vmul.f32 v38, v46;
	v6 =	vmul.f32 v57, v47;
	v30 =	vadd.f32 v63, v42  }
0x2c8: {  	v32 =	vmul.f32 v32, v61;
	[tilespmem:v8+s23+$0x0] =	vst.idx.msk $0xffff, v26;
	v26 =	vmul.f32 v48, v55  }
0x2c9: {  	v37 =	vadd.f32 v6, v4;
	[tilespmem:v9+s23+$0x0] =	vst.idx.msk $0xffff, v30;
	v30 =	vmul.f32 v38, v55  }
0x2ca: {  	v55 =	vmul.f32 v51, v56;
	v56 =	vmul.f32 v57, v56;
	v26 =	vadd.f32 v53, v26  }
0x2cb: {  	v1 =	vld [tilespmem:$0x1FA10];
	v37 =	vadd.f32 v54, v37  }
0x2cc: {  	v58 =	vmul.f32 v60, v61;
	v30 =	vadd.f32 v56, v30;
	v26 =	vadd.f32 v32, v26  }
0x2cd: {  	v34 =	vmul.f32 v34, v61;
	v57 =	vadd.f32 v55, v50;
	[tilespmem:v11+s23+$0x0] =	vst.idx.msk $0xffff, v37  }
0x2ce: {  	[tilespmem:v7+s23+$0x0] =	vst.idx.msk $0xffff, v26;
	v26 =	vadd.f32 v58, v30  }
0x2cf: {  	v34 =	vadd.f32 v34, v57;
	_ =	sdelay $0x1  }
0x2d0: {  	[tilespmem:v5+s23+$0x0] =	vst.idx.msk $0xffff, v34  }
0x2d1: {  	[tilespmem:v2+s23+$0x0] =	vst.idx.msk $0xffff, v26;
	v26 =	vpop (erf)  }
0x2d2: {  	[tilespmem:v1+s23+$0x0] =	vst.idx.msk $0xffff, v26;
	v1 =	vld [tilespmem:$0x1FA20];
	_ =	sdelay $0x6  }
0x2d3: {  	v35 =	vimm.f32 $0.0e+00  }
0x2d4: {  	[tilespmem:v1+s23+$0x0] =	vst.idx.msk $0xffff, v35;
	v1 =	vld [tilespmem:$0x1FA30];
	_ =	sdelay $0x7  }
0x2d5: {  	[tilespmem:v1+s23+$0x0] =	vst.idx.msk $0xffff, v35;
	v1 =	vld [tilespmem:$0x1FA40];
	_ =	sdelay $0x3  }
0x2d6: {  	v3 =	vimm.s32 $0x32;
	_ =	sdelay $0x3  }
0x2d7: {  	[tilespmem:v1+s23+$0x0] =	vst.idx.msk $0xffff, v35  }
0x2d8: {  	v34 =	vld.idx.msk [tilespmem:v3+s19+$0x0], $0xffff;
	v3 =	vimm.s32 $0x33;
	_ =	sdelay $0x4  }
0x2d9: {  	v61 =	vld.idx.msk [tilespmem:v3+s19+$0x0], $0xffff;
	v3 =	vimm.s32 $0x34;
	_ =	sdelay $0x4  }
0x2da: {  	v48 =	vld.idx.msk [tilespmem:v3+s19+$0x0], $0xffff;
	v3 =	vimm.s32 $0x35;
	_ =	sdelay $0x4  }
0x2db: {  	v49 =	vld.idx.msk [tilespmem:v3+s19+$0x0], $0xffff;
	v3 =	vimm.s32 $0x37;
	_ =	sdelay $0x4  }
0x2dc: {  	v50 =	vld.idx.msk [tilespmem:v3+s19+$0x0], $0xffff;
	v3 =	vimm.s32 $0x38;
	_ =	sdelay $0x3  }
0x2dd: {  	v2 =	vimm.s32 $0x31  }
0x2de: {  	v51 =	vld.idx.msk [tilespmem:v3+s19+$0x0], $0xffff;
	v3 =	vimm.s32 $0x36;
	_ =	sdelay $0x2  }
0x2df: {  	v1 =	vld [tilespmem:$0x1FA50]  }
0x2e0: {  	v30 =	vld.idx.msk [tilespmem:v2+s19+$0x0], $0xffff  }
0x2e1: {  	v52 =	vld.idx.msk [tilespmem:v3+s19+$0x0], $0xffff;
	v3 =	vimm.s32 $0x39  }
0x2e2: {  	v2 =	vld [tilespmem:$0x1FA60];
	_ =	sdelay $0x1  }
0x2e3: {  	v5 =	vld [tilespmem:$0x1FA70];
	_ =	sdelay $0x1  }
0x2e4: {  	v32 =	vld.idx.msk [tilespmem:v3+s19+$0x0], $0xffff;
	v3 =	vimm.s32 $0x3A  }
0x2e5: {  	v0 =	vmov v10;
	v10 =	vld [tilespmem:$0x1FAE0]  }
0x2e6: {  	v4 =	vld [tilespmem:$0x1FA80]  }
0x2e7: {  	v26 =	vld.idx.msk [tilespmem:v1+s18+$0x0], $0xffff  }
0x2e8: {  	v60 =	vld.idx.msk [tilespmem:v2+s18+$0x0], $0xffff  }
0x2e9: {  	v55 =	vld.idx.msk [tilespmem:v3+s19+$0x0], $0xffff;
	v3 =	vimm.s32 $0x3B  }
0x2ea: {  	v37 =	vld.idx.msk [tilespmem:v5+s18+$0x0], $0xffff  }
0x2eb: {  	v39 =	vld [tilespmem:$0x1FAC0]  }
0x2ec: {  	v8 =	vld [tilespmem:$0x1FA90]  }
0x2ed: {  	v7 =	vld [tilespmem:$0x1FAA0];
	v26 =	vsub.f32 v26, v30;
	v30 =	vsub.f32 v60, v34  }
0x2ee: {  	v54 =	vld.idx.msk [tilespmem:v3+s19+$0x0], $0xffff;
	v3 =	vimm.s32 $0x3C  }
0x2ef: {  	v6 =	vld [tilespmem:$0x1FAB0];
	v37 =	vsub.f32 v37, v61;
	v62 =	vmul.f32 v48, v26;
	v63 =	vmul.f32 v49, v30  }
0x2f0: {  	v9 =	vld [tilespmem:$0x1FAD0]  }
0x2f1: {  	v11 =	vld [tilespmem:$0x1FAF0];
	v53 =	vadd.f32 v63, v62;
	v58 =	vmul.f32 v52, v37  }
0x2f2: {  	v42 =	vld.idx.msk [tilespmem:v4+s18+$0x0], $0xffff  }
0x2f3: {  	v53 =	vadd.f32 v58, v53;
	v58 =	vld.idx.msk [tilespmem:v3+s19+$0x0], $0xffff  }
0x2f4: {  	v3 =	vld [tilespmem:$0x1FB00]  }
0x2f5: {  	v44 =	vld.idx.msk [tilespmem:v8+s18+$0x0], $0xffff  }
0x2f6: {  	v45 =	vld.idx.msk [tilespmem:v7+s18+$0x0], $0xffff  }
0x2f7: {  	v46 =	vld.idx.msk [tilespmem:v6+s18+$0x0], $0xffff;
	v60 =	vmul.f32 v50, v26;
	v61 =	vmul.f32 v51, v30  }
0x2f8: {  	v47 =	vld.idx.msk [tilespmem:v39+s18+$0x0], $0xffff  }
0x2f9: {  	v38 =	vld.idx.msk [tilespmem:v10+s18+$0x0], $0xffff;
	v56 =	vadd.f32 v61, v60;
	v60 =	vmul.f32 v32, v37  }
0x2fa: {  	v57 =	vld.idx.msk [tilespmem:v11+s18+$0x0], $0xffff;
	v62 =	vmul.f32 v30, v30;
	v61 =	vmul.f32 v26, v26  }
0x2fb: {  	v34 =	vld.idx.msk [tilespmem:v9+s18+$0x0], $0xffff;
	v56 =	vadd.f32 v60, v56;
	v26 =	vmul.f32 v55, v26;
	v30 =	vmul.f32 v54, v30  }
0x2fc: {  	v60 =	vld.idx.msk [tilespmem:v3+s18+$0x0], $0xffff;
	[tilespmem:v1+s23+$0x0] =	vst.idx.msk $0xffff, v53;
	v53 =	vadd.f32 v62, v61;
	v61 =	vmul.f32 v37, v37  }
0x2fd: {  	v26 =	vadd.f32 v30, v26;
	v30 =	vmul.f32 v58, v37;
	[tilespmem:v2+s23+$0x0] =	vst.idx.msk $0xffff, v56  }
0x2fe: {  	v56 =	vmul.f32 v48, v42;
	v53 =	vadd.f32 v61, v53;
	v61 =	vmul.f32 v49, v44  }
0x2ff: {  	v63 =	vmul.f32 v32, v45;
	v26 =	vadd.f32 v30, v26;
	v30 =	vmul.f32 v55, v42  }
0x300: {  	v62 =	vmul.f32 v51, v44;
	v56 =	vadd.f32 v61, v56;
	v61 =	vmul.f32 v50, v42  }
0x301: {  	v37 =	vmul.f32 v52, v45;
	v42 =	vmul.f32 v54, v44  }
0x302: {  	[tilespmem:v5+s23+$0x0] =	vst.idx.msk $0xffff, v26;
	v5 =	vmul.f32 v50, v46;
	v62 =	vadd.f32 v62, v61  }
0x303: {  	v37 =	vadd.f32 v37, v56;
	v26 =	vadd.f32 v42, v30;
	v61 =	vmul.f32 v58, v45  }
0x304: {  	v44 =	vadd.f32 v63, v62;
	v62 =	vmul.f32 v48, v46;
	v63 =	vmul.f32 v49, v47  }
0x305: {  	v30 =	vmul.f32 $-5.000000000e-01, v53;
	v53 =	vmul.f32 v54, v57;
	v26 =	vadd.f32 v61, v26  }
0x306: {  	[tilespmem:v4+s23+$0x0] =	vst.idx.msk $0xffff, v37;
	v62 =	vadd.f32 v63, v62;
	v63 =	vmul.f32 v52, v34  }
0x307: {  	v61 =	vmul.f32 v51, v47;
	v30 =	vmul.f32 $1.442695020e+00, v30;
	[tilespmem:v8+s23+$0x0] =	vst.idx.msk $0xffff, v44  }
0x308: {  	v4 =	vmul.f32 v32, v34;
	[tilespmem:v7+s23+$0x0] =	vst.idx.msk $0xffff, v26;
	v26 =	vadd.f32 v63, v62  }
0x309: {  	v42 =	vadd.f32 v61, v5;
	(erf) = vpow2.f32 v30;
	v5 =	vmul.f32 v55, v46  }
0x30a: {  	v7 =	vmul.f32 v54, v47;
	[tilespmem:v6+s23+$0x0] =	vst.idx.msk $0xffff, v26;
	v26 =	vmul.f32 v48, v38  }
0x30b: {  	v30 =	vadd.f32 v4, v42;
	v48 =	vmul.f32 v50, v38;
	v50 =	vmul.f32 v49, v57  }
0x30c: {  	v34 =	vmul.f32 v58, v34;
	v54 =	vmul.f32 v52, v60;
	v37 =	vadd.f32 v7, v5  }
0x30d: {  	[tilespmem:v39+s23+$0x0] =	vst.idx.msk $0xffff, v30;
	v30 =	vmul.f32 v55, v38;
	v26 =	vadd.f32 v50, v26  }
0x30e: {  	v1 =	vld [tilespmem:$0x1FB10];
	v51 =	vmul.f32 v51, v57;
	v34 =	vadd.f32 v34, v37  }
0x30f: {  	v56 =	vmul.f32 v58, v60;
	v30 =	vadd.f32 v53, v30;
	v26 =	vadd.f32 v54, v26  }
0x310: {  	v32 =	vmul.f32 v32, v60;
	v55 =	vadd.f32 v51, v48;
	[tilespmem:v9+s23+$0x0] =	vst.idx.msk $0xffff, v34  }
0x311: {  	[tilespmem:v10+s23+$0x0] =	vst.idx.msk $0xffff, v26;
	v26 =	vadd.f32 v56, v30  }
0x312: {  	v32 =	vadd.f32 v32, v55;
	_ =	sdelay $0x1  }
0x313: {  	[tilespmem:v11+s23+$0x0] =	vst.idx.msk $0xffff, v32  }
0x314: {  	[tilespmem:v3+s23+$0x0] =	vst.idx.msk $0xffff, v26;
	v26 =	vpop (erf)  }
0x315: {  	[tilespmem:v1+s23+$0x0] =	vst.idx.msk $0xffff, v26;
	v1 =	vld [tilespmem:$0x1FB20];
	_ =	sdelay $0x7  }
0x316: {  	[tilespmem:v1+s23+$0x0] =	vst.idx.msk $0xffff, v35;
	v1 =	vld [tilespmem:$0x1FB30];
	_ =	sdelay $0x7  }
0x317: {  	[tilespmem:v1+s23+$0x0] =	vst.idx.msk $0xffff, v35;
	v1 =	vld [tilespmem:$0x1FB40];
	_ =	sdelay $0x3  }
0x318: {  	v2 =	vimm.s32 $0x44;
	_ =	sdelay $0x3  }
0x319: {  	[tilespmem:v1+s23+$0x0] =	vst.idx.msk $0xffff, v35  }
0x31a: {  	v48 =	vld.idx.msk [tilespmem:v2+s19+$0x0], $0xffff;
	v2 =	vimm.s32 $0x45;
	_ =	sdelay $0x4  }
0x31b: {  	v49 =	vld.idx.msk [tilespmem:v2+s19+$0x0], $0xffff;
	v2 =	vimm.s32 $0x47;
	_ =	sdelay $0x3  }
0x31c: {  	v1 =	vimm.s32 $0x41  }
0x31d: {  	v50 =	vld.idx.msk [tilespmem:v2+s19+$0x0], $0xffff;
	v2 =	vimm.s32 $0x48;
	_ =	sdelay $0x3  }
0x31e: {  	v30 =	vld.idx.msk [tilespmem:v1+s19+$0x0], $0xffff;
	v1 =	vimm.s32 $0x42  }
0x31f: {  	v51 =	vld.idx.msk [tilespmem:v2+s19+$0x0], $0xffff;
	v2 =	vimm.s32 $0x46;
	_ =	sdelay $0x1  }
0x320: {  	v26 =	vld.idx.msk [tilespmem:v22+s18+$0x0], $0xffff  }
0x321: {  	v32 =	vld.idx.msk [tilespmem:v23+s18+$0x0], $0xffff  }
0x322: {  	v34 =	vld.idx.msk [tilespmem:v1+s19+$0x0], $0xffff  }
0x323: {  	v52 =	vld.idx.msk [tilespmem:v2+s19+$0x0], $0xffff;
	v2 =	vimm.s32 $0x49;
	_ =	sdelay $0x3  }
0x324: {  	v4 =	vld [tilespmem:$0x1FB50]  }
0x325: {  	v26 =	vsub.f32 v26, v30;
	v30 =	vsub.f32 v32, v34;
	v32 =	vld.idx.msk [tilespmem:v2+s19+$0x0], $0xffff;
	v2 =	vimm.s32 $0x4A;
	_ =	sdelay $0x2  }
0x326: {  	v8 =	vld [tilespmem:$0x1FBB0]  }
0x327: {  	v3 =	vld [tilespmem:$0x1FB60];
	v1 =	vimm.s32 $0x43  }
0x328: {  	v55 =	vld.idx.msk [tilespmem:v2+s19+$0x0], $0xffff;
	v2 =	vimm.s32 $0x4B  }
0x329: {  	v5 =	vld [tilespmem:$0x1FB90]  }
0x32a: {  	v6 =	vld [tilespmem:$0x1FB80]  }
0x32b: {  	v57 =	vld.idx.msk [tilespmem:v4+s18+$0x0], $0xffff  }
0x32c: {  	v58 =	vld.idx.msk [tilespmem:v1+s19+$0x0], $0xffff  }
0x32d: {  	v54 =	vld.idx.msk [tilespmem:v2+s19+$0x0], $0xffff;
	v2 =	vimm.s32 $0x4C  }
0x32e: {  	v7 =	vld [tilespmem:$0x1FBA0]  }
0x32f: {  	v9 =	vld [tilespmem:$0x1FBC0]  }
0x330: {  	v42 =	vld.idx.msk [tilespmem:v3+s18+$0x0], $0xffff  }
0x331: {  	v1 =	vld [tilespmem:$0x1FB70]  }
0x332: {  	v37 =	vsub.f32 v57, v58;
	v58 =	vld.idx.msk [tilespmem:v2+s19+$0x0], $0xffff  }
0x333: {  	v2 =	vld [tilespmem:$0x1FBD0]  }
0x334: {  	v45 =	vld.idx.msk [tilespmem:v6+s18+$0x0], $0xffff  }
0x335: {  	v46 =	vld.idx.msk [tilespmem:v5+s18+$0x0], $0xffff;
	v60 =	vmul.f32 v48, v26;
	v61 =	vmul.f32 v49, v30  }
0x336: {  	v47 =	vld.idx.msk [tilespmem:v27+s18+$0x0], $0xffff;
	v62 =	vmul.f32 v50, v26  }
0x337: {  	v38 =	vld.idx.msk [tilespmem:v8+s18+$0x0], $0xffff;
	v53 =	vadd.f32 v61, v60;
	v63 =	vmul.f32 v51, v30;
	v39 =	vmul.f32 v52, v37  }
0x338: {  	v34 =	vld.idx.msk [tilespmem:v7+s18+$0x0], $0xffff  }
0x339: {  	v44 =	vld.idx.msk [tilespmem:v1+s18+$0x0], $0xffff;
	v56 =	vadd.f32 v63, v62;
	v53 =	vadd.f32 v39, v53;
	v60 =	vmul.f32 v32, v37  }
0x33a: {  	v61 =	vmul.f32 v26, v26;
	v57 =	vld.idx.msk [tilespmem:v9+s18+$0x0], $0xffff;
	v39 =	vmul.f32 v30, v30  }
0x33b: {  	v62 =	vmul.f32 v50, v42;
	v56 =	vadd.f32 v60, v56;
	v60 =	vld.idx.msk [tilespmem:v2+s18+$0x0], $0xffff;
	[tilespmem:v22+s23+$0x0] =	vst.idx.msk $0xffff, v53  }
0x33c: {  	v22 =	vadd.f32 v39, v61;
	v39 =	vmul.f32 v37, v37;
	v53 =	vmul.f32 v48, v46  }
0x33d: {  	[tilespmem:v23+s23+$0x0] =	vst.idx.msk $0xffff, v56;
	v23 =	vmul.f32 v55, v26;
	v26 =	vmul.f32 v54, v30  }
0x33e: {  	v30 =	vmul.f32 v48, v42;
	v56 =	vmul.f32 v49, v44  }
0x33f: {  	v22 =	vadd.f32 v39, v22;
	v23 =	vadd.f32 v26, v23;
	v26 =	vmul.f32 v58, v37  }
0x340: {  	v39 =	vmul.f32 v51, v44;
	v37 =	vmul.f32 v52, v45;
	v30 =	vadd.f32 v56, v30  }
0x341: {  	v23 =	vadd.f32 v26, v23;
	v26 =	vmul.f32 v55, v42;
	v42 =	vmul.f32 v54, v44  }
0x342: {  	v56 =	vmul.f32 v49, v47;
	v62 =	vadd.f32 v39, v62;
	v39 =	vmul.f32 v32, v45  }
0x343: {  	[tilespmem:v4+s23+$0x0] =	vst.idx.msk $0xffff, v23;
	v23 =	vadd.f32 v42, v26;
	v26 =	vmul.f32 v58, v45  }
0x344: {  	v22 =	vmul.f32 $-5.000000000e-01, v22;
	v30 =	vadd.f32 v37, v30;
	v37 =	vadd.f32 v39, v62  }
0x345: {  	v62 =	vmul.f32 v51, v47;
	v23 =	vadd.f32 v26, v23;
	v26 =	vmul.f32 v50, v46  }
0x346: {  	v22 =	vmul.f32 $1.442695020e+00, v22;
	v4 =	vmul.f32 v52, v34;
	[tilespmem:v3+s23+$0x0] =	vst.idx.msk $0xffff, v30;
	v30 =	vadd.f32 v56, v53  }
0x347: {  	v45 =	vmul.f32 v32, v34;
	v26 =	vadd.f32 v62, v26  }
0x348: {  	(erf) = vpow2.f32 v22;
	v53 =	vmul.f32 v50, v38;
	[tilespmem:v1+s23+$0x0] =	vst.idx.msk $0xffff, v37;
	v22 =	vadd.f32 v4, v30  }
0x349: {  	v56 =	vmul.f32 v51, v57;
	[tilespmem:v6+s23+$0x0] =	vst.idx.msk $0xffff, v23;
	v23 =	vadd.f32 v45, v26  }
0x34a: {  	v30 =	vmul.f32 v54, v47;
	[tilespmem:v5+s23+$0x0] =	vst.idx.msk $0xffff, v22;
	v26 =	vmul.f32 v55, v46  }
0x34b: {  	v22 =	vmul.f32 v48, v38;
	[tilespmem:v27+s23+$0x0] =	vst.idx.msk $0xffff, v23;
	v27 =	vmul.f32 v49, v57  }
0x34c: {  	v1 =	vld [tilespmem:$0x1FBE0];
	v23 =	vmul.f32 v55, v38;
	v26 =	vadd.f32 v30, v26;
	v30 =	vmul.f32 v58, v34  }
0x34d: {  	v22 =	vadd.f32 v27, v22;
	v27 =	vmul.f32 v54, v57;
	v57 =	vmul.f32 v52, v60  }
0x34e: {  	v32 =	vmul.f32 v32, v60;
	v26 =	vadd.f32 v30, v26;
	v30 =	vadd.f32 v56, v53  }
0x34f: {  	v22 =	vadd.f32 v57, v22;
	v23 =	vadd.f32 v27, v23;
	v27 =	vmul.f32 v58, v60  }
0x350: {  	[tilespmem:v7+s23+$0x0] =	vst.idx.msk $0xffff, v26;
	v26 =	vadd.f32 v32, v30  }
0x351: {  	[tilespmem:v8+s23+$0x0] =	vst.idx.msk $0xffff, v22;
	v22 =	vadd.f32 v27, v23  }
0x352: {  	[tilespmem:v9+s23+$0x0] =	vst.idx.msk $0xffff, v26  }
0x353: {  	v23 =	vpop (erf);
	[tilespmem:v2+s23+$0x0] =	vst.idx.msk $0xffff, v22  }
0x354: {  	[tilespmem:v1+s23+$0x0] =	vst.idx.msk $0xffff, v23;
	v1 =	vld [tilespmem:$0x1FBF0];
	_ =	sdelay $0x7  }
0x355: {  	[tilespmem:v1+s23+$0x0] =	vst.idx.msk $0xffff, v35;
	v1 =	vld [tilespmem:$0x1FC00];
	_ =	sdelay $0x7  }
0x356: {  	[tilespmem:v1+s23+$0x0] =	vst.idx.msk $0xffff, v35;
	v1 =	vld [tilespmem:$0x1FC10];
	_ =	sdelay $0x7  }
0x357: {  	[tilespmem:v1+s23+$0x0] =	vst.idx.msk $0xffff, v35;
	v1 =	vimm.s32 $0x51;
	_ =	sdelay $0x4  }
0x358: {  	v23 =	vld.idx.msk [tilespmem:v1+s19+$0x0], $0xffff;
	v1 =	vimm.s32 $0x52;
	_ =	sdelay $0x4  }
0x359: {  	v27 =	vld.idx.msk [tilespmem:v1+s19+$0x0], $0xffff;
	v1 =	vimm.s32 $0x53;
	_ =	sdelay $0x4  }
0x35a: {  	v62 =	vld.idx.msk [tilespmem:v1+s19+$0x0], $0xffff;
	v1 =	vimm.s32 $0x54;
	_ =	sdelay $0x4  }
0x35b: {  	v45 =	vld.idx.msk [tilespmem:v1+s19+$0x0], $0xffff;
	v1 =	vimm.s32 $0x55;
	_ =	sdelay $0x4  }
0x35c: {  	v46 =	vld.idx.msk [tilespmem:v1+s19+$0x0], $0xffff;
	v1 =	vimm.s32 $0x57;
	_ =	sdelay $0x4  }
0x35d: {  	v47 =	vld.idx.msk [tilespmem:v1+s19+$0x0], $0xffff;
	v1 =	vimm.s32 $0x58;
	_ =	sdelay $0x4  }
0x35e: {  	v48 =	vld.idx.msk [tilespmem:v1+s19+$0x0], $0xffff;
	v1 =	vimm.s32 $0x56;
	_ =	sdelay $0x2  }
0x35f: {  	v22 =	vld.idx.msk [tilespmem:v12+s18+$0x0], $0xffff  }
0x360: {  	v26 =	vld.idx.msk [tilespmem:v15+s18+$0x0], $0xffff  }
0x361: {  	v49 =	vld.idx.msk [tilespmem:v1+s19+$0x0], $0xffff;
	v1 =	vimm.s32 $0x59;
	_ =	sdelay $0x4  }
0x362: {  	v22 =	vsub.f32 v22, v23;
	v23 =	vsub.f32 v26, v27;
	v26 =	vld.idx.msk [tilespmem:v1+s19+$0x0], $0xffff;
	v1 =	vimm.s32 $0x5A;
	_ =	sdelay $0x2  }
0x363: {  	v3 =	vld [tilespmem:$0x1FC30]  }
0x364: {  	v2 =	vld [tilespmem:$0x1FC20]  }
0x365: {  	v52 =	vld.idx.msk [tilespmem:v1+s19+$0x0], $0xffff;
	v1 =	vimm.s32 $0x5B  }
0x366: {  	v30 =	vld.idx.msk [tilespmem:v16+s18+$0x0], $0xffff  }
0x367: {  	v34 =	vld.idx.msk [tilespmem:v20+s18+$0x0], $0xffff  }
0x368: {  	v37 =	vld.idx.msk [tilespmem:v21+s18+$0x0], $0xffff  }
0x369: {  	v38 =	vld.idx.msk [tilespmem:v24+s18+$0x0], $0xffff  }
0x36a: {  	v51 =	vld.idx.msk [tilespmem:v1+s19+$0x0], $0xffff;
	v1 =	vimm.s32 $0x5C  }
0x36b: {  	v42 =	vld.idx.msk [tilespmem:v19+s18+$0x0], $0xffff;
	v30 =	vsub.f32 v30, v62;
	v4 =	vmul.f32 v45, v22;
	v5 =	vmul.f32 v46, v23  }
0x36c: {  	v44 =	vld.idx.msk [tilespmem:v18+s18+$0x0], $0xffff;
	v6 =	vmul.f32 v47, v22;
	v7 =	vmul.f32 v48, v23  }
0x36d: {  	v32 =	vld.idx.msk [tilespmem:v3+s18+$0x0], $0xffff;
	v50 =	vadd.f32 v5, v4;
	v39 =	vmul.f32 v49, v30  }
0x36e: {  	v54 =	vld.idx.msk [tilespmem:v28+s18+$0x0], $0xffff;
	v53 =	vadd.f32 v7, v6;
	v62 =	vmul.f32 v26, v30  }
0x36f: {  	v4 =	vmul.f32 v22, v22;
	v50 =	vadd.f32 v39, v50;
	v55 =	vld.idx.msk [tilespmem:v1+s19+$0x0], $0xffff  }
0x370: {  	v56 =	vld.idx.msk [tilespmem:v25+s18+$0x0], $0xffff;
	v5 =	vmul.f32 v23, v23;
	v6 =	vmul.f32 v30, v30;
	v53 =	vadd.f32 v62, v53  }
0x371: {  	v27 =	vld.idx.msk [tilespmem:v2+s18+$0x0], $0xffff;
	v7 =	vmul.f32 v46, v37;
	v39 =	vmul.f32 v47, v34;
	[tilespmem:v12+s23+$0x0] =	vst.idx.msk $0xffff, v50  }
0x372: {  	[tilespmem:v15+s23+$0x0] =	vst.idx.msk $0xffff, v53;
	v15 =	vmul.f32 v52, v22;
	v22 =	vmul.f32 v51, v23  }
0x373: {  	v62 =	vmul.f32 v48, v37;
	v12 =	vadd.f32 v5, v4;
	v23 =	vmul.f32 v45, v34  }
0x374: {  	v4 =	vmul.f32 v51, v37;
	v15 =	vadd.f32 v22, v15;
	v22 =	vmul.f32 v55, v30  }
0x375: {  	v5 =	vmul.f32 v26, v38;
	v23 =	vadd.f32 v7, v23;
	v30 =	vmul.f32 v49, v38  }
0x376: {  	v12 =	vadd.f32 v6, v12;
	v15 =	vadd.f32 v22, v15;
	v22 =	vmul.f32 v52, v34  }
0x377: {  	v6 =	vmul.f32 v46, v44;
	v23 =	vadd.f32 v30, v23;
	v30 =	vadd.f32 v62, v39  }
0x378: {  	[tilespmem:v16+s23+$0x0] =	vst.idx.msk $0xffff, v15;
	v15 =	vadd.f32 v4, v22;
	v16 =	vmul.f32 v55, v38  }
0x379: {  	v12 =	vmul.f32 $-5.000000000e-01, v12;
	v22 =	vadd.f32 v5, v30;
	v30 =	vmul.f32 v45, v42  }
0x37a: {  	v7 =	vmul.f32 v48, v44;
	v15 =	vadd.f32 v16, v15;
	v16 =	vmul.f32 v47, v42  }
0x37b: {  	v12 =	vmul.f32 $1.442695020e+00, v12;
	[tilespmem:v20+s23+$0x0] =	vst.idx.msk $0xffff, v23;
	v23 =	vmul.f32 v49, v27;
	v20 =	vadd.f32 v6, v30  }
0x37c: {  	[tilespmem:v21+s23+$0x0] =	vst.idx.msk $0xffff, v22;
	v21 =	vmul.f32 v26, v27;
	v16 =	vadd.f32 v7, v16  }
0x37d: {  	(erf) = vpow2.f32 v12;
	v22 =	vmul.f32 v51, v54;
	v12 =	vadd.f32 v23, v20  }
0x37e: {  	[tilespmem:v24+s23+$0x0] =	vst.idx.msk $0xffff, v15;
	v20 =	vmul.f32 v51, v44;
	v15 =	vadd.f32 v21, v16  }
0x37f: {  	v16 =	vmul.f32 v52, v42;
	[tilespmem:v19+s23+$0x0] =	vst.idx.msk $0xffff, v12;
	v12 =	vmul.f32 v55, v27  }
0x380: {  	v19 =	vmul.f32 v45, v32;
	[tilespmem:v18+s23+$0x0] =	vst.idx.msk $0xffff, v15;
	v15 =	vmul.f32 v46, v54  }
0x381: {  	v21 =	vmul.f32 v48, v54;
	v16 =	vadd.f32 v20, v16;
	v20 =	vmul.f32 v47, v32  }
0x382: {  	v1 =	vld [tilespmem:$0x1FC40];
	v18 =	vmul.f32 v49, v56;
	v15 =	vadd.f32 v15, v19;
	v19 =	vmul.f32 v52, v32  }
0x383: {  	v12 =	vadd.f32 v12, v16;
	v16 =	vadd.f32 v21, v20;
	v20 =	vmul.f32 v26, v56  }
0x384: {  	v15 =	vadd.f32 v18, v15;
	v18 =	vadd.f32 v22, v19  }
0x385: {  	v19 =	vmul.f32 v55, v56;
	[tilespmem:v2+s23+$0x0] =	vst.idx.msk $0xffff, v12;
	v12 =	vadd.f32 v20, v16;
	_ =	sdelay $0x1  }
0x386: {  	[tilespmem:v3+s23+$0x0] =	vst.idx.msk $0xffff, v15;
	v15 =	vadd.f32 v19, v18  }
0x387: {  	[tilespmem:v28+s23+$0x0] =	vst.idx.msk $0xffff, v12  }
0x388: {  	v12 =	vpop (erf);
	[tilespmem:v25+s23+$0x0] =	vst.idx.msk $0xffff, v15  }
0x389: {  	[tilespmem:v1+s23+$0x0] =	vst.idx.msk $0xffff, v12;
	v1 =	vld [tilespmem:$0x1FC50];
	_ =	sdelay $0x7  }
0x38a: {  	[tilespmem:v1+s23+$0x0] =	vst.idx.msk $0xffff, v35;
	v1 =	vld [tilespmem:$0x1FC60];
	_ =	sdelay $0x7  }
0x38b: {  	[tilespmem:v1+s23+$0x0] =	vst.idx.msk $0xffff, v35;
	v1 =	vld [tilespmem:$0x1FC70];
	_ =	sdelay $0x7  }
0x38c: {  	[tilespmem:v1+s23+$0x0] =	vst.idx.msk $0xffff, v35;
	v1 =	vimm.s32 $0x61;
	_ =	sdelay $0x4  }
0x38d: {  	v15 =	vld.idx.msk [tilespmem:v1+s19+$0x0], $0xffff;
	v1 =	vimm.s32 $0x62;
	_ =	sdelay $0x4  }
0x38e: {  	v18 =	vld.idx.msk [tilespmem:v1+s19+$0x0], $0xffff;
	v1 =	vimm.s32 $0x63;
	_ =	sdelay $0x4  }
0x38f: {  	v20 =	vld.idx.msk [tilespmem:v1+s19+$0x0], $0xffff;
	v1 =	vimm.s32 $0x64;
	_ =	sdelay $0x4  }
0x390: {  	v26 =	vld.idx.msk [tilespmem:v1+s19+$0x0], $0xffff;
	v1 =	vimm.s32 $0x65;
	_ =	sdelay $0x4  }
0x391: {  	v27 =	vld.idx.msk [tilespmem:v1+s19+$0x0], $0xffff;
	v1 =	vimm.s32 $0x66;
	_ =	sdelay $0x4  }
0x392: {  	v28 =	vld.idx.msk [tilespmem:v1+s19+$0x0], $0xffff;
	v1 =	vimm.s32 $0x67;
	_ =	sdelay $0x3  }
0x393: {  	v12 =	vld.idx.msk [tilespmem:v13+s18+$0x0], $0xffff  }
0x394: {  	v30 =	vld.idx.msk [tilespmem:v1+s19+$0x0], $0xffff;
	v1 =	vimm.s32 $0x68;
	_ =	sdelay $0x3  }
0x395: {  	v16 =	vld.idx.msk [tilespmem:v14+s18+$0x0], $0xffff  }
0x396: {  	v12 =	vsub.f32 v12, v15;
	v15 =	vld.idx.msk [tilespmem:v1+s19+$0x0], $0xffff;
	v1 =	vimm.s32 $0x69;
	_ =	sdelay $0x3  }
0x397: {  	v19 =	vld.idx.msk [tilespmem:v59+s18+$0x0], $0xffff  }
0x398: {  	v16 =	vsub.f32 v16, v18;
	v18 =	vld.idx.msk [tilespmem:v1+s19+$0x0], $0xffff;
	v1 =	vimm.s32 $0x6A;
	_ =	sdelay $0x4  }
0x399: {  	v19 =	vsub.f32 v19, v20;
	v20 =	vld.idx.msk [tilespmem:v1+s19+$0x0], $0xffff;
	v1 =	vimm.s32 $0x6B;
	_ =	sdelay $0x3  }
0x39a: {  	v2 =	vld [tilespmem:$0x1FC80]  }
0x39b: {  	v34 =	vld.idx.msk [tilespmem:v1+s19+$0x0], $0xffff;
	v1 =	vimm.s32 $0x6C  }
0x39c: {  	v3 =	vld [tilespmem:$0x1FCA0]  }
0x39d: {  	v21 =	vld.idx.msk [tilespmem:v33+s18+$0x0], $0xffff;
	v32 =	vmul.f32 v12, v12;
	v5 =	vmul.f32 v16, v16  }
0x39e: {  	v23 =	vld.idx.msk [tilespmem:v29+s18+$0x0], $0xffff  }
0x39f: {  	v32 =	vadd.f32 v5, v32;
	v5 =	vld [tilespmem:$0x1FCB0]  }
0x3a0: {  	v46 =	vld.idx.msk [tilespmem:v1+s19+$0x0], $0xffff  }
0x3a1: {  	v49 =	vmul.f32 v26, v12;
	v4 =	vmul.f32 v27, v16;
	v1 =	vld [tilespmem:$0x1FC90]  }
0x3a2: {  	v22 =	vld.idx.msk [tilespmem:v31+s18+$0x0], $0xffff;
	v44 =	vmul.f32 v19, v19;
	v62 =	vmul.f32 v28, v19  }
0x3a3: {  	v37 =	vadd.f32 v4, v49;
	v6 =	vmul.f32 v30, v12;
	v7 =	vmul.f32 v15, v16  }
0x3a4: {  	v24 =	vld.idx.msk [tilespmem:v17+s18+$0x0], $0xffff;
	v4 =	vadd.f32 v44, v32;
	v12 =	vmul.f32 v20, v12;
	v16 =	vmul.f32 v34, v16  }
0x3a5: {  	v25 =	vld.idx.msk [tilespmem:v36+s18+$0x0], $0xffff;
	v32 =	vmul.f32 v28, v23;
	v37 =	vadd.f32 v62, v37;
	v38 =	vadd.f32 v7, v6  }
0x3a6: {  	v42 =	vld.idx.msk [tilespmem:v2+s18+$0x0], $0xffff;
	v62 =	vmul.f32 v18, v19;
	v12 =	vadd.f32 v16, v12;
	v16 =	vmul.f32 v46, v19  }
0x3a7: {  	v47 =	vld.idx.msk [tilespmem:v5+s18+$0x0], $0xffff;
	v7 =	vmul.f32 v27, v22;
	v19 =	vmul.f32 v26, v21  }
0x3a8: {  	v49 =	vld.idx.msk [tilespmem:v3+s18+$0x0], $0xffff;
	v39 =	vadd.f32 v62, v38;
	v62 =	vmul.f32 v15, v22;
	v12 =	vadd.f32 v16, v12  }
0x3a9: {  	v16 =	vmul.f32 v30, v21;
	v7 =	vadd.f32 v7, v19;
	v48 =	vld.idx.msk [tilespmem:v1+s18+$0x0], $0xffff;
	[tilespmem:v13+s23+$0x0] =	vst.idx.msk $0xffff, v37  }
0x3aa: {  	v19 =	vmul.f32 v20, v21;
	v21 =	vmul.f32 v34, v22;
	[tilespmem:v14+s23+$0x0] =	vst.idx.msk $0xffff, v39  }
0x3ab: {  	[tilespmem:v59+s23+$0x0] =	vst.idx.msk $0xffff, v12;
	v12 =	vadd.f32 v62, v16;
	v16 =	vmul.f32 v18, v23  }
0x3ac: {  	v22 =	vmul.f32 v27, v25;
	v19 =	vadd.f32 v21, v19;
	v21 =	vmul.f32 v46, v23  }
0x3ad: {  	v7 =	vadd.f32 v32, v7;
	v12 =	vadd.f32 v16, v12;
	v16 =	vmul.f32 v26, v24  }
0x3ae: {  	v23 =	vmul.f32 v15, v25;
	v19 =	vadd.f32 v21, v19;
	v21 =	vmul.f32 v30, v24  }
0x3af: {  	[tilespmem:v33+s23+$0x0] =	vst.idx.msk $0xffff, v7;
	v62 =	vadd.f32 v22, v16;
	v16 =	vmul.f32 v28, v42  }
0x3b0: {  	[tilespmem:v31+s23+$0x0] =	vst.idx.msk $0xffff, v12;
	v12 =	vadd.f32 v23, v21;
	v21 =	vmul.f32 v18, v42  }
0x3b1: {  	v4 =	vmul.f32 $-5.000000000e-01, v4;
	[tilespmem:v29+s23+$0x0] =	vst.idx.msk $0xffff, v19;
	v32 =	vadd.f32 v16, v62  }
0x3b2: {  	v33 =	vadd.f32 v21, v12;
	v12 =	vmul.f32 v20, v24;
	v16 =	vmul.f32 v34, v25  }
0x3b3: {  	v19 =	vmul.f32 v26, v48;
	[tilespmem:v17+s23+$0x0] =	vst.idx.msk $0xffff, v32;
	v32 =	vmul.f32 v27, v49  }
0x3b4: {  	v4 =	vmul.f32 $1.442695020e+00, v4;
	v62 =	vmul.f32 v46, v42;
	v12 =	vadd.f32 v16, v12  }
0x3b5: {  	v21 =	vmul.f32 v28, v47;
	v7 =	vadd.f32 v32, v19  }
0x3b6: {  	(erf) = vpow2.f32 v4;
	v4 =	vadd.f32 v62, v12  }
0x3b7: {  	[tilespmem:v36+s23+$0x0] =	vst.idx.msk $0xffff, v33;
	v7 =	vadd.f32 v21, v7  }
0x3b8: {  	[tilespmem:v2+s23+$0x0] =	vst.idx.msk $0xffff, v4  }
0x3b9: {  	v15 =	vmul.f32 v15, v49;
	v16 =	vmul.f32 v30, v48;
	[tilespmem:v1+s23+$0x0] =	vst.idx.msk $0xffff, v7;
	v1 =	vld [tilespmem:$0x1FCC0]  }
0x3ba: {  	v19 =	vmul.f32 v20, v48;
	v20 =	vmul.f32 v34, v49  }
0x3bb: {  	v12 =	vadd.f32 v15, v16;
	v15 =	vmul.f32 v18, v47  }
0x3bc: {  	v18 =	vmul.f32 v46, v47;
	v16 =	vadd.f32 v20, v19  }
0x3bd: {  	v33 =	vadd.f32 v15, v12  }
0x3be: {  	v34 =	vadd.f32 v18, v16  }
0x3bf: {  	[tilespmem:v3+s23+$0x0] =	vst.idx.msk $0xffff, v33  }
0x3c0: {  	v39 =	vpop (erf);
	[tilespmem:v5+s23+$0x0] =	vst.idx.msk $0xffff, v34  }
0x3c1: {  	[tilespmem:v1+s23+$0x0] =	vst.idx.msk $0xffff, v39;
	v1 =	vld [tilespmem:$0x1FCD0];
	_ =	sdelay $0x7  }
0x3c2: {  	[tilespmem:v1+s23+$0x0] =	vst.idx.msk $0xffff, v35;
	v1 =	vld [tilespmem:$0x1FCE0];
	_ =	sdelay $0x7  }
0x3c3: {  	[tilespmem:v1+s23+$0x0] =	vst.idx.msk $0xffff, v35;
	v1 =	vld [tilespmem:$0x1FCF0];
	_ =	sdelay $0x7  }
0x3c4: {  	[tilespmem:v1+s23+$0x0] =	vst.idx.msk $0xffff, v35;
	v1 =	vimm.s32 $0x71;
	_ =	sdelay $0x4  }
0x3c5: {  	v7 =	vld.idx.msk [tilespmem:v1+s19+$0x0], $0xffff;
	v1 =	vimm.s32 $0x72;
	_ =	sdelay $0x4  }
0x3c6: {  	v12 =	vld.idx.msk [tilespmem:v1+s19+$0x0], $0xffff;
	v1 =	vimm.s32 $0x73;
	_ =	sdelay $0x4  }
0x3c7: {  	v14 =	vld.idx.msk [tilespmem:v1+s19+$0x0], $0xffff;
	v1 =	vimm.s32 $0x74;
	_ =	sdelay $0x4  }
0x3c8: {  	v20 =	vld.idx.msk [tilespmem:v1+s19+$0x0], $0xffff;
	v1 =	vimm.s32 $0x75;
	_ =	sdelay $0x4  }
0x3c9: {  	v21 =	vld.idx.msk [tilespmem:v1+s19+$0x0], $0xffff;
	v1 =	vimm.s32 $0x76  }
0x3ca: {  	v9 =	vld [tilespmem:$0x1FD00];
	_ =	sdelay $0x3  }
0x3cb: {  	v22 =	vld.idx.msk [tilespmem:v1+s19+$0x0], $0xffff;
	v1 =	vimm.s32 $0x77  }
0x3cc: {  	v2 =	vld [tilespmem:$0x1FD10];
	_ =	sdelay $0x2  }
0x3cd: {  	v4 =	vld.idx.msk [tilespmem:v9+s18+$0x0], $0xffff  }
0x3ce: {  	v23 =	vld.idx.msk [tilespmem:v1+s19+$0x0], $0xffff;
	v1 =	vimm.s32 $0x78  }
0x3cf: {  	v3 =	vld [tilespmem:$0x1FD20];
	_ =	sdelay $0x2  }
0x3d0: {  	v11 =	vld.idx.msk [tilespmem:v2+s18+$0x0], $0xffff  }
0x3d1: {  	v4 =	vsub.f32 v4, v7;
	v7 =	vld.idx.msk [tilespmem:v1+s19+$0x0], $0xffff;
	v1 =	vimm.s32 $0x79;
	_ =	sdelay $0x2  }
0x3d2: {  	v8 =	vld [tilespmem:$0x1FD30]  }
0x3d3: {  	v13 =	vld.idx.msk [tilespmem:v3+s18+$0x0], $0xffff  }
0x3d4: {  	v11 =	vsub.f32 v11, v12;
	v12 =	vld.idx.msk [tilespmem:v1+s19+$0x0], $0xffff;
	v1 =	vimm.s32 $0x7A  }
0x3d5: {  	v6 =	vld [tilespmem:$0x1FD40];
	_ =	sdelay $0x1  }
0x3d6: {  	v10 =	vld [tilespmem:$0x1FD60]  }
0x3d7: {  	v5 =	vld [tilespmem:$0x1FD50]  }
0x3d8: {  	v13 =	vsub.f32 v13, v14;
	v14 =	vld.idx.msk [tilespmem:v1+s19+$0x0], $0xffff;
	v1 =	vimm.s32 $0x7B;
	_ =	sdelay $0x1  }
0x3d9: {  	v39 =	vld [tilespmem:$0x1FD70];
	v26 =	vmul.f32 v20, v4;
	v27 =	vmul.f32 v21, v11  }
0x3da: {  	v15 =	vld.idx.msk [tilespmem:v8+s18+$0x0], $0xffff  }
0x3db: {  	v16 =	vld.idx.msk [tilespmem:v6+s18+$0x0], $0xffff;
	v26 =	vadd.f32 v27, v26;
	v27 =	vmul.f32 v23, v4;
	v62 =	vmul.f32 v7, v11  }
0x3dc: {  	v25 =	vld.idx.msk [tilespmem:v1+s19+$0x0], $0xffff;
	v1 =	vimm.s32 $0x7C  }
0x3dd: {  	v27 =	vadd.f32 v62, v27;
	v62 =	vld [tilespmem:$0x1FD80]  }
0x3de: {  	v17 =	vld.idx.msk [tilespmem:v5+s18+$0x0], $0xffff  }
0x3df: {  	v18 =	vld.idx.msk [tilespmem:v10+s18+$0x0], $0xffff  }
0x3e0: {  	v19 =	vld.idx.msk [tilespmem:v40+s18+$0x0], $0xffff;
	v24 =	vmul.f32 v4, v4;
	v29 =	vmul.f32 v11, v11  }
0x3e1: {  	v30 =	vmul.f32 v22, v13;
	v31 =	vld.idx.msk [tilespmem:v1+s19+$0x0], $0xffff  }
0x3e2: {  	v28 =	vld.idx.msk [tilespmem:v39+s18+$0x0], $0xffff;
	v24 =	vadd.f32 v29, v24  }
0x3e3: {  	v33 =	vld.idx.msk [tilespmem:v41+s18+$0x0], $0xffff;
	v29 =	vmul.f32 v13, v13;
	v26 =	vadd.f32 v30, v26;
	v30 =	vmul.f32 v12, v13  }
0x3e4: {  	v34 =	vld.idx.msk [tilespmem:v43+s18+$0x0], $0xffff;
	v4 =	vmul.f32 v14, v4;
	v11 =	vmul.f32 v25, v11  }
0x3e5: {  	v32 =	vld.idx.msk [tilespmem:v62+s18+$0x0], $0xffff;
	[tilespmem:v9+s23+$0x0] =	vst.idx.msk $0xffff, v26;
	v1 =	vadd.f32 v29, v24;
	v24 =	vadd.f32 v30, v27  }
0x3e6: {  	v26 =	vmul.f32 v7, v16;
	v4 =	vadd.f32 v11, v4;
	v11 =	vmul.f32 v31, v13  }
0x3e7: {  	[tilespmem:v2+s23+$0x0] =	vst.idx.msk $0xffff, v24;
	v2 =	vmul.f32 v21, v16;
	v13 =	vmul.f32 v20, v15  }
0x3e8: {  	v24 =	vmul.f32 v22, v17;
	v4 =	vadd.f32 v11, v4;
	v11 =	vmul.f32 v23, v15  }
0x3e9: {  	v2 =	vadd.f32 v2, v13;
	v13 =	vmul.f32 v14, v15;
	v15 =	vmul.f32 v25, v16  }
0x3ea: {  	v1 =	vmul.f32 $-5.000000000e-01, v1;
	[tilespmem:v3+s23+$0x0] =	vst.idx.msk $0xffff, v4;
	v3 =	vadd.f32 v26, v11;
	v4 =	vmul.f32 v12, v17  }
0x3eb: {  	v2 =	vadd.f32 v24, v2;
	v11 =	vadd.f32 v15, v13;
	v13 =	vmul.f32 v31, v17  }
0x3ec: {  	v15 =	vmul.f32 v21, v19;
	v3 =	vadd.f32 v4, v3;
	v4 =	vmul.f32 v20, v18  }
0x3ed: {  	v16 =	vmul.f32 v7, v19;
	v11 =	vadd.f32 v13, v11;
	v13 =	vmul.f32 v23, v18  }
0x3ee: {  	v1 =	vmul.f32 $1.442695020e+00, v1;
	[tilespmem:v8+s23+$0x0] =	vst.idx.msk $0xffff, v2;
	v2 =	vadd.f32 v15, v4;
	v4 =	vmul.f32 v22, v28  }
0x3ef: {  	v8 =	vmul.f32 v12, v28;
	[tilespmem:v6+s23+$0x0] =	vst.idx.msk $0xffff, v3;
	v3 =	vadd.f32 v16, v13  }
0x3f0: {  	(erf) = vpow2.f32 v1;
	v1 =	vadd.f32 v4, v2  }
0x3f1: {  	v7 =	vmul.f32 v7, v34;
	[tilespmem:v5+s23+$0x0] =	vst.idx.msk $0xffff, v11;
	v2 =	vadd.f32 v8, v3  }
0x3f2: {  	v3 =	vmul.f32 v14, v18;
	v4 =	vmul.f32 v25, v19;
	[tilespmem:v10+s23+$0x0] =	vst.idx.msk $0xffff, v1  }
0x3f3: {  	v1 =	vmul.f32 v20, v33;
	[tilespmem:v40+s23+$0x0] =	vst.idx.msk $0xffff, v2;
	v40 =	vmul.f32 v21, v34  }
0x3f4: {  	v6 =	vmul.f32 v23, v33;
	v3 =	vadd.f32 v4, v3;
	v4 =	vmul.f32 v31, v28  }
0x3f5: {  	v8 =	vmul.f32 v22, v32;
	v1 =	vadd.f32 v40, v1  }
0x3f6: {  	v3 =	vadd.f32 v4, v3;
	v4 =	vadd.f32 v7, v6;
	v6 =	vmul.f32 v12, v32  }
0x3f7: {  	v1 =	vadd.f32 v8, v1  }
0x3f8: {  	[tilespmem:v39+s23+$0x0] =	vst.idx.msk $0xffff, v3;
	v3 =	vadd.f32 v6, v4  }
0x3f9: {  	v2 =	vmul.f32 v14, v33;
	v40 =	vmul.f32 v25, v34;
	[tilespmem:v41+s23+$0x0] =	vst.idx.msk $0xffff, v1  }
0x3fa: {  	[tilespmem:v43+s23+$0x0] =	vst.idx.msk $0xffff, v3;
	v3 =	vld [tilespmem:$0x1FD90]  }
0x3fb: {  	v5 =	vmul.f32 v31, v32;
	v2 =	vadd.f32 v40, v2;
	_ =	sdelay $0x1  }
0x3fc: {  	v1 =	vadd.f32 v5, v2;
	_ =	sdelay $0x3  }
0x3fd: {  	[tilespmem:v62+s23+$0x0] =	vst.idx.msk $0xffff, v1;
	v1 =	vpop (erf)  }
0x3fe: {  	[tilespmem:v3+s23+$0x0] =	vst.idx.msk $0xffff, v1;
	v1 =	vld [tilespmem:$0x1FDA0];
	_ =	sdelay $0x2  }
0x3ff: {  	v63 =	vld [tilespmem:$0x1FFD0]  }
0x400: {  	v61 =	vld [tilespmem:$0x1FFE0]  }
0x401: {  	v60 =	vld [tilespmem:$0x1FFC0]  }
0x402: {  	v50 =	vld [tilespmem:$0x1FFB0]  }
0x403: {  	v45 =	vld [tilespmem:$0x1FF60]  }
0x404: {  	[tilespmem:v1+s23+$0x0] =	vst.idx.msk $0xffff, v35;
	v1 =	vld [tilespmem:$0x1FDB0]  }
0x405: {  	v44 =	vld [tilespmem:$0x1FF50]  }
0x406: {  	v42 =	vld [tilespmem:$0x1FF30]  }
0x407: {  	v36 =	vld [tilespmem:$0x1FF10]  }
0x408: {  	v48 =	vld [tilespmem:$0x1FF90]  }
0x409: {  	v49 =	vld [tilespmem:$0x1FFA0]  }
0x40a: {  	v47 =	vld [tilespmem:$0x1FF80]  }
0x40b: {  	v46 =	vld [tilespmem:$0x1FF70]  }
0x40c: {  	[tilespmem:v1+s23+$0x0] =	vst.idx.msk $0xffff, v35;
	v1 =	vld [tilespmem:$0x1FDC0]  }
0x40d: {  	v29 =	vld [tilespmem:$0x1FEB0]  }
0x40e: {  	v27 =	vld [tilespmem:$0x1FEC0]  }
0x40f: {  	v30 =	vld [tilespmem:$0x1FFF0]  }
0x410: {  	v26 =	vld [tilespmem:$0x1FE90]  }
0x411: {  	v31 =	vld [tilespmem:$0x1FED0]  }
0x412: {  	v33 =	vld [tilespmem:$0x1FEF0]  }
0x413: {  	s7 =	rddreg [dreg:$0x4];
	v32 =	vld [tilespmem:$0x1FEE0]  }
0x414: {  	s5 =	sadd.s32 s2, s7;
	v34 =	vld [tilespmem:$0x1FF00];
	[tilespmem:v1+s23+$0x0] =	vst.idx.msk $0xffff, v35  }
0x415: {  	v40 =	vld [tilespmem:$0x1FF20];
	[hbm4b:s5+s3] =	stream.linear.scatter [tilespmem:s17], [sflag:$0x7], $0x1000, $0x38  }
0x416: {  	s2 =	sadd.s32 $0x400, s2;
	v58 =	vimm.s32 $0x1B;
	v57 =	vimm.s32 $0x1A;
	v53 =	vimm.s32 $0x16;
	v43 =	vld [tilespmem:$0x1FF40];
	_ =	swait.ge [sflag:s12], $0x1000  }
0x417: {  	p0 =	sne.s32 s2, $0x18800;
	v51 =	vimm.s32 $0x14;
	v54 =	vimm.s32 $0x17;
	v52 =	vimm.s32 $0x15;
	[sflag:s12] =	ssyncset.done $0x0  }
.Ltmp0:
0x418: {  	v56 =	vimm.s32 $0x19;
	v55 =	vimm.s32 $0x18;
	v38 =	vimm.s32 $0x11;
	[sflag:s12] =	ssyncadd.s32 $0xFFFFF000;
	(pc) =	sbr.rel @p0 .LBB2_2-.Ltmp0, $4  }
0x419: {  	v37 =	vimm.s32 $0x12;
	v59 =	vimm.s32 $0x1C;
	v17 =	vimm.s32 $0x7;
	[hbm4b:s30+s3] =	stream.linear.scatter [tilespmem:s23], [sflag:$0x7], $0x800, $0x38;
	[tilespmem:$0x9B00] =	vst v63  }
0x41a: {  	v16 =	vimm.s32 $0x6;
	v18 =	vimm.s32 $0x8;
	v19 =	vimm.s32 $0x9;
	_ =	swait.ge [sflag:s12], $0x800  }
0x41b: {  	s29 =	sadd.s32 $0x20, s29;
	s31 =	sadd.s32 $0x200, s31;
	v22 =	vimm.s32 $0xC;
	v20 =	vimm.s32 $0xA;
	v10 =	vimm.s32 $0x4;
	[sflag:s12] =	ssyncset.done $0x0  }
0x41c: {  	s8 =	sadd.s32 $0x20, s8;
	v21 =	vimm.s32 $0xB;
	v12 =	vimm.s32 $0x5;
	v41 =	vimm.s32 $0x13;
	s30 =	sadd.s32 $0x200, s30;
	[sflag:s12] =	ssyncadd.s32 $0xFFFFF800  }
0x41d: {  	s28 =	sadd.s32 $0x1, s28;
	s2 =	rddreg [dreg:$0x7]  }
0x41e: {  	p0 =	sne.s32 s28, s2  }
.Ltmp1:
0x41f: {  	_ = 	snop;
	(pc) =	sbr.rel @p0 .LBB2_1-.Ltmp1, $1  }
0x420: {  	_ =	sdelay $0x3  }
0x421: {  	_ =	sfence.sel $0x180000  }
0x422: {  	[bflag:$0x0] =	sbarrier.arrive $0xFFFF  }
0x423: {  	_ =	strace $0x90000047  }
0x424: {  	s0 =	stileid.u32;
	[bflag:$0x2] =	sbarrier.arrive $0xFFFF  }
0x425: {  	p0 =	sne.s32 s0, $0x0;
	s0 =	rddreg [dreg:$0x2]  }
0x426: {  	s0 =	sadd.s32 @!p0 $0x100000, s0  }
0x427: {  	[sflag:s0] =	ssyncadd.tile.s32 @!p0 $0x1;
	_ =	shalt  }
.Lfunc_end2:
_tile_overlayer_lowered:
.L_overlay_start_2:
0x428: {  	(tag) =	ssettag $0x2  }
0x429: {  	s0 =	rddreg [dreg:$0x0];
	s2 =	stileid.u32  }
0x42a: {  	s1 =	rddreg [dreg:$0x1];
	p0 =	sne.s32 s2, $0x0  }
0x42b: {  	s3 =	rddreg [dreg:$0x2];
	[bflag:$0x3] =	sbarrier.arrive $0xFFFF;
	s2 =	simm.s32 @!p0 $0x1C07  }
0x42c: {  	[timem:s3], [sflag:s2] =	dma.local @!p0 [hbm:s0], s1  }
0x42d: {  	s0 =	simm.s32 @!p0 $0x7  }
0x42e: {  	_ =	swait.ge @!p0 [sflag:s0], s1  }
0x42f: {  	s1 =	ssub.s32 @!p0 $0x0, s1;
	[sflag:s0] =	ssyncset.done @!p0 $0x0  }
0x430: {  	[sflag:s0] =	ssyncadd.s32 @!p0 s1  }
0x431: {  	[bflag:$0x3] =	sbarrier.arrive $0xFFFF  }
0x432: {  	_ =	shalt  }

</sc_bundles>
